<compile_context>
chip_gen: v7x
topology: tpu7x:2x2x1
jax: 0.10.2.dev20260603
libtpu: 0.0.44.dev20260713+nightly
codegen_flags: <defaults>
</compile_context>

<pallas_src>
import functools

import jax
import jax.numpy as jnp
from jax import lax
from jax.experimental import pallas as pl
from jax.experimental.pallas import tpu as pltpu
from jax.experimental.pallas import tpu_sc as plsc

N = 10000
E = 320000
H = 128
NQ = 7
QL = 2
DIMQ = 2 ** NQ
NF = 100.0
NLAYERS = 2

BE = 2000
BN = 2000

NW = 32
EPW = E // NW
CH = 80
NCH = EPW // CH
NP = 10240
NPS = NP // 16
ZR = 80

NSUB = 16
EPS = E // NSUB
CH2 = 125
NCH2 = EPS // CH2
NLD = N // NSUB

_SC_MESH = plsc.VectorSubcoreMesh(core_axis_name="c", subcore_axis_name="s")


def _silu(v):
    return v * jax.nn.sigmoid(v)



def _apply_1q(st, gate, wire):
    B = st.shape[0]
    s = st.reshape(B, 2 ** wire, 2, -1)
    s = jnp.einsum('ab,slbr->slar', gate, s)
    return s.reshape(B, -1)


def _apply_cnot(st, c, t):
    B = st.shape[0]
    s = st.reshape((B,) + (2,) * NQ)
    s0 = jnp.take(s, jnp.array([0]), axis=c + 1)
    s1 = jnp.take(s, jnp.array([1]), axis=c + 1)
    s1 = jnp.flip(s1, axis=t + 1)
    out = jnp.concatenate([s0, s1], axis=c + 1)
    return out.reshape(B, -1)


def _circuit_matrix(coeffs, qmats):
    st = jnp.eye(DIMQ, dtype=jnp.complex64)
    for j in range(QL):
        st = st @ qmats[j].T
        cx = coeffs[j, 0]
        cy = coeffs[j, 1]
        rx = jnp.stack([jnp.stack([jnp.cos(cx / 2) + 0j, -1j * jnp.sin(cx / 2)]),
                        jnp.stack([-1j * jnp.sin(cx / 2), jnp.cos(cx / 2) + 0j])])
        ry = jnp.stack([jnp.stack([jnp.cos(cy / 2) + 0j, -jnp.sin(cy / 2) + 0j]),
                        jnp.stack([jnp.sin(cy / 2) + 0j, jnp.cos(cy / 2) + 0j])])
        for i in range(NQ):
            st = _apply_1q(st, rx, i)
        for i in range(NQ):
            st = _apply_1q(st, ry, i)
        for i in range(NQ - 1):
            st = _apply_cnot(st, i, i + 1)
        st = _apply_cnot(st, NQ - 1, 0)
    return st


def _cayley_batch(Ar, Ai):
    A = Ar.astype(jnp.complex64) + 1j * Ai.astype(jnp.complex64)
    A = A + jnp.conj(jnp.swapaxes(A, -1, -2))
    I = jnp.eye(A.shape[-1], dtype=A.dtype)
    return jnp.einsum('...ij,...jk->...ik', A - 1j * I, jnp.linalg.inv(A + 1j * I))



def _edge_mlp_body(u_ref, rad_ref, att_ref, wr_ref, wa_ref, b1_ref,
                   w2t_ref, b2_ref, m_ref):
    u = u_ref[...]
    rad = rad_ref[...]
    att = att_ref[...]
    uu = u + rad * wr_ref[...] + att * wa_ref[...] + b1_ref[...]
    z = _silu(uu)
    m_ref[...] = _silu(
        jnp.dot(z, w2t_ref[...], preferred_element_type=jnp.float32)
        + b2_ref[...])


def _edge_mlp(u, rad, att, wr, wa, b1, w2t, b2):
    grid = (E // BE,)
    return pl.pallas_call(
        _edge_mlp_body,
        grid=grid,
        in_specs=[
            pl.BlockSpec((BE, H), lambda i: (i, 0)),
            pl.BlockSpec((BE, 1), lambda i: (i, 0)),
            pl.BlockSpec((BE, 1), lambda i: (i, 0)),
            pl.BlockSpec((1, H), lambda i: (0, 0)),
            pl.BlockSpec((1, H), lambda i: (0, 0)),
            pl.BlockSpec((1, H), lambda i: (0, 0)),
            pl.BlockSpec((H, H), lambda i: (0, 0)),
            pl.BlockSpec((1, H), lambda i: (0, 0)),
        ],
        out_specs=pl.BlockSpec((BE, H), lambda i: (i, 0)),
        out_shape=jax.ShapeDtypeStruct((E, H), jnp.float32),
    )(u, rad, att, wr, wa, b1, w2t, b2)


def _coord_mlp_body(u_ref, rad_ref, att_ref, cd_ref, wr_ref, wa_ref,
                    b1_ref, w2t_ref, b2_ref, w3_ref, tr_ref):
    u = u_ref[...]
    rad = rad_ref[...]
    att = att_ref[...]
    uu = u + rad * wr_ref[...] + att * wa_ref[...] + b1_ref[...]
    z = _silu(uu)
    z2 = _silu(jnp.dot(z, w2t_ref[...], preferred_element_type=jnp.float32)
               + b2_ref[...])
    t = jnp.dot(z2, w3_ref[...], preferred_element_type=jnp.float32)
    tr = cd_ref[...] * t
    tr_ref[...] = jnp.pad(tr, ((0, 0), (0, H - 16)))


def _coord_mlp(u, rad, att, cd, wr, wa, b1, w2t, b2, w3):
    grid = (E // BE,)
    return pl.pallas_call(
        _coord_mlp_body,
        grid=grid,
        in_specs=[
            pl.BlockSpec((BE, H), lambda i: (i, 0)),
            pl.BlockSpec((BE, 1), lambda i: (i, 0)),
            pl.BlockSpec((BE, 1), lambda i: (i, 0)),
            pl.BlockSpec((BE, 16), lambda i: (i, 0)),
            pl.BlockSpec((1, H), lambda i: (0, 0)),
            pl.BlockSpec((1, H), lambda i: (0, 0)),
            pl.BlockSpec((1, H), lambda i: (0, 0)),
            pl.BlockSpec((H, H), lambda i: (0, 0)),
            pl.BlockSpec((1, H), lambda i: (0, 0)),
            pl.BlockSpec((H, 1), lambda i: (0, 0)),
        ],
        out_specs=pl.BlockSpec((BE, H), lambda i: (i, 0)),
        out_shape=jax.ShapeDtypeStruct((E, H), jnp.float32),
    )(u, rad, att, cd, wr, wa, b1, w2t, b2, w3)


def _node_update_body(hh_ref, agg0_ref, agg1_ref, a1_ref, a2_ref, encb_ref,
                      d_ref, decb_ref, wrn_ref, wcn_ref, out_ref, pr_ref,
                      pc_ref):
    hh = hh_ref[...]
    agg = (agg0_ref[0] + agg1_ref[0]) * (1.0 / NF)
    q = (jnp.dot(hh, a1_ref[...], preferred_element_type=jnp.float32)
         + jnp.dot(agg, a2_ref[...], preferred_element_type=jnp.float32)
         + encb_ref[...])
    s = jnp.sum(q * q, axis=1, keepdims=True)
    normed = q * lax.rsqrt(s + 1e-12)
    out = hh + jnp.dot(normed, d_ref[...],
                       preferred_element_type=jnp.float32) + decb_ref[...]
    out_ref[...] = out
    pr_ref[...] = jnp.dot(out, wrn_ref[...], preferred_element_type=jnp.float32)
    pc_ref[...] = jnp.dot(out, wcn_ref[...], preferred_element_type=jnp.float32)


def _node_update(hh, parts, a1, a2, encb, d, decb, wrn, wcn):
    grid = (N // BN,)
    return pl.pallas_call(
        _node_update_body,
        grid=grid,
        in_specs=[
            pl.BlockSpec((BN, H), lambda i: (i, 0)),
            pl.BlockSpec((1, BN, H), lambda i: (0, i, 0)),
            pl.BlockSpec((1, BN, H), lambda i: (1, i, 0)),
            pl.BlockSpec((H, H), lambda i: (0, 0)),
            pl.BlockSpec((H, H), lambda i: (0, 0)),
            pl.BlockSpec((1, H), lambda i: (0, 0)),
            pl.BlockSpec((H, H), lambda i: (0, 0)),
            pl.BlockSpec((1, H), lambda i: (0, 0)),
            pl.BlockSpec((H, H), lambda i: (0, 0)),
            pl.BlockSpec((H, H), lambda i: (0, 0)),
        ],
        out_specs=[
            pl.BlockSpec((BN, H), lambda i: (i, 0)),
            pl.BlockSpec((BN, H), lambda i: (i, 0)),
            pl.BlockSpec((BN, H), lambda i: (i, 0)),
        ],
        out_shape=[
            jax.ShapeDtypeStruct((N, H), jnp.float32),
            jax.ShapeDtypeStruct((N, H), jnp.float32),
            jax.ShapeDtypeStruct((N, H), jnp.float32),
        ],
    )(hh, parts, parts, a1, a2, encb, d, decb, wrn, wcn)


def _project_body(hh_ref, wr_ref, wc_ref, pr_ref, pc_ref):
    hh = hh_ref[...]
    pr_ref[...] = jnp.dot(hh, wr_ref[...], preferred_element_type=jnp.float32)
    pc_ref[...] = jnp.dot(hh, wc_ref[...], preferred_element_type=jnp.float32)


def _project(hh, wr, wc):
    grid = (N // BN,)
    return pl.pallas_call(
        _project_body,
        grid=grid,
        in_specs=[
            pl.BlockSpec((BN, H), lambda i: (i, 0)),
            pl.BlockSpec((H, H), lambda i: (0, 0)),
            pl.BlockSpec((H, H), lambda i: (0, 0)),
        ],
        out_specs=[
            pl.BlockSpec((BN, H), lambda i: (i, 0)),
            pl.BlockSpec((BN, H), lambda i: (i, 0)),
        ],
        out_shape=[
            jax.ShapeDtypeStruct((N, H), jnp.float32),
            jax.ShapeDtypeStruct((N, H), jnp.float32),
        ],
    )(hh, wr, wc)



def _wid():
    return lax.axis_index("s") * 2 + lax.axis_index("c")


def _make_gather2(ow):
    @functools.partial(
        pl.kernel, mesh=_SC_MESH,
        out_type=jax.ShapeDtypeStruct((NW, NCH, CH, ow), jnp.float32),
        scratch_types=[
            pltpu.VMEM((NCH, CH), jnp.int32),
            pltpu.VMEM((NCH, CH), jnp.int32),
            pltpu.VMEM((CH, H), jnp.float32),
            pltpu.VMEM((CH, H), jnp.float32),
            pltpu.VMEM((CH, 16), jnp.float32),
            pltpu.SemaphoreType.DMA,
        ])
    def _gather2(pr_hbm, pc_hbm, row_hbm, col_hbm, u_hbm, idxr, idxc,
                 bufa, bufb, bufc, sem):
        w = _wid()
        pltpu.sync_copy(row_hbm.at[w], idxr)
        pltpu.sync_copy(col_hbm.at[w], idxc)

        def step(j, carry):
            da = pltpu.async_copy(pr_hbm.at[idxr.at[j]], bufa, sem)
            db = pltpu.async_copy(pc_hbm.at[idxc.at[j]], bufb, sem)
            da.wait()
            db.wait()

            if ow == H:
                def arow(i, c):
                    for k in range(H // 16):
                        sl = pl.ds(k * 16, 16)
                        bufa[i, sl] = bufa[i, sl] + bufb[i, sl]
                    return c

                lax.fori_loop(0, CH, arow, 0)
                pltpu.sync_copy(bufa, u_hbm.at[w, j])
            else:
                def arow16(i, c):
                    sl = pl.ds(0, 16)
                    bufc[i, sl] = bufa[i, sl] + bufb[i, sl]
                    return c

                lax.fori_loop(0, CH, arow16, 0)
                pltpu.sync_copy(bufc, u_hbm.at[w, j])
            return carry

        lax.fori_loop(0, NCH, step, 0)

    return _gather2


_sc_gather2 = _make_gather2(H)
_sc_gather2_16 = _make_gather2(16)


@functools.partial(
    pl.kernel, mesh=_SC_MESH,
    out_type=jax.ShapeDtypeStruct((2, NSUB, NCH2, CH2, H), jnp.float32),
    scratch_types=[
        pltpu.VMEM((NCH2, CH2), jnp.int32),
        pltpu.VMEM((CH2, H), jnp.float32),
        pltpu.VMEM_SHARED((N, H), jnp.float32),
        pltpu.SemaphoreType.DMA,
    ])
def _sc_gather_split(tbl_hbm, idx_hbm, u_hbm, idx, buf, tblmem, sem):
    cid = lax.axis_index("c")
    sid = lax.axis_index("s")
    pltpu.sync_copy(tbl_hbm.at[cid, pl.ds(sid * NLD, NLD)],
                    tblmem.at[pl.ds(sid * NLD, NLD)])
    pltpu.sync_copy(idx_hbm.at[cid, sid], idx)
    plsc.subcore_barrier()

    def step(j, c):
        pltpu.sync_copy(tblmem.at[idx.at[j]], buf)
        pltpu.sync_copy(buf, u_hbm.at[cid, sid, j])
        return c

    lax.fori_loop(0, NCH2, step, 0)


def _make_sc_scatter(width):
    @functools.partial(
        pl.kernel, mesh=_SC_MESH,
        out_type=jax.ShapeDtypeStruct((2, NP, width), jnp.float32),
        scratch_types=[
            pltpu.VMEM((NCH, CH), jnp.int32),
            pltpu.VMEM((CH, width), jnp.float32),
            pltpu.VMEM((ZR, width), jnp.float32),
            pltpu.VMEM_SHARED((NP, width), jnp.float32),
            pltpu.SemaphoreType.DMA,
        ])
    def _sc_scatter(m_hbm, row_hbm, out_hbm, idx, mbuf, zbuf, acc, sem):
        cid = lax.axis_index("c")
        sid = lax.axis_index("s")
        w = sid * 2 + cid

        def zrow(i, c):
            for k in range(width // 16):
                zbuf[i, pl.ds(k * 16, 16)] = jnp.zeros((16,), jnp.float32)
            return c

        lax.fori_loop(0, ZR, zrow, 0)

        def zcp(t, c):
            pltpu.sync_copy(zbuf, acc.at[pl.ds(sid * NPS + t * ZR, ZR)])
            return c

        lax.fori_loop(0, NPS // ZR, zcp, 0)
        plsc.subcore_barrier()

        pltpu.sync_copy(row_hbm.at[w], idx)

        def step(j, c):
            pltpu.sync_copy(m_hbm.at[w, j], mbuf)
            pltpu.sync_copy(mbuf, acc.at[idx.at[j]], add=True)
            return c

        lax.fori_loop(0, NCH, step, 0)
        plsc.subcore_barrier()
        pltpu.sync_copy(acc.at[pl.ds(sid * NPS, NPS)],
                        out_hbm.at[cid, pl.ds(sid * NPS, NPS)])

    return _sc_scatter


_sc_scatter_h = _make_sc_scatter(H)
_sc_scatter_16 = _make_sc_scatter(16)



def _geom_body(d_ref, rad_ref, cd_ref):
    d = d_ref[...]
    radial = jnp.sum(d * d, axis=1, keepdims=True)
    rad_ref[...] = radial
    cd_ref[...] = d / (jnp.sqrt(radial + 1e-8) + 1.0)


def _geometry(d):
    grid = (E // BE,)
    return pl.pallas_call(
        _geom_body,
        grid=grid,
        in_specs=[
            pl.BlockSpec((BE, 16), lambda i: (i, 0)),
        ],
        out_specs=[
            pl.BlockSpec((BE, 1), lambda i: (i, 0)),
            pl.BlockSpec((BE, 16), lambda i: (i, 0)),
        ],
        out_shape=[
            jax.ShapeDtypeStruct((E, 1), jnp.float32),
            jax.ShapeDtypeStruct((E, 16), jnp.float32),
        ],
    )(d)


def kernel(h, x, edge_index, edge_attr, edge_w1, edge_b1, edge_w2, edge_b2,
           enc_w, enc_b, coeffs, A_real, A_imag, dec_w, dec_b, cm_w1, cm_b1,
           cm_w2, cm_b2, cm_w3):
    row = edge_index[0]
    col = edge_index[1]

    qm = _cayley_batch(A_real.reshape(NLAYERS * QL, DIMQ, DIMQ),
                       A_imag.reshape(NLAYERS * QL, DIMQ, DIMQ))
    qm = qm.reshape(NLAYERS, QL, DIMQ, DIMQ)
    Ds = []
    for i in range(NLAYERS):
        CM = _circuit_matrix(coeffs[i], [qm[i, j] for j in range(QL)])
        Ds.append(jnp.real(CM) @ dec_w[i].T)

    row3 = row.reshape(NW, NCH, CH)
    col3 = col.reshape(NW, NCH, CH)
    xpad = jnp.pad(x, ((0, 0), (0, H - x.shape[1])))
    d16 = _sc_gather2_16(xpad, -xpad, row3, col3).reshape(E, 16)
    radial, cd = _geometry(d16)

    hh = h
    pr, pc = _project(hh, edge_w1[0][:, :H].T, edge_w1[0][:, H:2 * H].T)
    for i in range(NLAYERS):
        ew1 = edge_w1[i]
        u = _sc_gather2(pr, pc, row3, col3).reshape(E, H)
        m = _edge_mlp(u, radial, edge_attr,
                      ew1[:, 2 * H].reshape(1, H), ew1[:, 2 * H + 1].reshape(1, H),
                      edge_b1[i].reshape(1, H), edge_w2[i].T,
                      edge_b2[i].reshape(1, H))
        parts = _sc_scatter_h(m.reshape(NW, NCH, CH, H), row3)
        if i + 1 < NLAYERS:
            nw1 = edge_w1[i + 1]
            wrn, wcn = nw1[:, :H].T, nw1[:, H:2 * H].T
        else:
            wrn, wcn = cm_w1[:, :H].T, cm_w1[:, H:2 * H].T
        hh, pr, pc = _node_update(
            hh, parts, enc_w[i][:, :H].T, enc_w[i][:, H:].T,
            enc_b[i].reshape(1, H), Ds[i], dec_b[i].reshape(1, H), wrn, wcn)

    u = _sc_gather2(pr, pc, row3, col3).reshape(E, H)
    trans = _coord_mlp(u, radial, edge_attr, cd,
                       cm_w1[:, 2 * H].reshape(1, H),
                       cm_w1[:, 2 * H + 1].reshape(1, H),
                       cm_b1.reshape(1, H), cm_w2.T, cm_b2.reshape(1, H),
                       cm_w3.T)
    partsx = _sc_scatter_h(trans.reshape(NW, NCH, CH, H), row3)
    aggc = (partsx[0, :N, :3] + partsx[1, :N, :3]) * (1.0 / NF)
    x_out = x + aggc
    return hh, x_out

# --- scband reference (transcript-rebuilt; emitter-appended) ---
"""Pipeline reference for scband-quantum-equivariant-block-14516989461113 (READ-ONLY COPY).

The authoritative reference and input builder live on the scoring server;
editing this copy changes nothing except your own understanding.
"""

import jax, jax.numpy as jnp
import numpy as np

N = 10000
E = 320000
H = 128
NQ = 7
QL = 2
DIMQ = 2 ** NQ
NF = 100.0
NLAYERS = 2

def silu(v):
    return v * jax.nn.sigmoid(v)

def linear(v, W, b=None):
    o = v @ W.T
    if b is not None:
        o = o + b
    return o

def apply_1q(st, gate, wire, n):
    B = st.shape[0]
    s = st.reshape(B, 2 ** wire, 2, -1)
    s = jnp.einsum('ab,slbr->slar', gate, s)
    return s.reshape(B, -1)

def apply_cnot(st, c, t, n):
    B = st.shape[0]
    s = st.reshape((B,) + (2,) * n)
    s0 = jnp.take(s, jnp.array([0]), axis=c + 1)
    s1 = jnp.take(s, jnp.array([1]), axis=c + 1)
    s1 = jnp.flip(s1, axis=t + 1)
    out = jnp.concatenate([s0, s1], axis=c + 1)
    return out.reshape(B, -1)

def circuit(states, coeffs, qmats):
    st = states.astype(jnp.complex64)
    for j in range(QL):
        st = st @ qmats[j].T
        cx = coeffs[j, 0]
        cy = coeffs[j, 1]
        rx = jnp.stack([jnp.stack([jnp.cos(cx / 2) + 0j, -1j * jnp.sin(cx / 2)]), jnp.stack([-1j * jnp.sin(cx / 2), jnp.cos(cx / 2) + 0j])])
        ry = jnp.stack([jnp.stack([jnp.cos(cy / 2) + 0j, -jnp.sin(cy / 2) + 0j]), jnp.stack([jnp.sin(cy / 2) + 0j, jnp.cos(cy / 2) + 0j])])
        for i in range(NQ):
            st = apply_1q(st, rx, i, NQ)
        for i in range(NQ):
            st = apply_1q(st, ry, i, NQ)
        for i in range(NQ - 1):
            st = apply_cnot(st, i, i + 1, NQ)
        st = apply_cnot(st, NQ - 1, 0, NQ)
    return st

def cayley(Ar, Ai):
    A = Ar.astype(jnp.complex64) + 1j * Ai.astype(jnp.complex64)
    A = A + jnp.conj(A).T
    I = jnp.eye(A.shape[0], dtype=A.dtype)
    return (A - 1j * I) @ jnp.linalg.inv(A + 1j * I)

def qgcl_layer(hh, row, col, ea, ew1, eb1, ew2, eb2, encw, encb, coeffs, Ar, Ai, decw, decb):
    inp = jnp.concatenate([hh[row], hh[col], ea], axis=1)
    m = silu(linear(inp, ew1, eb1))
    m = silu(linear(m, ew2, eb2))
    agg = jnp.zeros((hh.shape[0], m.shape[1]), m.dtype).at[row].add(m) / NF
    it = jnp.concatenate([hh, agg], axis=1)
    q_in = linear(it, encw, encb)
    qmats = [cayley(Ar[j], Ai[j]) for j in range(QL)]
    norms = jnp.sqrt(jnp.sum(q_in ** 2, axis=1, keepdims=True) + 1e-12)
    normed = q_in / norms
    qout = jax.lax.stop_gradient(circuit(normed, coeffs, qmats))
    out = hh + linear(jnp.real(qout).astype(jnp.float32), decw, decb)
    return out, m

def _forward(h, x, edge_attr, params, edge_index):
    (edge_w1, edge_b1, edge_w2, edge_b2, enc_w, enc_b, coeffs, A_real, A_imag, dec_w, dec_b, cm_w1, cm_b1, cm_w2, cm_b2, cm_w3) = params
    row = edge_index[0]
    col = edge_index[1]
    coord_diff = x[row] - x[col]
    radial = jnp.sum(coord_diff ** 2, axis=1, keepdims=True)
    nrm = jnp.sqrt(radial + 1e-8)
    coord_diff = coord_diff / (nrm + 1.0)
    ea = jnp.concatenate([radial, edge_attr], axis=1)
    hh = h
    for i in range(NLAYERS):
        hh, _ = qgcl_layer(hh, row, col, ea, edge_w1[i], edge_b1[i], edge_w2[i], edge_b2[i], enc_w[i], enc_b[i], coeffs[i], A_real[i], A_imag[i], dec_w[i], dec_b[i])
    inp = jnp.concatenate([hh[row], hh[col], ea], axis=1)
    t = silu(linear(inp, cm_w1, cm_b1))
    t = silu(linear(t, cm_w2, cm_b2))
    t = linear(t, cm_w3)
    trans = coord_diff * t
    aggc = jnp.zeros_like(x).at[row].add(trans) / NF
    return hh, x + aggc

def setup_inputs(seed: int = 0):
    key = jax.random.key(seed)
    k = lambda i: jax.random.fold_in(key, i)
    d = {}
    d['h'] = jax.random.normal(k(0), (N, H), jnp.float32)
    d['x'] = jax.random.normal(k(1), (N, 3), jnp.float32)
    d['edge_index'] = jax.random.randint(k(2), (2, E), 0, N, dtype=jnp.int32)
    d['edge_attr'] = jax.random.normal(k(3), (E, 1), jnp.float32)
    ie = 2 * H + 2
    d['edge_w1'] = jax.random.normal(k(4), (NLAYERS, H, ie), jnp.float32) * 0.05
    d['edge_b1'] = jnp.zeros((NLAYERS, H), jnp.float32)
    d['edge_w2'] = jax.random.normal(k(5), (NLAYERS, H, H), jnp.float32) * 0.05
    d['edge_b2'] = jnp.zeros((NLAYERS, H), jnp.float32)
    d['enc_w'] = jax.random.normal(k(6), (NLAYERS, DIMQ, 2 * H), jnp.float32) * 0.05
    d['enc_b'] = jnp.zeros((NLAYERS, DIMQ), jnp.float32)
    d['coeffs'] = jax.random.normal(k(7), (NLAYERS, QL, 2), jnp.float32) * 0.1
    d['A_real'] = jax.random.normal(k(8), (NLAYERS, QL, DIMQ, DIMQ), jnp.float32) * 0.01
    d['A_imag'] = jax.random.normal(k(9), (NLAYERS, QL, DIMQ, DIMQ), jnp.float32) * 0.01
    d['dec_w'] = jax.random.normal(k(10), (NLAYERS, H, DIMQ), jnp.float32) * 0.05
    d['dec_b'] = jnp.zeros((NLAYERS, H), jnp.float32)
    d['cm_w1'] = jax.random.normal(k(11), (H, ie), jnp.float32) * 0.05
    d['cm_b1'] = jnp.zeros((H,), jnp.float32)
    d['cm_w2'] = jax.random.normal(k(12), (H, H), jnp.float32) * 0.05
    d['cm_b2'] = jnp.zeros((H,), jnp.float32)
    d['cm_w3'] = jax.random.normal(k(13), (1, H), jnp.float32) * 0.001
    return d

def reference(h, x, edge_index, edge_attr, edge_w1, edge_b1, edge_w2, edge_b2, enc_w, enc_b, coeffs, A_real, A_imag, dec_w, dec_b, cm_w1, cm_b1, cm_w2, cm_b2, cm_w3):
    params = (edge_w1, edge_b1, edge_w2, edge_b2, enc_w, enc_b, coeffs, A_real, A_imag, dec_w, dec_b, cm_w1, cm_b1, cm_w2, cm_b2, cm_w3)
    return _forward(h, x, edge_attr, params, edge_index)

if __name__ == "__main__":
    import jax
    _d = setup_inputs()
    print(jax.jit(kernel)(*tuple(_d.values())))

</pallas_src>

<mosaic_0001>
#map = affine_map<(d0, d1) -> (0, 0)>
#map1 = affine_map<(d0, d1) -> (0, 0, 0)>
#map2 = affine_map<(d0, d1) -> (0, 0, 0, 0)>
module attributes {stable_mosaic.version = 14 : i64} {
  func.func @_gather2(%arg0: i32, %arg1: i32, %arg2: memref<10000x128xf32, #tpu.memory_space<hbm>>, %arg3: memref<10000x128xf32, #tpu.memory_space<hbm>>, %arg4: memref<32x125x80xi32, #tpu.memory_space<hbm>>, %arg5: memref<32x125x80xi32, #tpu.memory_space<hbm>>, %arg6: memref<32x125x80x128xf32, #tpu.memory_space<hbm>>, %arg7: memref<125x80xi32, #tpu.memory_space<vmem>>, %arg8: memref<125x80xi32, #tpu.memory_space<vmem>>, %arg9: memref<80x128xf32, #tpu.memory_space<vmem>>, %arg10: memref<80x128xf32, #tpu.memory_space<vmem>>, %arg11: memref<80x16xf32, #tpu.memory_space<vmem>>, %arg12: memref<!tpu.dma_semaphore, #tpu.memory_space<semaphore_mem>>) attributes {dimension_semantics = [#tpu.dimension_semantics<core_parallel>, #tpu.dimension_semantics<subcore_parallel>], iteration_bounds = array<i64: 2, 16>, scalar_prefetch = 0 : i64, scratch_operands = 6 : i64, tpu.core_type = #tpu.core_type<sc_vector_subcore>, window_params = [{transform_indices = #map}, {transform_indices = #map}, {transform_indices = #map1}, {transform_indices = #map1}, {transform_indices = #map2}]} {
    %mul3A = arith.constant 2 : i32
    %mul3A_0 = arith.muli %arg1, %mul3A : i32
    %add3A = arith.addi %mul3A_0, %arg0 : i32
    "tpu.region"() ({
      %run_scoped3A = tpu.sem_alloc : memref<!tpu.dma_semaphore, #tpu.memory_space<semaphore_mem>>
      %dma_start3A = arith.constant 0 : i32
      %dma_start3A_6 = arith.constant 0 : i32
      %dma_start3A_7 = tpu.memref_slice %arg4[%add3A, %dma_start3A, %dma_start3A_6] : memref<32x125x80xi32, #tpu.memory_space<hbm>> -> memref<1x125x80xi32, #tpu.memory_space<hbm>>
      %dma_start3A_8 = tpu.memref_squeeze %dma_start3A_7 : memref<1x125x80xi32, #tpu.memory_space<hbm>> -> memref<125x80xi32, #tpu.memory_space<hbm>>
      %dma_start3A_9 = arith.constant 0 : i32
      %dma_start3A_10 = arith.constant 0 : i32
      %dma_start3A_11 = tpu.memref_slice %arg4[%add3A, %dma_start3A_9, %dma_start3A_10] : memref<32x125x80xi32, #tpu.memory_space<hbm>> -> memref<1x125x80xi32, #tpu.memory_space<hbm>>
      %dma_start3A_12 = tpu.memref_squeeze %dma_start3A_11 : memref<1x125x80xi32, #tpu.memory_space<hbm>> -> memref<125x80xi32, #tpu.memory_space<hbm>>
      tpu.enqueue_dma source(%dma_start3A_12 : memref<125x80xi32, #tpu.memory_space<hbm>>) target(%arg7 : memref<125x80xi32, #tpu.memory_space<vmem>>) target_semaphore(%run_scoped3A : memref<!tpu.dma_semaphore, #tpu.memory_space<semaphore_mem>>)
      %dma_wait3A = arith.constant 0 : i32
      %dma_wait3A_13 = arith.constant 0 : i32
      %dma_wait3A_14 = tpu.memref_slice %arg4[%add3A, %dma_wait3A, %dma_wait3A_13] : memref<32x125x80xi32, #tpu.memory_space<hbm>> -> memref<1x125x80xi32, #tpu.memory_space<hbm>>
      %dma_wait3A_15 = tpu.memref_squeeze %dma_wait3A_14 : memref<1x125x80xi32, #tpu.memory_space<hbm>> -> memref<125x80xi32, #tpu.memory_space<hbm>>
      %dma_wait3A_16 = arith.constant 0 : i32
      %dma_wait3A_17 = arith.constant 0 : i32
      %dma_wait3A_18 = tpu.memref_slice %arg4[%add3A, %dma_wait3A_16, %dma_wait3A_17] : memref<32x125x80xi32, #tpu.memory_space<hbm>> -> memref<1x125x80xi32, #tpu.memory_space<hbm>>
      %dma_wait3A_19 = tpu.memref_squeeze %dma_wait3A_18 : memref<1x125x80xi32, #tpu.memory_space<hbm>> -> memref<125x80xi32, #tpu.memory_space<hbm>>
      tpu.wait_dma2 semaphore(%run_scoped3A : memref<!tpu.dma_semaphore, #tpu.memory_space<semaphore_mem>>) src(%dma_wait3A_19 : memref<125x80xi32, #tpu.memory_space<hbm>>) dst(%arg7 : memref<125x80xi32, #tpu.memory_space<vmem>>)
      tpu.yield
    }) : () -> ()
    "tpu.region"() ({
      %run_scoped3A = tpu.sem_alloc : memref<!tpu.dma_semaphore, #tpu.memory_space<semaphore_mem>>
      %dma_start3A = arith.constant 0 : i32
      %dma_start3A_6 = arith.constant 0 : i32
      %dma_start3A_7 = tpu.memref_slice %arg5[%add3A, %dma_start3A, %dma_start3A_6] : memref<32x125x80xi32, #tpu.memory_space<hbm>> -> memref<1x125x80xi32, #tpu.memory_space<hbm>>
      %dma_start3A_8 = tpu.memref_squeeze %dma_start3A_7 : memref<1x125x80xi32, #tpu.memory_space<hbm>> -> memref<125x80xi32, #tpu.memory_space<hbm>>
      %dma_start3A_9 = arith.constant 0 : i32
      %dma_start3A_10 = arith.constant 0 : i32
      %dma_start3A_11 = tpu.memref_slice %arg5[%add3A, %dma_start3A_9, %dma_start3A_10] : memref<32x125x80xi32, #tpu.memory_space<hbm>> -> memref<1x125x80xi32, #tpu.memory_space<hbm>>
      %dma_start3A_12 = tpu.memref_squeeze %dma_start3A_11 : memref<1x125x80xi32, #tpu.memory_space<hbm>> -> memref<125x80xi32, #tpu.memory_space<hbm>>
      tpu.enqueue_dma source(%dma_start3A_12 : memref<125x80xi32, #tpu.memory_space<hbm>>) target(%arg8 : memref<125x80xi32, #tpu.memory_space<vmem>>) target_semaphore(%run_scoped3A : memref<!tpu.dma_semaphore, #tpu.memory_space<semaphore_mem>>)
      %dma_wait3A = arith.constant 0 : i32
      %dma_wait3A_13 = arith.constant 0 : i32
      %dma_wait3A_14 = tpu.memref_slice %arg5[%add3A, %dma_wait3A, %dma_wait3A_13] : memref<32x125x80xi32, #tpu.memory_space<hbm>> -> memref<1x125x80xi32, #tpu.memory_space<hbm>>
      %dma_wait3A_15 = tpu.memref_squeeze %dma_wait3A_14 : memref<1x125x80xi32, #tpu.memory_space<hbm>> -> memref<125x80xi32, #tpu.memory_space<hbm>>
      %dma_wait3A_16 = arith.constant 0 : i32
      %dma_wait3A_17 = arith.constant 0 : i32
      %dma_wait3A_18 = tpu.memref_slice %arg5[%add3A, %dma_wait3A_16, %dma_wait3A_17] : memref<32x125x80xi32, #tpu.memory_space<hbm>> -> memref<1x125x80xi32, #tpu.memory_space<hbm>>
      %dma_wait3A_19 = tpu.memref_squeeze %dma_wait3A_18 : memref<1x125x80xi32, #tpu.memory_space<hbm>> -> memref<125x80xi32, #tpu.memory_space<hbm>>
      tpu.wait_dma2 semaphore(%run_scoped3A : memref<!tpu.dma_semaphore, #tpu.memory_space<semaphore_mem>>) src(%dma_wait3A_19 : memref<125x80xi32, #tpu.memory_space<hbm>>) dst(%arg8 : memref<125x80xi32, #tpu.memory_space<vmem>>)
      tpu.yield
    }) : () -> ()
    %scan3A = arith.constant 0 : i32
    %scan3A_1 = arith.constant 0 : i32
    %scan3A_2 = arith.constant 125 : i32
    %scan3A_3 = arith.addi %scan3A_1, %scan3A_2 : i32
    %scan3A_4 = arith.constant 1 : i32
    scf.for %scan3A_6 = %scan3A_1 to %scan3A_3 step %scan3A_4  : i32 {
      %dma_start3A = arith.constant 0 : i32
      %dma_start3A_7 = tpu.memref_slice %arg7[%scan3A_6, %dma_start3A] : memref<125x80xi32, #tpu.memory_space<vmem>> -> memref<1x80xi32, #tpu.memory_space<vmem>>
      %dma_start3A_8 = tpu.memref_squeeze %dma_start3A_7 : memref<1x80xi32, #tpu.memory_space<vmem>> -> memref<80xi32, #tpu.memory_space<vmem>>
      %dma_start3A_9 = arith.constant 0 : i32
      %dma_start3A_10 = arith.constant 0 : i32
      %dma_start3A_11 = tpu.memref_slice %arg2[%dma_start3A_9, %dma_start3A_10] : memref<10000x128xf32, #tpu.memory_space<hbm>> -> memref<10000x128xf32, #tpu.memory_space<hbm>>
      tpu.enqueue_indirect_dma source(%dma_start3A_11 : memref<10000x128xf32, #tpu.memory_space<hbm>>) target(%arg9 : memref<80x128xf32, #tpu.memory_space<vmem>>) offsets(%dma_start3A_8 : memref<80xi32, #tpu.memory_space<vmem>>) semaphore(%arg12 : memref<!tpu.dma_semaphore, #tpu.memory_space<semaphore_mem>>)
      %dma_start3A_12 = arith.constant 0 : i32
      %dma_start3A_13 = tpu.memref_slice %arg8[%scan3A_6, %dma_start3A_12] : memref<125x80xi32, #tpu.memory_space<vmem>> -> memref<1x80xi32, #tpu.memory_space<vmem>>
      %dma_start3A_14 = tpu.memref_squeeze %dma_start3A_13 : memref<1x80xi32, #tpu.memory_space<vmem>> -> memref<80xi32, #tpu.memory_space<vmem>>
      %dma_start3A_15 = arith.constant 0 : i32
      %dma_start3A_16 = arith.constant 0 : i32
      %dma_start3A_17 = tpu.memref_slice %arg3[%dma_start3A_15, %dma_start3A_16] : memref<10000x128xf32, #tpu.memory_space<hbm>> -> memref<10000x128xf32, #tpu.memory_space<hbm>>
      tpu.enqueue_indirect_dma source(%dma_start3A_17 : memref<10000x128xf32, #tpu.memory_space<hbm>>) target(%arg10 : memref<80x128xf32, #tpu.memory_space<vmem>>) offsets(%dma_start3A_14 : memref<80xi32, #tpu.memory_space<vmem>>) semaphore(%arg12 : memref<!tpu.dma_semaphore, #tpu.memory_space<semaphore_mem>>)
      %dma_wait3A = arith.constant 0 : i32
      %dma_wait3A_18 = tpu.memref_slice %arg7[%scan3A_6, %dma_wait3A] : memref<125x80xi32, #tpu.memory_space<vmem>> -> memref<1x80xi32, #tpu.memory_space<vmem>>
      %dma_wait3A_19 = tpu.memref_squeeze %dma_wait3A_18 : memref<1x80xi32, #tpu.memory_space<vmem>> -> memref<80xi32, #tpu.memory_space<vmem>>
      %dma_wait3A_20 = arith.constant 0 : i32
      %dma_wait3A_21 = arith.constant 0 : i32
      %dma_wait3A_22 = tpu.memref_slice %arg2[%dma_wait3A_20, %dma_wait3A_21] : memref<10000x128xf32, #tpu.memory_space<hbm>> -> memref<10000x128xf32, #tpu.memory_space<hbm>>
      tpu.wait_indirect_dma semaphore(%arg12 : memref<!tpu.dma_semaphore, #tpu.memory_space<semaphore_mem>>) src(%dma_wait3A_22 : memref<10000x128xf32, #tpu.memory_space<hbm>>) dst(%arg9 : memref<80x128xf32, #tpu.memory_space<vmem>>)
      %dma_wait3A_23 = arith.constant 0 : i32
      %dma_wait3A_24 = tpu.memref_slice %arg8[%scan3A_6, %dma_wait3A_23] : memref<125x80xi32, #tpu.memory_space<vmem>> -> memref<1x80xi32, #tpu.memory_space<vmem>>
      %dma_wait3A_25 = tpu.memref_squeeze %dma_wait3A_24 : memref<1x80xi32, #tpu.memory_space<vmem>> -> memref<80xi32, #tpu.memory_space<vmem>>
      %dma_wait3A_26 = arith.constant 0 : i32
      %dma_wait3A_27 = arith.constant 0 : i32
      %dma_wait3A_28 = tpu.memref_slice %arg3[%dma_wait3A_26, %dma_wait3A_27] : memref<10000x128xf32, #tpu.memory_space<hbm>> -> memref<10000x128xf32, #tpu.memory_space<hbm>>
      tpu.wait_indirect_dma semaphore(%arg12 : memref<!tpu.dma_semaphore, #tpu.memory_space<semaphore_mem>>) src(%dma_wait3A_28 : memref<10000x128xf32, #tpu.memory_space<hbm>>) dst(%arg10 : memref<80x128xf32, #tpu.memory_space<vmem>>)
      %scan3A_29 = arith.constant 0 : i32
      %scan3A_30 = arith.constant 0 : i32
      %scan3A_31 = arith.constant 80 : i32
      %scan3A_32 = arith.addi %scan3A_30, %scan3A_31 : i32
      %scan3A_33 = arith.constant 1 : i32
      scf.for %scan3A_35 = %scan3A_30 to %scan3A_32 step %scan3A_33  : i32 {
        %get3A = arith.index_cast %scan3A_35 : i32 to index
        %get3A_36 = arith.constant 0 : index
        %get3A_37 = tpu.vector_load %arg9[%get3A, %get3A_36] {strides = array<i32>} : memref<80x128xf32, #tpu.memory_space<vmem>>, vector<1x16xf32>,
        %get3A_38 = vector.shape_cast %get3A_37 : vector<1x16xf32> to vector<16xf32>
        %get3A_39 = arith.index_cast %scan3A_35 : i32 to index
        %get3A_40 = arith.constant 0 : index
        %get3A_41 = tpu.vector_load %arg10[%get3A_39, %get3A_40] {strides = array<i32>} : memref<80x128xf32, #tpu.memory_space<vmem>>, vector<1x16xf32>,
        %get3A_42 = vector.shape_cast %get3A_41 : vector<1x16xf32> to vector<16xf32>
        %add3A_43 = arith.addf %get3A_38, %get3A_42 : vector<16xf32>
        %swap3A = arith.index_cast %scan3A_35 : i32 to index
        %swap3A_44 = arith.constant 0 : index
        %swap3A_45 = tpu.vector_load %arg9[%swap3A, %swap3A_44] {strides = array<i32>} : memref<80x128xf32, #tpu.memory_space<vmem>>, vector<1x16xf32>,
        %swap3A_46 = vector.shape_cast %swap3A_45 : vector<1x16xf32> to vector<16xf32>
        %swap3A_47 = vector.shape_cast %add3A_43 : vector<16xf32> to vector<1x16xf32>
        tpu.vector_store %arg9[%swap3A, %swap3A_44], %swap3A_47 {strides = array<i32>} : memref<80x128xf32, #tpu.memory_space<vmem>>, vector<1x16xf32>,
        %get3A_48 = arith.index_cast %scan3A_35 : i32 to index
        %get3A_49 = arith.constant 16 : index
        %get3A_50 = tpu.vector_load %arg9[%get3A_48, %get3A_49] {strides = array<i32>} : memref<80x128xf32, #tpu.memory_space<vmem>>, vector<1x16xf32>,
        %get3A_51 = vector.shape_cast %get3A_50 : vector<1x16xf32> to vector<16xf32>
        %get3A_52 = arith.index_cast %scan3A_35 : i32 to index
        %get3A_53 = arith.constant 16 : index
        %get3A_54 = tpu.vector_load %arg10[%get3A_52, %get3A_53] {strides = array<i32>} : memref<80x128xf32, #tpu.memory_space<vmem>>, vector<1x16xf32>,
        %get3A_55 = vector.shape_cast %get3A_54 : vector<1x16xf32> to vector<16xf32>
        %add3A_56 = arith.addf %get3A_51, %get3A_55 : vector<16xf32>
        %swap3A_57 = arith.index_cast %scan3A_35 : i32 to index
        %swap3A_58 = arith.constant 16 : index
        %swap3A_59 = tpu.vector_load %arg9[%swap3A_57, %swap3A_58] {strides = array<i32>} : memref<80x128xf32, #tpu.memory_space<vmem>>, vector<1x16xf32>,
        %swap3A_60 = vector.shape_cast %swap3A_59 : vector<1x16xf32> to vector<16xf32>
        %swap3A_61 = vector.shape_cast %add3A_56 : vector<16xf32> to vector<1x16xf32>
        tpu.vector_store %arg9[%swap3A_57, %swap3A_58], %swap3A_61 {strides = array<i32>} : memref<80x128xf32, #tpu.memory_space<vmem>>, vector<1x16xf32>,
        %get3A_62 = arith.index_cast %scan3A_35 : i32 to index
        %get3A_63 = arith.constant 32 : index
        %get3A_64 = tpu.vector_load %arg9[%get3A_62, %get3A_63] {strides = array<i32>} : memref<80x128xf32, #tpu.memory_space<vmem>>, vector<1x16xf32>,
        %get3A_65 = vector.shape_cast %get3A_64 : vector<1x16xf32> to vector<16xf32>
        %get3A_66 = arith.index_cast %scan3A_35 : i32 to index
        %get3A_67 = arith.constant 32 : index
        %get3A_68 = tpu.vector_load %arg10[%get3A_66, %get3A_67] {strides = array<i32>} : memref<80x128xf32, #tpu.memory_space<vmem>>, vector<1x16xf32>,
        %get3A_69 = vector.shape_cast %get3A_68 : vector<1x16xf32> to vector<16xf32>
        %add3A_70 = arith.addf %get3A_65, %get3A_69 : vector<16xf32>
        %swap3A_71 = arith.index_cast %scan3A_35 : i32 to index
        %swap3A_72 = arith.constant 32 : index
        %swap3A_73 = tpu.vector_load %arg9[%swap3A_71, %swap3A_72] {strides = array<i32>} : memref<80x128xf32, #tpu.memory_space<vmem>>, vector<1x16xf32>,
        %swap3A_74 = vector.shape_cast %swap3A_73 : vector<1x16xf32> to vector<16xf32>
        %swap3A_75 = vector.shape_cast %add3A_70 : vector<16xf32> to vector<1x16xf32>
        tpu.vector_store %arg9[%swap3A_71, %swap3A_72], %swap3A_75 {strides = array<i32>} : memref<80x128xf32, #tpu.memory_space<vmem>>, vector<1x16xf32>,
        %get3A_76 = arith.index_cast %scan3A_35 : i32 to index
        %get3A_77 = arith.constant 48 : index
        %get3A_78 = tpu.vector_load %arg9[%get3A_76, %get3A_77] {strides = array<i32>} : memref<80x128xf32, #tpu.memory_space<vmem>>, vector<1x16xf32>,
        %get3A_79 = vector.shape_cast %get3A_78 : vector<1x16xf32> to vector<16xf32>
        %get3A_80 = arith.index_cast %scan3A_35 : i32 to index
        %get3A_81 = arith.constant 48 : index
        %get3A_82 = tpu.vector_load %arg10[%get3A_80, %get3A_81] {strides = array<i32>} : memref<80x128xf32, #tpu.memory_space<vmem>>, vector<1x16xf32>,
        %get3A_83 = vector.shape_cast %get3A_82 : vector<1x16xf32> to vector<16xf32>
        %add3A_84 = arith.addf %get3A_79, %get3A_83 : vector<16xf32>
        %swap3A_85 = arith.index_cast %scan3A_35 : i32 to index
        %swap3A_86 = arith.constant 48 : index
        %swap3A_87 = tpu.vector_load %arg9[%swap3A_85, %swap3A_86] {strides = array<i32>} : memref<80x128xf32, #tpu.memory_space<vmem>>, vector<1x16xf32>,
        %swap3A_88 = vector.shape_cast %swap3A_87 : vector<1x16xf32> to vector<16xf32>
        %swap3A_89 = vector.shape_cast %add3A_84 : vector<16xf32> to vector<1x16xf32>
        tpu.vector_store %arg9[%swap3A_85, %swap3A_86], %swap3A_89 {strides = array<i32>} : memref<80x128xf32, #tpu.memory_space<vmem>>, vector<1x16xf32>,
        %get3A_90 = arith.index_cast %scan3A_35 : i32 to index
        %get3A_91 = arith.constant 64 : index
        %get3A_92 = tpu.vector_load %arg9[%get3A_90, %get3A_91] {strides = array<i32>} : memref<80x128xf32, #tpu.memory_space<vmem>>, vector<1x16xf32>,
        %get3A_93 = vector.shape_cast %get3A_92 : vector<1x16xf32> to vector<16xf32>
        %get3A_94 = arith.index_cast %scan3A_35 : i32 to index
        %get3A_95 = arith.constant 64 : index
        %get3A_96 = tpu.vector_load %arg10[%get3A_94, %get3A_95] {strides = array<i32>} : memref<80x128xf32, #tpu.memory_space<vmem>>, vector<1x16xf32>,
        %get3A_97 = vector.shape_cast %get3A_96 : vector<1x16xf32> to vector<16xf32>
        %add3A_98 = arith.addf %get3A_93, %get3A_97 : vector<16xf32>
        %swap3A_99 = arith.index_cast %scan3A_35 : i32 to index
        %swap3A_100 = arith.constant 64 : index
        %swap3A_101 = tpu.vector_load %arg9[%swap3A_99, %swap3A_100] {strides = array<i32>} : memref<80x128xf32, #tpu.memory_space<vmem>>, vector<1x16xf32>,
        %swap3A_102 = vector.shape_cast %swap3A_101 : vector<1x16xf32> to vector<16xf32>
        %swap3A_103 = vector.shape_cast %add3A_98 : vector<16xf32> to vector<1x16xf32>
        tpu.vector_store %arg9[%swap3A_99, %swap3A_100], %swap3A_103 {strides = array<i32>} : memref<80x128xf32, #tpu.memory_space<vmem>>, vector<1x16xf32>,
        %get3A_104 = arith.index_cast %scan3A_35 : i32 to index
        %get3A_105 = arith.constant 80 : index
        %get3A_106 = tpu.vector_load %arg9[%get3A_104, %get3A_105] {strides = array<i32>} : memref<80x128xf32, #tpu.memory_space<vmem>>, vector<1x16xf32>,
        %get3A_107 = vector.shape_cast %get3A_106 : vector<1x16xf32> to vector<16xf32>
        %get3A_108 = arith.index_cast %scan3A_35 : i32 to index
        %get3A_109 = arith.constant 80 : index
        %get3A_110 = tpu.vector_load %arg10[%get3A_108, %get3A_109] {strides = array<i32>} : memref<80x128xf32, #tpu.memory_space<vmem>>, vector<1x16xf32>,
        %get3A_111 = vector.shape_cast %get3A_110 : vector<1x16xf32> to vector<16xf32>
        %add3A_112 = arith.addf %get3A_107, %get3A_111 : vector<16xf32>
        %swap3A_113 = arith.index_cast %scan3A_35 : i32 to index
        %swap3A_114 = arith.constant 80 : index
        %swap3A_115 = tpu.vector_load %arg9[%swap3A_113, %swap3A_114] {strides = array<i32>} : memref<80x128xf32, #tpu.memory_space<vmem>>, vector<1x16xf32>,
        %swap3A_116 = vector.shape_cast %swap3A_115 : vector<1x16xf32> to vector<16xf32>
        %swap3A_117 = vector.shape_cast %add3A_112 : vector<16xf32> to vector<1x16xf32>
        tpu.vector_store %arg9[%swap3A_113, %swap3A_114], %swap3A_117 {strides = array<i32>} : memref<80x128xf32, #tpu.memory_space<vmem>>, vector<1x16xf32>,
        %get3A_118 = arith.index_cast %scan3A_35 : i32 to index
        %get3A_119 = arith.constant 96 : index
        %get3A_120 = tpu.vector_load %arg9[%get3A_118, %get3A_119] {strides = array<i32>} : memref<80x128xf32, #tpu.memory_space<vmem>>, vector<1x16xf32>,
        %get3A_121 = vector.shape_cast %get3A_120 : vector<1x16xf32> to vector<16xf32>
        %get3A_122 = arith.index_cast %scan3A_35 : i32 to index
        %get3A_123 = arith.constant 96 : index
        %get3A_124 = tpu.vector_load %arg10[%get3A_122, %get3A_123] {strides = array<i32>} : memref<80x128xf32, #tpu.memory_space<vmem>>, vector<1x16xf32>,
        %get3A_125 = vector.shape_cast %get3A_124 : vector<1x16xf32> to vector<16xf32>
        %add3A_126 = arith.addf %get3A_121, %get3A_125 : vector<16xf32>
        %swap3A_127 = arith.index_cast %scan3A_35 : i32 to index
        %swap3A_128 = arith.constant 96 : index
        %swap3A_129 = tpu.vector_load %arg9[%swap3A_127, %swap3A_128] {strides = array<i32>} : memref<80x128xf32, #tpu.memory_space<vmem>>, vector<1x16xf32>,
        %swap3A_130 = vector.shape_cast %swap3A_129 : vector<1x16xf32> to vector<16xf32>
        %swap3A_131 = vector.shape_cast %add3A_126 : vector<16xf32> to vector<1x16xf32>
        tpu.vector_store %arg9[%swap3A_127, %swap3A_128], %swap3A_131 {strides = array<i32>} : memref<80x128xf32, #tpu.memory_space<vmem>>, vector<1x16xf32>,
        %get3A_132 = arith.index_cast %scan3A_35 : i32 to index
        %get3A_133 = arith.constant 112 : index
        %get3A_134 = tpu.vector_load %arg9[%get3A_132, %get3A_133] {strides = array<i32>} : memref<80x128xf32, #tpu.memory_space<vmem>>, vector<1x16xf32>,
        %get3A_135 = vector.shape_cast %get3A_134 : vector<1x16xf32> to vector<16xf32>
        %get3A_136 = arith.index_cast %scan3A_35 : i32 to index
        %get3A_137 = arith.constant 112 : index
        %get3A_138 = tpu.vector_load %arg10[%get3A_136, %get3A_137] {strides = array<i32>} : memref<80x128xf32, #tpu.memory_space<vmem>>, vector<1x16xf32>,
        %get3A_139 = vector.shape_cast %get3A_138 : vector<1x16xf32> to vector<16xf32>
        %add3A_140 = arith.addf %get3A_135, %get3A_139 : vector<16xf32>
        %swap3A_141 = arith.index_cast %scan3A_35 : i32 to index
        %swap3A_142 = arith.constant 112 : index
        %swap3A_143 = tpu.vector_load %arg9[%swap3A_141, %swap3A_142] {strides = array<i32>} : memref<80x128xf32, #tpu.memory_space<vmem>>, vector<1x16xf32>,
        %swap3A_144 = vector.shape_cast %swap3A_143 : vector<1x16xf32> to vector<16xf32>
        %swap3A_145 = vector.shape_cast %add3A_140 : vector<16xf32> to vector<1x16xf32>
        tpu.vector_store %arg9[%swap3A_141, %swap3A_142], %swap3A_145 {strides = array<i32>} : memref<80x128xf32, #tpu.memory_space<vmem>>, vector<1x16xf32>,
      }
      %scan3A_34 = arith.constant 80 : i32
      "tpu.region"() ({
        %run_scoped3A = tpu.sem_alloc : memref<!tpu.dma_semaphore, #tpu.memory_space<semaphore_mem>>
        %dma_start3A_35 = arith.constant 0 : i32
        %dma_start3A_36 = arith.constant 0 : i32
        %dma_start3A_37 = tpu.memref_slice %arg6[%add3A, %scan3A_6, %dma_start3A_35, %dma_start3A_36] : memref<32x125x80x128xf32, #tpu.memory_space<hbm>> -> memref<1x1x80x128xf32, #tpu.memory_space<hbm>>
        %dma_start3A_38 = tpu.memref_squeeze %dma_start3A_37 : memref<1x1x80x128xf32, #tpu.memory_space<hbm>> -> memref<80x128xf32, #tpu.memory_space<hbm>>
        %dma_start3A_39 = arith.constant 0 : i32
        %dma_start3A_40 = arith.constant 0 : i32
        %dma_start3A_41 = tpu.memref_slice %arg6[%add3A, %scan3A_6, %dma_start3A_39, %dma_start3A_40] : memref<32x125x80x128xf32, #tpu.memory_space<hbm>> -> memref<1x1x80x128xf32, #tpu.memory_space<hbm>>
        %dma_start3A_42 = tpu.memref_squeeze %dma_start3A_41 : memref<1x1x80x128xf32, #tpu.memory_space<hbm>> -> memref<80x128xf32, #tpu.memory_space<hbm>>
        tpu.enqueue_dma source(%arg9 : memref<80x128xf32, #tpu.memory_space<vmem>>) target(%dma_start3A_42 : memref<80x128xf32, #tpu.memory_space<hbm>>) target_semaphore(%run_scoped3A : memref<!tpu.dma_semaphore, #tpu.memory_space<semaphore_mem>>)
        %dma_wait3A_43 = arith.constant 0 : i32
        %dma_wait3A_44 = arith.constant 0 : i32
        %dma_wait3A_45 = tpu.memref_slice %arg6[%add3A, %scan3A_6, %dma_wait3A_43, %dma_wait3A_44] : memref<32x125x80x128xf32, #tpu.memory_space<hbm>> -> memref<1x1x80x128xf32, #tpu.memory_space<hbm>>
        %dma_wait3A_46 = tpu.memref_squeeze %dma_wait3A_45 : memref<1x1x80x128xf32, #tpu.memory_space<hbm>> -> memref<80x128xf32, #tpu.memory_space<hbm>>
        %dma_wait3A_47 = arith.constant 0 : i32
        %dma_wait3A_48 = arith.constant 0 : i32
        %dma_wait3A_49 = tpu.memref_slice %arg6[%add3A, %scan3A_6, %dma_wait3A_47, %dma_wait3A_48] : memref<32x125x80x128xf32, #tpu.memory_space<hbm>> -> memref<1x1x80x128xf32, #tpu.memory_space<hbm>>
        %dma_wait3A_50 = tpu.memref_squeeze %dma_wait3A_49 : memref<1x1x80x128xf32, #tpu.memory_space<hbm>> -> memref<80x128xf32, #tpu.memory_space<hbm>>
        tpu.wait_dma2 semaphore(%run_scoped3A : memref<!tpu.dma_semaphore, #tpu.memory_space<semaphore_mem>>) src(%arg9 : memref<80x128xf32, #tpu.memory_space<vmem>>) dst(%dma_wait3A_50 : memref<80x128xf32, #tpu.memory_space<hbm>>)
        tpu.yield
      }) : () -> ()
    }
    %scan3A_5 = arith.constant 125 : i32
    return
  }
}

#map = affine_map<(d0, d1) -> (0, 0)>
#map1 = affine_map<(d0, d1) -> (0, 0, 0)>
#map2 = affine_map<(d0, d1) -> (0, 0, 0, 0)>
module attributes {stable_mosaic.version = 14 : i64} {
  func.func @_gather2(%arg0: i32, %arg1: i32, %arg2: memref<10000x128xf32, #tpu.memory_space<hbm>>, %arg3: memref<10000x128xf32, #tpu.memory_space<hbm>>, %arg4: memref<32x125x80xi32, #tpu.memory_space<hbm>>, %arg5: memref<32x125x80xi32, #tpu.memory_space<hbm>>, %arg6: memref<32x125x80x128xf32, #tpu.memory_space<hbm>>, %arg7: memref<125x80xi32, #tpu.memory_space<vmem>>, %arg8: memref<125x80xi32, #tpu.memory_space<vmem>>, %arg9: memref<80x128xf32, #tpu.memory_space<vmem>>, %arg10: memref<80x128xf32, #tpu.memory_space<vmem>>, %arg11: memref<80x16xf32, #tpu.memory_space<vmem>>, %arg12: memref<!tpu.dma_semaphore, #tpu.memory_space<semaphore_mem>>) attributes {dimension_semantics = [#tpu.dimension_semantics<core_parallel>, #tpu.dimension_semantics<subcore_parallel>], iteration_bounds = array<i64: 2, 16>, scalar_prefetch = 0 : i64, scratch_operands = 6 : i64, tpu.core_type = #tpu.core_type<sc_vector_subcore>, window_params = [{transform_indices = #map}, {transform_indices = #map}, {transform_indices = #map1}, {transform_indices = #map1}, {transform_indices = #map2}]} {
    %mul3A = arith.constant 2 : i32
    %mul3A_0 = arith.muli %arg1, %mul3A : i32
    %add3A = arith.addi %mul3A_0, %arg0 : i32
    "tpu.region"() ({
      %run_scoped3A = tpu.sem_alloc : memref<!tpu.dma_semaphore, #tpu.memory_space<semaphore_mem>>
      %dma_start3A = arith.constant 0 : i32
      %dma_start3A_6 = arith.constant 0 : i32
      %dma_start3A_7 = tpu.memref_slice %arg4[%add3A, %dma_start3A, %dma_start3A_6] : memref<32x125x80xi32, #tpu.memory_space<hbm>> -> memref<1x125x80xi32, #tpu.memory_space<hbm>>
      %dma_start3A_8 = tpu.memref_squeeze %dma_start3A_7 : memref<1x125x80xi32, #tpu.memory_space<hbm>> -> memref<125x80xi32, #tpu.memory_space<hbm>>
      %dma_start3A_9 = arith.constant 0 : i32
      %dma_start3A_10 = arith.constant 0 : i32
      %dma_start3A_11 = tpu.memref_slice %arg4[%add3A, %dma_start3A_9, %dma_start3A_10] : memref<32x125x80xi32, #tpu.memory_space<hbm>> -> memref<1x125x80xi32, #tpu.memory_space<hbm>>
      %dma_start3A_12 = tpu.memref_squeeze %dma_start3A_11 : memref<1x125x80xi32, #tpu.memory_space<hbm>> -> memref<125x80xi32, #tpu.memory_space<hbm>>
      tpu.enqueue_dma source(%dma_start3A_12 : memref<125x80xi32, #tpu.memory_space<hbm>>) target(%arg7 : memref<125x80xi32, #tpu.memory_space<vmem>>) target_semaphore(%run_scoped3A : memref<!tpu.dma_semaphore, #tpu.memory_space<semaphore_mem>>)
      %dma_wait3A = arith.constant 0 : i32
      %dma_wait3A_13 = arith.constant 0 : i32
      %dma_wait3A_14 = tpu.memref_slice %arg4[%add3A, %dma_wait3A, %dma_wait3A_13] : memref<32x125x80xi32, #tpu.memory_space<hbm>> -> memref<1x125x80xi32, #tpu.memory_space<hbm>>
      %dma_wait3A_15 = tpu.memref_squeeze %dma_wait3A_14 : memref<1x125x80xi32, #tpu.memory_space<hbm>> -> memref<125x80xi32, #tpu.memory_space<hbm>>
      %dma_wait3A_16 = arith.constant 0 : i32
      %dma_wait3A_17 = arith.constant 0 : i32
      %dma_wait3A_18 = tpu.memref_slice %arg4[%add3A, %dma_wait3A_16, %dma_wait3A_17] : memref<32x125x80xi32, #tpu.memory_space<hbm>> -> memref<1x125x80xi32, #tpu.memory_space<hbm>>
      %dma_wait3A_19 = tpu.memref_squeeze %dma_wait3A_18 : memref<1x125x80xi32, #tpu.memory_space<hbm>> -> memref<125x80xi32, #tpu.memory_space<hbm>>
      tpu.wait_dma2 semaphore(%run_scoped3A : memref<!tpu.dma_semaphore, #tpu.memory_space<semaphore_mem>>) src(%dma_wait3A_19 : memref<125x80xi32, #tpu.memory_space<hbm>>) dst(%arg7 : memref<125x80xi32, #tpu.memory_space<vmem>>)
      tpu.yield
    }) : () -> ()
    "tpu.region"() ({
      %run_scoped3A = tpu.sem_alloc : memref<!tpu.dma_semaphore, #tpu.memory_space<semaphore_mem>>
      %dma_start3A = arith.constant 0 : i32
      %dma_start3A_6 = arith.constant 0 : i32
      %dma_start3A_7 = tpu.memref_slice %arg5[%add3A, %dma_start3A, %dma_start3A_6] : memref<32x125x80xi32, #tpu.memory_space<hbm>> -> memref<1x125x80xi32, #tpu.memory_space<hbm>>
      %dma_start3A_8 = tpu.memref_squeeze %dma_start3A_7 : memref<1x125x80xi32, #tpu.memory_space<hbm>> -> memref<125x80xi32, #tpu.memory_space<hbm>>
      %dma_start3A_9 = arith.constant 0 : i32
      %dma_start3A_10 = arith.constant 0 : i32
      %dma_start3A_11 = tpu.memref_slice %arg5[%add3A, %dma_start3A_9, %dma_start3A_10] : memref<32x125x80xi32, #tpu.memory_space<hbm>> -> memref<1x125x80xi32, #tpu.memory_space<hbm>>
      %dma_start3A_12 = tpu.memref_squeeze %dma_start3A_11 : memref<1x125x80xi32, #tpu.memory_space<hbm>> -> memref<125x80xi32, #tpu.memory_space<hbm>>
      tpu.enqueue_dma source(%dma_start3A_12 : memref<125x80xi32, #tpu.memory_space<hbm>>) target(%arg8 : memref<125x80xi32, #tpu.memory_space<vmem>>) target_semaphore(%run_scoped3A : memref<!tpu.dma_semaphore, #tpu.memory_space<semaphore_mem>>)
      %dma_wait3A = arith.constant 0 : i32
      %dma_wait3A_13 = arith.constant 0 : i32
      %dma_wait3A_14 = tpu.memref_slice %arg5[%add3A, %dma_wait3A, %dma_wait3A_13] : memref<32x125x80xi32, #tpu.memory_space<hbm>> -> memref<1x125x80xi32, #tpu.memory_space<hbm>>
      %dma_wait3A_15 = tpu.memref_squeeze %dma_wait3A_14 : memref<1x125x80xi32, #tpu.memory_space<hbm>> -> memref<125x80xi32, #tpu.memory_space<hbm>>
      %dma_wait3A_16 = arith.constant 0 : i32
      %dma_wait3A_17 = arith.constant 0 : i32
      %dma_wait3A_18 = tpu.memref_slice %arg5[%add3A, %dma_wait3A_16, %dma_wait3A_17] : memref<32x125x80xi32, #tpu.memory_space<hbm>> -> memref<1x125x80xi32, #tpu.memory_space<hbm>>
      %dma_wait3A_19 = tpu.memref_squeeze %dma_wait3A_18 : memref<1x125x80xi32, #tpu.memory_space<hbm>> -> memref<125x80xi32, #tpu.memory_space<hbm>>
      tpu.wait_dma2 semaphore(%run_scoped3A : memref<!tpu.dma_semaphore, #tpu.memory_space<semaphore_mem>>) src(%dma_wait3A_19 : memref<125x80xi32, #tpu.memory_space<hbm>>) dst(%arg8 : memref<125x80xi32, #tpu.memory_space<vmem>>)
      tpu.yield
    }) : () -> ()
    %scan3A = arith.constant 0 : i32
    %scan3A_1 = arith.constant 0 : i32
    %scan3A_2 = arith.constant 125 : i32
    %scan3A_3 = arith.addi %scan3A_1, %scan3A_2 : i32
    %scan3A_4 = arith.constant 1 : i32
    scf.for %scan3A_6 = %scan3A_1 to %scan3A_3 step %scan3A_4  : i32 {
      %dma_start3A = arith.constant 0 : i32
      %dma_start3A_7 = tpu.memref_slice %arg7[%scan3A_6, %dma_start3A] : memref<125x80xi32, #tpu.memory_space<vmem>> -> memref<1x80xi32, #tpu.memory_space<vmem>>
      %dma_start3A_8 = tpu.memref_squeeze %dma_start3A_7 : memref<1x80xi32, #tpu.memory_space<vmem>> -> memref<80xi32, #tpu.memory_space<vmem>>
      %dma_start3A_9 = arith.constant 0 : i32
      %dma_start3A_10 = arith.constant 0 : i32
      %dma_start3A_11 = tpu.memref_slice %arg2[%dma_start3A_9, %dma_start3A_10] : memref<10000x128xf32, #tpu.memory_space<hbm>> -> memref<10000x128xf32, #tpu.memory_space<hbm>>
      tpu.enqueue_indirect_dma source(%dma_start3A_11 : memref<10000x128xf32, #tpu.memory_space<hbm>>) target(%arg9 : memref<80x128xf32, #tpu.memory_space<vmem>>) offsets(%dma_start3A_8 : memref<80xi32, #tpu.memory_space<vmem>>) semaphore(%arg12 : memref<!tpu.dma_semaphore, #tpu.memory_space<semaphore_mem>>)
      %dma_start3A_12 = arith.constant 0 : i32
      %dma_start3A_13 = tpu.memref_slice %arg8[%scan3A_6, %dma_start3A_12] : memref<125x80xi32, #tpu.memory_space<vmem>> -> memref<1x80xi32, #tpu.memory_space<vmem>>
      %dma_start3A_14 = tpu.memref_squeeze %dma_start3A_13 : memref<1x80xi32, #tpu.memory_space<vmem>> -> memref<80xi32, #tpu.memory_space<vmem>>
      %dma_start3A_15 = arith.constant 0 : i32
      %dma_start3A_16 = arith.constant 0 : i32
      %dma_start3A_17 = tpu.memref_slice %arg3[%dma_start3A_15, %dma_start3A_16] : memref<10000x128xf32, #tpu.memory_space<hbm>> -> memref<10000x128xf32, #tpu.memory_space<hbm>>
      tpu.enqueue_indirect_dma source(%dma_start3A_17 : memref<10000x128xf32, #tpu.memory_space<hbm>>) target(%arg10 : memref<80x128xf32, #tpu.memory_space<vmem>>) offsets(%dma_start3A_14 : memref<80xi32, #tpu.memory_space<vmem>>) semaphore(%arg12 : memref<!tpu.dma_semaphore, #tpu.memory_space<semaphore_mem>>)
      %dma_wait3A = arith.constant 0 : i32
      %dma_wait3A_18 = tpu.memref_slice %arg7[%scan3A_6, %dma_wait3A] : memref<125x80xi32, #tpu.memory_space<vmem>> -> memref<1x80xi32, #tpu.memory_space<vmem>>
      %dma_wait3A_19 = tpu.memref_squeeze %dma_wait3A_18 : memref<1x80xi32, #tpu.memory_space<vmem>> -> memref<80xi32, #tpu.memory_space<vmem>>
      %dma_wait3A_20 = arith.constant 0 : i32
      %dma_wait3A_21 = arith.constant 0 : i32
      %dma_wait3A_22 = tpu.memref_slice %arg2[%dma_wait3A_20, %dma_wait3A_21] : memref<10000x128xf32, #tpu.memory_space<hbm>> -> memref<10000x128xf32, #tpu.memory_space<hbm>>
      tpu.wait_indirect_dma semaphore(%arg12 : memref<!tpu.dma_semaphore, #tpu.memory_space<semaphore_mem>>) src(%dma_wait3A_22 : memref<10000x128xf32, #tpu.memory_space<hbm>>) dst(%arg9 : memref<80x128xf32, #tpu.memory_space<vmem>>)
      %dma_wait3A_23 = arith.constant 0 : i32
      %dma_wait3A_24 = tpu.memref_slice %arg8[%scan3A_6, %dma_wait3A_23] : memref<125x80xi32, #tpu.memory_space<vmem>> -> memref<1x80xi32, #tpu.memory_space<vmem>>
      %dma_wait3A_25 = tpu.memref_squeeze %dma_wait3A_24 : memref<1x80xi32, #tpu.memory_space<vmem>> -> memref<80xi32, #tpu.memory_space<vmem>>
      %dma_wait3A_26 = arith.constant 0 : i32
      %dma_wait3A_27 = arith.constant 0 : i32
      %dma_wait3A_28 = tpu.memref_slice %arg3[%dma_wait3A_26, %dma_wait3A_27] : memref<10000x128xf32, #tpu.memory_space<hbm>> -> memref<10000x128xf32, #tpu.memory_space<hbm>>
      tpu.wait_indirect_dma semaphore(%arg12 : memref<!tpu.dma_semaphore, #tpu.memory_space<semaphore_mem>>) src(%dma_wait3A_28 : memref<10000x128xf32, #tpu.memory_space<hbm>>) dst(%arg10 : memref<80x128xf32, #tpu.memory_space<vmem>>)
      %scan3A_29 = arith.constant 0 : i32
      %scan3A_30 = arith.constant 0 : i32
      %scan3A_31 = arith.constant 80 : i32
      %scan3A_32 = arith.addi %scan3A_30, %scan3A_31 : i32
      %scan3A_33 = arith.constant 1 : i32
      scf.for %scan3A_35 = %scan3A_30 to %scan3A_32 step %scan3A_33  : i32 {
        %get3A = arith.index_cast %scan3A_35 : i32 to index
        %get3A_36 = arith.constant 0 : index
        %get3A_37 = tpu.vector_load %arg9[%get3A, %get3A_36] {strides = array<i32>} : memref<80x128xf32, #tpu.memory_space<vmem>>, vector<1x16xf32>,
        %get3A_38 = vector.shape_cast %get3A_37 : vector<1x16xf32> to vector<16xf32>
        %get3A_39 = arith.index_cast %scan3A_35 : i32 to index
        %get3A_40 = arith.constant 0 : index
        %get3A_41 = tpu.vector_load %arg10[%get3A_39, %get3A_40] {strides = array<i32>} : memref<80x128xf32, #tpu.memory_space<vmem>>, vector<1x16xf32>,
        %get3A_42 = vector.shape_cast %get3A_41 : vector<1x16xf32> to vector<16xf32>
        %add3A_43 = arith.addf %get3A_38, %get3A_42 : vector<16xf32>
        %swap3A = arith.index_cast %scan3A_35 : i32 to index
        %swap3A_44 = arith.constant 0 : index
        %swap3A_45 = tpu.vector_load %arg9[%swap3A, %swap3A_44] {strides = array<i32>} : memref<80x128xf32, #tpu.memory_space<vmem>>, vector<1x16xf32>,
        %swap3A_46 = vector.shape_cast %swap3A_45 : vector<1x16xf32> to vector<16xf32>
        %swap3A_47 = vector.shape_cast %add3A_43 : vector<16xf32> to vector<1x16xf32>
        tpu.vector_store %arg9[%swap3A, %swap3A_44], %swap3A_47 {strides = array<i32>} : memref<80x128xf32, #tpu.memory_space<vmem>>, vector<1x16xf32>,
        %get3A_48 = arith.index_cast %scan3A_35 : i32 to index
        %get3A_49 = arith.constant 16 : index
        %get3A_50 = tpu.vector_load %arg9[%get3A_48, %get3A_49] {strides = array<i32>} : memref<80x128xf32, #tpu.memory_space<vmem>>, vector<1x16xf32>,
        %get3A_51 = vector.shape_cast %get3A_50 : vector<1x16xf32> to vector<16xf32>
        %get3A_52 = arith.index_cast %scan3A_35 : i32 to index
        %get3A_53 = arith.constant 16 : index
        %get3A_54 = tpu.vector_load %arg10[%get3A_52, %get3A_53] {strides = array<i32>} : memref<80x128xf32, #tpu.memory_space<vmem>>, vector<1x16xf32>,
        %get3A_55 = vector.shape_cast %get3A_54 : vector<1x16xf32> to vector<16xf32>
        %add3A_56 = arith.addf %get3A_51, %get3A_55 : vector<16xf32>
        %swap3A_57 = arith.index_cast %scan3A_35 : i32 to index
        %swap3A_58 = arith.constant 16 : index
        %swap3A_59 = tpu.vector_load %arg9[%swap3A_57, %swap3A_58] {strides = array<i32>} : memref<80x128xf32, #tpu.memory_space<vmem>>, vector<1x16xf32>,
        %swap3A_60 = vector.shape_cast %swap3A_59 : vector<1x16xf32> to vector<16xf32>
        %swap3A_61 = vector.shape_cast %add3A_56 : vector<16xf32> to vector<1x16xf32>
        tpu.vector_store %arg9[%swap3A_57, %swap3A_58], %swap3A_61 {strides = array<i32>} : memref<80x128xf32, #tpu.memory_space<vmem>>, vector<1x16xf32>,
        %get3A_62 = arith.index_cast %scan3A_35 : i32 to index
        %get3A_63 = arith.constant 32 : index
        %get3A_64 = tpu.vector_load %arg9[%get3A_62, %get3A_63] {strides = array<i32>} : memref<80x128xf32, #tpu.memory_space<vmem>>, vector<1x16xf32>,
        %get3A_65 = vector.shape_cast %get3A_64 : vector<1x16xf32> to vector<16xf32>
        %get3A_66 = arith.index_cast %scan3A_35 : i32 to index
        %get3A_67 = arith.constant 32 : index
        %get3A_68 = tpu.vector_load %arg10[%get3A_66, %get3A_67] {strides = array<i32>} : memref<80x128xf32, #tpu.memory_space<vmem>>, vector<1x16xf32>,
        %get3A_69 = vector.shape_cast %get3A_68 : vector<1x16xf32> to vector<16xf32>
        %add3A_70 = arith.addf %get3A_65, %get3A_69 : vector<16xf32>
        %swap3A_71 = arith.index_cast %scan3A_35 : i32 to index
        %swap3A_72 = arith.constant 32 : index
        %swap3A_73 = tpu.vector_load %arg9[%swap3A_71, %swap3A_72] {strides = array<i32>} : memref<80x128xf32, #tpu.memory_space<vmem>>, vector<1x16xf32>,
        %swap3A_74 = vector.shape_cast %swap3A_73 : vector<1x16xf32> to vector<16xf32>
        %swap3A_75 = vector.shape_cast %add3A_70 : vector<16xf32> to vector<1x16xf32>
        tpu.vector_store %arg9[%swap3A_71, %swap3A_72], %swap3A_75 {strides = array<i32>} : memref<80x128xf32, #tpu.memory_space<vmem>>, vector<1x16xf32>,
        %get3A_76 = arith.index_cast %scan3A_35 : i32 to index
        %get3A_77 = arith.constant 48 : index
        %get3A_78 = tpu.vector_load %arg9[%get3A_76, %get3A_77] {strides = array<i32>} : memref<80x128xf32, #tpu.memory_space<vmem>>, vector<1x16xf32>,
        %get3A_79 = vector.shape_cast %get3A_78 : vector<1x16xf32> to vector<16xf32>
        %get3A_80 = arith.index_cast %scan3A_35 : i32 to index
        %get3A_81 = arith.constant 48 : index
        %get3A_82 = tpu.vector_load %arg10[%get3A_80, %get3A_81] {strides = array<i32>} : memref<80x128xf32, #tpu.memory_space<vmem>>, vector<1x16xf32>,
        %get3A_83 = vector.shape_cast %get3A_82 : vector<1x16xf32> to vector<16xf32>
        %add3A_84 = arith.addf %get3A_79, %get3A_83 : vector<16xf32>
        %swap3A_85 = arith.index_cast %scan3A_35 : i32 to index
        %swap3A_86 = arith.constant 48 : index
        %swap3A_87 = tpu.vector_load %arg9[%swap3A_85, %swap3A_86] {strides = array<i32>} : memref<80x128xf32, #tpu.memory_space<vmem>>, vector<1x16xf32>,
        %swap3A_88 = vector.shape_cast %swap3A_87 : vector<1x16xf32> to vector<16xf32>
        %swap3A_89 = vector.shape_cast %add3A_84 : vector<16xf32> to vector<1x16xf32>
        tpu.vector_store %arg9[%swap3A_85, %swap3A_86], %swap3A_89 {strides = array<i32>} : memref<80x128xf32, #tpu.memory_space<vmem>>, vector<1x16xf32>,
        %get3A_90 = arith.index_cast %scan3A_35 : i32 to index
        %get3A_91 = arith.constant 64 : index
        %get3A_92 = tpu.vector_load %arg9[%get3A_90, %get3A_91] {strides = array<i32>} : memref<80x128xf32, #tpu.memory_space<vmem>>, vector<1x16xf32>,
        %get3A_93 = vector.shape_cast %get3A_92 : vector<1x16xf32> to vector<16xf32>
        %get3A_94 = arith.index_cast %scan3A_35 : i32 to index
        %get3A_95 = arith.constant 64 : index
        %get3A_96 = tpu.vector_load %arg10[%get3A_94, %get3A_95] {strides = array<i32>} : memref<80x128xf32, #tpu.memory_space<vmem>>, vector<1x16xf32>,
        %get3A_97 = vector.shape_cast %get3A_96 : vector<1x16xf32> to vector<16xf32>
        %add3A_98 = arith.addf %get3A_93, %get3A_97 : vector<16xf32>
        %swap3A_99 = arith.index_cast %scan3A_35 : i32 to index
        %swap3A_100 = arith.constant 64 : index
        %swap3A_101 = tpu.vector_load %arg9[%swap3A_99, %swap3A_100] {strides = array<i32>} : memref<80x128xf32, #tpu.memory_space<vmem>>, vector<1x16xf32>,
        %swap3A_102 = vector.shape_cast %swap3A_101 : vector<1x16xf32> to vector<16xf32>
        %swap3A_103 = vector.shape_cast %add3A_98 : vector<16xf32> to vector<1x16xf32>
        tpu.vector_store %arg9[%swap3A_99, %swap3A_100], %swap3A_103 {strides = array<i32>} : memref<80x128xf32, #tpu.memory_space<vmem>>, vector<1x16xf32>,
        %get3A_104 = arith.index_cast %scan3A_35 : i32 to index
        %get3A_105 = arith.constant 80 : index
        %get3A_106 = tpu.vector_load %arg9[%get3A_104, %get3A_105] {strides = array<i32>} : memref<80x128xf32, #tpu.memory_space<vmem>>, vector<1x16xf32>,
        %get3A_107 = vector.shape_cast %get3A_106 : vector<1x16xf32> to vector<16xf32>
        %get3A_108 = arith.index_cast %scan3A_35 : i32 to index
        %get3A_109 = arith.constant 80 : index
        %get3A_110 = tpu.vector_load %arg10[%get3A_108, %get3A_109] {strides = array<i32>} : memref<80x128xf32, #tpu.memory_space<vmem>>, vector<1x16xf32>,
        %get3A_111 = vector.shape_cast %get3A_110 : vector<1x16xf32> to vector<16xf32>
        %add3A_112 = arith.addf %get3A_107, %get3A_111 : vector<16xf32>
        %swap3A_113 = arith.index_cast %scan3A_35 : i32 to index
        %swap3A_114 = arith.constant 80 : index
        %swap3A_115 = tpu.vector_load %arg9[%swap3A_113, %swap3A_114] {strides = array<i32>} : memref<80x128xf32, #tpu.memory_space<vmem>>, vector<1x16xf32>,
        %swap3A_116 = vector.shape_cast %swap3A_115 : vector<1x16xf32> to vector<16xf32>
        %swap3A_117 = vector.shape_cast %add3A_112 : vector<16xf32> to vector<1x16xf32>
        tpu.vector_store %arg9[%swap3A_113, %swap3A_114], %swap3A_117 {strides = array<i32>} : memref<80x128xf32, #tpu.memory_space<vmem>>, vector<1x16xf32>,
        %get3A_118 = arith.index_cast %scan3A_35 : i32 to index
        %get3A_119 = arith.constant 96 : index
        %get3A_120 = tpu.vector_load %arg9[%get3A_118, %get3A_119] {strides = array<i32>} : memref<80x128xf32, #tpu.memory_space<vmem>>, vector<1x16xf32>,
        %get3A_121 = vector.shape_cast %get3A_120 : vector<1x16xf32> to vector<16xf32>
        %get3A_122 = arith.index_cast %scan3A_35 : i32 to index
        %get3A_123 = arith.constant 96 : index
        %get3A_124 = tpu.vector_load %arg10[%get3A_122, %get3A_123] {strides = array<i32>} : memref<80x128xf32, #tpu.memory_space<vmem>>, vector<1x16xf32>,
        %get3A_125 = vector.shape_cast %get3A_124 : vector<1x16xf32> to vector<16xf32>
        %add3A_126 = arith.addf %get3A_121, %get3A_125 : vector<16xf32>
        %swap3A_127 = arith.index_cast %scan3A_35 : i32 to index
        %swap3A_128 = arith.constant 96 : index
        %swap3A_129 = tpu.vector_load %arg9[%swap3A_127, %swap3A_128] {strides = array<i32>} : memref<80x128xf32, #tpu.memory_space<vmem>>, vector<1x16xf32>,
        %swap3A_130 = vector.shape_cast %swap3A_129 : vector<1x16xf32> to vector<16xf32>
        %swap3A_131 = vector.shape_cast %add3A_126 : vector<16xf32> to vector<1x16xf32>
        tpu.vector_store %arg9[%swap3A_127, %swap3A_128], %swap3A_131 {strides = array<i32>} : memref<80x128xf32, #tpu.memory_space<vmem>>, vector<1x16xf32>,
        %get3A_132 = arith.index_cast %scan3A_35 : i32 to index
        %get3A_133 = arith.constant 112 : index
        %get3A_134 = tpu.vector_load %arg9[%get3A_132, %get3A_133] {strides = array<i32>} : memref<80x128xf32, #tpu.memory_space<vmem>>, vector<1x16xf32>,
        %get3A_135 = vector.shape_cast %get3A_134 : vector<1x16xf32> to vector<16xf32>
        %get3A_136 = arith.index_cast %scan3A_35 : i32 to index
        %get3A_137 = arith.constant 112 : index
        %get3A_138 = tpu.vector_load %arg10[%get3A_136, %get3A_137] {strides = array<i32>} : memref<80x128xf32, #tpu.memory_space<vmem>>, vector<1x16xf32>,
        %get3A_139 = vector.shape_cast %get3A_138 : vector<1x16xf32> to vector<16xf32>
        %add3A_140 = arith.addf %get3A_135, %get3A_139 : vector<16xf32>
        %swap3A_141 = arith.index_cast %scan3A_35 : i32 to index
        %swap3A_142 = arith.constant 112 : index
        %swap3A_143 = tpu.vector_load %arg9[%swap3A_141, %swap3A_142] {strides = array<i32>} : memref<80x128xf32, #tpu.memory_space<vmem>>, vector<1x16xf32>,
        %swap3A_144 = vector.shape_cast %swap3A_143 : vector<1x16xf32> to vector<16xf32>
        %swap3A_145 = vector.shape_cast %add3A_140 : vector<16xf32> to vector<1x16xf32>
        tpu.vector_store %arg9[%swap3A_141, %swap3A_142], %swap3A_145 {strides = array<i32>} : memref<80x128xf32, #tpu.memory_space<vmem>>, vector<1x16xf32>,
      }
      %scan3A_34 = arith.constant 80 : i32
      "tpu.region"() ({
        %run_scoped3A = tpu.sem_alloc : memref<!tpu.dma_semaphore, #tpu.memory_space<semaphore_mem>>
        %dma_start3A_35 = arith.constant 0 : i32
        %dma_start3A_36 = arith.constant 0 : i32
        %dma_start3A_37 = tpu.memref_slice %arg6[%add3A, %scan3A_6, %dma_start3A_35, %dma_start3A_36] : memref<32x125x80x128xf32, #tpu.memory_space<hbm>> -> memref<1x1x80x128xf32, #tpu.memory_space<hbm>>
        %dma_start3A_38 = tpu.memref_squeeze %dma_start3A_37 : memref<1x1x80x128xf32, #tpu.memory_space<hbm>> -> memref<80x128xf32, #tpu.memory_space<hbm>>
        %dma_start3A_39 = arith.constant 0 : i32
        %dma_start3A_40 = arith.constant 0 : i32
        %dma_start3A_41 = tpu.memref_slice %arg6[%add3A, %scan3A_6, %dma_start3A_39, %dma_start3A_40] : memref<32x125x80x128xf32, #tpu.memory_space<hbm>> -> memref<1x1x80x128xf32, #tpu.memory_space<hbm>>
        %dma_start3A_42 = tpu.memref_squeeze %dma_start3A_41 : memref<1x1x80x128xf32, #tpu.memory_space<hbm>> -> memref<80x128xf32, #tpu.memory_space<hbm>>
        tpu.enqueue_dma source(%arg9 : memref<80x128xf32, #tpu.memory_space<vmem>>) target(%dma_start3A_42 : memref<80x128xf32, #tpu.memory_space<hbm>>) target_semaphore(%run_scoped3A : memref<!tpu.dma_semaphore, #tpu.memory_space<semaphore_mem>>)
        %dma_wait3A_43 = arith.constant 0 : i32
        %dma_wait3A_44 = arith.constant 0 : i32
        %dma_wait3A_45 = tpu.memref_slice %arg6[%add3A, %scan3A_6, %dma_wait3A_43, %dma_wait3A_44] : memref<32x125x80x128xf32, #tpu.memory_space<hbm>> -> memref<1x1x80x128xf32, #tpu.memory_space<hbm>>
        %dma_wait3A_46 = tpu.memref_squeeze %dma_wait3A_45 : memref<1x1x80x128xf32, #tpu.memory_space<hbm>> -> memref<80x128xf32, #tpu.memory_space<hbm>>
        %dma_wait3A_47 = arith.constant 0 : i32
        %dma_wait3A_48 = arith.constant 0 : i32
        %dma_wait3A_49 = tpu.memref_slice %arg6[%add3A, %scan3A_6, %dma_wait3A_47, %dma_wait3A_48] : memref<32x125x80x128xf32, #tpu.memory_space<hbm>> -> memref<1x1x80x128xf32, #tpu.memory_space<hbm>>
        %dma_wait3A_50 = tpu.memref_squeeze %dma_wait3A_49 : memref<1x1x80x128xf32, #tpu.memory_space<hbm>> -> memref<80x128xf32, #tpu.memory_space<hbm>>
        tpu.wait_dma2 semaphore(%run_scoped3A : memref<!tpu.dma_semaphore, #tpu.memory_space<semaphore_mem>>) src(%arg9 : memref<80x128xf32, #tpu.memory_space<vmem>>) dst(%dma_wait3A_50 : memref<80x128xf32, #tpu.memory_space<hbm>>)
        tpu.yield
      }) : () -> ()
    }
    %scan3A_5 = arith.constant 125 : i32
    return
  }
}

#map = affine_map<(d0, d1) -> (0, 0)>
#map1 = affine_map<(d0, d1) -> (0, 0, 0)>
#map2 = affine_map<(d0, d1) -> (0, 0, 0, 0)>
module attributes {stable_mosaic.version = 14 : i64} {
  func.func @_gather2(%arg0: i32, %arg1: i32, %arg2: memref<10000x128xf32, #tpu.memory_space<hbm>>, %arg3: memref<10000x128xf32, #tpu.memory_space<hbm>>, %arg4: memref<32x125x80xi32, #tpu.memory_space<hbm>>, %arg5: memref<32x125x80xi32, #tpu.memory_space<hbm>>, %arg6: memref<32x125x80x16xf32, #tpu.memory_space<hbm>>, %arg7: memref<125x80xi32, #tpu.memory_space<vmem>>, %arg8: memref<125x80xi32, #tpu.memory_space<vmem>>, %arg9: memref<80x128xf32, #tpu.memory_space<vmem>>, %arg10: memref<80x128xf32, #tpu.memory_space<vmem>>, %arg11: memref<80x16xf32, #tpu.memory_space<vmem>>, %arg12: memref<!tpu.dma_semaphore, #tpu.memory_space<semaphore_mem>>) attributes {dimension_semantics = [#tpu.dimension_semantics<core_parallel>, #tpu.dimension_semantics<subcore_parallel>], iteration_bounds = array<i64: 2, 16>, scalar_prefetch = 0 : i64, scratch_operands = 6 : i64, tpu.core_type = #tpu.core_type<sc_vector_subcore>, window_params = [{transform_indices = #map}, {transform_indices = #map}, {transform_indices = #map1}, {transform_indices = #map1}, {transform_indices = #map2}]} {
    %mul3A = arith.constant 2 : i32
    %mul3A_0 = arith.muli %arg1, %mul3A : i32
    %add3A = arith.addi %mul3A_0, %arg0 : i32
    "tpu.region"() ({
      %run_scoped3A = tpu.sem_alloc : memref<!tpu.dma_semaphore, #tpu.memory_space<semaphore_mem>>
      %dma_start3A = arith.constant 0 : i32
      %dma_start3A_6 = arith.constant 0 : i32
      %dma_start3A_7 = tpu.memref_slice %arg4[%add3A, %dma_start3A, %dma_start3A_6] : memref<32x125x80xi32, #tpu.memory_space<hbm>> -> memref<1x125x80xi32, #tpu.memory_space<hbm>>
      %dma_start3A_8 = tpu.memref_squeeze %dma_start3A_7 : memref<1x125x80xi32, #tpu.memory_space<hbm>> -> memref<125x80xi32, #tpu.memory_space<hbm>>
      %dma_start3A_9 = arith.constant 0 : i32
      %dma_start3A_10 = arith.constant 0 : i32
      %dma_start3A_11 = tpu.memref_slice %arg4[%add3A, %dma_start3A_9, %dma_start3A_10] : memref<32x125x80xi32, #tpu.memory_space<hbm>> -> memref<1x125x80xi32, #tpu.memory_space<hbm>>
      %dma_start3A_12 = tpu.memref_squeeze %dma_start3A_11 : memref<1x125x80xi32, #tpu.memory_space<hbm>> -> memref<125x80xi32, #tpu.memory_space<hbm>>
      tpu.enqueue_dma source(%dma_start3A_12 : memref<125x80xi32, #tpu.memory_space<hbm>>) target(%arg7 : memref<125x80xi32, #tpu.memory_space<vmem>>) target_semaphore(%run_scoped3A : memref<!tpu.dma_semaphore, #tpu.memory_space<semaphore_mem>>)
      %dma_wait3A = arith.constant 0 : i32
      %dma_wait3A_13 = arith.constant 0 : i32
      %dma_wait3A_14 = tpu.memref_slice %arg4[%add3A, %dma_wait3A, %dma_wait3A_13] : memref<32x125x80xi32, #tpu.memory_space<hbm>> -> memref<1x125x80xi32, #tpu.memory_space<hbm>>
      %dma_wait3A_15 = tpu.memref_squeeze %dma_wait3A_14 : memref<1x125x80xi32, #tpu.memory_space<hbm>> -> memref<125x80xi32, #tpu.memory_space<hbm>>
      %dma_wait3A_16 = arith.constant 0 : i32
      %dma_wait3A_17 = arith.constant 0 : i32
      %dma_wait3A_18 = tpu.memref_slice %arg4[%add3A, %dma_wait3A_16, %dma_wait3A_17] : memref<32x125x80xi32, #tpu.memory_space<hbm>> -> memref<1x125x80xi32, #tpu.memory_space<hbm>>
      %dma_wait3A_19 = tpu.memref_squeeze %dma_wait3A_18 : memref<1x125x80xi32, #tpu.memory_space<hbm>> -> memref<125x80xi32, #tpu.memory_space<hbm>>
      tpu.wait_dma2 semaphore(%run_scoped3A : memref<!tpu.dma_semaphore, #tpu.memory_space<semaphore_mem>>) src(%dma_wait3A_19 : memref<125x80xi32, #tpu.memory_space<hbm>>) dst(%arg7 : memref<125x80xi32, #tpu.memory_space<vmem>>)
      tpu.yield
    }) : () -> ()
    "tpu.region"() ({
      %run_scoped3A = tpu.sem_alloc : memref<!tpu.dma_semaphore, #tpu.memory_space<semaphore_mem>>
      %dma_start3A = arith.constant 0 : i32
      %dma_start3A_6 = arith.constant 0 : i32
      %dma_start3A_7 = tpu.memref_slice %arg5[%add3A, %dma_start3A, %dma_start3A_6] : memref<32x125x80xi32, #tpu.memory_space<hbm>> -> memref<1x125x80xi32, #tpu.memory_space<hbm>>
      %dma_start3A_8 = tpu.memref_squeeze %dma_start3A_7 : memref<1x125x80xi32, #tpu.memory_space<hbm>> -> memref<125x80xi32, #tpu.memory_space<hbm>>
      %dma_start3A_9 = arith.constant 0 : i32
      %dma_start3A_10 = arith.constant 0 : i32
      %dma_start3A_11 = tpu.memref_slice %arg5[%add3A, %dma_start3A_9, %dma_start3A_10] : memref<32x125x80xi32, #tpu.memory_space<hbm>> -> memref<1x125x80xi32, #tpu.memory_space<hbm>>
      %dma_start3A_12 = tpu.memref_squeeze %dma_start3A_11 : memref<1x125x80xi32, #tpu.memory_space<hbm>> -> memref<125x80xi32, #tpu.memory_space<hbm>>
      tpu.enqueue_dma source(%dma_start3A_12 : memref<125x80xi32, #tpu.memory_space<hbm>>) target(%arg8 : memref<125x80xi32, #tpu.memory_space<vmem>>) target_semaphore(%run_scoped3A : memref<!tpu.dma_semaphore, #tpu.memory_space<semaphore_mem>>)
      %dma_wait3A = arith.constant 0 : i32
      %dma_wait3A_13 = arith.constant 0 : i32
      %dma_wait3A_14 = tpu.memref_slice %arg5[%add3A, %dma_wait3A, %dma_wait3A_13] : memref<32x125x80xi32, #tpu.memory_space<hbm>> -> memref<1x125x80xi32, #tpu.memory_space<hbm>>
      %dma_wait3A_15 = tpu.memref_squeeze %dma_wait3A_14 : memref<1x125x80xi32, #tpu.memory_space<hbm>> -> memref<125x80xi32, #tpu.memory_space<hbm>>
      %dma_wait3A_16 = arith.constant 0 : i32
      %dma_wait3A_17 = arith.constant 0 : i32
      %dma_wait3A_18 = tpu.memref_slice %arg5[%add3A, %dma_wait3A_16, %dma_wait3A_17] : memref<32x125x80xi32, #tpu.memory_space<hbm>> -> memref<1x125x80xi32, #tpu.memory_space<hbm>>
      %dma_wait3A_19 = tpu.memref_squeeze %dma_wait3A_18 : memref<1x125x80xi32, #tpu.memory_space<hbm>> -> memref<125x80xi32, #tpu.memory_space<hbm>>
      tpu.wait_dma2 semaphore(%run_scoped3A : memref<!tpu.dma_semaphore, #tpu.memory_space<semaphore_mem>>) src(%dma_wait3A_19 : memref<125x80xi32, #tpu.memory_space<hbm>>) dst(%arg8 : memref<125x80xi32, #tpu.memory_space<vmem>>)
      tpu.yield
    }) : () -> ()
    %scan3A = arith.constant 0 : i32
    %scan3A_1 = arith.constant 0 : i32
    %scan3A_2 = arith.constant 125 : i32
    %scan3A_3 = arith.addi %scan3A_1, %scan3A_2 : i32
    %scan3A_4 = arith.constant 1 : i32
    scf.for %scan3A_6 = %scan3A_1 to %scan3A_3 step %scan3A_4  : i32 {
      %dma_start3A = arith.constant 0 : i32
      %dma_start3A_7 = tpu.memref_slice %arg7[%scan3A_6, %dma_start3A] : memref<125x80xi32, #tpu.memory_space<vmem>> -> memref<1x80xi32, #tpu.memory_space<vmem>>
      %dma_start3A_8 = tpu.memref_squeeze %dma_start3A_7 : memref<1x80xi32, #tpu.memory_space<vmem>> -> memref<80xi32, #tpu.memory_space<vmem>>
      %dma_start3A_9 = arith.constant 0 : i32
      %dma_start3A_10 = arith.constant 0 : i32
      %dma_start3A_11 = tpu.memref_slice %arg2[%dma_start3A_9, %dma_start3A_10] : memref<10000x128xf32, #tpu.memory_space<hbm>> -> memref<10000x128xf32, #tpu.memory_space<hbm>>
      tpu.enqueue_indirect_dma source(%dma_start3A_11 : memref<10000x128xf32, #tpu.memory_space<hbm>>) target(%arg9 : memref<80x128xf32, #tpu.memory_space<vmem>>) offsets(%dma_start3A_8 : memref<80xi32, #tpu.memory_space<vmem>>) semaphore(%arg12 : memref<!tpu.dma_semaphore, #tpu.memory_space<semaphore_mem>>)
      %dma_start3A_12 = arith.constant 0 : i32
      %dma_start3A_13 = tpu.memref_slice %arg8[%scan3A_6, %dma_start3A_12] : memref<125x80xi32, #tpu.memory_space<vmem>> -> memref<1x80xi32, #tpu.memory_space<vmem>>
      %dma_start3A_14 = tpu.memref_squeeze %dma_start3A_13 : memref<1x80xi32, #tpu.memory_space<vmem>> -> memref<80xi32, #tpu.memory_space<vmem>>
      %dma_start3A_15 = arith.constant 0 : i32
      %dma_start3A_16 = arith.constant 0 : i32
      %dma_start3A_17 = tpu.memref_slice %arg3[%dma_start3A_15, %dma_start3A_16] : memref<10000x128xf32, #tpu.memory_space<hbm>> -> memref<10000x128xf32, #tpu.memory_space<hbm>>
      tpu.enqueue_indirect_dma source(%dma_start3A_17 : memref<10000x128xf32, #tpu.memory_space<hbm>>) target(%arg10 : memref<80x128xf32, #tpu.memory_space<vmem>>) offsets(%dma_start3A_14 : memref<80xi32, #tpu.memory_space<vmem>>) semaphore(%arg12 : memref<!tpu.dma_semaphore, #tpu.memory_space<semaphore_mem>>)
      %dma_wait3A = arith.constant 0 : i32
      %dma_wait3A_18 = tpu.memref_slice %arg7[%scan3A_6, %dma_wait3A] : memref<125x80xi32, #tpu.memory_space<vmem>> -> memref<1x80xi32, #tpu.memory_space<vmem>>
      %dma_wait3A_19 = tpu.memref_squeeze %dma_wait3A_18 : memref<1x80xi32, #tpu.memory_space<vmem>> -> memref<80xi32, #tpu.memory_space<vmem>>
      %dma_wait3A_20 = arith.constant 0 : i32
      %dma_wait3A_21 = arith.constant 0 : i32
      %dma_wait3A_22 = tpu.memref_slice %arg2[%dma_wait3A_20, %dma_wait3A_21] : memref<10000x128xf32, #tpu.memory_space<hbm>> -> memref<10000x128xf32, #tpu.memory_space<hbm>>
      tpu.wait_indirect_dma semaphore(%arg12 : memref<!tpu.dma_semaphore, #tpu.memory_space<semaphore_mem>>) src(%dma_wait3A_22 : memref<10000x128xf32, #tpu.memory_space<hbm>>) dst(%arg9 : memref<80x128xf32, #tpu.memory_space<vmem>>)
      %dma_wait3A_23 = arith.constant 0 : i32
      %dma_wait3A_24 = tpu.memref_slice %arg8[%scan3A_6, %dma_wait3A_23] : memref<125x80xi32, #tpu.memory_space<vmem>> -> memref<1x80xi32, #tpu.memory_space<vmem>>
      %dma_wait3A_25 = tpu.memref_squeeze %dma_wait3A_24 : memref<1x80xi32, #tpu.memory_space<vmem>> -> memref<80xi32, #tpu.memory_space<vmem>>
      %dma_wait3A_26 = arith.constant 0 : i32
      %dma_wait3A_27 = arith.constant 0 : i32
      %dma_wait3A_28 = tpu.memref_slice %arg3[%dma_wait3A_26, %dma_wait3A_27] : memref<10000x128xf32, #tpu.memory_space<hbm>> -> memref<10000x128xf32, #tpu.memory_space<hbm>>
      tpu.wait_indirect_dma semaphore(%arg12 : memref<!tpu.dma_semaphore, #tpu.memory_space<semaphore_mem>>) src(%dma_wait3A_28 : memref<10000x128xf32, #tpu.memory_space<hbm>>) dst(%arg10 : memref<80x128xf32, #tpu.memory_space<vmem>>)
      %scan3A_29 = arith.constant 0 : i32
      %scan3A_30 = arith.constant 0 : i32
      %scan3A_31 = arith.constant 80 : i32
      %scan3A_32 = arith.addi %scan3A_30, %scan3A_31 : i32
      %scan3A_33 = arith.constant 1 : i32
      scf.for %scan3A_35 = %scan3A_30 to %scan3A_32 step %scan3A_33  : i32 {
        %get3A = arith.index_cast %scan3A_35 : i32 to index
        %get3A_36 = arith.constant 0 : index
        %get3A_37 = tpu.vector_load %arg9[%get3A, %get3A_36] {strides = array<i32>} : memref<80x128xf32, #tpu.memory_space<vmem>>, vector<1x16xf32>,
        %get3A_38 = vector.shape_cast %get3A_37 : vector<1x16xf32> to vector<16xf32>
        %get3A_39 = arith.index_cast %scan3A_35 : i32 to index
        %get3A_40 = arith.constant 0 : index
        %get3A_41 = tpu.vector_load %arg10[%get3A_39, %get3A_40] {strides = array<i32>} : memref<80x128xf32, #tpu.memory_space<vmem>>, vector<1x16xf32>,
        %get3A_42 = vector.shape_cast %get3A_41 : vector<1x16xf32> to vector<16xf32>
        %add3A_43 = arith.addf %get3A_38, %get3A_42 : vector<16xf32>
        %swap3A = arith.index_cast %scan3A_35 : i32 to index
        %swap3A_44 = arith.constant 0 : index
        %swap3A_45 = tpu.vector_load %arg11[%swap3A, %swap3A_44] {strides = array<i32>} : memref<80x16xf32, #tpu.memory_space<vmem>>, vector<1x16xf32>,
        %swap3A_46 = vector.shape_cast %swap3A_45 : vector<1x16xf32> to vector<16xf32>
        %swap3A_47 = vector.shape_cast %add3A_43 : vector<16xf32> to vector<1x16xf32>
        tpu.vector_store %arg11[%swap3A, %swap3A_44], %swap3A_47 {strides = array<i32>} : memref<80x16xf32, #tpu.memory_space<vmem>>, vector<1x16xf32>,
      }
      %scan3A_34 = arith.constant 80 : i32
      "tpu.region"() ({
        %run_scoped3A = tpu.sem_alloc : memref<!tpu.dma_semaphore, #tpu.memory_space<semaphore_mem>>
        %dma_start3A_35 = arith.constant 0 : i32
        %dma_start3A_36 = arith.constant 0 : i32
        %dma_start3A_37 = tpu.memref_slice %arg6[%add3A, %scan3A_6, %dma_start3A_35, %dma_start3A_36] : memref<32x125x80x16xf32, #tpu.memory_space<hbm>> -> memref<1x1x80x16xf32, #tpu.memory_space<hbm>>
        %dma_start3A_38 = tpu.memref_squeeze %dma_start3A_37 : memref<1x1x80x16xf32, #tpu.memory_space<hbm>> -> memref<80x16xf32, #tpu.memory_space<hbm>>
        %dma_start3A_39 = arith.constant 0 : i32
        %dma_start3A_40 = arith.constant 0 : i32
        %dma_start3A_41 = tpu.memref_slice %arg6[%add3A, %scan3A_6, %dma_start3A_39, %dma_start3A_40] : memref<32x125x80x16xf32, #tpu.memory_space<hbm>> -> memref<1x1x80x16xf32, #tpu.memory_space<hbm>>
        %dma_start3A_42 = tpu.memref_squeeze %dma_start3A_41 : memref<1x1x80x16xf32, #tpu.memory_space<hbm>> -> memref<80x16xf32, #tpu.memory_space<hbm>>
        tpu.enqueue_dma source(%arg11 : memref<80x16xf32, #tpu.memory_space<vmem>>) target(%dma_start3A_42 : memref<80x16xf32, #tpu.memory_space<hbm>>) target_semaphore(%run_scoped3A : memref<!tpu.dma_semaphore, #tpu.memory_space<semaphore_mem>>)
        %dma_wait3A_43 = arith.constant 0 : i32
        %dma_wait3A_44 = arith.constant 0 : i32
        %dma_wait3A_45 = tpu.memref_slice %arg6[%add3A, %scan3A_6, %dma_wait3A_43, %dma_wait3A_44] : memref<32x125x80x16xf32, #tpu.memory_space<hbm>> -> memref<1x1x80x16xf32, #tpu.memory_space<hbm>>
        %dma_wait3A_46 = tpu.memref_squeeze %dma_wait3A_45 : memref<1x1x80x16xf32, #tpu.memory_space<hbm>> -> memref<80x16xf32, #tpu.memory_space<hbm>>
        %dma_wait3A_47 = arith.constant 0 : i32
        %dma_wait3A_48 = arith.constant 0 : i32
        %dma_wait3A_49 = tpu.memref_slice %arg6[%add3A, %scan3A_6, %dma_wait3A_47, %dma_wait3A_48] : memref<32x125x80x16xf32, #tpu.memory_space<hbm>> -> memref<1x1x80x16xf32, #tpu.memory_space<hbm>>
        %dma_wait3A_50 = tpu.memref_squeeze %dma_wait3A_49 : memref<1x1x80x16xf32, #tpu.memory_space<hbm>> -> memref<80x16xf32, #tpu.memory_space<hbm>>
        tpu.wait_dma2 semaphore(%run_scoped3A : memref<!tpu.dma_semaphore, #tpu.memory_space<semaphore_mem>>) src(%arg11 : memref<80x16xf32, #tpu.memory_space<vmem>>) dst(%dma_wait3A_50 : memref<80x16xf32, #tpu.memory_space<hbm>>)
        tpu.yield
      }) : () -> ()
    }
    %scan3A_5 = arith.constant 125 : i32
    return
  }
}

#map = affine_map<(d0, d1) -> (0, 0, 0, 0)>
#map1 = affine_map<(d0, d1) -> (0, 0, 0)>
module attributes {stable_mosaic.version = 14 : i64} {
  func.func @_sc_scatter(%arg0: i32, %arg1: i32, %arg2: memref<32x125x80x128xf32, #tpu.memory_space<hbm>>, %arg3: memref<32x125x80xi32, #tpu.memory_space<hbm>>, %arg4: memref<2x10240x128xf32, #tpu.memory_space<hbm>>, %arg5: memref<125x80xi32, #tpu.memory_space<vmem>>, %arg6: memref<80x128xf32, #tpu.memory_space<vmem>>, %arg7: memref<80x128xf32, #tpu.memory_space<vmem>>, %arg8: memref<10240x128xf32, #tpu.memory_space<vmem_shared>>, %arg9: memref<!tpu.dma_semaphore, #tpu.memory_space<semaphore_mem>>) attributes {dimension_semantics = [#tpu.dimension_semantics<core_parallel>, #tpu.dimension_semantics<subcore_parallel>], iteration_bounds = array<i64: 2, 16>, scalar_prefetch = 0 : i64, scratch_operands = 5 : i64, tpu.core_type = #tpu.core_type<sc_vector_subcore>, window_params = [{transform_indices = #map}, {transform_indices = #map1}, {transform_indices = #map1}]} {
    %mul3A = arith.constant 2 : i32
    %mul3A_0 = arith.muli %arg1, %mul3A : i32
    %add3A = arith.addi %mul3A_0, %arg0 : i32
    %scan3A = arith.constant 0 : i32
    %scan3A_1 = arith.constant 0 : i32
    %scan3A_2 = arith.constant 80 : i32
    %scan3A_3 = arith.addi %scan3A_1, %scan3A_2 : i32
    %scan3A_4 = arith.constant 1 : i32
    scf.for %scan3A_23 = %scan3A_1 to %scan3A_3 step %scan3A_4  : i32 {
      %broadcast_in_dim3A = arith.constant 0.000000e+00 : f32
      %broadcast_in_dim3A_24 = vector.broadcast %broadcast_in_dim3A : f32 to vector<16xf32>
      %swap3A = arith.index_cast %scan3A_23 : i32 to index
      %swap3A_25 = arith.constant 0 : index
      %swap3A_26 = tpu.vector_load %arg7[%swap3A, %swap3A_25] {strides = array<i32>} : memref<80x128xf32, #tpu.memory_space<vmem>>, vector<1x16xf32>,
      %swap3A_27 = vector.shape_cast %swap3A_26 : vector<1x16xf32> to vector<16xf32>
      %swap3A_28 = vector.shape_cast %broadcast_in_dim3A_24 : vector<16xf32> to vector<1x16xf32>
      tpu.vector_store %arg7[%swap3A, %swap3A_25], %swap3A_28 {strides = array<i32>} : memref<80x128xf32, #tpu.memory_space<vmem>>, vector<1x16xf32>,
      %broadcast_in_dim3A_29 = arith.constant 0.000000e+00 : f32
      %broadcast_in_dim3A_30 = vector.broadcast %broadcast_in_dim3A_29 : f32 to vector<16xf32>
      %swap3A_31 = arith.index_cast %scan3A_23 : i32 to index
      %swap3A_32 = arith.constant 16 : index
      %swap3A_33 = tpu.vector_load %arg7[%swap3A_31, %swap3A_32] {strides = array<i32>} : memref<80x128xf32, #tpu.memory_space<vmem>>, vector<1x16xf32>,
      %swap3A_34 = vector.shape_cast %swap3A_33 : vector<1x16xf32> to vector<16xf32>
      %swap3A_35 = vector.shape_cast %broadcast_in_dim3A_30 : vector<16xf32> to vector<1x16xf32>
      tpu.vector_store %arg7[%swap3A_31, %swap3A_32], %swap3A_35 {strides = array<i32>} : memref<80x128xf32, #tpu.memory_space<vmem>>, vector<1x16xf32>,
      %broadcast_in_dim3A_36 = arith.constant 0.000000e+00 : f32
      %broadcast_in_dim3A_37 = vector.broadcast %broadcast_in_dim3A_36 : f32 to vector<16xf32>
      %swap3A_38 = arith.index_cast %scan3A_23 : i32 to index
      %swap3A_39 = arith.constant 32 : index
      %swap3A_40 = tpu.vector_load %arg7[%swap3A_38, %swap3A_39] {strides = array<i32>} : memref<80x128xf32, #tpu.memory_space<vmem>>, vector<1x16xf32>,
      %swap3A_41 = vector.shape_cast %swap3A_40 : vector<1x16xf32> to vector<16xf32>
      %swap3A_42 = vector.shape_cast %broadcast_in_dim3A_37 : vector<16xf32> to vector<1x16xf32>
      tpu.vector_store %arg7[%swap3A_38, %swap3A_39], %swap3A_42 {strides = array<i32>} : memref<80x128xf32, #tpu.memory_space<vmem>>, vector<1x16xf32>,
      %broadcast_in_dim3A_43 = arith.constant 0.000000e+00 : f32
      %broadcast_in_dim3A_44 = vector.broadcast %broadcast_in_dim3A_43 : f32 to vector<16xf32>
      %swap3A_45 = arith.index_cast %scan3A_23 : i32 to index
      %swap3A_46 = arith.constant 48 : index
      %swap3A_47 = tpu.vector_load %arg7[%swap3A_45, %swap3A_46] {strides = array<i32>} : memref<80x128xf32, #tpu.memory_space<vmem>>, vector<1x16xf32>,
      %swap3A_48 = vector.shape_cast %swap3A_47 : vector<1x16xf32> to vector<16xf32>
      %swap3A_49 = vector.shape_cast %broadcast_in_dim3A_44 : vector<16xf32> to vector<1x16xf32>
      tpu.vector_store %arg7[%swap3A_45, %swap3A_46], %swap3A_49 {strides = array<i32>} : memref<80x128xf32, #tpu.memory_space<vmem>>, vector<1x16xf32>,
      %broadcast_in_dim3A_50 = arith.constant 0.000000e+00 : f32
      %broadcast_in_dim3A_51 = vector.broadcast %broadcast_in_dim3A_50 : f32 to vector<16xf32>
      %swap3A_52 = arith.index_cast %scan3A_23 : i32 to index
      %swap3A_53 = arith.constant 64 : index
      %swap3A_54 = tpu.vector_load %arg7[%swap3A_52, %swap3A_53] {strides = array<i32>} : memref<80x128xf32, #tpu.memory_space<vmem>>, vector<1x16xf32>,
      %swap3A_55 = vector.shape_cast %swap3A_54 : vector<1x16xf32> to vector<16xf32>
      %swap3A_56 = vector.shape_cast %broadcast_in_dim3A_51 : vector<16xf32> to vector<1x16xf32>
      tpu.vector_store %arg7[%swap3A_52, %swap3A_53], %swap3A_56 {strides = array<i32>} : memref<80x128xf32, #tpu.memory_space<vmem>>, vector<1x16xf32>,
      %broadcast_in_dim3A_57 = arith.constant 0.000000e+00 : f32
      %broadcast_in_dim3A_58 = vector.broadcast %broadcast_in_dim3A_57 : f32 to vector<16xf32>
      %swap3A_59 = arith.index_cast %scan3A_23 : i32 to index
      %swap3A_60 = arith.constant 80 : index
      %swap3A_61 = tpu.vector_load %arg7[%swap3A_59, %swap3A_60] {strides = array<i32>} : memref<80x128xf32, #tpu.memory_space<vmem>>, vector<1x16xf32>,
      %swap3A_62 = vector.shape_cast %swap3A_61 : vector<1x16xf32> to vector<16xf32>
      %swap3A_63 = vector.shape_cast %broadcast_in_dim3A_58 : vector<16xf32> to vector<1x16xf32>
      tpu.vector_store %arg7[%swap3A_59, %swap3A_60], %swap3A_63 {strides = array<i32>} : memref<80x128xf32, #tpu.memory_space<vmem>>, vector<1x16xf32>,
      %broadcast_in_dim3A_64 = arith.constant 0.000000e+00 : f32
      %broadcast_in_dim3A_65 = vector.broadcast %broadcast_in_dim3A_64 : f32 to vector<16xf32>
      %swap3A_66 = arith.index_cast %scan3A_23 : i32 to index
      %swap3A_67 = arith.constant 96 : index
      %swap3A_68 = tpu.vector_load %arg7[%swap3A_66, %swap3A_67] {strides = array<i32>} : memref<80x128xf32, #tpu.memory_space<vmem>>, vector<1x16xf32>,
      %swap3A_69 = vector.shape_cast %swap3A_68 : vector<1x16xf32> to vector<16xf32>
      %swap3A_70 = vector.shape_cast %broadcast_in_dim3A_65 : vector<16xf32> to vector<1x16xf32>
      tpu.vector_store %arg7[%swap3A_66, %swap3A_67], %swap3A_70 {strides = array<i32>} : memref<80x128xf32, #tpu.memory_space<vmem>>, vector<1x16xf32>,
      %broadcast_in_dim3A_71 = arith.constant 0.000000e+00 : f32
      %broadcast_in_dim3A_72 = vector.broadcast %broadcast_in_dim3A_71 : f32 to vector<16xf32>
      %swap3A_73 = arith.index_cast %scan3A_23 : i32 to index
      %swap3A_74 = arith.constant 112 : index
      %swap3A_75 = tpu.vector_load %arg7[%swap3A_73, %swap3A_74] {strides = array<i32>} : memref<80x128xf32, #tpu.memory_space<vmem>>, vector<1x16xf32>,
      %swap3A_76 = vector.shape_cast %swap3A_75 : vector<1x16xf32> to vector<16xf32>
      %swap3A_77 = vector.shape_cast %broadcast_in_dim3A_72 : vector<16xf32> to vector<1x16xf32>
      tpu.vector_store %arg7[%swap3A_73, %swap3A_74], %swap3A_77 {strides = array<i32>} : memref<80x128xf32, #tpu.memory_space<vmem>>, vector<1x16xf32>,
    }
    %scan3A_5 = arith.constant 80 : i32
    %scan3A_6 = arith.constant 0 : i32
    %scan3A_7 = arith.constant 0 : i32
    %scan3A_8 = arith.constant 8 : i32
    %scan3A_9 = arith.addi %scan3A_7, %scan3A_8 : i32
    %scan3A_10 = arith.constant 1 : i32
    scf.for %scan3A_23 = %scan3A_7 to %scan3A_9 step %scan3A_10  : i32 {
      %mul3A_24 = arith.constant 640 : i32
      %mul3A_25 = arith.muli %arg1, %mul3A_24 : i32
      %mul3A_26 = arith.constant 80 : i32
      %mul3A_27 = arith.muli %scan3A_23, %mul3A_26 : i32
      %add3A_28 = arith.addi %mul3A_25, %mul3A_27 : i32
      "tpu.region"() ({
        %run_scoped3A = tpu.sem_alloc : memref<!tpu.dma_semaphore, #tpu.memory_space<semaphore_mem>>
        %dma_start3A = arith.constant 0 : i32
        %dma_start3A_29 = tpu.memref_slice %arg8[%add3A_28, %dma_start3A] : memref<10240x128xf32, #tpu.memory_space<vmem_shared>> -> memref<80x128xf32, #tpu.memory_space<vmem_shared>>
        %dma_start3A_30 = arith.constant 0 : i32
        %dma_start3A_31 = tpu.memref_slice %arg8[%add3A_28, %dma_start3A_30] : memref<10240x128xf32, #tpu.memory_space<vmem_shared>> -> memref<80x128xf32, #tpu.memory_space<vmem_shared>>
        tpu.enqueue_dma source(%arg7 : memref<80x128xf32, #tpu.memory_space<vmem>>) target(%dma_start3A_31 : memref<80x128xf32, #tpu.memory_space<vmem_shared>>) target_semaphore(%run_scoped3A : memref<!tpu.dma_semaphore, #tpu.memory_space<semaphore_mem>>)
        %dma_wait3A = arith.constant 0 : i32
        %dma_wait3A_32 = tpu.memref_slice %arg8[%add3A_28, %dma_wait3A] : memref<10240x128xf32, #tpu.memory_space<vmem_shared>> -> memref<80x128xf32, #tpu.memory_space<vmem_shared>>
        %dma_wait3A_33 = arith.constant 0 : i32
        %dma_wait3A_34 = tpu.memref_slice %arg8[%add3A_28, %dma_wait3A_33] : memref<10240x128xf32, #tpu.memory_space<vmem_shared>> -> memref<80x128xf32, #tpu.memory_space<vmem_shared>>
        tpu.wait_dma2 semaphore(%run_scoped3A : memref<!tpu.dma_semaphore, #tpu.memory_space<semaphore_mem>>) src(%arg7 : memref<80x128xf32, #tpu.memory_space<vmem>>) dst(%dma_wait3A_34 : memref<80x128xf32, #tpu.memory_space<vmem_shared>>)
        tpu.yield
      }) : () -> ()
    }
    %scan3A_11 = arith.constant 8 : i32
    %barrier3A = arith.constant 0 : index
    tpu.barrier barrier_id(%barrier3A)
    "tpu.region"() ({
      %run_scoped3A = tpu.sem_alloc : memref<!tpu.dma_semaphore, #tpu.memory_space<semaphore_mem>>
      %dma_start3A = arith.constant 0 : i32
      %dma_start3A_23 = arith.constant 0 : i32
      %dma_start3A_24 = tpu.memref_slice %arg3[%add3A, %dma_start3A, %dma_start3A_23] : memref<32x125x80xi32, #tpu.memory_space<hbm>> -> memref<1x125x80xi32, #tpu.memory_space<hbm>>
      %dma_start3A_25 = tpu.memref_squeeze %dma_start3A_24 : memref<1x125x80xi32, #tpu.memory_space<hbm>> -> memref<125x80xi32, #tpu.memory_space<hbm>>
      %dma_start3A_26 = arith.constant 0 : i32
      %dma_start3A_27 = arith.constant 0 : i32
      %dma_start3A_28 = tpu.memref_slice %arg3[%add3A, %dma_start3A_26, %dma_start3A_27] : memref<32x125x80xi32, #tpu.memory_space<hbm>> -> memref<1x125x80xi32, #tpu.memory_space<hbm>>
      %dma_start3A_29 = tpu.memref_squeeze %dma_start3A_28 : memref<1x125x80xi32, #tpu.memory_space<hbm>> -> memref<125x80xi32, #tpu.memory_space<hbm>>
      tpu.enqueue_dma source(%dma_start3A_29 : memref<125x80xi32, #tpu.memory_space<hbm>>) target(%arg5 : memref<125x80xi32, #tpu.memory_space<vmem>>) target_semaphore(%run_scoped3A : memref<!tpu.dma_semaphore, #tpu.memory_space<semaphore_mem>>)
      %dma_wait3A = arith.constant 0 : i32
      %dma_wait3A_30 = arith.constant 0 : i32
      %dma_wait3A_31 = tpu.memref_slice %arg3[%add3A, %dma_wait3A, %dma_wait3A_30] : memref<32x125x80xi32, #tpu.memory_space<hbm>> -> memref<1x125x80xi32, #tpu.memory_space<hbm>>
      %dma_wait3A_32 = tpu.memref_squeeze %dma_wait3A_31 : memref<1x125x80xi32, #tpu.memory_space<hbm>> -> memref<125x80xi32, #tpu.memory_space<hbm>>
      %dma_wait3A_33 = arith.constant 0 : i32
      %dma_wait3A_34 = arith.constant 0 : i32
      %dma_wait3A_35 = tpu.memref_slice %arg3[%add3A, %dma_wait3A_33, %dma_wait3A_34] : memref<32x125x80xi32, #tpu.memory_space<hbm>> -> memref<1x125x80xi32, #tpu.memory_space<hbm>>
      %dma_wait3A_36 = tpu.memref_squeeze %dma_wait3A_35 : memref<1x125x80xi32, #tpu.memory_space<hbm>> -> memref<125x80xi32, #tpu.memory_space<hbm>>
      tpu.wait_dma2 semaphore(%run_scoped3A : memref<!tpu.dma_semaphore, #tpu.memory_space<semaphore_mem>>) src(%dma_wait3A_36 : memref<125x80xi32, #tpu.memory_space<hbm>>) dst(%arg5 : memref<125x80xi32, #tpu.memory_space<vmem>>)
      tpu.yield
    }) : () -> ()
    %scan3A_12 = arith.constant 0 : i32
    %scan3A_13 = arith.constant 0 : i32
    %scan3A_14 = arith.constant 125 : i32
    %scan3A_15 = arith.addi %scan3A_13, %scan3A_14 : i32
    %scan3A_16 = arith.constant 1 : i32
    scf.for %scan3A_23 = %scan3A_13 to %scan3A_15 step %scan3A_16  : i32 {
      "tpu.region"() ({
        %run_scoped3A = tpu.sem_alloc : memref<!tpu.dma_semaphore, #tpu.memory_space<semaphore_mem>>
        %dma_start3A = arith.constant 0 : i32
        %dma_start3A_24 = arith.constant 0 : i32
        %dma_start3A_25 = tpu.memref_slice %arg2[%add3A, %scan3A_23, %dma_start3A, %dma_start3A_24] : memref<32x125x80x128xf32, #tpu.memory_space<hbm>> -> memref<1x1x80x128xf32, #tpu.memory_space<hbm>>
        %dma_start3A_26 = tpu.memref_squeeze %dma_start3A_25 : memref<1x1x80x128xf32, #tpu.memory_space<hbm>> -> memref<80x128xf32, #tpu.memory_space<hbm>>
        %dma_start3A_27 = arith.constant 0 : i32
        %dma_start3A_28 = arith.constant 0 : i32
        %dma_start3A_29 = tpu.memref_slice %arg2[%add3A, %scan3A_23, %dma_start3A_27, %dma_start3A_28] : memref<32x125x80x128xf32, #tpu.memory_space<hbm>> -> memref<1x1x80x128xf32, #tpu.memory_space<hbm>>
        %dma_start3A_30 = tpu.memref_squeeze %dma_start3A_29 : memref<1x1x80x128xf32, #tpu.memory_space<hbm>> -> memref<80x128xf32, #tpu.memory_space<hbm>>
        tpu.enqueue_dma source(%dma_start3A_30 : memref<80x128xf32, #tpu.memory_space<hbm>>) target(%arg6 : memref<80x128xf32, #tpu.memory_space<vmem>>) target_semaphore(%run_scoped3A : memref<!tpu.dma_semaphore, #tpu.memory_space<semaphore_mem>>)
        %dma_wait3A = arith.constant 0 : i32
        %dma_wait3A_31 = arith.constant 0 : i32
        %dma_wait3A_32 = tpu.memref_slice %arg2[%add3A, %scan3A_23, %dma_wait3A, %dma_wait3A_31] : memref<32x125x80x128xf32, #tpu.memory_space<hbm>> -> memref<1x1x80x128xf32, #tpu.memory_space<hbm>>
        %dma_wait3A_33 = tpu.memref_squeeze %dma_wait3A_32 : memref<1x1x80x128xf32, #tpu.memory_space<hbm>> -> memref<80x128xf32, #tpu.memory_space<hbm>>
        %dma_wait3A_34 = arith.constant 0 : i32
        %dma_wait3A_35 = arith.constant 0 : i32
        %dma_wait3A_36 = tpu.memref_slice %arg2[%add3A, %scan3A_23, %dma_wait3A_34, %dma_wait3A_35] : memref<32x125x80x128xf32, #tpu.memory_space<hbm>> -> memref<1x1x80x128xf32, #tpu.memory_space<hbm>>
        %dma_wait3A_37 = tpu.memref_squeeze %dma_wait3A_36 : memref<1x1x80x128xf32, #tpu.memory_space<hbm>> -> memref<80x128xf32, #tpu.memory_space<hbm>>
        tpu.wait_dma2 semaphore(%run_scoped3A : memref<!tpu.dma_semaphore, #tpu.memory_space<semaphore_mem>>) src(%dma_wait3A_37 : memref<80x128xf32, #tpu.memory_space<hbm>>) dst(%arg6 : memref<80x128xf32, #tpu.memory_space<vmem>>)
        tpu.yield
      }) : () -> ()
      "tpu.region"() ({
        %run_scoped3A = tpu.sem_alloc : memref<!tpu.dma_semaphore, #tpu.memory_space<semaphore_mem>>
        %dma_start3A = arith.constant 0 : i32
        %dma_start3A_24 = tpu.memref_slice %arg5[%scan3A_23, %dma_start3A] : memref<125x80xi32, #tpu.memory_space<vmem>> -> memref<1x80xi32, #tpu.memory_space<vmem>>
        %dma_start3A_25 = tpu.memref_squeeze %dma_start3A_24 : memref<1x80xi32, #tpu.memory_space<vmem>> -> memref<80xi32, #tpu.memory_space<vmem>>
        %dma_start3A_26 = arith.constant 0 : i32
        %dma_start3A_27 = arith.constant 0 : i32
        %dma_start3A_28 = tpu.memref_slice %arg8[%dma_start3A_26, %dma_start3A_27] : memref<10240x128xf32, #tpu.memory_space<vmem_shared>> -> memref<10240x128xf32, #tpu.memory_space<vmem_shared>>
        tpu.enqueue_indirect_dma source(%arg6 : memref<80x128xf32, #tpu.memory_space<vmem>>) target(%dma_start3A_28 : memref<10240x128xf32, #tpu.memory_space<vmem_shared>>) offsets(%dma_start3A_25 : memref<80xi32, #tpu.memory_space<vmem>>) semaphore(%run_scoped3A : memref<!tpu.dma_semaphore, #tpu.memory_space<semaphore_mem>>) {add = true}
        %dma_wait3A = arith.constant 0 : i32
        %dma_wait3A_29 = tpu.memref_slice %arg5[%scan3A_23, %dma_wait3A] : memref<125x80xi32, #tpu.memory_space<vmem>> -> memref<1x80xi32, #tpu.memory_space<vmem>>
        %dma_wait3A_30 = tpu.memref_squeeze %dma_wait3A_29 : memref<1x80xi32, #tpu.memory_space<vmem>> -> memref<80xi32, #tpu.memory_space<vmem>>
        %dma_wait3A_31 = arith.constant 0 : i32
        %dma_wait3A_32 = arith.constant 0 : i32
        %dma_wait3A_33 = tpu.memref_slice %arg8[%dma_wait3A_31, %dma_wait3A_32] : memref<10240x128xf32, #tpu.memory_space<vmem_shared>> -> memref<10240x128xf32, #tpu.memory_space<vmem_shared>>
        tpu.wait_indirect_dma semaphore(%run_scoped3A : memref<!tpu.dma_semaphore, #tpu.memory_space<semaphore_mem>>) src(%arg6 : memref<80x128xf32, #tpu.memory_space<vmem>>) dst(%dma_wait3A_33 : memref<10240x128xf32, #tpu.memory_space<vmem_shared>>)
        tpu.yield
      }) : () -> ()
    }
    %scan3A_17 = arith.constant 125 : i32
    %barrier3A_18 = arith.constant 0 : index
    tpu.barrier barrier_id(%barrier3A_18)
    %mul3A_19 = arith.constant 640 : i32
    %mul3A_20 = arith.muli %arg1, %mul3A_19 : i32
    %mul3A_21 = arith.constant 640 : i32
    %mul3A_22 = arith.muli %arg1, %mul3A_21 : i32
    "tpu.region"() ({
      %run_scoped3A = tpu.sem_alloc : memref<!tpu.dma_semaphore, #tpu.memory_space<semaphore_mem>>
      %dma_start3A = arith.constant 0 : i32
      %dma_start3A_23 = tpu.memref_slice %arg4[%arg0, %mul3A_22, %dma_start3A] : memref<2x10240x128xf32, #tpu.memory_space<hbm>> -> memref<1x640x128xf32, #tpu.memory_space<hbm>>
      %dma_start3A_24 = tpu.memref_squeeze %dma_start3A_23 : memref<1x640x128xf32, #tpu.memory_space<hbm>> -> memref<640x128xf32, #tpu.memory_space<hbm>>
      %dma_start3A_25 = arith.constant 0 : i32
      %dma_start3A_26 = tpu.memref_slice %arg8[%mul3A_20, %dma_start3A_25] : memref<10240x128xf32, #tpu.memory_space<vmem_shared>> -> memref<640x128xf32, #tpu.memory_space<vmem_shared>>
      tpu.enqueue_dma source(%dma_start3A_26 : memref<640x128xf32, #tpu.memory_space<vmem_shared>>) target(%dma_start3A_24 : memref<640x128xf32, #tpu.memory_space<hbm>>) target_semaphore(%run_scoped3A : memref<!tpu.dma_semaphore, #tpu.memory_space<semaphore_mem>>)
      %dma_wait3A = arith.constant 0 : i32
      %dma_wait3A_27 = tpu.memref_slice %arg4[%arg0, %mul3A_22, %dma_wait3A] : memref<2x10240x128xf32, #tpu.memory_space<hbm>> -> memref<1x640x128xf32, #tpu.memory_space<hbm>>
      %dma_wait3A_28 = tpu.memref_squeeze %dma_wait3A_27 : memref<1x640x128xf32, #tpu.memory_space<hbm>> -> memref<640x128xf32, #tpu.memory_space<hbm>>
      %dma_wait3A_29 = arith.constant 0 : i32
      %dma_wait3A_30 = tpu.memref_slice %arg8[%mul3A_20, %dma_wait3A_29] : memref<10240x128xf32, #tpu.memory_space<vmem_shared>> -> memref<640x128xf32, #tpu.memory_space<vmem_shared>>
      tpu.wait_dma2 semaphore(%run_scoped3A : memref<!tpu.dma_semaphore, #tpu.memory_space<semaphore_mem>>) src(%dma_wait3A_30 : memref<640x128xf32, #tpu.memory_space<vmem_shared>>) dst(%dma_wait3A_28 : memref<640x128xf32, #tpu.memory_space<hbm>>)
      tpu.yield
    }) : () -> ()
    return
  }
}

#map = affine_map<(d0, d1) -> (0, 0, 0, 0)>
#map1 = affine_map<(d0, d1) -> (0, 0, 0)>
module attributes {stable_mosaic.version = 14 : i64} {
  func.func @_sc_scatter(%arg0: i32, %arg1: i32, %arg2: memref<32x125x80x128xf32, #tpu.memory_space<hbm>>, %arg3: memref<32x125x80xi32, #tpu.memory_space<hbm>>, %arg4: memref<2x10240x128xf32, #tpu.memory_space<hbm>>, %arg5: memref<125x80xi32, #tpu.memory_space<vmem>>, %arg6: memref<80x128xf32, #tpu.memory_space<vmem>>, %arg7: memref<80x128xf32, #tpu.memory_space<vmem>>, %arg8: memref<10240x128xf32, #tpu.memory_space<vmem_shared>>, %arg9: memref<!tpu.dma_semaphore, #tpu.memory_space<semaphore_mem>>) attributes {dimension_semantics = [#tpu.dimension_semantics<core_parallel>, #tpu.dimension_semantics<subcore_parallel>], iteration_bounds = array<i64: 2, 16>, scalar_prefetch = 0 : i64, scratch_operands = 5 : i64, tpu.core_type = #tpu.core_type<sc_vector_subcore>, window_params = [{transform_indices = #map}, {transform_indices = #map1}, {transform_indices = #map1}]} {
    %mul3A = arith.constant 2 : i32
    %mul3A_0 = arith.muli %arg1, %mul3A : i32
    %add3A = arith.addi %mul3A_0, %arg0 : i32
    %scan3A = arith.constant 0 : i32
    %scan3A_1 = arith.constant 0 : i32
    %scan3A_2 = arith.constant 80 : i32
    %scan3A_3 = arith.addi %scan3A_1, %scan3A_2 : i32
    %scan3A_4 = arith.constant 1 : i32
    scf.for %scan3A_23 = %scan3A_1 to %scan3A_3 step %scan3A_4  : i32 {
      %broadcast_in_dim3A = arith.constant 0.000000e+00 : f32
      %broadcast_in_dim3A_24 = vector.broadcast %broadcast_in_dim3A : f32 to vector<16xf32>
      %swap3A = arith.index_cast %scan3A_23 : i32 to index
      %swap3A_25 = arith.constant 0 : index
      %swap3A_26 = tpu.vector_load %arg7[%swap3A, %swap3A_25] {strides = array<i32>} : memref<80x128xf32, #tpu.memory_space<vmem>>, vector<1x16xf32>,
      %swap3A_27 = vector.shape_cast %swap3A_26 : vector<1x16xf32> to vector<16xf32>
      %swap3A_28 = vector.shape_cast %broadcast_in_dim3A_24 : vector<16xf32> to vector<1x16xf32>
      tpu.vector_store %arg7[%swap3A, %swap3A_25], %swap3A_28 {strides = array<i32>} : memref<80x128xf32, #tpu.memory_space<vmem>>, vector<1x16xf32>,
      %broadcast_in_dim3A_29 = arith.constant 0.000000e+00 : f32
      %broadcast_in_dim3A_30 = vector.broadcast %broadcast_in_dim3A_29 : f32 to vector<16xf32>
      %swap3A_31 = arith.index_cast %scan3A_23 : i32 to index
      %swap3A_32 = arith.constant 16 : index
      %swap3A_33 = tpu.vector_load %arg7[%swap3A_31, %swap3A_32] {strides = array<i32>} : memref<80x128xf32, #tpu.memory_space<vmem>>, vector<1x16xf32>,
      %swap3A_34 = vector.shape_cast %swap3A_33 : vector<1x16xf32> to vector<16xf32>
      %swap3A_35 = vector.shape_cast %broadcast_in_dim3A_30 : vector<16xf32> to vector<1x16xf32>
      tpu.vector_store %arg7[%swap3A_31, %swap3A_32], %swap3A_35 {strides = array<i32>} : memref<80x128xf32, #tpu.memory_space<vmem>>, vector<1x16xf32>,
      %broadcast_in_dim3A_36 = arith.constant 0.000000e+00 : f32
      %broadcast_in_dim3A_37 = vector.broadcast %broadcast_in_dim3A_36 : f32 to vector<16xf32>
      %swap3A_38 = arith.index_cast %scan3A_23 : i32 to index
      %swap3A_39 = arith.constant 32 : index
      %swap3A_40 = tpu.vector_load %arg7[%swap3A_38, %swap3A_39] {strides = array<i32>} : memref<80x128xf32, #tpu.memory_space<vmem>>, vector<1x16xf32>,
      %swap3A_41 = vector.shape_cast %swap3A_40 : vector<1x16xf32> to vector<16xf32>
      %swap3A_42 = vector.shape_cast %broadcast_in_dim3A_37 : vector<16xf32> to vector<1x16xf32>
      tpu.vector_store %arg7[%swap3A_38, %swap3A_39], %swap3A_42 {strides = array<i32>} : memref<80x128xf32, #tpu.memory_space<vmem>>, vector<1x16xf32>,
      %broadcast_in_dim3A_43 = arith.constant 0.000000e+00 : f32
      %broadcast_in_dim3A_44 = vector.broadcast %broadcast_in_dim3A_43 : f32 to vector<16xf32>
      %swap3A_45 = arith.index_cast %scan3A_23 : i32 to index
      %swap3A_46 = arith.constant 48 : index
      %swap3A_47 = tpu.vector_load %arg7[%swap3A_45, %swap3A_46] {strides = array<i32>} : memref<80x128xf32, #tpu.memory_space<vmem>>, vector<1x16xf32>,
      %swap3A_48 = vector.shape_cast %swap3A_47 : vector<1x16xf32> to vector<16xf32>
      %swap3A_49 = vector.shape_cast %broadcast_in_dim3A_44 : vector<16xf32> to vector<1x16xf32>
      tpu.vector_store %arg7[%swap3A_45, %swap3A_46], %swap3A_49 {strides = array<i32>} : memref<80x128xf32, #tpu.memory_space<vmem>>, vector<1x16xf32>,
      %broadcast_in_dim3A_50 = arith.constant 0.000000e+00 : f32
      %broadcast_in_dim3A_51 = vector.broadcast %broadcast_in_dim3A_50 : f32 to vector<16xf32>
      %swap3A_52 = arith.index_cast %scan3A_23 : i32 to index
      %swap3A_53 = arith.constant 64 : index
      %swap3A_54 = tpu.vector_load %arg7[%swap3A_52, %swap3A_53] {strides = array<i32>} : memref<80x128xf32, #tpu.memory_space<vmem>>, vector<1x16xf32>,
      %swap3A_55 = vector.shape_cast %swap3A_54 : vector<1x16xf32> to vector<16xf32>
      %swap3A_56 = vector.shape_cast %broadcast_in_dim3A_51 : vector<16xf32> to vector<1x16xf32>
      tpu.vector_store %arg7[%swap3A_52, %swap3A_53], %swap3A_56 {strides = array<i32>} : memref<80x128xf32, #tpu.memory_space<vmem>>, vector<1x16xf32>,
      %broadcast_in_dim3A_57 = arith.constant 0.000000e+00 : f32
      %broadcast_in_dim3A_58 = vector.broadcast %broadcast_in_dim3A_57 : f32 to vector<16xf32>
      %swap3A_59 = arith.index_cast %scan3A_23 : i32 to index
      %swap3A_60 = arith.constant 80 : index
      %swap3A_61 = tpu.vector_load %arg7[%swap3A_59, %swap3A_60] {strides = array<i32>} : memref<80x128xf32, #tpu.memory_space<vmem>>, vector<1x16xf32>,
      %swap3A_62 = vector.shape_cast %swap3A_61 : vector<1x16xf32> to vector<16xf32>
      %swap3A_63 = vector.shape_cast %broadcast_in_dim3A_58 : vector<16xf32> to vector<1x16xf32>
      tpu.vector_store %arg7[%swap3A_59, %swap3A_60], %swap3A_63 {strides = array<i32>} : memref<80x128xf32, #tpu.memory_space<vmem>>, vector<1x16xf32>,
      %broadcast_in_dim3A_64 = arith.constant 0.000000e+00 : f32
      %broadcast_in_dim3A_65 = vector.broadcast %broadcast_in_dim3A_64 : f32 to vector<16xf32>
      %swap3A_66 = arith.index_cast %scan3A_23 : i32 to index
      %swap3A_67 = arith.constant 96 : index
      %swap3A_68 = tpu.vector_load %arg7[%swap3A_66, %swap3A_67] {strides = array<i32>} : memref<80x128xf32, #tpu.memory_space<vmem>>, vector<1x16xf32>,
      %swap3A_69 = vector.shape_cast %swap3A_68 : vector<1x16xf32> to vector<16xf32>
      %swap3A_70 = vector.shape_cast %broadcast_in_dim3A_65 : vector<16xf32> to vector<1x16xf32>
      tpu.vector_store %arg7[%swap3A_66, %swap3A_67], %swap3A_70 {strides = array<i32>} : memref<80x128xf32, #tpu.memory_space<vmem>>, vector<1x16xf32>,
      %broadcast_in_dim3A_71 = arith.constant 0.000000e+00 : f32
      %broadcast_in_dim3A_72 = vector.broadcast %broadcast_in_dim3A_71 : f32 to vector<16xf32>
      %swap3A_73 = arith.index_cast %scan3A_23 : i32 to index
      %swap3A_74 = arith.constant 112 : index
      %swap3A_75 = tpu.vector_load %arg7[%swap3A_73, %swap3A_74] {strides = array<i32>} : memref<80x128xf32, #tpu.memory_space<vmem>>, vector<1x16xf32>,
      %swap3A_76 = vector.shape_cast %swap3A_75 : vector<1x16xf32> to vector<16xf32>
      %swap3A_77 = vector.shape_cast %broadcast_in_dim3A_72 : vector<16xf32> to vector<1x16xf32>
      tpu.vector_store %arg7[%swap3A_73, %swap3A_74], %swap3A_77 {strides = array<i32>} : memref<80x128xf32, #tpu.memory_space<vmem>>, vector<1x16xf32>,
    }
    %scan3A_5 = arith.constant 80 : i32
    %scan3A_6 = arith.constant 0 : i32
    %scan3A_7 = arith.constant 0 : i32
    %scan3A_8 = arith.constant 8 : i32
    %scan3A_9 = arith.addi %scan3A_7, %scan3A_8 : i32
    %scan3A_10 = arith.constant 1 : i32
    scf.for %scan3A_23 = %scan3A_7 to %scan3A_9 step %scan3A_10  : i32 {
      %mul3A_24 = arith.constant 640 : i32
      %mul3A_25 = arith.muli %arg1, %mul3A_24 : i32
      %mul3A_26 = arith.constant 80 : i32
      %mul3A_27 = arith.muli %scan3A_23, %mul3A_26 : i32
      %add3A_28 = arith.addi %mul3A_25, %mul3A_27 : i32
      "tpu.region"() ({
        %run_scoped3A = tpu.sem_alloc : memref<!tpu.dma_semaphore, #tpu.memory_space<semaphore_mem>>
        %dma_start3A = arith.constant 0 : i32
        %dma_start3A_29 = tpu.memref_slice %arg8[%add3A_28, %dma_start3A] : memref<10240x128xf32, #tpu.memory_space<vmem_shared>> -> memref<80x128xf32, #tpu.memory_space<vmem_shared>>
        %dma_start3A_30 = arith.constant 0 : i32
        %dma_start3A_31 = tpu.memref_slice %arg8[%add3A_28, %dma_start3A_30] : memref<10240x128xf32, #tpu.memory_space<vmem_shared>> -> memref<80x128xf32, #tpu.memory_space<vmem_shared>>
        tpu.enqueue_dma source(%arg7 : memref<80x128xf32, #tpu.memory_space<vmem>>) target(%dma_start3A_31 : memref<80x128xf32, #tpu.memory_space<vmem_shared>>) target_semaphore(%run_scoped3A : memref<!tpu.dma_semaphore, #tpu.memory_space<semaphore_mem>>)
        %dma_wait3A = arith.constant 0 : i32
        %dma_wait3A_32 = tpu.memref_slice %arg8[%add3A_28, %dma_wait3A] : memref<10240x128xf32, #tpu.memory_space<vmem_shared>> -> memref<80x128xf32, #tpu.memory_space<vmem_shared>>
        %dma_wait3A_33 = arith.constant 0 : i32
        %dma_wait3A_34 = tpu.memref_slice %arg8[%add3A_28, %dma_wait3A_33] : memref<10240x128xf32, #tpu.memory_space<vmem_shared>> -> memref<80x128xf32, #tpu.memory_space<vmem_shared>>
        tpu.wait_dma2 semaphore(%run_scoped3A : memref<!tpu.dma_semaphore, #tpu.memory_space<semaphore_mem>>) src(%arg7 : memref<80x128xf32, #tpu.memory_space<vmem>>) dst(%dma_wait3A_34 : memref<80x128xf32, #tpu.memory_space<vmem_shared>>)
        tpu.yield
      }) : () -> ()
    }
    %scan3A_11 = arith.constant 8 : i32
    %barrier3A = arith.constant 0 : index
    tpu.barrier barrier_id(%barrier3A)
    "tpu.region"() ({
      %run_scoped3A = tpu.sem_alloc : memref<!tpu.dma_semaphore, #tpu.memory_space<semaphore_mem>>
      %dma_start3A = arith.constant 0 : i32
      %dma_start3A_23 = arith.constant 0 : i32
      %dma_start3A_24 = tpu.memref_slice %arg3[%add3A, %dma_start3A, %dma_start3A_23] : memref<32x125x80xi32, #tpu.memory_space<hbm>> -> memref<1x125x80xi32, #tpu.memory_space<hbm>>
      %dma_start3A_25 = tpu.memref_squeeze %dma_start3A_24 : memref<1x125x80xi32, #tpu.memory_space<hbm>> -> memref<125x80xi32, #tpu.memory_space<hbm>>
      %dma_start3A_26 = arith.constant 0 : i32
      %dma_start3A_27 = arith.constant 0 : i32
      %dma_start3A_28 = tpu.memref_slice %arg3[%add3A, %dma_start3A_26, %dma_start3A_27] : memref<32x125x80xi32, #tpu.memory_space<hbm>> -> memref<1x125x80xi32, #tpu.memory_space<hbm>>
      %dma_start3A_29 = tpu.memref_squeeze %dma_start3A_28 : memref<1x125x80xi32, #tpu.memory_space<hbm>> -> memref<125x80xi32, #tpu.memory_space<hbm>>
      tpu.enqueue_dma source(%dma_start3A_29 : memref<125x80xi32, #tpu.memory_space<hbm>>) target(%arg5 : memref<125x80xi32, #tpu.memory_space<vmem>>) target_semaphore(%run_scoped3A : memref<!tpu.dma_semaphore, #tpu.memory_space<semaphore_mem>>)
      %dma_wait3A = arith.constant 0 : i32
      %dma_wait3A_30 = arith.constant 0 : i32
      %dma_wait3A_31 = tpu.memref_slice %arg3[%add3A, %dma_wait3A, %dma_wait3A_30] : memref<32x125x80xi32, #tpu.memory_space<hbm>> -> memref<1x125x80xi32, #tpu.memory_space<hbm>>
      %dma_wait3A_32 = tpu.memref_squeeze %dma_wait3A_31 : memref<1x125x80xi32, #tpu.memory_space<hbm>> -> memref<125x80xi32, #tpu.memory_space<hbm>>
      %dma_wait3A_33 = arith.constant 0 : i32
      %dma_wait3A_34 = arith.constant 0 : i32
      %dma_wait3A_35 = tpu.memref_slice %arg3[%add3A, %dma_wait3A_33, %dma_wait3A_34] : memref<32x125x80xi32, #tpu.memory_space<hbm>> -> memref<1x125x80xi32, #tpu.memory_space<hbm>>
      %dma_wait3A_36 = tpu.memref_squeeze %dma_wait3A_35 : memref<1x125x80xi32, #tpu.memory_space<hbm>> -> memref<125x80xi32, #tpu.memory_space<hbm>>
      tpu.wait_dma2 semaphore(%run_scoped3A : memref<!tpu.dma_semaphore, #tpu.memory_space<semaphore_mem>>) src(%dma_wait3A_36 : memref<125x80xi32, #tpu.memory_space<hbm>>) dst(%arg5 : memref<125x80xi32, #tpu.memory_space<vmem>>)
      tpu.yield
    }) : () -> ()
    %scan3A_12 = arith.constant 0 : i32
    %scan3A_13 = arith.constant 0 : i32
    %scan3A_14 = arith.constant 125 : i32
    %scan3A_15 = arith.addi %scan3A_13, %scan3A_14 : i32
    %scan3A_16 = arith.constant 1 : i32
    scf.for %scan3A_23 = %scan3A_13 to %scan3A_15 step %scan3A_16  : i32 {
      "tpu.region"() ({
        %run_scoped3A = tpu.sem_alloc : memref<!tpu.dma_semaphore, #tpu.memory_space<semaphore_mem>>
        %dma_start3A = arith.constant 0 : i32
        %dma_start3A_24 = arith.constant 0 : i32
        %dma_start3A_25 = tpu.memref_slice %arg2[%add3A, %scan3A_23, %dma_start3A, %dma_start3A_24] : memref<32x125x80x128xf32, #tpu.memory_space<hbm>> -> memref<1x1x80x128xf32, #tpu.memory_space<hbm>>
        %dma_start3A_26 = tpu.memref_squeeze %dma_start3A_25 : memref<1x1x80x128xf32, #tpu.memory_space<hbm>> -> memref<80x128xf32, #tpu.memory_space<hbm>>
        %dma_start3A_27 = arith.constant 0 : i32
        %dma_start3A_28 = arith.constant 0 : i32
        %dma_start3A_29 = tpu.memref_slice %arg2[%add3A, %scan3A_23, %dma_start3A_27, %dma_start3A_28] : memref<32x125x80x128xf32, #tpu.memory_space<hbm>> -> memref<1x1x80x128xf32, #tpu.memory_space<hbm>>
        %dma_start3A_30 = tpu.memref_squeeze %dma_start3A_29 : memref<1x1x80x128xf32, #tpu.memory_space<hbm>> -> memref<80x128xf32, #tpu.memory_space<hbm>>
        tpu.enqueue_dma source(%dma_start3A_30 : memref<80x128xf32, #tpu.memory_space<hbm>>) target(%arg6 : memref<80x128xf32, #tpu.memory_space<vmem>>) target_semaphore(%run_scoped3A : memref<!tpu.dma_semaphore, #tpu.memory_space<semaphore_mem>>)
        %dma_wait3A = arith.constant 0 : i32
        %dma_wait3A_31 = arith.constant 0 : i32
        %dma_wait3A_32 = tpu.memref_slice %arg2[%add3A, %scan3A_23, %dma_wait3A, %dma_wait3A_31] : memref<32x125x80x128xf32, #tpu.memory_space<hbm>> -> memref<1x1x80x128xf32, #tpu.memory_space<hbm>>
        %dma_wait3A_33 = tpu.memref_squeeze %dma_wait3A_32 : memref<1x1x80x128xf32, #tpu.memory_space<hbm>> -> memref<80x128xf32, #tpu.memory_space<hbm>>
        %dma_wait3A_34 = arith.constant 0 : i32
        %dma_wait3A_35 = arith.constant 0 : i32
        %dma_wait3A_36 = tpu.memref_slice %arg2[%add3A, %scan3A_23, %dma_wait3A_34, %dma_wait3A_35] : memref<32x125x80x128xf32, #tpu.memory_space<hbm>> -> memref<1x1x80x128xf32, #tpu.memory_space<hbm>>
        %dma_wait3A_37 = tpu.memref_squeeze %dma_wait3A_36 : memref<1x1x80x128xf32, #tpu.memory_space<hbm>> -> memref<80x128xf32, #tpu.memory_space<hbm>>
        tpu.wait_dma2 semaphore(%run_scoped3A : memref<!tpu.dma_semaphore, #tpu.memory_space<semaphore_mem>>) src(%dma_wait3A_37 : memref<80x128xf32, #tpu.memory_space<hbm>>) dst(%arg6 : memref<80x128xf32, #tpu.memory_space<vmem>>)
        tpu.yield
      }) : () -> ()
      "tpu.region"() ({
        %run_scoped3A = tpu.sem_alloc : memref<!tpu.dma_semaphore, #tpu.memory_space<semaphore_mem>>
        %dma_start3A = arith.constant 0 : i32
        %dma_start3A_24 = tpu.memref_slice %arg5[%scan3A_23, %dma_start3A] : memref<125x80xi32, #tpu.memory_space<vmem>> -> memref<1x80xi32, #tpu.memory_space<vmem>>
        %dma_start3A_25 = tpu.memref_squeeze %dma_start3A_24 : memref<1x80xi32, #tpu.memory_space<vmem>> -> memref<80xi32, #tpu.memory_space<vmem>>
        %dma_start3A_26 = arith.constant 0 : i32
        %dma_start3A_27 = arith.constant 0 : i32
        %dma_start3A_28 = tpu.memref_slice %arg8[%dma_start3A_26, %dma_start3A_27] : memref<10240x128xf32, #tpu.memory_space<vmem_shared>> -> memref<10240x128xf32, #tpu.memory_space<vmem_shared>>
        tpu.enqueue_indirect_dma source(%arg6 : memref<80x128xf32, #tpu.memory_space<vmem>>) target(%dma_start3A_28 : memref<10240x128xf32, #tpu.memory_space<vmem_shared>>) offsets(%dma_start3A_25 : memref<80xi32, #tpu.memory_space<vmem>>) semaphore(%run_scoped3A : memref<!tpu.dma_semaphore, #tpu.memory_space<semaphore_mem>>) {add = true}
        %dma_wait3A = arith.constant 0 : i32
        %dma_wait3A_29 = tpu.memref_slice %arg5[%scan3A_23, %dma_wait3A] : memref<125x80xi32, #tpu.memory_space<vmem>> -> memref<1x80xi32, #tpu.memory_space<vmem>>
        %dma_wait3A_30 = tpu.memref_squeeze %dma_wait3A_29 : memref<1x80xi32, #tpu.memory_space<vmem>> -> memref<80xi32, #tpu.memory_space<vmem>>
        %dma_wait3A_31 = arith.constant 0 : i32
        %dma_wait3A_32 = arith.constant 0 : i32
        %dma_wait3A_33 = tpu.memref_slice %arg8[%dma_wait3A_31, %dma_wait3A_32] : memref<10240x128xf32, #tpu.memory_space<vmem_shared>> -> memref<10240x128xf32, #tpu.memory_space<vmem_shared>>
        tpu.wait_indirect_dma semaphore(%run_scoped3A : memref<!tpu.dma_semaphore, #tpu.memory_space<semaphore_mem>>) src(%arg6 : memref<80x128xf32, #tpu.memory_space<vmem>>) dst(%dma_wait3A_33 : memref<10240x128xf32, #tpu.memory_space<vmem_shared>>)
        tpu.yield
      }) : () -> ()
    }
    %scan3A_17 = arith.constant 125 : i32
    %barrier3A_18 = arith.constant 0 : index
    tpu.barrier barrier_id(%barrier3A_18)
    %mul3A_19 = arith.constant 640 : i32
    %mul3A_20 = arith.muli %arg1, %mul3A_19 : i32
    %mul3A_21 = arith.constant 640 : i32
    %mul3A_22 = arith.muli %arg1, %mul3A_21 : i32
    "tpu.region"() ({
      %run_scoped3A = tpu.sem_alloc : memref<!tpu.dma_semaphore, #tpu.memory_space<semaphore_mem>>
      %dma_start3A = arith.constant 0 : i32
      %dma_start3A_23 = tpu.memref_slice %arg4[%arg0, %mul3A_22, %dma_start3A] : memref<2x10240x128xf32, #tpu.memory_space<hbm>> -> memref<1x640x128xf32, #tpu.memory_space<hbm>>
      %dma_start3A_24 = tpu.memref_squeeze %dma_start3A_23 : memref<1x640x128xf32, #tpu.memory_space<hbm>> -> memref<640x128xf32, #tpu.memory_space<hbm>>
      %dma_start3A_25 = arith.constant 0 : i32
      %dma_start3A_26 = tpu.memref_slice %arg8[%mul3A_20, %dma_start3A_25] : memref<10240x128xf32, #tpu.memory_space<vmem_shared>> -> memref<640x128xf32, #tpu.memory_space<vmem_shared>>
      tpu.enqueue_dma source(%dma_start3A_26 : memref<640x128xf32, #tpu.memory_space<vmem_shared>>) target(%dma_start3A_24 : memref<640x128xf32, #tpu.memory_space<hbm>>) target_semaphore(%run_scoped3A : memref<!tpu.dma_semaphore, #tpu.memory_space<semaphore_mem>>)
      %dma_wait3A = arith.constant 0 : i32
      %dma_wait3A_27 = tpu.memref_slice %arg4[%arg0, %mul3A_22, %dma_wait3A] : memref<2x10240x128xf32, #tpu.memory_space<hbm>> -> memref<1x640x128xf32, #tpu.memory_space<hbm>>
      %dma_wait3A_28 = tpu.memref_squeeze %dma_wait3A_27 : memref<1x640x128xf32, #tpu.memory_space<hbm>> -> memref<640x128xf32, #tpu.memory_space<hbm>>
      %dma_wait3A_29 = arith.constant 0 : i32
      %dma_wait3A_30 = tpu.memref_slice %arg8[%mul3A_20, %dma_wait3A_29] : memref<10240x128xf32, #tpu.memory_space<vmem_shared>> -> memref<640x128xf32, #tpu.memory_space<vmem_shared>>
      tpu.wait_dma2 semaphore(%run_scoped3A : memref<!tpu.dma_semaphore, #tpu.memory_space<semaphore_mem>>) src(%dma_wait3A_30 : memref<640x128xf32, #tpu.memory_space<vmem_shared>>) dst(%dma_wait3A_28 : memref<640x128xf32, #tpu.memory_space<hbm>>)
      tpu.yield
    }) : () -> ()
    return
  }
}

#map = affine_map<(d0, d1) -> (0, 0)>
#map1 = affine_map<(d0, d1) -> (0, 0, 0)>
#map2 = affine_map<(d0, d1) -> (0, 0, 0, 0)>
module attributes {stable_mosaic.version = 14 : i64} {
  func.func @_gather2(%arg0: i32, %arg1: i32, %arg2: memref<10000x128xf32, #tpu.memory_space<hbm>>, %arg3: memref<10000x128xf32, #tpu.memory_space<hbm>>, %arg4: memref<32x125x80xi32, #tpu.memory_space<hbm>>, %arg5: memref<32x125x80xi32, #tpu.memory_space<hbm>>, %arg6: memref<32x125x80x128xf32, #tpu.memory_space<hbm>>, %arg7: memref<125x80xi32, #tpu.memory_space<vmem>>, %arg8: memref<125x80xi32, #tpu.memory_space<vmem>>, %arg9: memref<80x128xf32, #tpu.memory_space<vmem>>, %arg10: memref<80x128xf32, #tpu.memory_space<vmem>>, %arg11: memref<80x16xf32, #tpu.memory_space<vmem>>, %arg12: memref<!tpu.dma_semaphore, #tpu.memory_space<semaphore_mem>>) attributes {dimension_semantics = [#tpu.dimension_semantics<core_parallel>, #tpu.dimension_semantics<subcore_parallel>], iteration_bounds = array<i64: 2, 16>, scalar_prefetch = 0 : i64, scratch_operands = 6 : i64, tpu.core_type = #tpu.core_type<sc_vector_subcore>, window_params = [{transform_indices = #map}, {transform_indices = #map}, {transform_indices = #map1}, {transform_indices = #map1}, {transform_indices = #map2}]} {
    %mul3A = arith.constant 2 : i32
    %mul3A_0 = arith.muli %arg1, %mul3A : i32
    %add3A = arith.addi %mul3A_0, %arg0 : i32
    "tpu.region"() ({
      %run_scoped3A = tpu.sem_alloc : memref<!tpu.dma_semaphore, #tpu.memory_space<semaphore_mem>>
      %dma_start3A = arith.constant 0 : i32
      %dma_start3A_6 = arith.constant 0 : i32
      %dma_start3A_7 = tpu.memref_slice %arg4[%add3A, %dma_start3A, %dma_start3A_6] : memref<32x125x80xi32, #tpu.memory_space<hbm>> -> memref<1x125x80xi32, #tpu.memory_space<hbm>>
      %dma_start3A_8 = tpu.memref_squeeze %dma_start3A_7 : memref<1x125x80xi32, #tpu.memory_space<hbm>> -> memref<125x80xi32, #tpu.memory_space<hbm>>
      %dma_start3A_9 = arith.constant 0 : i32
      %dma_start3A_10 = arith.constant 0 : i32
      %dma_start3A_11 = tpu.memref_slice %arg4[%add3A, %dma_start3A_9, %dma_start3A_10] : memref<32x125x80xi32, #tpu.memory_space<hbm>> -> memref<1x125x80xi32, #tpu.memory_space<hbm>>
      %dma_start3A_12 = tpu.memref_squeeze %dma_start3A_11 : memref<1x125x80xi32, #tpu.memory_space<hbm>> -> memref<125x80xi32, #tpu.memory_space<hbm>>
      tpu.enqueue_dma source(%dma_start3A_12 : memref<125x80xi32, #tpu.memory_space<hbm>>) target(%arg7 : memref<125x80xi32, #tpu.memory_space<vmem>>) target_semaphore(%run_scoped3A : memref<!tpu.dma_semaphore, #tpu.memory_space<semaphore_mem>>)
      %dma_wait3A = arith.constant 0 : i32
      %dma_wait3A_13 = arith.constant 0 : i32
      %dma_wait3A_14 = tpu.memref_slice %arg4[%add3A, %dma_wait3A, %dma_wait3A_13] : memref<32x125x80xi32, #tpu.memory_space<hbm>> -> memref<1x125x80xi32, #tpu.memory_space<hbm>>
      %dma_wait3A_15 = tpu.memref_squeeze %dma_wait3A_14 : memref<1x125x80xi32, #tpu.memory_space<hbm>> -> memref<125x80xi32, #tpu.memory_space<hbm>>
      %dma_wait3A_16 = arith.constant 0 : i32
      %dma_wait3A_17 = arith.constant 0 : i32
      %dma_wait3A_18 = tpu.memref_slice %arg4[%add3A, %dma_wait3A_16, %dma_wait3A_17] : memref<32x125x80xi32, #tpu.memory_space<hbm>> -> memref<1x125x80xi32, #tpu.memory_space<hbm>>
      %dma_wait3A_19 = tpu.memref_squeeze %dma_wait3A_18 : memref<1x125x80xi32, #tpu.memory_space<hbm>> -> memref<125x80xi32, #tpu.memory_space<hbm>>
      tpu.wait_dma2 semaphore(%run_scoped3A : memref<!tpu.dma_semaphore, #tpu.memory_space<semaphore_mem>>) src(%dma_wait3A_19 : memref<125x80xi32, #tpu.memory_space<hbm>>) dst(%arg7 : memref<125x80xi32, #tpu.memory_space<vmem>>)
      tpu.yield
    }) : () -> ()
    "tpu.region"() ({
      %run_scoped3A = tpu.sem_alloc : memref<!tpu.dma_semaphore, #tpu.memory_space<semaphore_mem>>
      %dma_start3A = arith.constant 0 : i32
      %dma_start3A_6 = arith.constant 0 : i32
      %dma_start3A_7 = tpu.memref_slice %arg5[%add3A, %dma_start3A, %dma_start3A_6] : memref<32x125x80xi32, #tpu.memory_space<hbm>> -> memref<1x125x80xi32, #tpu.memory_space<hbm>>
      %dma_start3A_8 = tpu.memref_squeeze %dma_start3A_7 : memref<1x125x80xi32, #tpu.memory_space<hbm>> -> memref<125x80xi32, #tpu.memory_space<hbm>>
      %dma_start3A_9 = arith.constant 0 : i32
      %dma_start3A_10 = arith.constant 0 : i32
      %dma_start3A_11 = tpu.memref_slice %arg5[%add3A, %dma_start3A_9, %dma_start3A_10] : memref<32x125x80xi32, #tpu.memory_space<hbm>> -> memref<1x125x80xi32, #tpu.memory_space<hbm>>
      %dma_start3A_12 = tpu.memref_squeeze %dma_start3A_11 : memref<1x125x80xi32, #tpu.memory_space<hbm>> -> memref<125x80xi32, #tpu.memory_space<hbm>>
      tpu.enqueue_dma source(%dma_start3A_12 : memref<125x80xi32, #tpu.memory_space<hbm>>) target(%arg8 : memref<125x80xi32, #tpu.memory_space<vmem>>) target_semaphore(%run_scoped3A : memref<!tpu.dma_semaphore, #tpu.memory_space<semaphore_mem>>)
      %dma_wait3A = arith.constant 0 : i32
      %dma_wait3A_13 = arith.constant 0 : i32
      %dma_wait3A_14 = tpu.memref_slice %arg5[%add3A, %dma_wait3A, %dma_wait3A_13] : memref<32x125x80xi32, #tpu.memory_space<hbm>> -> memref<1x125x80xi32, #tpu.memory_space<hbm>>
      %dma_wait3A_15 = tpu.memref_squeeze %dma_wait3A_14 : memref<1x125x80xi32, #tpu.memory_space<hbm>> -> memref<125x80xi32, #tpu.memory_space<hbm>>
      %dma_wait3A_16 = arith.constant 0 : i32
      %dma_wait3A_17 = arith.constant 0 : i32
      %dma_wait3A_18 = tpu.memref_slice %arg5[%add3A, %dma_wait3A_16, %dma_wait3A_17] : memref<32x125x80xi32, #tpu.memory_space<hbm>> -> memref<1x125x80xi32, #tpu.memory_space<hbm>>
      %dma_wait3A_19 = tpu.memref_squeeze %dma_wait3A_18 : memref<1x125x80xi32, #tpu.memory_space<hbm>> -> memref<125x80xi32, #tpu.memory_space<hbm>>
      tpu.wait_dma2 semaphore(%run_scoped3A : memref<!tpu.dma_semaphore, #tpu.memory_space<semaphore_mem>>) src(%dma_wait3A_19 : memref<125x80xi32, #tpu.memory_space<hbm>>) dst(%arg8 : memref<125x80xi32, #tpu.memory_space<vmem>>)
      tpu.yield
    }) : () -> ()
    %scan3A = arith.constant 0 : i32
    %scan3A_1 = arith.constant 0 : i32
    %scan3A_2 = arith.constant 125 : i32
    %scan3A_3 = arith.addi %scan3A_1, %scan3A_2 : i32
    %scan3A_4 = arith.constant 1 : i32
    scf.for %scan3A_6 = %scan3A_1 to %scan3A_3 step %scan3A_4  : i32 {
      %dma_start3A = arith.constant 0 : i32
      %dma_start3A_7 = tpu.memref_slice %arg7[%scan3A_6, %dma_start3A] : memref<125x80xi32, #tpu.memory_space<vmem>> -> memref<1x80xi32, #tpu.memory_space<vmem>>
      %dma_start3A_8 = tpu.memref_squeeze %dma_start3A_7 : memref<1x80xi32, #tpu.memory_space<vmem>> -> memref<80xi32, #tpu.memory_space<vmem>>
      %dma_start3A_9 = arith.constant 0 : i32
      %dma_start3A_10 = arith.constant 0 : i32
      %dma_start3A_11 = tpu.memref_slice %arg2[%dma_start3A_9, %dma_start3A_10] : memref<10000x128xf32, #tpu.memory_space<hbm>> -> memref<10000x128xf32, #tpu.memory_space<hbm>>
      tpu.enqueue_indirect_dma source(%dma_start3A_11 : memref<10000x128xf32, #tpu.memory_space<hbm>>) target(%arg9 : memref<80x128xf32, #tpu.memory_space<vmem>>) offsets(%dma_start3A_8 : memref<80xi32, #tpu.memory_space<vmem>>) semaphore(%arg12 : memref<!tpu.dma_semaphore, #tpu.memory_space<semaphore_mem>>)
      %dma_start3A_12 = arith.constant 0 : i32
      %dma_start3A_13 = tpu.memref_slice %arg8[%scan3A_6, %dma_start3A_12] : memref<125x80xi32, #tpu.memory_space<vmem>> -> memref<1x80xi32, #tpu.memory_space<vmem>>
      %dma_start3A_14 = tpu.memref_squeeze %dma_start3A_13 : memref<1x80xi32, #tpu.memory_space<vmem>> -> memref<80xi32, #tpu.memory_space<vmem>>
      %dma_start3A_15 = arith.constant 0 : i32
      %dma_start3A_16 = arith.constant 0 : i32
      %dma_start3A_17 = tpu.memref_slice %arg3[%dma_start3A_15, %dma_start3A_16] : memref<10000x128xf32, #tpu.memory_space<hbm>> -> memref<10000x128xf32, #tpu.memory_space<hbm>>
      tpu.enqueue_indirect_dma source(%dma_start3A_17 : memref<10000x128xf32, #tpu.memory_space<hbm>>) target(%arg10 : memref<80x128xf32, #tpu.memory_space<vmem>>) offsets(%dma_start3A_14 : memref<80xi32, #tpu.memory_space<vmem>>) semaphore(%arg12 : memref<!tpu.dma_semaphore, #tpu.memory_space<semaphore_mem>>)
      %dma_wait3A = arith.constant 0 : i32
      %dma_wait3A_18 = tpu.memref_slice %arg7[%scan3A_6, %dma_wait3A] : memref<125x80xi32, #tpu.memory_space<vmem>> -> memref<1x80xi32, #tpu.memory_space<vmem>>
      %dma_wait3A_19 = tpu.memref_squeeze %dma_wait3A_18 : memref<1x80xi32, #tpu.memory_space<vmem>> -> memref<80xi32, #tpu.memory_space<vmem>>
      %dma_wait3A_20 = arith.constant 0 : i32
      %dma_wait3A_21 = arith.constant 0 : i32
      %dma_wait3A_22 = tpu.memref_slice %arg2[%dma_wait3A_20, %dma_wait3A_21] : memref<10000x128xf32, #tpu.memory_space<hbm>> -> memref<10000x128xf32, #tpu.memory_space<hbm>>
      tpu.wait_indirect_dma semaphore(%arg12 : memref<!tpu.dma_semaphore, #tpu.memory_space<semaphore_mem>>) src(%dma_wait3A_22 : memref<10000x128xf32, #tpu.memory_space<hbm>>) dst(%arg9 : memref<80x128xf32, #tpu.memory_space<vmem>>)
      %dma_wait3A_23 = arith.constant 0 : i32
      %dma_wait3A_24 = tpu.memref_slice %arg8[%scan3A_6, %dma_wait3A_23] : memref<125x80xi32, #tpu.memory_space<vmem>> -> memref<1x80xi32, #tpu.memory_space<vmem>>
      %dma_wait3A_25 = tpu.memref_squeeze %dma_wait3A_24 : memref<1x80xi32, #tpu.memory_space<vmem>> -> memref<80xi32, #tpu.memory_space<vmem>>
      %dma_wait3A_26 = arith.constant 0 : i32
      %dma_wait3A_27 = arith.constant 0 : i32
      %dma_wait3A_28 = tpu.memref_slice %arg3[%dma_wait3A_26, %dma_wait3A_27] : memref<10000x128xf32, #tpu.memory_space<hbm>> -> memref<10000x128xf32, #tpu.memory_space<hbm>>
      tpu.wait_indirect_dma semaphore(%arg12 : memref<!tpu.dma_semaphore, #tpu.memory_space<semaphore_mem>>) src(%dma_wait3A_28 : memref<10000x128xf32, #tpu.memory_space<hbm>>) dst(%arg10 : memref<80x128xf32, #tpu.memory_space<vmem>>)
      %scan3A_29 = arith.constant 0 : i32
      %scan3A_30 = arith.constant 0 : i32
      %scan3A_31 = arith.constant 80 : i32
      %scan3A_32 = arith.addi %scan3A_30, %scan3A_31 : i32
      %scan3A_33 = arith.constant 1 : i32
      scf.for %scan3A_35 = %scan3A_30 to %scan3A_32 step %scan3A_33  : i32 {
        %get3A = arith.index_cast %scan3A_35 : i32 to index
        %get3A_36 = arith.constant 0 : index
        %get3A_37 = tpu.vector_load %arg9[%get3A, %get3A_36] {strides = array<i32>} : memref<80x128xf32, #tpu.memory_space<vmem>>, vector<1x16xf32>,
        %get3A_38 = vector.shape_cast %get3A_37 : vector<1x16xf32> to vector<16xf32>
        %get3A_39 = arith.index_cast %scan3A_35 : i32 to index
        %get3A_40 = arith.constant 0 : index
        %get3A_41 = tpu.vector_load %arg10[%get3A_39, %get3A_40] {strides = array<i32>} : memref<80x128xf32, #tpu.memory_space<vmem>>, vector<1x16xf32>,
        %get3A_42 = vector.shape_cast %get3A_41 : vector<1x16xf32> to vector<16xf32>
        %add3A_43 = arith.addf %get3A_38, %get3A_42 : vector<16xf32>
        %swap3A = arith.index_cast %scan3A_35 : i32 to index
        %swap3A_44 = arith.constant 0 : index
        %swap3A_45 = tpu.vector_load %arg9[%swap3A, %swap3A_44] {strides = array<i32>} : memref<80x128xf32, #tpu.memory_space<vmem>>, vector<1x16xf32>,
        %swap3A_46 = vector.shape_cast %swap3A_45 : vector<1x16xf32> to vector<16xf32>
        %swap3A_47 = vector.shape_cast %add3A_43 : vector<16xf32> to vector<1x16xf32>
        tpu.vector_store %arg9[%swap3A, %swap3A_44], %swap3A_47 {strides = array<i32>} : memref<80x128xf32, #tpu.memory_space<vmem>>, vector<1x16xf32>,
        %get3A_48 = arith.index_cast %scan3A_35 : i32 to index
        %get3A_49 = arith.constant 16 : index
        %get3A_50 = tpu.vector_load %arg9[%get3A_48, %get3A_49] {strides = array<i32>} : memref<80x128xf32, #tpu.memory_space<vmem>>, vector<1x16xf32>,
        %get3A_51 = vector.shape_cast %get3A_50 : vector<1x16xf32> to vector<16xf32>
        %get3A_52 = arith.index_cast %scan3A_35 : i32 to index
        %get3A_53 = arith.constant 16 : index
        %get3A_54 = tpu.vector_load %arg10[%get3A_52, %get3A_53] {strides = array<i32>} : memref<80x128xf32, #tpu.memory_space<vmem>>, vector<1x16xf32>,
        %get3A_55 = vector.shape_cast %get3A_54 : vector<1x16xf32> to vector<16xf32>
        %add3A_56 = arith.addf %get3A_51, %get3A_55 : vector<16xf32>
        %swap3A_57 = arith.index_cast %scan3A_35 : i32 to index
        %swap3A_58 = arith.constant 16 : index
        %swap3A_59 = tpu.vector_load %arg9[%swap3A_57, %swap3A_58] {strides = array<i32>} : memref<80x128xf32, #tpu.memory_space<vmem>>, vector<1x16xf32>,
        %swap3A_60 = vector.shape_cast %swap3A_59 : vector<1x16xf32> to vector<16xf32>
        %swap3A_61 = vector.shape_cast %add3A_56 : vector<16xf32> to vector<1x16xf32>
        tpu.vector_store %arg9[%swap3A_57, %swap3A_58], %swap3A_61 {strides = array<i32>} : memref<80x128xf32, #tpu.memory_space<vmem>>, vector<1x16xf32>,
        %get3A_62 = arith.index_cast %scan3A_35 : i32 to index
        %get3A_63 = arith.constant 32 : index
        %get3A_64 = tpu.vector_load %arg9[%get3A_62, %get3A_63] {strides = array<i32>} : memref<80x128xf32, #tpu.memory_space<vmem>>, vector<1x16xf32>,
        %get3A_65 = vector.shape_cast %get3A_64 : vector<1x16xf32> to vector<16xf32>
        %get3A_66 = arith.index_cast %scan3A_35 : i32 to index
        %get3A_67 = arith.constant 32 : index
        %get3A_68 = tpu.vector_load %arg10[%get3A_66, %get3A_67] {strides = array<i32>} : memref<80x128xf32, #tpu.memory_space<vmem>>, vector<1x16xf32>,
        %get3A_69 = vector.shape_cast %get3A_68 : vector<1x16xf32> to vector<16xf32>
        %add3A_70 = arith.addf %get3A_65, %get3A_69 : vector<16xf32>
        %swap3A_71 = arith.index_cast %scan3A_35 : i32 to index
        %swap3A_72 = arith.constant 32 : index
        %swap3A_73 = tpu.vector_load %arg9[%swap3A_71, %swap3A_72] {strides = array<i32>} : memref<80x128xf32, #tpu.memory_space<vmem>>, vector<1x16xf32>,
        %swap3A_74 = vector.shape_cast %swap3A_73 : vector<1x16xf32> to vector<16xf32>
        %swap3A_75 = vector.shape_cast %add3A_70 : vector<16xf32> to vector<1x16xf32>
        tpu.vector_store %arg9[%swap3A_71, %swap3A_72], %swap3A_75 {strides = array<i32>} : memref<80x128xf32, #tpu.memory_space<vmem>>, vector<1x16xf32>,
        %get3A_76 = arith.index_cast %scan3A_35 : i32 to index
        %get3A_77 = arith.constant 48 : index
        %get3A_78 = tpu.vector_load %arg9[%get3A_76, %get3A_77] {strides = array<i32>} : memref<80x128xf32, #tpu.memory_space<vmem>>, vector<1x16xf32>,
        %get3A_79 = vector.shape_cast %get3A_78 : vector<1x16xf32> to vector<16xf32>
        %get3A_80 = arith.index_cast %scan3A_35 : i32 to index
        %get3A_81 = arith.constant 48 : index
        %get3A_82 = tpu.vector_load %arg10[%get3A_80, %get3A_81] {strides = array<i32>} : memref<80x128xf32, #tpu.memory_space<vmem>>, vector<1x16xf32>,
        %get3A_83 = vector.shape_cast %get3A_82 : vector<1x16xf32> to vector<16xf32>
        %add3A_84 = arith.addf %get3A_79, %get3A_83 : vector<16xf32>
        %swap3A_85 = arith.index_cast %scan3A_35 : i32 to index
        %swap3A_86 = arith.constant 48 : index
        %swap3A_87 = tpu.vector_load %arg9[%swap3A_85, %swap3A_86] {strides = array<i32>} : memref<80x128xf32, #tpu.memory_space<vmem>>, vector<1x16xf32>,
        %swap3A_88 = vector.shape_cast %swap3A_87 : vector<1x16xf32> to vector<16xf32>
        %swap3A_89 = vector.shape_cast %add3A_84 : vector<16xf32> to vector<1x16xf32>
        tpu.vector_store %arg9[%swap3A_85, %swap3A_86], %swap3A_89 {strides = array<i32>} : memref<80x128xf32, #tpu.memory_space<vmem>>, vector<1x16xf32>,
        %get3A_90 = arith.index_cast %scan3A_35 : i32 to index
        %get3A_91 = arith.constant 64 : index
        %get3A_92 = tpu.vector_load %arg9[%get3A_90, %get3A_91] {strides = array<i32>} : memref<80x128xf32, #tpu.memory_space<vmem>>, vector<1x16xf32>,
        %get3A_93 = vector.shape_cast %get3A_92 : vector<1x16xf32> to vector<16xf32>
        %get3A_94 = arith.index_cast %scan3A_35 : i32 to index
        %get3A_95 = arith.constant 64 : index
        %get3A_96 = tpu.vector_load %arg10[%get3A_94, %get3A_95] {strides = array<i32>} : memref<80x128xf32, #tpu.memory_space<vmem>>, vector<1x16xf32>,
        %get3A_97 = vector.shape_cast %get3A_96 : vector<1x16xf32> to vector<16xf32>
        %add3A_98 = arith.addf %get3A_93, %get3A_97 : vector<16xf32>
        %swap3A_99 = arith.index_cast %scan3A_35 : i32 to index
        %swap3A_100 = arith.constant 64 : index
        %swap3A_101 = tpu.vector_load %arg9[%swap3A_99, %swap3A_100] {strides = array<i32>} : memref<80x128xf32, #tpu.memory_space<vmem>>, vector<1x16xf32>,
        %swap3A_102 = vector.shape_cast %swap3A_101 : vector<1x16xf32> to vector<16xf32>
        %swap3A_103 = vector.shape_cast %add3A_98 : vector<16xf32> to vector<1x16xf32>
        tpu.vector_store %arg9[%swap3A_99, %swap3A_100], %swap3A_103 {strides = array<i32>} : memref<80x128xf32, #tpu.memory_space<vmem>>, vector<1x16xf32>,
        %get3A_104 = arith.index_cast %scan3A_35 : i32 to index
        %get3A_105 = arith.constant 80 : index
        %get3A_106 = tpu.vector_load %arg9[%get3A_104, %get3A_105] {strides = array<i32>} : memref<80x128xf32, #tpu.memory_space<vmem>>, vector<1x16xf32>,
        %get3A_107 = vector.shape_cast %get3A_106 : vector<1x16xf32> to vector<16xf32>
        %get3A_108 = arith.index_cast %scan3A_35 : i32 to index
        %get3A_109 = arith.constant 80 : index
        %get3A_110 = tpu.vector_load %arg10[%get3A_108, %get3A_109] {strides = array<i32>} : memref<80x128xf32, #tpu.memory_space<vmem>>, vector<1x16xf32>,
        %get3A_111 = vector.shape_cast %get3A_110 : vector<1x16xf32> to vector<16xf32>
        %add3A_112 = arith.addf %get3A_107, %get3A_111 : vector<16xf32>
        %swap3A_113 = arith.index_cast %scan3A_35 : i32 to index
        %swap3A_114 = arith.constant 80 : index
        %swap3A_115 = tpu.vector_load %arg9[%swap3A_113, %swap3A_114] {strides = array<i32>} : memref<80x128xf32, #tpu.memory_space<vmem>>, vector<1x16xf32>,
        %swap3A_116 = vector.shape_cast %swap3A_115 : vector<1x16xf32> to vector<16xf32>
        %swap3A_117 = vector.shape_cast %add3A_112 : vector<16xf32> to vector<1x16xf32>
        tpu.vector_store %arg9[%swap3A_113, %swap3A_114], %swap3A_117 {strides = array<i32>} : memref<80x128xf32, #tpu.memory_space<vmem>>, vector<1x16xf32>,
        %get3A_118 = arith.index_cast %scan3A_35 : i32 to index
        %get3A_119 = arith.constant 96 : index
        %get3A_120 = tpu.vector_load %arg9[%get3A_118, %get3A_119] {strides = array<i32>} : memref<80x128xf32, #tpu.memory_space<vmem>>, vector<1x16xf32>,
        %get3A_121 = vector.shape_cast %get3A_120 : vector<1x16xf32> to vector<16xf32>
        %get3A_122 = arith.index_cast %scan3A_35 : i32 to index
        %get3A_123 = arith.constant 96 : index
        %get3A_124 = tpu.vector_load %arg10[%get3A_122, %get3A_123] {strides = array<i32>} : memref<80x128xf32, #tpu.memory_space<vmem>>, vector<1x16xf32>,
        %get3A_125 = vector.shape_cast %get3A_124 : vector<1x16xf32> to vector<16xf32>
        %add3A_126 = arith.addf %get3A_121, %get3A_125 : vector<16xf32>
        %swap3A_127 = arith.index_cast %scan3A_35 : i32 to index
        %swap3A_128 = arith.constant 96 : index
        %swap3A_129 = tpu.vector_load %arg9[%swap3A_127, %swap3A_128] {strides = array<i32>} : memref<80x128xf32, #tpu.memory_space<vmem>>, vector<1x16xf32>,
        %swap3A_130 = vector.shape_cast %swap3A_129 : vector<1x16xf32> to vector<16xf32>
        %swap3A_131 = vector.shape_cast %add3A_126 : vector<16xf32> to vector<1x16xf32>
        tpu.vector_store %arg9[%swap3A_127, %swap3A_128], %swap3A_131 {strides = array<i32>} : memref<80x128xf32, #tpu.memory_space<vmem>>, vector<1x16xf32>,
        %get3A_132 = arith.index_cast %scan3A_35 : i32 to index
        %get3A_133 = arith.constant 112 : index
        %get3A_134 = tpu.vector_load %arg9[%get3A_132, %get3A_133] {strides = array<i32>} : memref<80x128xf32, #tpu.memory_space<vmem>>, vector<1x16xf32>,
        %get3A_135 = vector.shape_cast %get3A_134 : vector<1x16xf32> to vector<16xf32>
        %get3A_136 = arith.index_cast %scan3A_35 : i32 to index
        %get3A_137 = arith.constant 112 : index
        %get3A_138 = tpu.vector_load %arg10[%get3A_136, %get3A_137] {strides = array<i32>} : memref<80x128xf32, #tpu.memory_space<vmem>>, vector<1x16xf32>,
        %get3A_139 = vector.shape_cast %get3A_138 : vector<1x16xf32> to vector<16xf32>
        %add3A_140 = arith.addf %get3A_135, %get3A_139 : vector<16xf32>
        %swap3A_141 = arith.index_cast %scan3A_35 : i32 to index
        %swap3A_142 = arith.constant 112 : index
        %swap3A_143 = tpu.vector_load %arg9[%swap3A_141, %swap3A_142] {strides = array<i32>} : memref<80x128xf32, #tpu.memory_space<vmem>>, vector<1x16xf32>,
        %swap3A_144 = vector.shape_cast %swap3A_143 : vector<1x16xf32> to vector<16xf32>
        %swap3A_145 = vector.shape_cast %add3A_140 : vector<16xf32> to vector<1x16xf32>
        tpu.vector_store %arg9[%swap3A_141, %swap3A_142], %swap3A_145 {strides = array<i32>} : memref<80x128xf32, #tpu.memory_space<vmem>>, vector<1x16xf32>,
      }
      %scan3A_34 = arith.constant 80 : i32
      "tpu.region"() ({
        %run_scoped3A = tpu.sem_alloc : memref<!tpu.dma_semaphore, #tpu.memory_space<semaphore_mem>>
        %dma_start3A_35 = arith.constant 0 : i32
        %dma_start3A_36 = arith.constant 0 : i32
        %dma_start3A_37 = tpu.memref_slice %arg6[%add3A, %scan3A_6, %dma_start3A_35, %dma_start3A_36] : memref<32x125x80x128xf32, #tpu.memory_space<hbm>> -> memref<1x1x80x128xf32, #tpu.memory_space<hbm>>
        %dma_start3A_38 = tpu.memref_squeeze %dma_start3A_37 : memref<1x1x80x128xf32, #tpu.memory_space<hbm>> -> memref<80x128xf32, #tpu.memory_space<hbm>>
        %dma_start3A_39 = arith.constant 0 : i32
        %dma_start3A_40 = arith.constant 0 : i32
        %dma_start3A_41 = tpu.memref_slice %arg6[%add3A, %scan3A_6, %dma_start3A_39, %dma_start3A_40] : memref<32x125x80x128xf32, #tpu.memory_space<hbm>> -> memref<1x1x80x128xf32, #tpu.memory_space<hbm>>
        %dma_start3A_42 = tpu.memref_squeeze %dma_start3A_41 : memref<1x1x80x128xf32, #tpu.memory_space<hbm>> -> memref<80x128xf32, #tpu.memory_space<hbm>>
        tpu.enqueue_dma source(%arg9 : memref<80x128xf32, #tpu.memory_space<vmem>>) target(%dma_start3A_42 : memref<80x128xf32, #tpu.memory_space<hbm>>) target_semaphore(%run_scoped3A : memref<!tpu.dma_semaphore, #tpu.memory_space<semaphore_mem>>)
        %dma_wait3A_43 = arith.constant 0 : i32
        %dma_wait3A_44 = arith.constant 0 : i32
        %dma_wait3A_45 = tpu.memref_slice %arg6[%add3A, %scan3A_6, %dma_wait3A_43, %dma_wait3A_44] : memref<32x125x80x128xf32, #tpu.memory_space<hbm>> -> memref<1x1x80x128xf32, #tpu.memory_space<hbm>>
        %dma_wait3A_46 = tpu.memref_squeeze %dma_wait3A_45 : memref<1x1x80x128xf32, #tpu.memory_space<hbm>> -> memref<80x128xf32, #tpu.memory_space<hbm>>
        %dma_wait3A_47 = arith.constant 0 : i32
        %dma_wait3A_48 = arith.constant 0 : i32
        %dma_wait3A_49 = tpu.memref_slice %arg6[%add3A, %scan3A_6, %dma_wait3A_47, %dma_wait3A_48] : memref<32x125x80x128xf32, #tpu.memory_space<hbm>> -> memref<1x1x80x128xf32, #tpu.memory_space<hbm>>
        %dma_wait3A_50 = tpu.memref_squeeze %dma_wait3A_49 : memref<1x1x80x128xf32, #tpu.memory_space<hbm>> -> memref<80x128xf32, #tpu.memory_space<hbm>>
        tpu.wait_dma2 semaphore(%run_scoped3A : memref<!tpu.dma_semaphore, #tpu.memory_space<semaphore_mem>>) src(%arg9 : memref<80x128xf32, #tpu.memory_space<vmem>>) dst(%dma_wait3A_50 : memref<80x128xf32, #tpu.memory_space<hbm>>)
        tpu.yield
      }) : () -> ()
    }
    %scan3A_5 = arith.constant 125 : i32
    return
  }
}

#map = affine_map<(d0, d1) -> (0, 0, 0, 0)>
#map1 = affine_map<(d0, d1) -> (0, 0, 0)>
module attributes {stable_mosaic.version = 14 : i64} {
  func.func @_sc_scatter(%arg0: i32, %arg1: i32, %arg2: memref<32x125x80x128xf32, #tpu.memory_space<hbm>>, %arg3: memref<32x125x80xi32, #tpu.memory_space<hbm>>, %arg4: memref<2x10240x128xf32, #tpu.memory_space<hbm>>, %arg5: memref<125x80xi32, #tpu.memory_space<vmem>>, %arg6: memref<80x128xf32, #tpu.memory_space<vmem>>, %arg7: memref<80x128xf32, #tpu.memory_space<vmem>>, %arg8: memref<10240x128xf32, #tpu.memory_space<vmem_shared>>, %arg9: memref<!tpu.dma_semaphore, #tpu.memory_space<semaphore_mem>>) attributes {dimension_semantics = [#tpu.dimension_semantics<core_parallel>, #tpu.dimension_semantics<subcore_parallel>], iteration_bounds = array<i64: 2, 16>, scalar_prefetch = 0 : i64, scratch_operands = 5 : i64, tpu.core_type = #tpu.core_type<sc_vector_subcore>, window_params = [{transform_indices = #map}, {transform_indices = #map1}, {transform_indices = #map1}]} {
    %mul3A = arith.constant 2 : i32
    %mul3A_0 = arith.muli %arg1, %mul3A : i32
    %add3A = arith.addi %mul3A_0, %arg0 : i32
    %scan3A = arith.constant 0 : i32
    %scan3A_1 = arith.constant 0 : i32
    %scan3A_2 = arith.constant 80 : i32
    %scan3A_3 = arith.addi %scan3A_1, %scan3A_2 : i32
    %scan3A_4 = arith.constant 1 : i32
    scf.for %scan3A_23 = %scan3A_1 to %scan3A_3 step %scan3A_4  : i32 {
      %broadcast_in_dim3A = arith.constant 0.000000e+00 : f32
      %broadcast_in_dim3A_24 = vector.broadcast %broadcast_in_dim3A : f32 to vector<16xf32>
      %swap3A = arith.index_cast %scan3A_23 : i32 to index
      %swap3A_25 = arith.constant 0 : index
      %swap3A_26 = tpu.vector_load %arg7[%swap3A, %swap3A_25] {strides = array<i32>} : memref<80x128xf32, #tpu.memory_space<vmem>>, vector<1x16xf32>,
      %swap3A_27 = vector.shape_cast %swap3A_26 : vector<1x16xf32> to vector<16xf32>
      %swap3A_28 = vector.shape_cast %broadcast_in_dim3A_24 : vector<16xf32> to vector<1x16xf32>
      tpu.vector_store %arg7[%swap3A, %swap3A_25], %swap3A_28 {strides = array<i32>} : memref<80x128xf32, #tpu.memory_space<vmem>>, vector<1x16xf32>,
      %broadcast_in_dim3A_29 = arith.constant 0.000000e+00 : f32
      %broadcast_in_dim3A_30 = vector.broadcast %broadcast_in_dim3A_29 : f32 to vector<16xf32>
      %swap3A_31 = arith.index_cast %scan3A_23 : i32 to index
      %swap3A_32 = arith.constant 16 : index
      %swap3A_33 = tpu.vector_load %arg7[%swap3A_31, %swap3A_32] {strides = array<i32>} : memref<80x128xf32, #tpu.memory_space<vmem>>, vector<1x16xf32>,
      %swap3A_34 = vector.shape_cast %swap3A_33 : vector<1x16xf32> to vector<16xf32>
      %swap3A_35 = vector.shape_cast %broadcast_in_dim3A_30 : vector<16xf32> to vector<1x16xf32>
      tpu.vector_store %arg7[%swap3A_31, %swap3A_32], %swap3A_35 {strides = array<i32>} : memref<80x128xf32, #tpu.memory_space<vmem>>, vector<1x16xf32>,
      %broadcast_in_dim3A_36 = arith.constant 0.000000e+00 : f32
      %broadcast_in_dim3A_37 = vector.broadcast %broadcast_in_dim3A_36 : f32 to vector<16xf32>
      %swap3A_38 = arith.index_cast %scan3A_23 : i32 to index
      %swap3A_39 = arith.constant 32 : index
      %swap3A_40 = tpu.vector_load %arg7[%swap3A_38, %swap3A_39] {strides = array<i32>} : memref<80x128xf32, #tpu.memory_space<vmem>>, vector<1x16xf32>,
      %swap3A_41 = vector.shape_cast %swap3A_40 : vector<1x16xf32> to vector<16xf32>
      %swap3A_42 = vector.shape_cast %broadcast_in_dim3A_37 : vector<16xf32> to vector<1x16xf32>
      tpu.vector_store %arg7[%swap3A_38, %swap3A_39], %swap3A_42 {strides = array<i32>} : memref<80x128xf32, #tpu.memory_space<vmem>>, vector<1x16xf32>,
      %broadcast_in_dim3A_43 = arith.constant 0.000000e+00 : f32
      %broadcast_in_dim3A_44 = vector.broadcast %broadcast_in_dim3A_43 : f32 to vector<16xf32>
      %swap3A_45 = arith.index_cast %scan3A_23 : i32 to index
      %swap3A_46 = arith.constant 48 : index
      %swap3A_47 = tpu.vector_load %arg7[%swap3A_45, %swap3A_46] {strides = array<i32>} : memref<80x128xf32, #tpu.memory_space<vmem>>, vector<1x16xf32>,
      %swap3A_48 = vector.shape_cast %swap3A_47 : vector<1x16xf32> to vector<16xf32>
      %swap3A_49 = vector.shape_cast %broadcast_in_dim3A_44 : vector<16xf32> to vector<1x16xf32>
      tpu.vector_store %arg7[%swap3A_45, %swap3A_46], %swap3A_49 {strides = array<i32>} : memref<80x128xf32, #tpu.memory_space<vmem>>, vector<1x16xf32>,
      %broadcast_in_dim3A_50 = arith.constant 0.000000e+00 : f32
      %broadcast_in_dim3A_51 = vector.broadcast %broadcast_in_dim3A_50 : f32 to vector<16xf32>
      %swap3A_52 = arith.index_cast %scan3A_23 : i32 to index
      %swap3A_53 = arith.constant 64 : index
      %swap3A_54 = tpu.vector_load %arg7[%swap3A_52, %swap3A_53] {strides = array<i32>} : memref<80x128xf32, #tpu.memory_space<vmem>>, vector<1x16xf32>,
      %swap3A_55 = vector.shape_cast %swap3A_54 : vector<1x16xf32> to vector<16xf32>
      %swap3A_56 = vector.shape_cast %broadcast_in_dim3A_51 : vector<16xf32> to vector<1x16xf32>
      tpu.vector_store %arg7[%swap3A_52, %swap3A_53], %swap3A_56 {strides = array<i32>} : memref<80x128xf32, #tpu.memory_space<vmem>>, vector<1x16xf32>,
      %broadcast_in_dim3A_57 = arith.constant 0.000000e+00 : f32
      %broadcast_in_dim3A_58 = vector.broadcast %broadcast_in_dim3A_57 : f32 to vector<16xf32>
      %swap3A_59 = arith.index_cast %scan3A_23 : i32 to index
      %swap3A_60 = arith.constant 80 : index
      %swap3A_61 = tpu.vector_load %arg7[%swap3A_59, %swap3A_60] {strides = array<i32>} : memref<80x128xf32, #tpu.memory_space<vmem>>, vector<1x16xf32>,
      %swap3A_62 = vector.shape_cast %swap3A_61 : vector<1x16xf32> to vector<16xf32>
      %swap3A_63 = vector.shape_cast %broadcast_in_dim3A_58 : vector<16xf32> to vector<1x16xf32>
      tpu.vector_store %arg7[%swap3A_59, %swap3A_60], %swap3A_63 {strides = array<i32>} : memref<80x128xf32, #tpu.memory_space<vmem>>, vector<1x16xf32>,
      %broadcast_in_dim3A_64 = arith.constant 0.000000e+00 : f32
      %broadcast_in_dim3A_65 = vector.broadcast %broadcast_in_dim3A_64 : f32 to vector<16xf32>
      %swap3A_66 = arith.index_cast %scan3A_23 : i32 to index
      %swap3A_67 = arith.constant 96 : index
      %swap3A_68 = tpu.vector_load %arg7[%swap3A_66, %swap3A_67] {strides = array<i32>} : memref<80x128xf32, #tpu.memory_space<vmem>>, vector<1x16xf32>,
      %swap3A_69 = vector.shape_cast %swap3A_68 : vector<1x16xf32> to vector<16xf32>
      %swap3A_70 = vector.shape_cast %broadcast_in_dim3A_65 : vector<16xf32> to vector<1x16xf32>
      tpu.vector_store %arg7[%swap3A_66, %swap3A_67], %swap3A_70 {strides = array<i32>} : memref<80x128xf32, #tpu.memory_space<vmem>>, vector<1x16xf32>,
      %broadcast_in_dim3A_71 = arith.constant 0.000000e+00 : f32
      %broadcast_in_dim3A_72 = vector.broadcast %broadcast_in_dim3A_71 : f32 to vector<16xf32>
      %swap3A_73 = arith.index_cast %scan3A_23 : i32 to index
      %swap3A_74 = arith.constant 112 : index
      %swap3A_75 = tpu.vector_load %arg7[%swap3A_73, %swap3A_74] {strides = array<i32>} : memref<80x128xf32, #tpu.memory_space<vmem>>, vector<1x16xf32>,
      %swap3A_76 = vector.shape_cast %swap3A_75 : vector<1x16xf32> to vector<16xf32>
      %swap3A_77 = vector.shape_cast %broadcast_in_dim3A_72 : vector<16xf32> to vector<1x16xf32>
      tpu.vector_store %arg7[%swap3A_73, %swap3A_74], %swap3A_77 {strides = array<i32>} : memref<80x128xf32, #tpu.memory_space<vmem>>, vector<1x16xf32>,
    }
    %scan3A_5 = arith.constant 80 : i32
    %scan3A_6 = arith.constant 0 : i32
    %scan3A_7 = arith.constant 0 : i32
    %scan3A_8 = arith.constant 8 : i32
    %scan3A_9 = arith.addi %scan3A_7, %scan3A_8 : i32
    %scan3A_10 = arith.constant 1 : i32
    scf.for %scan3A_23 = %scan3A_7 to %scan3A_9 step %scan3A_10  : i32 {
      %mul3A_24 = arith.constant 640 : i32
      %mul3A_25 = arith.muli %arg1, %mul3A_24 : i32
      %mul3A_26 = arith.constant 80 : i32
      %mul3A_27 = arith.muli %scan3A_23, %mul3A_26 : i32
      %add3A_28 = arith.addi %mul3A_25, %mul3A_27 : i32
      "tpu.region"() ({
        %run_scoped3A = tpu.sem_alloc : memref<!tpu.dma_semaphore, #tpu.memory_space<semaphore_mem>>
        %dma_start3A = arith.constant 0 : i32
        %dma_start3A_29 = tpu.memref_slice %arg8[%add3A_28, %dma_start3A] : memref<10240x128xf32, #tpu.memory_space<vmem_shared>> -> memref<80x128xf32, #tpu.memory_space<vmem_shared>>
        %dma_start3A_30 = arith.constant 0 : i32
        %dma_start3A_31 = tpu.memref_slice %arg8[%add3A_28, %dma_start3A_30] : memref<10240x128xf32, #tpu.memory_space<vmem_shared>> -> memref<80x128xf32, #tpu.memory_space<vmem_shared>>
        tpu.enqueue_dma source(%arg7 : memref<80x128xf32, #tpu.memory_space<vmem>>) target(%dma_start3A_31 : memref<80x128xf32, #tpu.memory_space<vmem_shared>>) target_semaphore(%run_scoped3A : memref<!tpu.dma_semaphore, #tpu.memory_space<semaphore_mem>>)
        %dma_wait3A = arith.constant 0 : i32
        %dma_wait3A_32 = tpu.memref_slice %arg8[%add3A_28, %dma_wait3A] : memref<10240x128xf32, #tpu.memory_space<vmem_shared>> -> memref<80x128xf32, #tpu.memory_space<vmem_shared>>
        %dma_wait3A_33 = arith.constant 0 : i32
        %dma_wait3A_34 = tpu.memref_slice %arg8[%add3A_28, %dma_wait3A_33] : memref<10240x128xf32, #tpu.memory_space<vmem_shared>> -> memref<80x128xf32, #tpu.memory_space<vmem_shared>>
        tpu.wait_dma2 semaphore(%run_scoped3A : memref<!tpu.dma_semaphore, #tpu.memory_space<semaphore_mem>>) src(%arg7 : memref<80x128xf32, #tpu.memory_space<vmem>>) dst(%dma_wait3A_34 : memref<80x128xf32, #tpu.memory_space<vmem_shared>>)
        tpu.yield
      }) : () -> ()
    }
    %scan3A_11 = arith.constant 8 : i32
    %barrier3A = arith.constant 0 : index
    tpu.barrier barrier_id(%barrier3A)
    "tpu.region"() ({
      %run_scoped3A = tpu.sem_alloc : memref<!tpu.dma_semaphore, #tpu.memory_space<semaphore_mem>>
      %dma_start3A = arith.constant 0 : i32
      %dma_start3A_23 = arith.constant 0 : i32
      %dma_start3A_24 = tpu.memref_slice %arg3[%add3A, %dma_start3A, %dma_start3A_23] : memref<32x125x80xi32, #tpu.memory_space<hbm>> -> memref<1x125x80xi32, #tpu.memory_space<hbm>>
      %dma_start3A_25 = tpu.memref_squeeze %dma_start3A_24 : memref<1x125x80xi32, #tpu.memory_space<hbm>> -> memref<125x80xi32, #tpu.memory_space<hbm>>
      %dma_start3A_26 = arith.constant 0 : i32
      %dma_start3A_27 = arith.constant 0 : i32
      %dma_start3A_28 = tpu.memref_slice %arg3[%add3A, %dma_start3A_26, %dma_start3A_27] : memref<32x125x80xi32, #tpu.memory_space<hbm>> -> memref<1x125x80xi32, #tpu.memory_space<hbm>>
      %dma_start3A_29 = tpu.memref_squeeze %dma_start3A_28 : memref<1x125x80xi32, #tpu.memory_space<hbm>> -> memref<125x80xi32, #tpu.memory_space<hbm>>
      tpu.enqueue_dma source(%dma_start3A_29 : memref<125x80xi32, #tpu.memory_space<hbm>>) target(%arg5 : memref<125x80xi32, #tpu.memory_space<vmem>>) target_semaphore(%run_scoped3A : memref<!tpu.dma_semaphore, #tpu.memory_space<semaphore_mem>>)
      %dma_wait3A = arith.constant 0 : i32
      %dma_wait3A_30 = arith.constant 0 : i32
      %dma_wait3A_31 = tpu.memref_slice %arg3[%add3A, %dma_wait3A, %dma_wait3A_30] : memref<32x125x80xi32, #tpu.memory_space<hbm>> -> memref<1x125x80xi32, #tpu.memory_space<hbm>>
      %dma_wait3A_32 = tpu.memref_squeeze %dma_wait3A_31 : memref<1x125x80xi32, #tpu.memory_space<hbm>> -> memref<125x80xi32, #tpu.memory_space<hbm>>
      %dma_wait3A_33 = arith.constant 0 : i32
      %dma_wait3A_34 = arith.constant 0 : i32
      %dma_wait3A_35 = tpu.memref_slice %arg3[%add3A, %dma_wait3A_33, %dma_wait3A_34] : memref<32x125x80xi32, #tpu.memory_space<hbm>> -> memref<1x125x80xi32, #tpu.memory_space<hbm>>
      %dma_wait3A_36 = tpu.memref_squeeze %dma_wait3A_35 : memref<1x125x80xi32, #tpu.memory_space<hbm>> -> memref<125x80xi32, #tpu.memory_space<hbm>>
      tpu.wait_dma2 semaphore(%run_scoped3A : memref<!tpu.dma_semaphore, #tpu.memory_space<semaphore_mem>>) src(%dma_wait3A_36 : memref<125x80xi32, #tpu.memory_space<hbm>>) dst(%arg5 : memref<125x80xi32, #tpu.memory_space<vmem>>)
      tpu.yield
    }) : () -> ()
    %scan3A_12 = arith.constant 0 : i32
    %scan3A_13 = arith.constant 0 : i32
    %scan3A_14 = arith.constant 125 : i32
    %scan3A_15 = arith.addi %scan3A_13, %scan3A_14 : i32
    %scan3A_16 = arith.constant 1 : i32
    scf.for %scan3A_23 = %scan3A_13 to %scan3A_15 step %scan3A_16  : i32 {
      "tpu.region"() ({
        %run_scoped3A = tpu.sem_alloc : memref<!tpu.dma_semaphore, #tpu.memory_space<semaphore_mem>>
        %dma_start3A = arith.constant 0 : i32
        %dma_start3A_24 = arith.constant 0 : i32
        %dma_start3A_25 = tpu.memref_slice %arg2[%add3A, %scan3A_23, %dma_start3A, %dma_start3A_24] : memref<32x125x80x128xf32, #tpu.memory_space<hbm>> -> memref<1x1x80x128xf32, #tpu.memory_space<hbm>>
        %dma_start3A_26 = tpu.memref_squeeze %dma_start3A_25 : memref<1x1x80x128xf32, #tpu.memory_space<hbm>> -> memref<80x128xf32, #tpu.memory_space<hbm>>
        %dma_start3A_27 = arith.constant 0 : i32
        %dma_start3A_28 = arith.constant 0 : i32
        %dma_start3A_29 = tpu.memref_slice %arg2[%add3A, %scan3A_23, %dma_start3A_27, %dma_start3A_28] : memref<32x125x80x128xf32, #tpu.memory_space<hbm>> -> memref<1x1x80x128xf32, #tpu.memory_space<hbm>>
        %dma_start3A_30 = tpu.memref_squeeze %dma_start3A_29 : memref<1x1x80x128xf32, #tpu.memory_space<hbm>> -> memref<80x128xf32, #tpu.memory_space<hbm>>
        tpu.enqueue_dma source(%dma_start3A_30 : memref<80x128xf32, #tpu.memory_space<hbm>>) target(%arg6 : memref<80x128xf32, #tpu.memory_space<vmem>>) target_semaphore(%run_scoped3A : memref<!tpu.dma_semaphore, #tpu.memory_space<semaphore_mem>>)
        %dma_wait3A = arith.constant 0 : i32
        %dma_wait3A_31 = arith.constant 0 : i32
        %dma_wait3A_32 = tpu.memref_slice %arg2[%add3A, %scan3A_23, %dma_wait3A, %dma_wait3A_31] : memref<32x125x80x128xf32, #tpu.memory_space<hbm>> -> memref<1x1x80x128xf32, #tpu.memory_space<hbm>>
        %dma_wait3A_33 = tpu.memref_squeeze %dma_wait3A_32 : memref<1x1x80x128xf32, #tpu.memory_space<hbm>> -> memref<80x128xf32, #tpu.memory_space<hbm>>
        %dma_wait3A_34 = arith.constant 0 : i32
        %dma_wait3A_35 = arith.constant 0 : i32
        %dma_wait3A_36 = tpu.memref_slice %arg2[%add3A, %scan3A_23, %dma_wait3A_34, %dma_wait3A_35] : memref<32x125x80x128xf32, #tpu.memory_space<hbm>> -> memref<1x1x80x128xf32, #tpu.memory_space<hbm>>
        %dma_wait3A_37 = tpu.memref_squeeze %dma_wait3A_36 : memref<1x1x80x128xf32, #tpu.memory_space<hbm>> -> memref<80x128xf32, #tpu.memory_space<hbm>>
        tpu.wait_dma2 semaphore(%run_scoped3A : memref<!tpu.dma_semaphore, #tpu.memory_space<semaphore_mem>>) src(%dma_wait3A_37 : memref<80x128xf32, #tpu.memory_space<hbm>>) dst(%arg6 : memref<80x128xf32, #tpu.memory_space<vmem>>)
        tpu.yield
      }) : () -> ()
      "tpu.region"() ({
        %run_scoped3A = tpu.sem_alloc : memref<!tpu.dma_semaphore, #tpu.memory_space<semaphore_mem>>
        %dma_start3A = arith.constant 0 : i32
        %dma_start3A_24 = tpu.memref_slice %arg5[%scan3A_23, %dma_start3A] : memref<125x80xi32, #tpu.memory_space<vmem>> -> memref<1x80xi32, #tpu.memory_space<vmem>>
        %dma_start3A_25 = tpu.memref_squeeze %dma_start3A_24 : memref<1x80xi32, #tpu.memory_space<vmem>> -> memref<80xi32, #tpu.memory_space<vmem>>
        %dma_start3A_26 = arith.constant 0 : i32
        %dma_start3A_27 = arith.constant 0 : i32
        %dma_start3A_28 = tpu.memref_slice %arg8[%dma_start3A_26, %dma_start3A_27] : memref<10240x128xf32, #tpu.memory_space<vmem_shared>> -> memref<10240x128xf32, #tpu.memory_space<vmem_shared>>
        tpu.enqueue_indirect_dma source(%arg6 : memref<80x128xf32, #tpu.memory_space<vmem>>) target(%dma_start3A_28 : memref<10240x128xf32, #tpu.memory_space<vmem_shared>>) offsets(%dma_start3A_25 : memref<80xi32, #tpu.memory_space<vmem>>) semaphore(%run_scoped3A : memref<!tpu.dma_semaphore, #tpu.memory_space<semaphore_mem>>) {add = true}
        %dma_wait3A = arith.constant 0 : i32
        %dma_wait3A_29 = tpu.memref_slice %arg5[%scan3A_23, %dma_wait3A] : memref<125x80xi32, #tpu.memory_space<vmem>> -> memref<1x80xi32, #tpu.memory_space<vmem>>
        %dma_wait3A_30 = tpu.memref_squeeze %dma_wait3A_29 : memref<1x80xi32, #tpu.memory_space<vmem>> -> memref<80xi32, #tpu.memory_space<vmem>>
        %dma_wait3A_31 = arith.constant 0 : i32
        %dma_wait3A_32 = arith.constant 0 : i32
        %dma_wait3A_33 = tpu.memref_slice %arg8[%dma_wait3A_31, %dma_wait3A_32] : memref<10240x128xf32, #tpu.memory_space<vmem_shared>> -> memref<10240x128xf32, #tpu.memory_space<vmem_shared>>
        tpu.wait_indirect_dma semaphore(%run_scoped3A : memref<!tpu.dma_semaphore, #tpu.memory_space<semaphore_mem>>) src(%arg6 : memref<80x128xf32, #tpu.memory_space<vmem>>) dst(%dma_wait3A_33 : memref<10240x128xf32, #tpu.memory_space<vmem_shared>>)
        tpu.yield
      }) : () -> ()
    }
    %scan3A_17 = arith.constant 125 : i32
    %barrier3A_18 = arith.constant 0 : index
    tpu.barrier barrier_id(%barrier3A_18)
    %mul3A_19 = arith.constant 640 : i32
    %mul3A_20 = arith.muli %arg1, %mul3A_19 : i32
    %mul3A_21 = arith.constant 640 : i32
    %mul3A_22 = arith.muli %arg1, %mul3A_21 : i32
    "tpu.region"() ({
      %run_scoped3A = tpu.sem_alloc : memref<!tpu.dma_semaphore, #tpu.memory_space<semaphore_mem>>
      %dma_start3A = arith.constant 0 : i32
      %dma_start3A_23 = tpu.memref_slice %arg4[%arg0, %mul3A_22, %dma_start3A] : memref<2x10240x128xf32, #tpu.memory_space<hbm>> -> memref<1x640x128xf32, #tpu.memory_space<hbm>>
      %dma_start3A_24 = tpu.memref_squeeze %dma_start3A_23 : memref<1x640x128xf32, #tpu.memory_space<hbm>> -> memref<640x128xf32, #tpu.memory_space<hbm>>
      %dma_start3A_25 = arith.constant 0 : i32
      %dma_start3A_26 = tpu.memref_slice %arg8[%mul3A_20, %dma_start3A_25] : memref<10240x128xf32, #tpu.memory_space<vmem_shared>> -> memref<640x128xf32, #tpu.memory_space<vmem_shared>>
      tpu.enqueue_dma source(%dma_start3A_26 : memref<640x128xf32, #tpu.memory_space<vmem_shared>>) target(%dma_start3A_24 : memref<640x128xf32, #tpu.memory_space<hbm>>) target_semaphore(%run_scoped3A : memref<!tpu.dma_semaphore, #tpu.memory_space<semaphore_mem>>)
      %dma_wait3A = arith.constant 0 : i32
      %dma_wait3A_27 = tpu.memref_slice %arg4[%arg0, %mul3A_22, %dma_wait3A] : memref<2x10240x128xf32, #tpu.memory_space<hbm>> -> memref<1x640x128xf32, #tpu.memory_space<hbm>>
      %dma_wait3A_28 = tpu.memref_squeeze %dma_wait3A_27 : memref<1x640x128xf32, #tpu.memory_space<hbm>> -> memref<640x128xf32, #tpu.memory_space<hbm>>
      %dma_wait3A_29 = arith.constant 0 : i32
      %dma_wait3A_30 = tpu.memref_slice %arg8[%mul3A_20, %dma_wait3A_29] : memref<10240x128xf32, #tpu.memory_space<vmem_shared>> -> memref<640x128xf32, #tpu.memory_space<vmem_shared>>
      tpu.wait_dma2 semaphore(%run_scoped3A : memref<!tpu.dma_semaphore, #tpu.memory_space<semaphore_mem>>) src(%dma_wait3A_30 : memref<640x128xf32, #tpu.memory_space<vmem_shared>>) dst(%dma_wait3A_28 : memref<640x128xf32, #tpu.memory_space<hbm>>)
      tpu.yield
    }) : () -> ()
    return
  }
}

module attributes {stable_mosaic.version = 14 : i64} {
  func.func @_project_body(%arg0: i32, %arg1: memref<2000x128xf32, #tpu.memory_space<vmem>>, %arg2: memref<128x128xf32, #tpu.memory_space<vmem>>, %arg3: memref<128x128xf32, #tpu.memory_space<vmem>>, %arg4: memref<2000x128xf32, #tpu.memory_space<vmem>>, %arg5: memref<2000x128xf32, #tpu.memory_space<vmem>>) attributes {dimension_semantics = [#tpu.dimension_semantics<arbitrary>], iteration_bounds = array<i64: 5>, scalar_prefetch = 0 : i64, scratch_operands = 0 : i64, tpu.core_type = #tpu.core_type<tc>, window_params = [{transform_indices = @transform_0, window_bounds = array<i64: 2000, 128>}, {pipeline_mode = #tpu.pipeline_mode<synchronous>, transform_indices = @transform_1, window_bounds = array<i64: 128, 128>}, {pipeline_mode = #tpu.pipeline_mode<synchronous>, transform_indices = @transform_2, window_bounds = array<i64: 128, 128>}, {transform_indices = @transform_3, window_bounds = array<i64: 2000, 128>}, {transform_indices = @transform_4, window_bounds = array<i64: 2000, 128>}]} {
    %get3A = arith.constant 0 : index
    %get3A_0 = arith.constant 0 : index
    %get3A_1 = vector.load %arg1[%get3A, %get3A_0] : memref<2000x128xf32, #tpu.memory_space<vmem>>, vector<2000x128xf32>
    %get3A_2 = arith.constant 0 : index
    %get3A_3 = arith.constant 0 : index
    %get3A_4 = vector.load %arg2[%get3A_2, %get3A_3] : memref<128x128xf32, #tpu.memory_space<vmem>>, vector<128x128xf32>
    %dot_general3A = arith.constant dense<0.000000e+00> : vector<2000x128xf32>
    %dot_general3A_5 = tpu.matmul %get3A_1, %get3A_4, %dot_general3A {dimension_numbers = #tpu.dot_dimension_numbers<[1], [0], [0], [1], [0, 0, 1, 1], [], []>, transpose_lhs_hint = false} : vector<2000x128xf32>, vector<128x128xf32>, vector<2000x128xf32> -> vector<2000x128xf32>
    %swap3A = arith.constant 0 : index
    %swap3A_6 = arith.constant 0 : index
    %swap3A_7 = vector.load %arg4[%swap3A, %swap3A_6] : memref<2000x128xf32, #tpu.memory_space<vmem>>, vector<2000x128xf32>
    tpu.vector_store %arg4[%swap3A, %swap3A_6], %dot_general3A_5 {strides = array<i32>} : memref<2000x128xf32, #tpu.memory_space<vmem>>, vector<2000x128xf32>,
    %get3A_8 = arith.constant 0 : index
    %get3A_9 = arith.constant 0 : index
    %get3A_10 = vector.load %arg3[%get3A_8, %get3A_9] : memref<128x128xf32, #tpu.memory_space<vmem>>, vector<128x128xf32>
    %dot_general3A_11 = arith.constant dense<0.000000e+00> : vector<2000x128xf32>
    %dot_general3A_12 = tpu.matmul %get3A_1, %get3A_10, %dot_general3A_11 {dimension_numbers = #tpu.dot_dimension_numbers<[1], [0], [0], [1], [0, 0, 1, 1], [], []>, transpose_lhs_hint = false} : vector<2000x128xf32>, vector<128x128xf32>, vector<2000x128xf32> -> vector<2000x128xf32>
    %swap3A_13 = arith.constant 0 : index
    %swap3A_14 = arith.constant 0 : index
    %swap3A_15 = vector.load %arg5[%swap3A_13, %swap3A_14] : memref<2000x128xf32, #tpu.memory_space<vmem>>, vector<2000x128xf32>
    tpu.vector_store %arg5[%swap3A_13, %swap3A_14], %dot_general3A_12 {strides = array<i32>} : memref<2000x128xf32, #tpu.memory_space<vmem>>, vector<2000x128xf32>,
    return
  }
  func.func @transform_0(%arg0: i32) -> (i32, i32) {
    %c0_i32 = arith.constant 0 : i32
    %c0_i32_0 = arith.constant 0 : i32
    return %arg0, %c0_i32 : i32, i32
  }
  func.func @transform_1(%arg0: i32) -> (i32, i32) {
    %c0_i32 = arith.constant 0 : i32
    %c0_i32_0 = arith.constant 0 : i32
    %c0_i32_1 = arith.constant 0 : i32
    return %c0_i32, %c0_i32_0 : i32, i32
  }
  func.func @transform_2(%arg0: i32) -> (i32, i32) {
    %c0_i32 = arith.constant 0 : i32
    %c0_i32_0 = arith.constant 0 : i32
    %c0_i32_1 = arith.constant 0 : i32
    return %c0_i32, %c0_i32_0 : i32, i32
  }
  func.func @transform_3(%arg0: i32) -> (i32, i32) {
    %c0_i32 = arith.constant 0 : i32
    %c0_i32_0 = arith.constant 0 : i32
    return %arg0, %c0_i32 : i32, i32
  }
  func.func @transform_4(%arg0: i32) -> (i32, i32) {
    %c0_i32 = arith.constant 0 : i32
    %c0_i32_0 = arith.constant 0 : i32
    return %arg0, %c0_i32 : i32, i32
  }
}

module attributes {stable_mosaic.version = 14 : i64} {
  func.func @_geom_body(%arg0: i32, %arg1: memref<2000x16xf32, #tpu.memory_space<vmem>>, %arg2: memref<2000x1xf32, #tpu.memory_space<vmem>>, %arg3: memref<2000x16xf32, #tpu.memory_space<vmem>>) attributes {dimension_semantics = [#tpu.dimension_semantics<arbitrary>], iteration_bounds = array<i64: 160>, scalar_prefetch = 0 : i64, scratch_operands = 0 : i64, tpu.core_type = #tpu.core_type<tc>, window_params = [{transform_indices = @transform_0, window_bounds = array<i64: 2000, 16>}, {transform_indices = @transform_1, window_bounds = array<i64: 2000, 1>}, {transform_indices = @transform_2, window_bounds = array<i64: 2000, 16>}]} {
    %get3A = arith.constant 0 : index
    %get3A_0 = arith.constant 0 : index
    %get3A_1 = vector.load %arg1[%get3A, %get3A_0] : memref<2000x16xf32, #tpu.memory_space<vmem>>, vector<2000x16xf32>
    %mul3A = arith.mulf %get3A_1, %get3A_1 : vector<2000x16xf32>
    %reduce_sum3A = arith.constant dense<0.000000e+00> : vector<2000xf32>
    %reduce_sum3A_2 = vector.multi_reduction <add>, %mul3A, %reduce_sum3A [1] : vector<2000x16xf32> to vector<2000xf32>
    %broadcast_in_dim3A = vector.shape_cast %reduce_sum3A_2 : vector<2000xf32> to vector<2000x1xf32>
    %swap3A = arith.constant 0 : index
    %swap3A_3 = arith.constant 0 : index
    %swap3A_4 = vector.load %arg2[%swap3A, %swap3A_3] : memref<2000x1xf32, #tpu.memory_space<vmem>>, vector<2000x1xf32>
    tpu.vector_store %arg2[%swap3A, %swap3A_3], %broadcast_in_dim3A {strides = array<i32>} : memref<2000x1xf32, #tpu.memory_space<vmem>>, vector<2000x1xf32>,
    %add3A = arith.constant 9.99999993E-9 : f32
    %add3A_5 = vector.broadcast %add3A : f32 to vector<2000x1xf32>
    %add3A_6 = arith.addf %broadcast_in_dim3A, %add3A_5 : vector<2000x1xf32>
    %sqrt3A = math.sqrt %add3A_6 : vector<2000x1xf32>
    %add3A_7 = arith.constant 1.000000e+00 : f32
    %add3A_8 = vector.broadcast %add3A_7 : f32 to vector<2000x1xf32>
    %add3A_9 = arith.addf %sqrt3A, %add3A_8 : vector<2000x1xf32>
    %div3A = vector.broadcast %add3A_9 : vector<2000x1xf32> to vector<2000x16xf32>
    %div3A_10 = arith.divf %get3A_1, %div3A : vector<2000x16xf32>
    %swap3A_11 = arith.constant 0 : index
    %swap3A_12 = arith.constant 0 : index
    %swap3A_13 = vector.load %arg3[%swap3A_11, %swap3A_12] : memref<2000x16xf32, #tpu.memory_space<vmem>>, vector<2000x16xf32>
    tpu.vector_store %arg3[%swap3A_11, %swap3A_12], %div3A_10 {strides = array<i32>} : memref<2000x16xf32, #tpu.memory_space<vmem>>, vector<2000x16xf32>,
    return
  }
  func.func @transform_0(%arg0: i32) -> (i32, i32) {
    %c0_i32 = arith.constant 0 : i32
    %c0_i32_0 = arith.constant 0 : i32
    return %arg0, %c0_i32 : i32, i32
  }
  func.func @transform_1(%arg0: i32) -> (i32, i32) {
    %c0_i32 = arith.constant 0 : i32
    %c0_i32_0 = arith.constant 0 : i32
    return %arg0, %c0_i32 : i32, i32
  }
  func.func @transform_2(%arg0: i32) -> (i32, i32) {
    %c0_i32 = arith.constant 0 : i32
    %c0_i32_0 = arith.constant 0 : i32
    return %arg0, %c0_i32 : i32, i32
  }
}

module attributes {stable_mosaic.version = 14 : i64} {
  func.func @_edge_mlp_body(%arg0: i32, %arg1: memref<2000x128xf32, #tpu.memory_space<vmem>>, %arg2: memref<2000x1xf32, #tpu.memory_space<vmem>>, %arg3: memref<2000x1xf32, #tpu.memory_space<vmem>>, %arg4: memref<1x128xf32, #tpu.memory_space<vmem>>, %arg5: memref<1x128xf32, #tpu.memory_space<vmem>>, %arg6: memref<1x128xf32, #tpu.memory_space<vmem>>, %arg7: memref<128x128xf32, #tpu.memory_space<vmem>>, %arg8: memref<1x128xf32, #tpu.memory_space<vmem>>, %arg9: memref<2000x128xf32, #tpu.memory_space<vmem>>) attributes {dimension_semantics = [#tpu.dimension_semantics<arbitrary>], iteration_bounds = array<i64: 160>, scalar_prefetch = 0 : i64, scratch_operands = 0 : i64, tpu.core_type = #tpu.core_type<tc>, window_params = [{transform_indices = @transform_0, window_bounds = array<i64: 2000, 128>}, {transform_indices = @transform_1, window_bounds = array<i64: 2000, 1>}, {transform_indices = @transform_2, window_bounds = array<i64: 2000, 1>}, {pipeline_mode = #tpu.pipeline_mode<synchronous>, transform_indices = @transform_3, window_bounds = array<i64: 1, 128>}, {pipeline_mode = #tpu.pipeline_mode<synchronous>, transform_indices = @transform_4, window_bounds = array<i64: 1, 128>}, {pipeline_mode = #tpu.pipeline_mode<synchronous>, transform_indices = @transform_5, window_bounds = array<i64: 1, 128>}, {pipeline_mode = #tpu.pipeline_mode<synchronous>, transform_indices = @transform_6, window_bounds = array<i64: 128, 128>}, {pipeline_mode = #tpu.pipeline_mode<synchronous>, transform_indices = @transform_7, window_bounds = array<i64: 1, 128>}, {transform_indices = @transform_8, window_bounds = array<i64: 2000, 128>}]} {
    %get3A = arith.constant 0 : index
    %get3A_0 = arith.constant 0 : index
    %get3A_1 = vector.load %arg1[%get3A, %get3A_0] : memref<2000x128xf32, #tpu.memory_space<vmem>>, vector<2000x128xf32>
    %get3A_2 = arith.constant 0 : index
    %get3A_3 = arith.constant 0 : index
    %get3A_4 = vector.load %arg2[%get3A_2, %get3A_3] : memref<2000x1xf32, #tpu.memory_space<vmem>>, vector<2000x1xf32>
    %get3A_5 = arith.constant 0 : index
    %get3A_6 = arith.constant 0 : index
    %get3A_7 = vector.load %arg3[%get3A_5, %get3A_6] : memref<2000x1xf32, #tpu.memory_space<vmem>>, vector<2000x1xf32>
    %get3A_8 = arith.constant 0 : index
    %get3A_9 = arith.constant 0 : index
    %get3A_10 = vector.load %arg4[%get3A_8, %get3A_9] : memref<1x128xf32, #tpu.memory_space<vmem>>, vector<1x128xf32>
    %mul3A = vector.broadcast %get3A_4 : vector<2000x1xf32> to vector<2000x128xf32>
    %mul3A_11 = vector.broadcast %get3A_10 : vector<1x128xf32> to vector<2000x128xf32>
    %mul3A_12 = arith.mulf %mul3A, %mul3A_11 : vector<2000x128xf32>
    %add3A = arith.addf %get3A_1, %mul3A_12 : vector<2000x128xf32>
    %get3A_13 = arith.constant 0 : index
    %get3A_14 = arith.constant 0 : index
    %get3A_15 = vector.load %arg5[%get3A_13, %get3A_14] : memref<1x128xf32, #tpu.memory_space<vmem>>, vector<1x128xf32>
    %mul3A_16 = vector.broadcast %get3A_7 : vector<2000x1xf32> to vector<2000x128xf32>
    %mul3A_17 = vector.broadcast %get3A_15 : vector<1x128xf32> to vector<2000x128xf32>
    %mul3A_18 = arith.mulf %mul3A_16, %mul3A_17 : vector<2000x128xf32>
    %add3A_19 = arith.addf %add3A, %mul3A_18 : vector<2000x128xf32>
    %get3A_20 = arith.constant 0 : index
    %get3A_21 = arith.constant 0 : index
    %get3A_22 = vector.load %arg6[%get3A_20, %get3A_21] : memref<1x128xf32, #tpu.memory_space<vmem>>, vector<1x128xf32>
    %add3A_23 = vector.broadcast %get3A_22 : vector<1x128xf32> to vector<2000x128xf32>
    %add3A_24 = arith.addf %add3A_19, %add3A_23 : vector<2000x128xf32>
    %logistic3A = arith.negf %add3A_24 : vector<2000x128xf32>
    %logistic3A_25 = math.exp %logistic3A : vector<2000x128xf32>
    %logistic3A_26 = arith.constant 1.000000e+00 : f32
    %logistic3A_27 = vector.broadcast %logistic3A_26 : f32 to vector<2000x128xf32>
    %logistic3A_28 = arith.addf %logistic3A_27, %logistic3A_25 : vector<2000x128xf32>
    %logistic3A_29 = arith.divf %logistic3A_27, %logistic3A_28 : vector<2000x128xf32>
    %mul3A_30 = arith.mulf %add3A_24, %logistic3A_29 : vector<2000x128xf32>
    %get3A_31 = arith.constant 0 : index
    %get3A_32 = arith.constant 0 : index
    %get3A_33 = vector.load %arg7[%get3A_31, %get3A_32] : memref<128x128xf32, #tpu.memory_space<vmem>>, vector<128x128xf32>
    %dot_general3A = arith.constant dense<0.000000e+00> : vector<2000x128xf32>
    %dot_general3A_34 = tpu.matmul %mul3A_30, %get3A_33, %dot_general3A {dimension_numbers = #tpu.dot_dimension_numbers<[1], [0], [0], [1], [0, 0, 1, 1], [], []>, transpose_lhs_hint = false} : vector<2000x128xf32>, vector<128x128xf32>, vector<2000x128xf32> -> vector<2000x128xf32>
    %get3A_35 = arith.constant 0 : index
    %get3A_36 = arith.constant 0 : index
    %get3A_37 = vector.load %arg8[%get3A_35, %get3A_36] : memref<1x128xf32, #tpu.memory_space<vmem>>, vector<1x128xf32>
    %add3A_38 = vector.broadcast %get3A_37 : vector<1x128xf32> to vector<2000x128xf32>
    %add3A_39 = arith.addf %dot_general3A_34, %add3A_38 : vector<2000x128xf32>
    %logistic3A_40 = arith.negf %add3A_39 : vector<2000x128xf32>
    %logistic3A_41 = math.exp %logistic3A_40 : vector<2000x128xf32>
    %logistic3A_42 = arith.constant 1.000000e+00 : f32
    %logistic3A_43 = vector.broadcast %logistic3A_42 : f32 to vector<2000x128xf32>
    %logistic3A_44 = arith.addf %logistic3A_43, %logistic3A_41 : vector<2000x128xf32>
    %logistic3A_45 = arith.divf %logistic3A_43, %logistic3A_44 : vector<2000x128xf32>
    %mul3A_46 = arith.mulf %add3A_39, %logistic3A_45 : vector<2000x128xf32>
    %swap3A = arith.constant 0 : index
    %swap3A_47 = arith.constant 0 : index
    %swap3A_48 = vector.load %arg9[%swap3A, %swap3A_47] : memref<2000x128xf32, #tpu.memory_space<vmem>>, vector<2000x128xf32>
    tpu.vector_store %arg9[%swap3A, %swap3A_47], %mul3A_46 {strides = array<i32>} : memref<2000x128xf32, #tpu.memory_space<vmem>>, vector<2000x128xf32>,
    return
  }
  func.func @transform_0(%arg0: i32) -> (i32, i32) {
    %c0_i32 = arith.constant 0 : i32
    %c0_i32_0 = arith.constant 0 : i32
    return %arg0, %c0_i32 : i32, i32
  }
  func.func @transform_1(%arg0: i32) -> (i32, i32) {
    %c0_i32 = arith.constant 0 : i32
    %c0_i32_0 = arith.constant 0 : i32
    return %arg0, %c0_i32 : i32, i32
  }
  func.func @transform_2(%arg0: i32) -> (i32, i32) {
    %c0_i32 = arith.constant 0 : i32
    %c0_i32_0 = arith.constant 0 : i32
    return %arg0, %c0_i32 : i32, i32
  }
  func.func @transform_3(%arg0: i32) -> (i32, i32) {
    %c0_i32 = arith.constant 0 : i32
    %c0_i32_0 = arith.constant 0 : i32
    %c0_i32_1 = arith.constant 0 : i32
    return %c0_i32, %c0_i32_0 : i32, i32
  }
  func.func @transform_4(%arg0: i32) -> (i32, i32) {
    %c0_i32 = arith.constant 0 : i32
    %c0_i32_0 = arith.constant 0 : i32
    %c0_i32_1 = arith.constant 0 : i32
    return %c0_i32, %c0_i32_0 : i32, i32
  }
  func.func @transform_5(%arg0: i32) -> (i32, i32) {
    %c0_i32 = arith.constant 0 : i32
    %c0_i32_0 = arith.constant 0 : i32
    %c0_i32_1 = arith.constant 0 : i32
    return %c0_i32, %c0_i32_0 : i32, i32
  }
  func.func @transform_6(%arg0: i32) -> (i32, i32) {
    %c0_i32 = arith.constant 0 : i32
    %c0_i32_0 = arith.constant 0 : i32
    %c0_i32_1 = arith.constant 0 : i32
    return %c0_i32, %c0_i32_0 : i32, i32
  }
  func.func @transform_7(%arg0: i32) -> (i32, i32) {
    %c0_i32 = arith.constant 0 : i32
    %c0_i32_0 = arith.constant 0 : i32
    %c0_i32_1 = arith.constant 0 : i32
    return %c0_i32, %c0_i32_0 : i32, i32
  }
  func.func @transform_8(%arg0: i32) -> (i32, i32) {
    %c0_i32 = arith.constant 0 : i32
    %c0_i32_0 = arith.constant 0 : i32
    return %arg0, %c0_i32 : i32, i32
  }
}

module attributes {stable_mosaic.version = 14 : i64} {
  func.func @_node_update_body(%arg0: i32, %arg1: memref<2000x128xf32, #tpu.memory_space<vmem>>, %arg2: memref<1x2000x128xf32, #tpu.memory_space<vmem>>, %arg3: memref<1x2000x128xf32, #tpu.memory_space<vmem>>, %arg4: memref<128x128xf32, #tpu.memory_space<vmem>>, %arg5: memref<128x128xf32, #tpu.memory_space<vmem>>, %arg6: memref<1x128xf32, #tpu.memory_space<vmem>>, %arg7: memref<128x128xf32, #tpu.memory_space<vmem>>, %arg8: memref<1x128xf32, #tpu.memory_space<vmem>>, %arg9: memref<128x128xf32, #tpu.memory_space<vmem>>, %arg10: memref<128x128xf32, #tpu.memory_space<vmem>>, %arg11: memref<2000x128xf32, #tpu.memory_space<vmem>>, %arg12: memref<2000x128xf32, #tpu.memory_space<vmem>>, %arg13: memref<2000x128xf32, #tpu.memory_space<vmem>>) attributes {dimension_semantics = [#tpu.dimension_semantics<arbitrary>], iteration_bounds = array<i64: 5>, scalar_prefetch = 0 : i64, scratch_operands = 0 : i64, tpu.core_type = #tpu.core_type<tc>, window_params = [{transform_indices = @transform_0, window_bounds = array<i64: 2000, 128>}, {transform_indices = @transform_1, window_bounds = array<i64: 1, 2000, 128>}, {transform_indices = @transform_2, window_bounds = array<i64: 1, 2000, 128>}, {pipeline_mode = #tpu.pipeline_mode<synchronous>, transform_indices = @transform_3, window_bounds = array<i64: 128, 128>}, {pipeline_mode = #tpu.pipeline_mode<synchronous>, transform_indices = @transform_4, window_bounds = array<i64: 128, 128>}, {pipeline_mode = #tpu.pipeline_mode<synchronous>, transform_indices = @transform_5, window_bounds = array<i64: 1, 128>}, {pipeline_mode = #tpu.pipeline_mode<synchronous>, transform_indices = @transform_6, window_bounds = array<i64: 128, 128>}, {pipeline_mode = #tpu.pipeline_mode<synchronous>, transform_indices = @transform_7, window_bounds = array<i64: 1, 128>}, {pipeline_mode = #tpu.pipeline_mode<synchronous>, transform_indices = @transform_8, window_bounds = array<i64: 128, 128>}, {pipeline_mode = #tpu.pipeline_mode<synchronous>, transform_indices = @transform_9, window_bounds = array<i64: 128, 128>}, {transform_indices = @transform_10, window_bounds = array<i64: 2000, 128>}, {transform_indices = @transform_11, window_bounds = array<i64: 2000, 128>}, {transform_indices = @transform_12, window_bounds = array<i64: 2000, 128>}]} {
    %get3A = arith.constant 0 : index
    %get3A_0 = arith.constant 0 : index
    %get3A_1 = vector.load %arg1[%get3A, %get3A_0] : memref<2000x128xf32, #tpu.memory_space<vmem>>, vector<2000x128xf32>
    %get3A_2 = arith.constant 0 : index
    %get3A_3 = arith.constant 0 : index
    %get3A_4 = arith.constant 0 : index
    %get3A_5 = vector.load %arg2[%get3A_2, %get3A_3, %get3A_4] : memref<1x2000x128xf32, #tpu.memory_space<vmem>>, vector<1x2000x128xf32>
    %get3A_6 = vector.shape_cast %get3A_5 : vector<1x2000x128xf32> to vector<2000x128xf32>
    %get3A_7 = arith.constant 0 : index
    %get3A_8 = arith.constant 0 : index
    %get3A_9 = arith.constant 0 : index
    %get3A_10 = vector.load %arg3[%get3A_7, %get3A_8, %get3A_9] : memref<1x2000x128xf32, #tpu.memory_space<vmem>>, vector<1x2000x128xf32>
    %get3A_11 = vector.shape_cast %get3A_10 : vector<1x2000x128xf32> to vector<2000x128xf32>
    %add3A = arith.addf %get3A_6, %get3A_11 : vector<2000x128xf32>
    %mul3A = arith.constant 0.00999999977 : f32
    %mul3A_12 = vector.broadcast %mul3A : f32 to vector<2000x128xf32>
    %mul3A_13 = arith.mulf %add3A, %mul3A_12 : vector<2000x128xf32>
    %get3A_14 = arith.constant 0 : index
    %get3A_15 = arith.constant 0 : index
    %get3A_16 = vector.load %arg4[%get3A_14, %get3A_15] : memref<128x128xf32, #tpu.memory_space<vmem>>, vector<128x128xf32>
    %dot_general3A = arith.constant dense<0.000000e+00> : vector<2000x128xf32>
    %dot_general3A_17 = tpu.matmul %get3A_1, %get3A_16, %dot_general3A {dimension_numbers = #tpu.dot_dimension_numbers<[1], [0], [0], [1], [0, 0, 1, 1], [], []>, transpose_lhs_hint = false} : vector<2000x128xf32>, vector<128x128xf32>, vector<2000x128xf32> -> vector<2000x128xf32>
    %get3A_18 = arith.constant 0 : index
    %get3A_19 = arith.constant 0 : index
    %get3A_20 = vector.load %arg5[%get3A_18, %get3A_19] : memref<128x128xf32, #tpu.memory_space<vmem>>, vector<128x128xf32>
    %dot_general3A_21 = arith.constant dense<0.000000e+00> : vector<2000x128xf32>
    %dot_general3A_22 = tpu.matmul %mul3A_13, %get3A_20, %dot_general3A_21 {dimension_numbers = #tpu.dot_dimension_numbers<[1], [0], [0], [1], [0, 0, 1, 1], [], []>, transpose_lhs_hint = false} : vector<2000x128xf32>, vector<128x128xf32>, vector<2000x128xf32> -> vector<2000x128xf32>
    %add3A_23 = arith.addf %dot_general3A_17, %dot_general3A_22 : vector<2000x128xf32>
    %get3A_24 = arith.constant 0 : index
    %get3A_25 = arith.constant 0 : index
    %get3A_26 = vector.load %arg6[%get3A_24, %get3A_25] : memref<1x128xf32, #tpu.memory_space<vmem>>, vector<1x128xf32>
    %add3A_27 = vector.broadcast %get3A_26 : vector<1x128xf32> to vector<2000x128xf32>
    %add3A_28 = arith.addf %add3A_23, %add3A_27 : vector<2000x128xf32>
    %mul3A_29 = arith.mulf %add3A_28, %add3A_28 : vector<2000x128xf32>
    %reduce_sum3A = arith.constant dense<0.000000e+00> : vector<2000xf32>
    %reduce_sum3A_30 = vector.multi_reduction <add>, %mul3A_29, %reduce_sum3A [1] : vector<2000x128xf32> to vector<2000xf32>
    %broadcast_in_dim3A = vector.shape_cast %reduce_sum3A_30 : vector<2000xf32> to vector<2000x1xf32>
    %add3A_31 = arith.constant 9.99999996E-13 : f32
    %add3A_32 = vector.broadcast %add3A_31 : f32 to vector<2000x1xf32>
    %add3A_33 = arith.addf %broadcast_in_dim3A, %add3A_32 : vector<2000x1xf32>
    %rsqrt3A = math.rsqrt %add3A_33 : vector<2000x1xf32>
    %mul3A_34 = vector.broadcast %rsqrt3A : vector<2000x1xf32> to vector<2000x128xf32>
    %mul3A_35 = arith.mulf %add3A_28, %mul3A_34 : vector<2000x128xf32>
    %get3A_36 = arith.constant 0 : index
    %get3A_37 = arith.constant 0 : index
    %get3A_38 = vector.load %arg7[%get3A_36, %get3A_37] : memref<128x128xf32, #tpu.memory_space<vmem>>, vector<128x128xf32>
    %dot_general3A_39 = arith.constant dense<0.000000e+00> : vector<2000x128xf32>
    %dot_general3A_40 = tpu.matmul %mul3A_35, %get3A_38, %dot_general3A_39 {dimension_numbers = #tpu.dot_dimension_numbers<[1], [0], [0], [1], [0, 0, 1, 1], [], []>, transpose_lhs_hint = false} : vector<2000x128xf32>, vector<128x128xf32>, vector<2000x128xf32> -> vector<2000x128xf32>
    %add3A_41 = arith.addf %get3A_1, %dot_general3A_40 : vector<2000x128xf32>
    %get3A_42 = arith.constant 0 : index
    %get3A_43 = arith.constant 0 : index
    %get3A_44 = vector.load %arg8[%get3A_42, %get3A_43] : memref<1x128xf32, #tpu.memory_space<vmem>>, vector<1x128xf32>
    %add3A_45 = vector.broadcast %get3A_44 : vector<1x128xf32> to vector<2000x128xf32>
    %add3A_46 = arith.addf %add3A_41, %add3A_45 : vector<2000x128xf32>
    %swap3A = arith.constant 0 : index
    %swap3A_47 = arith.constant 0 : index
    %swap3A_48 = vector.load %arg11[%swap3A, %swap3A_47] : memref<2000x128xf32, #tpu.memory_space<vmem>>, vector<2000x128xf32>
    tpu.vector_store %arg11[%swap3A, %swap3A_47], %add3A_46 {strides = array<i32>} : memref<2000x128xf32, #tpu.memory_space<vmem>>, vector<2000x128xf32>,
    %get3A_49 = arith.constant 0 : index
    %get3A_50 = arith.constant 0 : index
    %get3A_51 = vector.load %arg9[%get3A_49, %get3A_50] : memref<128x128xf32, #tpu.memory_space<vmem>>, vector<128x128xf32>
    %dot_general3A_52 = arith.constant dense<0.000000e+00> : vector<2000x128xf32>
    %dot_general3A_53 = tpu.matmul %add3A_46, %get3A_51, %dot_general3A_52 {dimension_numbers = #tpu.dot_dimension_numbers<[1], [0], [0], [1], [0, 0, 1, 1], [], []>, transpose_lhs_hint = false} : vector<2000x128xf32>, vector<128x128xf32>, vector<2000x128xf32> -> vector<2000x128xf32>
    %swap3A_54 = arith.constant 0 : index
    %swap3A_55 = arith.constant 0 : index
    %swap3A_56 = vector.load %arg12[%swap3A_54, %swap3A_55] : memref<2000x128xf32, #tpu.memory_space<vmem>>, vector<2000x128xf32>
    tpu.vector_store %arg12[%swap3A_54, %swap3A_55], %dot_general3A_53 {strides = array<i32>} : memref<2000x128xf32, #tpu.memory_space<vmem>>, vector<2000x128xf32>,
    %get3A_57 = arith.constant 0 : index
    %get3A_58 = arith.constant 0 : index
    %get3A_59 = vector.load %arg10[%get3A_57, %get3A_58] : memref<128x128xf32, #tpu.memory_space<vmem>>, vector<128x128xf32>
    %dot_general3A_60 = arith.constant dense<0.000000e+00> : vector<2000x128xf32>
    %dot_general3A_61 = tpu.matmul %add3A_46, %get3A_59, %dot_general3A_60 {dimension_numbers = #tpu.dot_dimension_numbers<[1], [0], [0], [1], [0, 0, 1, 1], [], []>, transpose_lhs_hint = false} : vector<2000x128xf32>, vector<128x128xf32>, vector<2000x128xf32> -> vector<2000x128xf32>
    %swap3A_62 = arith.constant 0 : index
    %swap3A_63 = arith.constant 0 : index
    %swap3A_64 = vector.load %arg13[%swap3A_62, %swap3A_63] : memref<2000x128xf32, #tpu.memory_space<vmem>>, vector<2000x128xf32>
    tpu.vector_store %arg13[%swap3A_62, %swap3A_63], %dot_general3A_61 {strides = array<i32>} : memref<2000x128xf32, #tpu.memory_space<vmem>>, vector<2000x128xf32>,
    return
  }
  func.func @transform_0(%arg0: i32) -> (i32, i32) {
    %c0_i32 = arith.constant 0 : i32
    %c0_i32_0 = arith.constant 0 : i32
    return %arg0, %c0_i32 : i32, i32
  }
  func.func @transform_1(%arg0: i32) -> (i32, i32, i32) {
    %c0_i32 = arith.constant 0 : i32
    %c0_i32_0 = arith.constant 0 : i32
    %c0_i32_1 = arith.constant 0 : i32
    return %c0_i32, %arg0, %c0_i32_0 : i32, i32, i32
  }
  func.func @transform_2(%arg0: i32) -> (i32, i32, i32) {
    %c1_i32 = arith.constant 1 : i32
    %c0_i32 = arith.constant 0 : i32
    %c0_i32_0 = arith.constant 0 : i32
    return %c1_i32, %arg0, %c0_i32 : i32, i32, i32
  }
  func.func @transform_3(%arg0: i32) -> (i32, i32) {
    %c0_i32 = arith.constant 0 : i32
    %c0_i32_0 = arith.constant 0 : i32
    %c0_i32_1 = arith.constant 0 : i32
    return %c0_i32, %c0_i32_0 : i32, i32
  }
  func.func @transform_4(%arg0: i32) -> (i32, i32) {
    %c0_i32 = arith.constant 0 : i32
    %c0_i32_0 = arith.constant 0 : i32
    %c0_i32_1 = arith.constant 0 : i32
    return %c0_i32, %c0_i32_0 : i32, i32
  }
  func.func @transform_5(%arg0: i32) -> (i32, i32) {
    %c0_i32 = arith.constant 0 : i32
    %c0_i32_0 = arith.constant 0 : i32
    %c0_i32_1 = arith.constant 0 : i32
    return %c0_i32, %c0_i32_0 : i32, i32
  }
  func.func @transform_6(%arg0: i32) -> (i32, i32) {
    %c0_i32 = arith.constant 0 : i32
    %c0_i32_0 = arith.constant 0 : i32
    %c0_i32_1 = arith.constant 0 : i32
    return %c0_i32, %c0_i32_0 : i32, i32
  }
  func.func @transform_7(%arg0: i32) -> (i32, i32) {
    %c0_i32 = arith.constant 0 : i32
    %c0_i32_0 = arith.constant 0 : i32
    %c0_i32_1 = arith.constant 0 : i32
    return %c0_i32, %c0_i32_0 : i32, i32
  }
  func.func @transform_8(%arg0: i32) -> (i32, i32) {
    %c0_i32 = arith.constant 0 : i32
    %c0_i32_0 = arith.constant 0 : i32
    %c0_i32_1 = arith.constant 0 : i32
    return %c0_i32, %c0_i32_0 : i32, i32
  }
  func.func @transform_9(%arg0: i32) -> (i32, i32) {
    %c0_i32 = arith.constant 0 : i32
    %c0_i32_0 = arith.constant 0 : i32
    %c0_i32_1 = arith.constant 0 : i32
    return %c0_i32, %c0_i32_0 : i32, i32
  }
  func.func @transform_10(%arg0: i32) -> (i32, i32) {
    %c0_i32 = arith.constant 0 : i32
    %c0_i32_0 = arith.constant 0 : i32
    return %arg0, %c0_i32 : i32, i32
  }
  func.func @transform_11(%arg0: i32) -> (i32, i32) {
    %c0_i32 = arith.constant 0 : i32
    %c0_i32_0 = arith.constant 0 : i32
    return %arg0, %c0_i32 : i32, i32
  }
  func.func @transform_12(%arg0: i32) -> (i32, i32) {
    %c0_i32 = arith.constant 0 : i32
    %c0_i32_0 = arith.constant 0 : i32
    return %arg0, %c0_i32 : i32, i32
  }
}

module attributes {stable_mosaic.version = 14 : i64} {
  func.func @_node_update_body(%arg0: i32, %arg1: memref<2000x128xf32, #tpu.memory_space<vmem>>, %arg2: memref<1x2000x128xf32, #tpu.memory_space<vmem>>, %arg3: memref<1x2000x128xf32, #tpu.memory_space<vmem>>, %arg4: memref<128x128xf32, #tpu.memory_space<vmem>>, %arg5: memref<128x128xf32, #tpu.memory_space<vmem>>, %arg6: memref<1x128xf32, #tpu.memory_space<vmem>>, %arg7: memref<128x128xf32, #tpu.memory_space<vmem>>, %arg8: memref<1x128xf32, #tpu.memory_space<vmem>>, %arg9: memref<128x128xf32, #tpu.memory_space<vmem>>, %arg10: memref<128x128xf32, #tpu.memory_space<vmem>>, %arg11: memref<2000x128xf32, #tpu.memory_space<vmem>>, %arg12: memref<2000x128xf32, #tpu.memory_space<vmem>>, %arg13: memref<2000x128xf32, #tpu.memory_space<vmem>>) attributes {dimension_semantics = [#tpu.dimension_semantics<arbitrary>], iteration_bounds = array<i64: 5>, scalar_prefetch = 0 : i64, scratch_operands = 0 : i64, tpu.core_type = #tpu.core_type<tc>, window_params = [{transform_indices = @transform_0, window_bounds = array<i64: 2000, 128>}, {transform_indices = @transform_1, window_bounds = array<i64: 1, 2000, 128>}, {transform_indices = @transform_2, window_bounds = array<i64: 1, 2000, 128>}, {pipeline_mode = #tpu.pipeline_mode<synchronous>, transform_indices = @transform_3, window_bounds = array<i64: 128, 128>}, {pipeline_mode = #tpu.pipeline_mode<synchronous>, transform_indices = @transform_4, window_bounds = array<i64: 128, 128>}, {pipeline_mode = #tpu.pipeline_mode<synchronous>, transform_indices = @transform_5, window_bounds = array<i64: 1, 128>}, {pipeline_mode = #tpu.pipeline_mode<synchronous>, transform_indices = @transform_6, window_bounds = array<i64: 128, 128>}, {pipeline_mode = #tpu.pipeline_mode<synchronous>, transform_indices = @transform_7, window_bounds = array<i64: 1, 128>}, {pipeline_mode = #tpu.pipeline_mode<synchronous>, transform_indices = @transform_8, window_bounds = array<i64: 128, 128>}, {pipeline_mode = #tpu.pipeline_mode<synchronous>, transform_indices = @transform_9, window_bounds = array<i64: 128, 128>}, {transform_indices = @transform_10, window_bounds = array<i64: 2000, 128>}, {transform_indices = @transform_11, window_bounds = array<i64: 2000, 128>}, {transform_indices = @transform_12, window_bounds = array<i64: 2000, 128>}]} {
    %get3A = arith.constant 0 : index
    %get3A_0 = arith.constant 0 : index
    %get3A_1 = vector.load %arg1[%get3A, %get3A_0] : memref<2000x128xf32, #tpu.memory_space<vmem>>, vector<2000x128xf32>
    %get3A_2 = arith.constant 0 : index
    %get3A_3 = arith.constant 0 : index
    %get3A_4 = arith.constant 0 : index
    %get3A_5 = vector.load %arg2[%get3A_2, %get3A_3, %get3A_4] : memref<1x2000x128xf32, #tpu.memory_space<vmem>>, vector<1x2000x128xf32>
    %get3A_6 = vector.shape_cast %get3A_5 : vector<1x2000x128xf32> to vector<2000x128xf32>
    %get3A_7 = arith.constant 0 : index
    %get3A_8 = arith.constant 0 : index
    %get3A_9 = arith.constant 0 : index
    %get3A_10 = vector.load %arg3[%get3A_7, %get3A_8, %get3A_9] : memref<1x2000x128xf32, #tpu.memory_space<vmem>>, vector<1x2000x128xf32>
    %get3A_11 = vector.shape_cast %get3A_10 : vector<1x2000x128xf32> to vector<2000x128xf32>
    %add3A = arith.addf %get3A_6, %get3A_11 : vector<2000x128xf32>
    %mul3A = arith.constant 0.00999999977 : f32
    %mul3A_12 = vector.broadcast %mul3A : f32 to vector<2000x128xf32>
    %mul3A_13 = arith.mulf %add3A, %mul3A_12 : vector<2000x128xf32>
    %get3A_14 = arith.constant 0 : index
    %get3A_15 = arith.constant 0 : index
    %get3A_16 = vector.load %arg4[%get3A_14, %get3A_15] : memref<128x128xf32, #tpu.memory_space<vmem>>, vector<128x128xf32>
    %dot_general3A = arith.constant dense<0.000000e+00> : vector<2000x128xf32>
    %dot_general3A_17 = tpu.matmul %get3A_1, %get3A_16, %dot_general3A {dimension_numbers = #tpu.dot_dimension_numbers<[1], [0], [0], [1], [0, 0, 1, 1], [], []>, transpose_lhs_hint = false} : vector<2000x128xf32>, vector<128x128xf32>, vector<2000x128xf32> -> vector<2000x128xf32>
    %get3A_18 = arith.constant 0 : index
    %get3A_19 = arith.constant 0 : index
    %get3A_20 = vector.load %arg5[%get3A_18, %get3A_19] : memref<128x128xf32, #tpu.memory_space<vmem>>, vector<128x128xf32>
    %dot_general3A_21 = arith.constant dense<0.000000e+00> : vector<2000x128xf32>
    %dot_general3A_22 = tpu.matmul %mul3A_13, %get3A_20, %dot_general3A_21 {dimension_numbers = #tpu.dot_dimension_numbers<[1], [0], [0], [1], [0, 0, 1, 1], [], []>, transpose_lhs_hint = false} : vector<2000x128xf32>, vector<128x128xf32>, vector<2000x128xf32> -> vector<2000x128xf32>
    %add3A_23 = arith.addf %dot_general3A_17, %dot_general3A_22 : vector<2000x128xf32>
    %get3A_24 = arith.constant 0 : index
    %get3A_25 = arith.constant 0 : index
    %get3A_26 = vector.load %arg6[%get3A_24, %get3A_25] : memref<1x128xf32, #tpu.memory_space<vmem>>, vector<1x128xf32>
    %add3A_27 = vector.broadcast %get3A_26 : vector<1x128xf32> to vector<2000x128xf32>
    %add3A_28 = arith.addf %add3A_23, %add3A_27 : vector<2000x128xf32>
    %mul3A_29 = arith.mulf %add3A_28, %add3A_28 : vector<2000x128xf32>
    %reduce_sum3A = arith.constant dense<0.000000e+00> : vector<2000xf32>
    %reduce_sum3A_30 = vector.multi_reduction <add>, %mul3A_29, %reduce_sum3A [1] : vector<2000x128xf32> to vector<2000xf32>
    %broadcast_in_dim3A = vector.shape_cast %reduce_sum3A_30 : vector<2000xf32> to vector<2000x1xf32>
    %add3A_31 = arith.constant 9.99999996E-13 : f32
    %add3A_32 = vector.broadcast %add3A_31 : f32 to vector<2000x1xf32>
    %add3A_33 = arith.addf %broadcast_in_dim3A, %add3A_32 : vector<2000x1xf32>
    %rsqrt3A = math.rsqrt %add3A_33 : vector<2000x1xf32>
    %mul3A_34 = vector.broadcast %rsqrt3A : vector<2000x1xf32> to vector<2000x128xf32>
    %mul3A_35 = arith.mulf %add3A_28, %mul3A_34 : vector<2000x128xf32>
    %get3A_36 = arith.constant 0 : index
    %get3A_37 = arith.constant 0 : index
    %get3A_38 = vector.load %arg7[%get3A_36, %get3A_37] : memref<128x128xf32, #tpu.memory_space<vmem>>, vector<128x128xf32>
    %dot_general3A_39 = arith.constant dense<0.000000e+00> : vector<2000x128xf32>
    %dot_general3A_40 = tpu.matmul %mul3A_35, %get3A_38, %dot_general3A_39 {dimension_numbers = #tpu.dot_dimension_numbers<[1], [0], [0], [1], [0, 0, 1, 1], [], []>, transpose_lhs_hint = false} : vector<2000x128xf32>, vector<128x128xf32>, vector<2000x128xf32> -> vector<2000x128xf32>
    %add3A_41 = arith.addf %get3A_1, %dot_general3A_40 : vector<2000x128xf32>
    %get3A_42 = arith.constant 0 : index
    %get3A_43 = arith.constant 0 : index
    %get3A_44 = vector.load %arg8[%get3A_42, %get3A_43] : memref<1x128xf32, #tpu.memory_space<vmem>>, vector<1x128xf32>
    %add3A_45 = vector.broadcast %get3A_44 : vector<1x128xf32> to vector<2000x128xf32>
    %add3A_46 = arith.addf %add3A_41, %add3A_45 : vector<2000x128xf32>
    %swap3A = arith.constant 0 : index
    %swap3A_47 = arith.constant 0 : index
    %swap3A_48 = vector.load %arg11[%swap3A, %swap3A_47] : memref<2000x128xf32, #tpu.memory_space<vmem>>, vector<2000x128xf32>
    tpu.vector_store %arg11[%swap3A, %swap3A_47], %add3A_46 {strides = array<i32>} : memref<2000x128xf32, #tpu.memory_space<vmem>>, vector<2000x128xf32>,
    %get3A_49 = arith.constant 0 : index
    %get3A_50 = arith.constant 0 : index
    %get3A_51 = vector.load %arg9[%get3A_49, %get3A_50] : memref<128x128xf32, #tpu.memory_space<vmem>>, vector<128x128xf32>
    %dot_general3A_52 = arith.constant dense<0.000000e+00> : vector<2000x128xf32>
    %dot_general3A_53 = tpu.matmul %add3A_46, %get3A_51, %dot_general3A_52 {dimension_numbers = #tpu.dot_dimension_numbers<[1], [0], [0], [1], [0, 0, 1, 1], [], []>, transpose_lhs_hint = false} : vector<2000x128xf32>, vector<128x128xf32>, vector<2000x128xf32> -> vector<2000x128xf32>
    %swap3A_54 = arith.constant 0 : index
    %swap3A_55 = arith.constant 0 : index
    %swap3A_56 = vector.load %arg12[%swap3A_54, %swap3A_55] : memref<2000x128xf32, #tpu.memory_space<vmem>>, vector<2000x128xf32>
    tpu.vector_store %arg12[%swap3A_54, %swap3A_55], %dot_general3A_53 {strides = array<i32>} : memref<2000x128xf32, #tpu.memory_space<vmem>>, vector<2000x128xf32>,
    %get3A_57 = arith.constant 0 : index
    %get3A_58 = arith.constant 0 : index
    %get3A_59 = vector.load %arg10[%get3A_57, %get3A_58] : memref<128x128xf32, #tpu.memory_space<vmem>>, vector<128x128xf32>
    %dot_general3A_60 = arith.constant dense<0.000000e+00> : vector<2000x128xf32>
    %dot_general3A_61 = tpu.matmul %add3A_46, %get3A_59, %dot_general3A_60 {dimension_numbers = #tpu.dot_dimension_numbers<[1], [0], [0], [1], [0, 0, 1, 1], [], []>, transpose_lhs_hint = false} : vector<2000x128xf32>, vector<128x128xf32>, vector<2000x128xf32> -> vector<2000x128xf32>
    %swap3A_62 = arith.constant 0 : index
    %swap3A_63 = arith.constant 0 : index
    %swap3A_64 = vector.load %arg13[%swap3A_62, %swap3A_63] : memref<2000x128xf32, #tpu.memory_space<vmem>>, vector<2000x128xf32>
    tpu.vector_store %arg13[%swap3A_62, %swap3A_63], %dot_general3A_61 {strides = array<i32>} : memref<2000x128xf32, #tpu.memory_space<vmem>>, vector<2000x128xf32>,
    return
  }
  func.func @transform_0(%arg0: i32) -> (i32, i32) {
    %c0_i32 = arith.constant 0 : i32
    %c0_i32_0 = arith.constant 0 : i32
    return %arg0, %c0_i32 : i32, i32
  }
  func.func @transform_1(%arg0: i32) -> (i32, i32, i32) {
    %c0_i32 = arith.constant 0 : i32
    %c0_i32_0 = arith.constant 0 : i32
    %c0_i32_1 = arith.constant 0 : i32
    return %c0_i32, %arg0, %c0_i32_0 : i32, i32, i32
  }
  func.func @transform_2(%arg0: i32) -> (i32, i32, i32) {
    %c1_i32 = arith.constant 1 : i32
    %c0_i32 = arith.constant 0 : i32
    %c0_i32_0 = arith.constant 0 : i32
    return %c1_i32, %arg0, %c0_i32 : i32, i32, i32
  }
  func.func @transform_3(%arg0: i32) -> (i32, i32) {
    %c0_i32 = arith.constant 0 : i32
    %c0_i32_0 = arith.constant 0 : i32
    %c0_i32_1 = arith.constant 0 : i32
    return %c0_i32, %c0_i32_0 : i32, i32
  }
  func.func @transform_4(%arg0: i32) -> (i32, i32) {
    %c0_i32 = arith.constant 0 : i32
    %c0_i32_0 = arith.constant 0 : i32
    %c0_i32_1 = arith.constant 0 : i32
    return %c0_i32, %c0_i32_0 : i32, i32
  }
  func.func @transform_5(%arg0: i32) -> (i32, i32) {
    %c0_i32 = arith.constant 0 : i32
    %c0_i32_0 = arith.constant 0 : i32
    %c0_i32_1 = arith.constant 0 : i32
    return %c0_i32, %c0_i32_0 : i32, i32
  }
  func.func @transform_6(%arg0: i32) -> (i32, i32) {
    %c0_i32 = arith.constant 0 : i32
    %c0_i32_0 = arith.constant 0 : i32
    %c0_i32_1 = arith.constant 0 : i32
    return %c0_i32, %c0_i32_0 : i32, i32
  }
  func.func @transform_7(%arg0: i32) -> (i32, i32) {
    %c0_i32 = arith.constant 0 : i32
    %c0_i32_0 = arith.constant 0 : i32
    %c0_i32_1 = arith.constant 0 : i32
    return %c0_i32, %c0_i32_0 : i32, i32
  }
  func.func @transform_8(%arg0: i32) -> (i32, i32) {
    %c0_i32 = arith.constant 0 : i32
    %c0_i32_0 = arith.constant 0 : i32
    %c0_i32_1 = arith.constant 0 : i32
    return %c0_i32, %c0_i32_0 : i32, i32
  }
  func.func @transform_9(%arg0: i32) -> (i32, i32) {
    %c0_i32 = arith.constant 0 : i32
    %c0_i32_0 = arith.constant 0 : i32
    %c0_i32_1 = arith.constant 0 : i32
    return %c0_i32, %c0_i32_0 : i32, i32
  }
  func.func @transform_10(%arg0: i32) -> (i32, i32) {
    %c0_i32 = arith.constant 0 : i32
    %c0_i32_0 = arith.constant 0 : i32
    return %arg0, %c0_i32 : i32, i32
  }
  func.func @transform_11(%arg0: i32) -> (i32, i32) {
    %c0_i32 = arith.constant 0 : i32
    %c0_i32_0 = arith.constant 0 : i32
    return %arg0, %c0_i32 : i32, i32
  }
  func.func @transform_12(%arg0: i32) -> (i32, i32) {
    %c0_i32 = arith.constant 0 : i32
    %c0_i32_0 = arith.constant 0 : i32
    return %arg0, %c0_i32 : i32, i32
  }
}

module attributes {stable_mosaic.version = 14 : i64} {
  func.func @_coord_mlp_body(%arg0: i32, %arg1: memref<2000x128xf32, #tpu.memory_space<vmem>>, %arg2: memref<2000x1xf32, #tpu.memory_space<vmem>>, %arg3: memref<2000x1xf32, #tpu.memory_space<vmem>>, %arg4: memref<2000x16xf32, #tpu.memory_space<vmem>>, %arg5: memref<1x128xf32, #tpu.memory_space<vmem>>, %arg6: memref<1x128xf32, #tpu.memory_space<vmem>>, %arg7: memref<1x128xf32, #tpu.memory_space<vmem>>, %arg8: memref<128x128xf32, #tpu.memory_space<vmem>>, %arg9: memref<1x128xf32, #tpu.memory_space<vmem>>, %arg10: memref<128x1xf32, #tpu.memory_space<vmem>>, %arg11: memref<2000x128xf32, #tpu.memory_space<vmem>>) attributes {dimension_semantics = [#tpu.dimension_semantics<arbitrary>], iteration_bounds = array<i64: 160>, scalar_prefetch = 0 : i64, scratch_operands = 0 : i64, tpu.core_type = #tpu.core_type<tc>, window_params = [{transform_indices = @transform_0, window_bounds = array<i64: 2000, 128>}, {transform_indices = @transform_1, window_bounds = array<i64: 2000, 1>}, {transform_indices = @transform_2, window_bounds = array<i64: 2000, 1>}, {transform_indices = @transform_3, window_bounds = array<i64: 2000, 16>}, {pipeline_mode = #tpu.pipeline_mode<synchronous>, transform_indices = @transform_4, window_bounds = array<i64: 1, 128>}, {pipeline_mode = #tpu.pipeline_mode<synchronous>, transform_indices = @transform_5, window_bounds = array<i64: 1, 128>}, {pipeline_mode = #tpu.pipeline_mode<synchronous>, transform_indices = @transform_6, window_bounds = array<i64: 1, 128>}, {pipeline_mode = #tpu.pipeline_mode<synchronous>, transform_indices = @transform_7, window_bounds = array<i64: 128, 128>}, {pipeline_mode = #tpu.pipeline_mode<synchronous>, transform_indices = @transform_8, window_bounds = array<i64: 1, 128>}, {pipeline_mode = #tpu.pipeline_mode<synchronous>, transform_indices = @transform_9, window_bounds = array<i64: 128, 1>}, {transform_indices = @transform_10, window_bounds = array<i64: 2000, 128>}]} {
    %get3A = arith.constant 0 : index
    %get3A_0 = arith.constant 0 : index
    %get3A_1 = vector.load %arg1[%get3A, %get3A_0] : memref<2000x128xf32, #tpu.memory_space<vmem>>, vector<2000x128xf32>
    %get3A_2 = arith.constant 0 : index
    %get3A_3 = arith.constant 0 : index
    %get3A_4 = vector.load %arg2[%get3A_2, %get3A_3] : memref<2000x1xf32, #tpu.memory_space<vmem>>, vector<2000x1xf32>
    %get3A_5 = arith.constant 0 : index
    %get3A_6 = arith.constant 0 : index
    %get3A_7 = vector.load %arg3[%get3A_5, %get3A_6] : memref<2000x1xf32, #tpu.memory_space<vmem>>, vector<2000x1xf32>
    %get3A_8 = arith.constant 0 : index
    %get3A_9 = arith.constant 0 : index
    %get3A_10 = vector.load %arg5[%get3A_8, %get3A_9] : memref<1x128xf32, #tpu.memory_space<vmem>>, vector<1x128xf32>
    %mul3A = vector.broadcast %get3A_4 : vector<2000x1xf32> to vector<2000x128xf32>
    %mul3A_11 = vector.broadcast %get3A_10 : vector<1x128xf32> to vector<2000x128xf32>
    %mul3A_12 = arith.mulf %mul3A, %mul3A_11 : vector<2000x128xf32>
    %add3A = arith.addf %get3A_1, %mul3A_12 : vector<2000x128xf32>
    %get3A_13 = arith.constant 0 : index
    %get3A_14 = arith.constant 0 : index
    %get3A_15 = vector.load %arg6[%get3A_13, %get3A_14] : memref<1x128xf32, #tpu.memory_space<vmem>>, vector<1x128xf32>
    %mul3A_16 = vector.broadcast %get3A_7 : vector<2000x1xf32> to vector<2000x128xf32>
    %mul3A_17 = vector.broadcast %get3A_15 : vector<1x128xf32> to vector<2000x128xf32>
    %mul3A_18 = arith.mulf %mul3A_16, %mul3A_17 : vector<2000x128xf32>
    %add3A_19 = arith.addf %add3A, %mul3A_18 : vector<2000x128xf32>
    %get3A_20 = arith.constant 0 : index
    %get3A_21 = arith.constant 0 : index
    %get3A_22 = vector.load %arg7[%get3A_20, %get3A_21] : memref<1x128xf32, #tpu.memory_space<vmem>>, vector<1x128xf32>
    %add3A_23 = vector.broadcast %get3A_22 : vector<1x128xf32> to vector<2000x128xf32>
    %add3A_24 = arith.addf %add3A_19, %add3A_23 : vector<2000x128xf32>
    %logistic3A = arith.negf %add3A_24 : vector<2000x128xf32>
    %logistic3A_25 = math.exp %logistic3A : vector<2000x128xf32>
    %logistic3A_26 = arith.constant 1.000000e+00 : f32
    %logistic3A_27 = vector.broadcast %logistic3A_26 : f32 to vector<2000x128xf32>
    %logistic3A_28 = arith.addf %logistic3A_27, %logistic3A_25 : vector<2000x128xf32>
    %logistic3A_29 = arith.divf %logistic3A_27, %logistic3A_28 : vector<2000x128xf32>
    %mul3A_30 = arith.mulf %add3A_24, %logistic3A_29 : vector<2000x128xf32>
    %get3A_31 = arith.constant 0 : index
    %get3A_32 = arith.constant 0 : index
    %get3A_33 = vector.load %arg8[%get3A_31, %get3A_32] : memref<128x128xf32, #tpu.memory_space<vmem>>, vector<128x128xf32>
    %dot_general3A = arith.constant dense<0.000000e+00> : vector<2000x128xf32>
    %dot_general3A_34 = tpu.matmul %mul3A_30, %get3A_33, %dot_general3A {dimension_numbers = #tpu.dot_dimension_numbers<[1], [0], [0], [1], [0, 0, 1, 1], [], []>, transpose_lhs_hint = false} : vector<2000x128xf32>, vector<128x128xf32>, vector<2000x128xf32> -> vector<2000x128xf32>
    %get3A_35 = arith.constant 0 : index
    %get3A_36 = arith.constant 0 : index
    %get3A_37 = vector.load %arg9[%get3A_35, %get3A_36] : memref<1x128xf32, #tpu.memory_space<vmem>>, vector<1x128xf32>
    %add3A_38 = vector.broadcast %get3A_37 : vector<1x128xf32> to vector<2000x128xf32>
    %add3A_39 = arith.addf %dot_general3A_34, %add3A_38 : vector<2000x128xf32>
    %logistic3A_40 = arith.negf %add3A_39 : vector<2000x128xf32>
    %logistic3A_41 = math.exp %logistic3A_40 : vector<2000x128xf32>
    %logistic3A_42 = arith.constant 1.000000e+00 : f32
    %logistic3A_43 = vector.broadcast %logistic3A_42 : f32 to vector<2000x128xf32>
    %logistic3A_44 = arith.addf %logistic3A_43, %logistic3A_41 : vector<2000x128xf32>
    %logistic3A_45 = arith.divf %logistic3A_43, %logistic3A_44 : vector<2000x128xf32>
    %mul3A_46 = arith.mulf %add3A_39, %logistic3A_45 : vector<2000x128xf32>
    %get3A_47 = arith.constant 0 : index
    %get3A_48 = arith.constant 0 : index
    %get3A_49 = vector.load %arg10[%get3A_47, %get3A_48] : memref<128x1xf32, #tpu.memory_space<vmem>>, vector<128x1xf32>
    %dot_general3A_50 = arith.constant dense<0.000000e+00> : vector<2000x1xf32>
    %dot_general3A_51 = tpu.matmul %mul3A_46, %get3A_49, %dot_general3A_50 {dimension_numbers = #tpu.dot_dimension_numbers<[1], [0], [0], [1], [0, 0, 1, 1], [], []>, transpose_lhs_hint = false} : vector<2000x128xf32>, vector<128x1xf32>, vector<2000x1xf32> -> vector<2000x1xf32>
    %get3A_52 = arith.constant 0 : index
    %get3A_53 = arith.constant 0 : index
    %get3A_54 = vector.load %arg4[%get3A_52, %get3A_53] : memref<2000x16xf32, #tpu.memory_space<vmem>>, vector<2000x16xf32>
    %mul3A_55 = vector.broadcast %dot_general3A_51 : vector<2000x1xf32> to vector<2000x16xf32>
    %mul3A_56 = arith.mulf %get3A_54, %mul3A_55 : vector<2000x16xf32>
    %jit3A = arith.constant 0 : i32
    %convert_element_type3A = arith.sitofp %jit3A : i32 to f32
    %pad3A = vector.broadcast %convert_element_type3A : f32 to vector<2000x112xf32>
    %pad3A_57 = tpu.concatenate %mul3A_56, %pad3A in 1 : vector<2000x16xf32>, vector<2000x112xf32> -> vector<2000x128xf32>
    %swap3A = arith.constant 0 : index
    %swap3A_58 = arith.constant 0 : index
    %swap3A_59 = vector.load %arg11[%swap3A, %swap3A_58] : memref<2000x128xf32, #tpu.memory_space<vmem>>, vector<2000x128xf32>
    tpu.vector_store %arg11[%swap3A, %swap3A_58], %pad3A_57 {strides = array<i32>} : memref<2000x128xf32, #tpu.memory_space<vmem>>, vector<2000x128xf32>,
    return
  }
  func.func @transform_0(%arg0: i32) -> (i32, i32) {
    %c0_i32 = arith.constant 0 : i32
    %c0_i32_0 = arith.constant 0 : i32
    return %arg0, %c0_i32 : i32, i32
  }
  func.func @transform_1(%arg0: i32) -> (i32, i32) {
    %c0_i32 = arith.constant 0 : i32
    %c0_i32_0 = arith.constant 0 : i32
    return %arg0, %c0_i32 : i32, i32
  }
  func.func @transform_2(%arg0: i32) -> (i32, i32) {
    %c0_i32 = arith.constant 0 : i32
    %c0_i32_0 = arith.constant 0 : i32
    return %arg0, %c0_i32 : i32, i32
  }
  func.func @transform_3(%arg0: i32) -> (i32, i32) {
    %c0_i32 = arith.constant 0 : i32
    %c0_i32_0 = arith.constant 0 : i32
    return %arg0, %c0_i32 : i32, i32
  }
  func.func @transform_4(%arg0: i32) -> (i32, i32) {
    %c0_i32 = arith.constant 0 : i32
    %c0_i32_0 = arith.constant 0 : i32
    %c0_i32_1 = arith.constant 0 : i32
    return %c0_i32, %c0_i32_0 : i32, i32
  }
  func.func @transform_5(%arg0: i32) -> (i32, i32) {
    %c0_i32 = arith.constant 0 : i32
    %c0_i32_0 = arith.constant 0 : i32
    %c0_i32_1 = arith.constant 0 : i32
    return %c0_i32, %c0_i32_0 : i32, i32
  }
  func.func @transform_6(%arg0: i32) -> (i32, i32) {
    %c0_i32 = arith.constant 0 : i32
    %c0_i32_0 = arith.constant 0 : i32
    %c0_i32_1 = arith.constant 0 : i32
    return %c0_i32, %c0_i32_0 : i32, i32
  }
  func.func @transform_7(%arg0: i32) -> (i32, i32) {
    %c0_i32 = arith.constant 0 : i32
    %c0_i32_0 = arith.constant 0 : i32
    %c0_i32_1 = arith.constant 0 : i32
    return %c0_i32, %c0_i32_0 : i32, i32
  }
  func.func @transform_8(%arg0: i32) -> (i32, i32) {
    %c0_i32 = arith.constant 0 : i32
    %c0_i32_0 = arith.constant 0 : i32
    %c0_i32_1 = arith.constant 0 : i32
    return %c0_i32, %c0_i32_0 : i32, i32
  }
  func.func @transform_9(%arg0: i32) -> (i32, i32) {
    %c0_i32 = arith.constant 0 : i32
    %c0_i32_0 = arith.constant 0 : i32
    %c0_i32_1 = arith.constant 0 : i32
    return %c0_i32, %c0_i32_0 : i32, i32
  }
  func.func @transform_10(%arg0: i32) -> (i32, i32) {
    %c0_i32 = arith.constant 0 : i32
    %c0_i32_0 = arith.constant 0 : i32
    return %arg0, %c0_i32 : i32, i32
  }
}

</mosaic_0001>

<sc_bundles>
// kernel: kernel.16.cloned.1.call-start
scs
__scs_entry_jumppad:
0x0: {  	(pc) =	sbr.rel $0x88, $3  }
0x1: {  	(tag) =	ssettag $0x0;
	lr =	simm.s32 $0x1  }
0x2: {  	[smem:$0x3F8D] =	sst lr;
	_ =	strace $0xD0000000  }
0x3: {  	_ = 	snop  }
0x4: {  	_ = 	snop  }
0x5: {  	_ = 	snop  }
0x6: {  	_ = 	snop  }
0x7: {  	_ = 	snop  }
__scs_overlays_trampoline_lowered:
0x8: {  	[smem:$0x3F9C] =	sst s0  }
0x9: {  	[smem:$0x3F9D] =	sst s1  }
0xa: {  	[smem:$0x3F9E] =	sst s2  }
0xb: {  	[smem:$0x3F9F] =	sst s3  }
0xc: {  	[smem:$0x3FA0] =	sst s4  }
0xd: {  	[smem:$0x3FA1] =	sst s5  }
0xe: {  	[smem:$0x3FA2] =	sst s6  }
0xf: {  	[smem:$0x3FA3] =	sst s7  }
0x10: {  	[smem:$0x3FA4] =	sst s8  }
0x11: {  	[smem:$0x3FA5] =	sst s9;
	s0 =	simm.s32 @!p0 $0x0  }
0x12: {  	s1 =	sld [smem:$0x3F8B];
	s0 =	simm.s32 @p0 $0x1  }
0x13: {  	[smem:$0x3FA6] =	sst s0;
	s0 =	simm.s32 @!p1 $0x0  }
0x14: {  	s2 =	sld [smem:$0x3F8A];
	s0 =	simm.s32 @p1 $0x1  }
0x15: {  	[smem:$0x3FA7] =	sst s0;
	s0 =	simm.s32 @!p2 $0x0  }
0x16: {  	s3 =	sld [smem:$0x3FDB];
	s0 =	simm.s32 @p2 $0x1  }
0x17: {  	s4 =	simm.s32 $0x1BF5;
	[smem:$0x3FA9] =	sst s0  }
0x18: {  	s0 =	sld [smem:$0x3F8C];
	_ =	swait.ge [sflag:s4], $0x0  }
0x19: {  	s7 =	sld [smem:$0x3F8D]  }
0x1a: {  	s8 =	sadd.s32 $0xFFFFE003, lr  }
0x1b: {  	s9 =	sadd.s32 $0xFFFFFEF7, lr;
	s5 =	simm.s32 $0xFFFFFFFF;
	p2 =	slt.u32 s8, $0xFFFFF086  }
0x1c: {  	p1 =	slt.u32 s9, $0xF7A;
	s5 =	simm.s32 @!p2 $0x0  }
0x1d: {  	s5 =	simm.s32 @p1 $0x1;
	p0 =	seq.s32 s7, s2  }
0x1e: {  	s7 =	smul.u32 @!p0 $0xF7A, s2;
	p2 =	seq.s32 @!p0 s5, $0x0  }
0x1f: {  	s9 =	smul.u32 $0xF7A, s1;
	s8 =	simm.s32 @!p0 $0x1BF5;
	p2 =	por !p2, p0  }
0x20: {  	[sflag:s8] =	ssyncset.s32 @!p0 $0xFFFFF086;
	s6 =	sadd.s32 @!p0 s3, s7;
	s7 =	simm.s32 @!p0 $0x108  }
0x21: {  	s3 =	sadd.s32 s3, s9;
	s6 =	sadd.s32 @!p0 $0x88, s6;
	s7 =	simm.s32 @p2 $0x1082  }
0x22: {  	[simem:s7], [sflag:s8] =	dma.local @!p0 [hbm:s6], $0xF7A  }
0x23: {  	s9 =	sor.u32 $0xD0000000, s2;
	s6 =	simm.s32 $0x108;
	_ =	swait.ge @!p0 [sflag:s8], $0x0  }
0x24: {  	s3 =	sadd.s32 $0x88, s3;
	s6 =	simm.s32 @!p1 $0x1082;
	[sflag:s4] =	ssyncset.s32 $0xFFFFF086  }
0x25: {  	[simem:s6], [sflag:s4] =	dma.local [hbm:s3], $0xF7A  }
0x26: {  	[smem:$0x3F8D] =	sst s1;
	(tag) =	ssettag s2;
	_ =	strace s9  }
0x27: {  	s1 =	sld [smem:$0x3F9D]  }
0x28: {  	s2 =	sld [smem:$0x3F9E]  }
0x29: {  	s4 =	sld [smem:$0x3FA0]  }
0x2a: {  	p0 =	seq.s32 s5, $0x0;
	s5 =	sld [smem:$0x3FA1]  }
0x2b: {  	s6 =	sld [smem:$0x3FA2]  }
0x2c: {  	s7 =	sld [smem:$0x3FA3]  }
0x2d: {  	s3 =	simm.s32 $0x108;
	s8 =	sld [smem:$0x3FA4]  }
0x2e: {  	s3 =	simm.s32 @!p0 $0x1082;
	s9 =	sld [smem:$0x3FA5]  }
0x2f: {  	lr =	sadd.s32 s0, s3;
	s0 =	sld [smem:$0x3F9C]  }
0x30: {  	s3 =	sld [smem:$0x3F9F]  }
0x31: {  	[smem:$0x3FA8] =	sst s10  }
0x32: {  	s10 =	sld [smem:$0x3FA6];
	_ =	sdelay $0x3  }
0x33: {  	p0 =	seq.s32 s10, $0x1;
	s10 =	sld [smem:$0x3FA8];
	_ =	sdelay $0x3  }
0x34: {  	[smem:$0x3FA8] =	sst s10  }
0x35: {  	s10 =	sld [smem:$0x3FA7];
	_ =	sdelay $0x3  }
0x36: {  	p1 =	seq.s32 s10, $0x1;
	s10 =	sld [smem:$0x3FA8];
	_ =	sdelay $0x3  }
0x37: {  	[smem:$0x3FA8] =	sst s10  }
0x38: {  	s10 =	sld [smem:$0x3FA9]  }
0x39: {  	_ = 	snop;
	(pc) =	sbr.ind lr, $3  }
0x3a: {  	_ = 	snop  }
0x3b: {  	_ = 	snop  }
0x3c: {  	p2 =	seq.s32 s10, $0x1;
	s10 =	sld [smem:$0x3FA8]  }
0x3d: {  	_ =	shalt  }
0x3e: {  	_ =	shalt  }
0x3f: {  	_ =	shalt  }
0x40: {  	_ =	shalt  }
0x41: {  	_ =	shalt  }
0x42: {  	_ =	shalt  }
0x43: {  	_ =	shalt  }
0x44: {  	_ =	shalt  }
0x45: {  	_ =	shalt  }
0x46: {  	_ =	shalt  }
0x47: {  	_ =	shalt  }
0x48: {  	_ =	shalt  }
0x49: {  	_ =	shalt  }
0x4a: {  	_ =	shalt  }
0x4b: {  	_ =	shalt  }
0x4c: {  	_ =	shalt  }
0x4d: {  	_ =	shalt  }
0x4e: {  	_ =	shalt  }
0x4f: {  	_ =	shalt  }
0x50: {  	_ =	shalt  }
0x51: {  	_ =	shalt  }
0x52: {  	_ =	shalt  }
0x53: {  	_ =	shalt  }
0x54: {  	_ =	shalt  }
0x55: {  	_ =	shalt  }
0x56: {  	_ =	shalt  }
0x57: {  	_ =	shalt  }
0x58: {  	_ =	shalt  }
0x59: {  	_ =	shalt  }
0x5a: {  	_ =	shalt  }
0x5b: {  	_ =	shalt  }
0x5c: {  	_ =	shalt  }
0x5d: {  	_ =	shalt  }
0x5e: {  	_ =	shalt  }
0x5f: {  	_ =	shalt  }
0x60: {  	_ =	shalt  }
0x61: {  	_ =	shalt  }
0x62: {  	_ =	shalt  }
0x63: {  	_ =	shalt  }
0x64: {  	_ =	shalt  }
0x65: {  	_ =	shalt  }
0x66: {  	_ =	shalt  }
0x67: {  	_ =	shalt  }
0x68: {  	_ =	shalt  }
0x69: {  	_ =	shalt  }
0x6a: {  	_ =	shalt  }
0x6b: {  	_ =	shalt  }
0x6c: {  	_ =	shalt  }
0x6d: {  	_ =	shalt  }
0x6e: {  	_ =	shalt  }
0x6f: {  	_ =	shalt  }
0x70: {  	_ =	shalt  }
0x71: {  	_ =	shalt  }
0x72: {  	_ =	shalt  }
0x73: {  	_ =	shalt  }
0x74: {  	_ =	shalt  }
0x75: {  	_ =	shalt  }
0x76: {  	_ =	shalt  }
0x77: {  	_ =	shalt  }
0x78: {  	_ =	shalt  }
0x79: {  	_ =	shalt  }
0x7a: {  	_ =	shalt  }
0x7b: {  	_ =	shalt  }
0x7c: {  	_ =	shalt  }
0x7d: {  	_ =	shalt  }
0x7e: {  	_ =	shalt  }
0x7f: {  	_ =	shalt  }
0x80: {  	_ =	shalt  }
0x81: {  	_ =	shalt  }
0x82: {  	_ =	shalt  }
0x83: {  	_ =	shalt  }
0x84: {  	_ =	shalt  }
0x85: {  	_ =	shalt  }
0x86: {  	_ =	shalt  }
0x87: {  	_ =	shalt  }
.Lfunc_end0:
.L_simem_size_0:
called_computation_lowered:
.L_overlay_start_0:
0x88: {  	s2 =	sld [smem:$0x3FD9]  }
0x89: {  	s3 =	sld [smem:$0x3FFE];
	_ =	sdelay $0x1  }
0x8a: {  	s1 =	srdreg.scid  }
0x8b: {  	s0 =	sand.u32 $0x1, s1  }
0x8c: {  	s15 =	sshll.u32 s0, $0xA;
	s2 =	sadd.s32 s3, s2  }
0x8d: {  	s2 =	sadd.s32 s2, s15  }
0x8e: {  	[smem:$0x3FB4] =	sst s2  }
0x8f: {  	_ = 	snop  }
0x90: {  	s2 =	sld [smem:$0x3FD0];
	_ =	sdelay $0x2  }
0x91: {  	s16 =	simm.s32 $0xB;
	s4 =	simm.s32 $0x10  }
0x92: {  	[smem:s4], [sflag:s16] =	dma.local [hbm:s2], $0x1  }
0x93: {  	_ =	swait.eq [sflag:s16], $0x1  }
0x94: {  	[sflag:s16] =	ssyncset.done $0x0  }
0x95: {  	[sflag:s16] =	ssyncadd.s32 $0xFFFFFFFF  }
0x96: {  	s17 =	sld [smem:$0x10];
	(tm) =	ssettm $0x1  }
0x97: {  	s18 =	sld [smem:$0x3FFB];
	_ =	sdelay $0x3  }
0x98: {  	_ =	strace s18  }
0x99: {  	s2 =	sld [smem:$0x3FFC];
	_ =	sdelay $0x3  }
0x9a: {  	_ =	strace s2  }
0x9b: {  	s2 =	sld [smem:$0x3FFD];
	_ =	sdelay $0x3  }
0x9c: {  	_ =	strace s2  }
0x9d: {  	_ =	strace $0x8FFFFFFF  }
0x9e: {  	s19 =	sld [smem:$0x3FDB];
	_ =	sdelay $0x1  }
0x9f: {  	s20 =	simm.s32 $_scs_section_size  }
0xa0: {  	s5 =	simm.s32 $_size__tile_overlayer_lowered;
	s6 =	simm.s32 $_tile_overlayer_lowered  }
0xa1: {  	s7 =	simm.s32 $0x1BFF;
	s21 =	sshll.u32 s6, $0x1;
	s4 =	sadd.s32 s20, s19  }
0xa2: {  	s22 =	simm.s32 $0x0;
	s5 =	sshll.u32 s5, $0x1;
	s6 =	sadd.s32 s21, s4  }
0xa3: {  	[timem:s22], [sflag:s7] =	dma.local [hbm:s6], s5  }
0xa4: {  	_ =	swait.ge [sflag:s7], s5  }
0xa5: {  	s5 =	ssub.s32 $0x0, s5;
	[sflag:s7] =	ssyncset.done $0x0  }
0xa6: {  	[sflag:s7] =	ssyncadd.s32 s5;
	_ =	sdelay $0x1  }
0xa7: {  	s23 =	simm.s32 $0x1B8B  }
0xa8: {  	_ =	swait.ge [sflag:s23], $0x1  }
0xa9: {  	[sflag:s23] =	ssyncset.done $0x0  }
0xaa: {  	[sflag:s23] =	ssyncadd.s32 $0xFFFFFFFF  }
0xab: {  	s5 =	sld [smem:$0x0]  }
0xac: {  	s6 =	sand.u32 $0xFFFFFFFE, s1  }
0xad: {  	p0 =	sne.s32 s1, s6  }
0xae: {  	s6 =	sshll.u32 @p0 s6, $0xE  }
0xaf: {  	s6 =	sadd.s32 @p0 $0x11B8D, s6;
	s7 =	sshll.u32 @p0 s5, $0x11  }
0xb0: {  	s6 =	sor.u32 @p0 s7, s6  }
0xb1: {  	[sflag:s6] =	ssyncadd.remote.s32 @p0 $0x1;
	_ =	sdelay $0x1  }
0xb2: {  	s6 =	simm.s32 @p0 $0x1B8D  }
0xb3: {  	_ =	swait.eq @p0 [sflag:s6], $0x1  }
0xb4: {  	[sflag:s6] =	ssyncadd.s32 @p0 $0xFFFFFFFF  }
0xb5: {  	s7 =	sshll.u32 @!p0 s1, $0xE  }
0xb6: {  	s7 =	sor.u32 @!p0 $0x4000, s7;
	s6 =	simm.s32 @!p0 $0x1B8D  }
0xb7: {  	s5 =	sshll.u32 @!p0 s5, $0x11;
	s7 =	sadd.s32 @!p0 $0x11B8D, s7;
	_ =	swait.eq @!p0 [sflag:s6], $0x1  }
0xb8: {  	s5 =	sor.u32 @!p0 s5, s7;
	[sflag:s6] =	ssyncadd.s32 @!p0 $0xFFFFFFFF  }
0xb9: {  	s25 =	simm.s32 $0x1B8E;
	s24 =	sld [smem:$0x3FFE];
	[sflag:s5] =	ssyncadd.remote.s32 @!p0 $0x1  }
0xba: {  	s26 =	simm.s32 $execute0_lowered;
	[smem:$0x3FD2] =	sst s25  }
0xbb: {  	s6 =	sshll.u32 s26, $0x1;
	_ =	strace $0x80000049;
	[dreg:$0x1] =	wrdreg $0xFFFFFFFF  }
0xbc: {  	s28 =	simm.s32 $_size_execute0_lowered;
	s4 =	sadd.s32 s4, s6;
	[dreg:$0x0] =	wrdreg $0x0  }
0xbd: {  	s6 =	sshll.u32 s28, $0x1;
	[dreg:$0x2] =	wrdreg s4  }
0xbe: {  	[dreg:$0x3] =	wrdreg s6  }
0xbf: {  	[dreg:$0x4] =	wrdreg $0xC0  }
0xc0: {  	_ =	task [dreg:s22], $0x5FFFF  }
0xc1: {  	[dreg:$0x1] =	wrdreg $0xFFFFFFFF  }
0xc2: {  	[dreg:$0x0] =	wrdreg $0x60  }
0xc3: {  	[dreg:$0x2] =	wrdreg s17  }
0xc4: {  	[dreg:$0x3] =	wrdreg s24  }
0xc5: {  	[dreg:$0x4] =	wrdreg $0x9  }
0xc6: {  	_ =	task.clear_ibuf [dreg:s22], $0x5FFFF;
	_ =	strace $0x90000049  }
0xc7: {  	s29 =	simm.s32 $0x9;
	_ =	strace $0x8000004B  }
0xc8: {  	_ =	swait.ge [sflag:s29], $0x1  }
0xc9: {  	[sflag:s29] =	ssyncadd.s32 $0xFFFFFFFF  }
0xca: {  	_ =	strace $0x9000004B  }
0xcb: {  	_ =	sfence  }
0xcc: {  	s30 =	sld [smem:$0x0];
	_ =	sdelay $0x2  }
0xcd: {  	s31 =	sshll.u32 s1, $0xD;
	s1 =	sshrl.u32 s1, $0x2  }
0xce: {  	s4 =	sand.u32 $0x4000, s31;
	s1 =	sadd.s32 s1, s30  }
0xcf: {  	s0 =	sor.u32 s4, s0;
	s1 =	sshll.u32 s1, $0x11  }
0xd0: {  	s0 =	sor.u32 s1, s0  }
0xd1: {  	s0 =	sadd.s32 $0x8F2B, s0  }
0xd2: {  	[sflag:s0] =	ssyncadd.remote.s32 $0x1  }
0xd3: {  	_ =	sfence.sel $0xFFFF  }
0xd4: {  	[dreg:$0x0] =	wrdreg $0xFFFFFFFF;
	(pc) =	sbr.abs _section_cstart, $3  }
0xd5: {  	[dreg:$0x1] =	wrdreg $0xFFFFFFFF  }
0xd6: {  	_ =	task.clear_ibuf [dreg:s22], $0x2FFFF;
	_ =	strace $0x9FFFFFFF  }
0xd7: {  	(tm) =	ssettm $0x7FFFFFFF  }
tec
execute0_lowered:
.L_overlay_start_1:
0x0: {  	(tag) =	ssettag $0x1  }
0x1: {  	s1 =	rddreg [dreg:$0x0]  }
0x2: {  	s5 =	rddreg [dreg:$0x1]  }
0x3: {  	s0 =	rddreg [dreg:$0x2];
	s3 =	simm.s32 $0x0;
	s4 =	srdreg.scid  }
0x4: {  	s2 =	stileid.u32;
	s10 =	simm.s32 $0x2;
	s11 =	simm.s32 $0x4000  }
0x5: {  	s12 =	simm.s32 $0x50;
	s13 =	simm.s32 $0x8000;
	s14 =	simm.s32 $0xA800  }
0x6: {  	s15 =	simm.s32 $0x1;
	s16 =	simm.s32 $0x0;
	[smem:$0x7FF] =	sst s3  }
0x7: {  	s6 =	sand.u32 $0x1, s4;
	s31 =	sshll.u32 s2, $0x1;
	s4 =	sadd.s32 $0x588E00, s5  }
0x8: {  	_ =	strace $0x8000004A;
	s8 =	sor.u32 s6, s31;
	s6 =	ssub.s32 $0x2, s6  }
0x9: {  	s7 =	sshll.u32 s8, $0xB;
	s9 =	sshrl.u32 s6, $0x1;
	s8 =	smul.u32 $0x138800, s8  }
0xa: {  	s7 =	sadd.s32 s7, s5;
	s5 =	sadd.s32 $0x5B0000, s5;
	s9 =	ssub.s32 s6, s9  }
0xb: {  	s6 =	sadd.s32 $0x10600, s7;
	s7 =	sadd.s32 $0x20600, s7;
	s9 =	smax.u32 s9, $0x1  }
.LBB2_1:
0xc: {  	[tilespmem:s3], [sflag:$0x2] =	stream.linear.gather [hbm4b:s6+s3], $0x3E80, $0x38;
	[tilespmem:$0xD000] =	vst v63  }
0xd: {  	_ =	swait.ge [sflag:s10], $0x3E80  }
0xe: {  	[sflag:s10] =	ssyncset.done $0x0  }
0xf: {  	[sflag:s10] =	ssyncadd.s32 $0xFFFFC180  }
0x10: {  	[tilespmem:s11], [sflag:$0x2] =	stream.linear.gather [hbm4b:s7+s3], $0x3E80, $0x38;
	[tilespmem:$0xD000] =	vst v63  }
0x11: {  	_ =	swait.ge [sflag:s10], $0x3E80  }
0x12: {  	[sflag:s10] =	ssyncset.done $0x0  }
0x13: {  	s17 =	simm.s32 $0x0;
	[sflag:s10] =	ssyncadd.s32 $0xFFFFC180  }
.LBB2_2:
0x14: {  	s18 =	sshll.u32 s17, $0x7  }
0x15: {  	[tilespmem:s13], [sflag:$0x1] =	stream.indirect.gather [hbm4b:s1+s12], $0x80, s18, s12, $0xb8;
	[tilespmem:$0xD000] =	vst v63  }
0x16: {  	s18 =	sadd.s32 $0x4000, s18  }
0x17: {  	[tilespmem:s14], [sflag:$0x1] =	stream.indirect.gather [hbm4b:s4+s12], $0x80, s18, s12, $0xb8;
	[tilespmem:$0xD000] =	vst v63  }
0x18: {  	_ =	swait.ge [sflag:s15], $0x2800  }
0x19: {  	[sflag:s15] =	ssyncset.done $0x0  }
0x1a: {  	[sflag:s15] =	ssyncadd.s32 $0xFFFFD800  }
0x1b: {  	_ =	swait.ge [sflag:s15], $0x2800  }
0x1c: {  	[sflag:s15] =	ssyncset.done $0x0  }
0x1d: {  	s18 =	simm.s32 $0x0;
	[sflag:s15] =	ssyncadd.s32 $0xFFFFD800  }
0x1e: {  	v6 =	vld [tilespmem:s18+$0xA800]  }
0x1f: {  	v11 =	vld [tilespmem:s18+$0xA810]  }
0x20: {  	v5 =	vld [tilespmem:s18+$0xA820]  }
0x21: {  	v4 =	vld [tilespmem:s18+$0xA830]  }
0x22: {  	v3 =	vld [tilespmem:s18+$0xA840]  }
0x23: {  	v2 =	vld [tilespmem:s18+$0xA850]  }
0x24: {  	v1 =	vld [tilespmem:s18+$0xA860]  }
0x25: {  	v0 =	vld [tilespmem:s18+$0xA870]  }
0x26: {  	v12 =	vld [tilespmem:s18+$0x8000]  }
0x27: {  	v13 =	vld [tilespmem:s18+$0x8010]  }
0x28: {  	v10 =	vld [tilespmem:s18+$0x8020]  }
0x29: {  	v9 =	vld [tilespmem:s18+$0x8030]  }
0x2a: {  	v8 =	vld [tilespmem:s18+$0x8040]  }
0x2b: {  	v7 =	vld [tilespmem:s18+$0x8050];
	v12 =	vadd.f32 v6, v12  }
0x2c: {  	s19 =	simm.s32 $0x200;
	v11 =	vadd.f32 v11, v13;
	v6 =	vld [tilespmem:s18+$0x8060]  }
.LBB2_3:
0x2d: {  	s20 =	sshra.s32 s19, $0x2;
	p0 =	sne.s32 s19, $0x9E00;
	[tilespmem:s18+$0x8000] =	vst v12;
	v5 =	vadd.f32 v5, v10;
	v10 =	vld [tilespmem:s18+$0x8070]  }
0x2e: {  	v12 =	vld [tilespmem:s20+$0xA800];
	[tilespmem:s18+$0x8010] =	vst v11;
	v4 =	vadd.f32 v4, v9  }
0x2f: {  	v11 =	vld [tilespmem:s20+$0xA810];
	[tilespmem:s18+$0x8020] =	vst v5;
	v3 =	vadd.f32 v3, v8  }
0x30: {  	v5 =	vld [tilespmem:s20+$0xA820];
	[tilespmem:s18+$0x8030] =	vst v4;
	v2 =	vadd.f32 v2, v7  }
0x31: {  	v4 =	vld [tilespmem:s20+$0xA830];
	[tilespmem:s18+$0x8040] =	vst v3;
	v1 =	vadd.f32 v1, v6  }
0x32: {  	v3 =	vld [tilespmem:s20+$0xA840];
	[tilespmem:s18+$0x8050] =	vst v2;
	v0 =	vadd.f32 v0, v10  }
0x33: {  	v2 =	vld [tilespmem:s20+$0xA850];
	[tilespmem:s18+$0x8060] =	vst v1  }
0x34: {  	v1 =	vld [tilespmem:s20+$0xA860];
	[tilespmem:s18+$0x8070] =	vst v0;
	s18 =	smov.u32 s20  }
0x35: {  	v0 =	vld [tilespmem:s18+$0xA870]  }
0x36: {  	v6 =	vld [tilespmem:s18+$0x8000]  }
0x37: {  	v13 =	vld [tilespmem:s18+$0x8010]  }
.Ltmp0:
0x38: {  	v10 =	vld [tilespmem:s18+$0x8020];
	(pc) =	sbr.rel @p0 .LBB2_3-.Ltmp0, $4  }
0x39: {  	v9 =	vld [tilespmem:s18+$0x8030]  }
0x3a: {  	v8 =	vld [tilespmem:s18+$0x8040]  }
0x3b: {  	v12 =	vadd.f32 v12, v6;
	v7 =	vld [tilespmem:s18+$0x8050]  }
0x3c: {  	s19 =	sadd.s32 $0x200, s19;
	v11 =	vadd.f32 v11, v13;
	v6 =	vld [tilespmem:s18+$0x8060]  }
0x3d: {  	[tilespmem:s18+$0x8000] =	vst v12;
	v5 =	vadd.f32 v5, v10;
	v63 =	vld [tilespmem:s18+$0x8070]  }
0x3e: {  	[tilespmem:s18+$0x8010] =	vst v11;
	v4 =	vadd.f32 v4, v9  }
0x3f: {  	[tilespmem:s18+$0x8020] =	vst v5;
	v3 =	vadd.f32 v3, v8  }
0x40: {  	s19 =	smul.u32 $0x2800, s17;
	[tilespmem:s18+$0x8030] =	vst v4;
	v2 =	vadd.f32 v2, v7  }
0x41: {  	[tilespmem:s18+$0x8040] =	vst v3;
	v1 =	vadd.f32 v1, v6  }
0x42: {  	s17 =	sadd.s32 $0x1, s17;
	s19 =	sadd.s32 s8, s19;
	[tilespmem:s18+$0x8050] =	vst v2;
	v0 =	vadd.f32 v0, v63  }
0x43: {  	p0 =	sne.s32 s17, $0x7D;
	s19 =	sshrl.u32 s19, $0x3;
	[tilespmem:s18+$0x8060] =	vst v1  }
.Ltmp1:
0x44: {  	s31 =	sadd.s32 s5, s19;
	[tilespmem:s18+$0x8070] =	vst v0;
	(pc) =	sbr.rel @p0 .LBB2_2-.Ltmp1, $4  }
0x45: {  	[hbm4b:s31+s3] =	stream.linear.scatter [tilespmem:s13], [sflag:$0x2], $0x2800, $0x38;
	[tilespmem:$0xD000] =	vst v63  }
0x46: {  	_ =	swait.ge [sflag:s10], $0x2800  }
0x47: {  	[sflag:s10] =	ssyncset.done $0x0  }
0x48: {  	[sflag:s10] =	ssyncadd.s32 $0xFFFFD800  }
0x49: {  	s16 =	sadd.s32 $0x1, s16  }
0x4a: {  	p0 =	sne.s32 s16, s9  }
.Ltmp2:
0x4b: {  	_ = 	snop;
	(pc) =	sbr.rel @p0 .LBB2_1-.Ltmp2, $1  }
0x4c: {  	_ =	sdelay $0x3  }
0x4d: {  	_ =	sfence.sel $0x180000  }
0x4e: {  	[bflag:$0x0] =	sbarrier.arrive $0xFFFF  }
0x4f: {  	p0 =	sne.s32 s2, $0x0;
	_ =	strace $0x9000004A  }
0x50: {  	s0 =	sadd.s32 @!p0 $0x100000, s0;
	[bflag:$0x2] =	sbarrier.arrive $0xFFFF  }
0x51: {  	[sflag:s0] =	ssyncadd.tile.s32 @!p0 $0x1;
	_ =	shalt  }
.Lfunc_end2:
_tile_overlayer_lowered:
.L_overlay_start_2:
0x52: {  	(tag) =	ssettag $0x2  }
0x53: {  	s0 =	rddreg [dreg:$0x0];
	s2 =	stileid.u32  }
0x54: {  	s1 =	rddreg [dreg:$0x1];
	p0 =	sne.s32 s2, $0x0  }
0x55: {  	s3 =	rddreg [dreg:$0x2];
	[bflag:$0x3] =	sbarrier.arrive $0xFFFF;
	s2 =	simm.s32 @!p0 $0x1C02  }
0x56: {  	[timem:s3], [sflag:s2] =	dma.local @!p0 [hbm:s0], s1  }
0x57: {  	s0 =	simm.s32 @!p0 $0x2  }
0x58: {  	_ =	swait.ge @!p0 [sflag:s0], s1  }
0x59: {  	s1 =	ssub.s32 @!p0 $0x0, s1;
	[sflag:s0] =	ssyncset.done @!p0 $0x0  }
0x5a: {  	[sflag:s0] =	ssyncadd.s32 @!p0 s1  }
0x5b: {  	[bflag:$0x3] =	sbarrier.arrive $0xFFFF  }
0x5c: {  	_ =	shalt  }

// kernel: kernel.19.cloned.1.call-start
scs
__scs_entry_jumppad:
0x0: {  	(pc) =	sbr.rel $0x88, $3  }
0x1: {  	(tag) =	ssettag $0x0;
	lr =	simm.s32 $0x1  }
0x2: {  	[smem:$0x3F8D] =	sst lr;
	_ =	strace $0xD0000000  }
0x3: {  	_ = 	snop  }
0x4: {  	_ = 	snop  }
0x5: {  	_ = 	snop  }
0x6: {  	_ = 	snop  }
0x7: {  	_ = 	snop  }
__scs_overlays_trampoline_lowered:
0x8: {  	[smem:$0x3F9C] =	sst s0  }
0x9: {  	[smem:$0x3F9D] =	sst s1  }
0xa: {  	[smem:$0x3F9E] =	sst s2  }
0xb: {  	[smem:$0x3F9F] =	sst s3  }
0xc: {  	[smem:$0x3FA0] =	sst s4  }
0xd: {  	[smem:$0x3FA1] =	sst s5  }
0xe: {  	[smem:$0x3FA2] =	sst s6  }
0xf: {  	[smem:$0x3FA3] =	sst s7  }
0x10: {  	[smem:$0x3FA4] =	sst s8  }
0x11: {  	[smem:$0x3FA5] =	sst s9;
	s0 =	simm.s32 @!p0 $0x0  }
0x12: {  	s1 =	sld [smem:$0x3F8B];
	s0 =	simm.s32 @p0 $0x1  }
0x13: {  	[smem:$0x3FA6] =	sst s0;
	s0 =	simm.s32 @!p1 $0x0  }
0x14: {  	s2 =	sld [smem:$0x3F8A];
	s0 =	simm.s32 @p1 $0x1  }
0x15: {  	[smem:$0x3FA7] =	sst s0;
	s0 =	simm.s32 @!p2 $0x0  }
0x16: {  	s3 =	sld [smem:$0x3FDB];
	s0 =	simm.s32 @p2 $0x1  }
0x17: {  	s4 =	simm.s32 $0x1BF5;
	[smem:$0x3FA9] =	sst s0  }
0x18: {  	s0 =	sld [smem:$0x3F8C];
	_ =	swait.ge [sflag:s4], $0x0  }
0x19: {  	s7 =	sld [smem:$0x3F8D]  }
0x1a: {  	s8 =	sadd.s32 $0xFFFFE003, lr  }
0x1b: {  	s9 =	sadd.s32 $0xFFFFFEF7, lr;
	s5 =	simm.s32 $0xFFFFFFFF;
	p2 =	slt.u32 s8, $0xFFFFF086  }
0x1c: {  	p1 =	slt.u32 s9, $0xF7A;
	s5 =	simm.s32 @!p2 $0x0  }
0x1d: {  	s5 =	simm.s32 @p1 $0x1;
	p0 =	seq.s32 s7, s2  }
0x1e: {  	s7 =	smul.u32 @!p0 $0xF7A, s2;
	p2 =	seq.s32 @!p0 s5, $0x0  }
0x1f: {  	s9 =	smul.u32 $0xF7A, s1;
	s8 =	simm.s32 @!p0 $0x1BF5;
	p2 =	por !p2, p0  }
0x20: {  	[sflag:s8] =	ssyncset.s32 @!p0 $0xFFFFF086;
	s6 =	sadd.s32 @!p0 s3, s7;
	s7 =	simm.s32 @!p0 $0x108  }
0x21: {  	s3 =	sadd.s32 s3, s9;
	s6 =	sadd.s32 @!p0 $0x88, s6;
	s7 =	simm.s32 @p2 $0x1082  }
0x22: {  	[simem:s7], [sflag:s8] =	dma.local @!p0 [hbm:s6], $0xF7A  }
0x23: {  	s9 =	sor.u32 $0xD0000000, s2;
	s6 =	simm.s32 $0x108;
	_ =	swait.ge @!p0 [sflag:s8], $0x0  }
0x24: {  	s3 =	sadd.s32 $0x88, s3;
	s6 =	simm.s32 @!p1 $0x1082;
	[sflag:s4] =	ssyncset.s32 $0xFFFFF086  }
0x25: {  	[simem:s6], [sflag:s4] =	dma.local [hbm:s3], $0xF7A  }
0x26: {  	[smem:$0x3F8D] =	sst s1;
	(tag) =	ssettag s2;
	_ =	strace s9  }
0x27: {  	s1 =	sld [smem:$0x3F9D]  }
0x28: {  	s2 =	sld [smem:$0x3F9E]  }
0x29: {  	s4 =	sld [smem:$0x3FA0]  }
0x2a: {  	p0 =	seq.s32 s5, $0x0;
	s5 =	sld [smem:$0x3FA1]  }
0x2b: {  	s6 =	sld [smem:$0x3FA2]  }
0x2c: {  	s7 =	sld [smem:$0x3FA3]  }
0x2d: {  	s3 =	simm.s32 $0x108;
	s8 =	sld [smem:$0x3FA4]  }
0x2e: {  	s3 =	simm.s32 @!p0 $0x1082;
	s9 =	sld [smem:$0x3FA5]  }
0x2f: {  	lr =	sadd.s32 s0, s3;
	s0 =	sld [smem:$0x3F9C]  }
0x30: {  	s3 =	sld [smem:$0x3F9F]  }
0x31: {  	[smem:$0x3FA8] =	sst s10  }
0x32: {  	s10 =	sld [smem:$0x3FA6];
	_ =	sdelay $0x3  }
0x33: {  	p0 =	seq.s32 s10, $0x1;
	s10 =	sld [smem:$0x3FA8];
	_ =	sdelay $0x3  }
0x34: {  	[smem:$0x3FA8] =	sst s10  }
0x35: {  	s10 =	sld [smem:$0x3FA7];
	_ =	sdelay $0x3  }
0x36: {  	p1 =	seq.s32 s10, $0x1;
	s10 =	sld [smem:$0x3FA8];
	_ =	sdelay $0x3  }
0x37: {  	[smem:$0x3FA8] =	sst s10  }
0x38: {  	s10 =	sld [smem:$0x3FA9]  }
0x39: {  	_ = 	snop;
	(pc) =	sbr.ind lr, $3  }
0x3a: {  	_ = 	snop  }
0x3b: {  	_ = 	snop  }
0x3c: {  	p2 =	seq.s32 s10, $0x1;
	s10 =	sld [smem:$0x3FA8]  }
0x3d: {  	_ =	shalt  }
0x3e: {  	_ =	shalt  }
0x3f: {  	_ =	shalt  }
0x40: {  	_ =	shalt  }
0x41: {  	_ =	shalt  }
0x42: {  	_ =	shalt  }
0x43: {  	_ =	shalt  }
0x44: {  	_ =	shalt  }
0x45: {  	_ =	shalt  }
0x46: {  	_ =	shalt  }
0x47: {  	_ =	shalt  }
0x48: {  	_ =	shalt  }
0x49: {  	_ =	shalt  }
0x4a: {  	_ =	shalt  }
0x4b: {  	_ =	shalt  }
0x4c: {  	_ =	shalt  }
0x4d: {  	_ =	shalt  }
0x4e: {  	_ =	shalt  }
0x4f: {  	_ =	shalt  }
0x50: {  	_ =	shalt  }
0x51: {  	_ =	shalt  }
0x52: {  	_ =	shalt  }
0x53: {  	_ =	shalt  }
0x54: {  	_ =	shalt  }
0x55: {  	_ =	shalt  }
0x56: {  	_ =	shalt  }
0x57: {  	_ =	shalt  }
0x58: {  	_ =	shalt  }
0x59: {  	_ =	shalt  }
0x5a: {  	_ =	shalt  }
0x5b: {  	_ =	shalt  }
0x5c: {  	_ =	shalt  }
0x5d: {  	_ =	shalt  }
0x5e: {  	_ =	shalt  }
0x5f: {  	_ =	shalt  }
0x60: {  	_ =	shalt  }
0x61: {  	_ =	shalt  }
0x62: {  	_ =	shalt  }
0x63: {  	_ =	shalt  }
0x64: {  	_ =	shalt  }
0x65: {  	_ =	shalt  }
0x66: {  	_ =	shalt  }
0x67: {  	_ =	shalt  }
0x68: {  	_ =	shalt  }
0x69: {  	_ =	shalt  }
0x6a: {  	_ =	shalt  }
0x6b: {  	_ =	shalt  }
0x6c: {  	_ =	shalt  }
0x6d: {  	_ =	shalt  }
0x6e: {  	_ =	shalt  }
0x6f: {  	_ =	shalt  }
0x70: {  	_ =	shalt  }
0x71: {  	_ =	shalt  }
0x72: {  	_ =	shalt  }
0x73: {  	_ =	shalt  }
0x74: {  	_ =	shalt  }
0x75: {  	_ =	shalt  }
0x76: {  	_ =	shalt  }
0x77: {  	_ =	shalt  }
0x78: {  	_ =	shalt  }
0x79: {  	_ =	shalt  }
0x7a: {  	_ =	shalt  }
0x7b: {  	_ =	shalt  }
0x7c: {  	_ =	shalt  }
0x7d: {  	_ =	shalt  }
0x7e: {  	_ =	shalt  }
0x7f: {  	_ =	shalt  }
0x80: {  	_ =	shalt  }
0x81: {  	_ =	shalt  }
0x82: {  	_ =	shalt  }
0x83: {  	_ =	shalt  }
0x84: {  	_ =	shalt  }
0x85: {  	_ =	shalt  }
0x86: {  	_ =	shalt  }
0x87: {  	_ =	shalt  }
.Lfunc_end0:
.L_simem_size_0:
called_computation.1_lowered:
.L_overlay_start_0:
0x88: {  	s2 =	sld [smem:$0x3FD9]  }
0x89: {  	s3 =	sld [smem:$0x3FFE];
	_ =	sdelay $0x1  }
0x8a: {  	s1 =	srdreg.scid  }
0x8b: {  	s0 =	sand.u32 $0x1, s1  }
0x8c: {  	s16 =	sshll.u32 s0, $0xA;
	s2 =	sadd.s32 s3, s2  }
0x8d: {  	s2 =	sadd.s32 s2, s16  }
0x8e: {  	[smem:$0x3FB4] =	sst s2  }
0x8f: {  	_ = 	snop  }
0x90: {  	(tm) =	ssettm $0x1  }
0x91: {  	s17 =	sld [smem:$0x3FFB];
	_ =	sdelay $0x3  }
0x92: {  	_ =	strace s17  }
0x93: {  	s2 =	sld [smem:$0x3FFC];
	_ =	sdelay $0x3  }
0x94: {  	_ =	strace s2  }
0x95: {  	s2 =	sld [smem:$0x3FFD];
	_ =	sdelay $0x3  }
0x96: {  	_ =	strace s2  }
0x97: {  	_ =	strace $0x8FFFFFFF  }
0x98: {  	s18 =	sld [smem:$0x3FDB];
	_ =	sdelay $0x1  }
0x99: {  	s19 =	simm.s32 $_scs_section_size  }
0x9a: {  	s4 =	simm.s32 $_size__tile_overlayer_lowered;
	s5 =	simm.s32 $_tile_overlayer_lowered  }
0x9b: {  	s22 =	simm.s32 $0x1BFF;
	s21 =	sshll.u32 s5, $0x1;
	s2 =	sadd.s32 s19, s18  }
0x9c: {  	s6 =	simm.s32 $0x0;
	s20 =	sshll.u32 s4, $0x1;
	s4 =	sadd.s32 s21, s2  }
0x9d: {  	[timem:s6], [sflag:s22] =	dma.local [hbm:s4], s20  }
0x9e: {  	_ =	swait.ge [sflag:s22], s20  }
0x9f: {  	s3 =	ssub.s32 $0x0, s20;
	[sflag:s22] =	ssyncset.done $0x0  }
0xa0: {  	[sflag:s22] =	ssyncadd.s32 s3;
	_ =	sdelay $0x1  }
0xa1: {  	s23 =	simm.s32 $0x1B8B  }
0xa2: {  	_ =	swait.ge [sflag:s23], $0x1  }
0xa3: {  	[sflag:s23] =	ssyncset.done $0x0  }
0xa4: {  	s25 =	simm.s32 $0x1B8E;
	s24 =	sld [smem:$0x3FFE];
	[sflag:s23] =	ssyncadd.s32 $0xFFFFFFFF  }
0xa5: {  	s26 =	simm.s32 $execute0_lowered;
	[smem:$0x3FD2] =	sst s25  }
0xa6: {  	s4 =	sshll.u32 s26, $0x1;
	_ =	strace $0x80000046;
	[dreg:$0x1] =	wrdreg $0xFFFFFFFF  }
0xa7: {  	s28 =	simm.s32 $_size_execute0_lowered;
	s2 =	sadd.s32 s2, s4;
	[dreg:$0x0] =	wrdreg $0x0  }
0xa8: {  	s4 =	sshll.u32 s28, $0x1;
	[dreg:$0x2] =	wrdreg s2  }
0xa9: {  	[dreg:$0x3] =	wrdreg s4  }
0xaa: {  	[dreg:$0x4] =	wrdreg $0xC0  }
0xab: {  	_ =	task [dreg:s6], $0x5FFFF  }
0xac: {  	[dreg:$0x1] =	wrdreg $0xFFFFFFFF  }
0xad: {  	[dreg:$0x0] =	wrdreg $0x60  }
0xae: {  	[dreg:$0x2] =	wrdreg s24  }
0xaf: {  	[dreg:$0x3] =	wrdreg $0xA  }
0xb0: {  	_ =	task.clear_ibuf [dreg:s6], $0x4FFFF;
	_ =	strace $0x90000046  }
0xb1: {  	s29 =	simm.s32 $0xA;
	_ =	strace $0x80000048  }
0xb2: {  	_ =	swait.ge [sflag:s29], $0x1  }
0xb3: {  	[sflag:s29] =	ssyncadd.s32 $0xFFFFFFFF  }
0xb4: {  	_ =	strace $0x90000048  }
0xb5: {  	_ =	sfence  }
0xb6: {  	s30 =	sld [smem:$0x0];
	_ =	sdelay $0x2  }
0xb7: {  	s31 =	sshll.u32 s1, $0xD;
	s1 =	sshrl.u32 s1, $0x2  }
0xb8: {  	s3 =	sand.u32 $0x4000, s31;
	s1 =	sadd.s32 s1, s30  }
0xb9: {  	s0 =	sor.u32 s3, s0;
	s1 =	sshll.u32 s1, $0x11  }
0xba: {  	s0 =	sor.u32 s1, s0  }
0xbb: {  	s0 =	sadd.s32 $0x8F2B, s0  }
0xbc: {  	[sflag:s0] =	ssyncadd.remote.s32 $0x1  }
0xbd: {  	_ =	sfence.sel $0xFFFF  }
0xbe: {  	[dreg:$0x0] =	wrdreg $0xFFFFFFFF;
	(pc) =	sbr.abs _section_cstart, $3  }
0xbf: {  	[dreg:$0x1] =	wrdreg $0xFFFFFFFF  }
0xc0: {  	_ =	task.clear_ibuf [dreg:s6], $0x2FFFF;
	_ =	strace $0x9FFFFFFF  }
0xc1: {  	(tm) =	ssettm $0x7FFFFFFF  }
tec
execute0_lowered:
.L_overlay_start_1:
0x0: {  	(tag) =	ssettag $0x1  }
0x1: {  	s5 =	rddreg [dreg:$0x0]  }
0x2: {  	s0 =	rddreg [dreg:$0x1];
	s2 =	simm.s32 $0x0  }
0x3: {  	s3 =	srdreg.scid;
	s1 =	stileid.u32;
	s10 =	simm.s32 $0x2  }
0x4: {  	s11 =	simm.s32 $0x4000;
	s12 =	simm.s32 $0x50;
	s13 =	simm.s32 $0x8000  }
0x5: {  	s14 =	simm.s32 $0xA800;
	s15 =	simm.s32 $0x1;
	s16 =	simm.s32 $0xD000  }
0x6: {  	s17 =	simm.s32 $0x0;
	[smem:$0x7FF] =	sst s2;
	s4 =	sand.u32 $0x1, s3  }
0x7: {  	s6 =	sshll.u32 s1, $0x1;
	s3 =	sadd.s32 $0x7EA00, s5;
	_ =	strace $0x80000047  }
0x8: {  	s8 =	sor.u32 s4, s6;
	s31 =	ssub.s32 $0x2, s4;
	s4 =	sadd.s32 $0x57800, s5  }
0x9: {  	s7 =	sshll.u32 s8, $0xB;
	s9 =	sshrl.u32 s31, $0x1;
	s8 =	smul.u32 $0x138800, s8  }
0xa: {  	s7 =	sadd.s32 s7, s5;
	s5 =	sadd.s32 $0xA5C00, s5;
	s9 =	ssub.s32 s31, s9  }
0xb: {  	s6 =	sadd.s32 $0x10600, s7;
	s7 =	sadd.s32 $0x20600, s7;
	s9 =	smax.u32 s9, $0x1  }
.LBB2_1:
0xc: {  	[tilespmem:s2], [sflag:$0x2] =	stream.linear.gather [hbm4b:s6+s2], $0x3E80, $0x38;
	[tilespmem:$0xF800] =	vst v63  }
0xd: {  	_ =	swait.ge [sflag:s10], $0x3E80  }
0xe: {  	[sflag:s10] =	ssyncset.done $0x0  }
0xf: {  	[sflag:s10] =	ssyncadd.s32 $0xFFFFC180  }
0x10: {  	[tilespmem:s11], [sflag:$0x2] =	stream.linear.gather [hbm4b:s7+s2], $0x3E80, $0x38;
	[tilespmem:$0xF800] =	vst v63  }
0x11: {  	_ =	swait.ge [sflag:s10], $0x3E80  }
0x12: {  	[sflag:s10] =	ssyncset.done $0x0  }
0x13: {  	s18 =	simm.s32 $0x0;
	[sflag:s10] =	ssyncadd.s32 $0xFFFFC180  }
.LBB2_2:
0x14: {  	s19 =	sshll.u32 s18, $0x7  }
0x15: {  	[tilespmem:s13], [sflag:$0x1] =	stream.indirect.gather [hbm4b:s3+s12], $0x80, s19, s12, $0xb8;
	[tilespmem:$0xF800] =	vst v63  }
0x16: {  	s19 =	sadd.s32 $0x4000, s19  }
0x17: {  	[tilespmem:s14], [sflag:$0x1] =	stream.indirect.gather [hbm4b:s4+s12], $0x80, s19, s12, $0xb8;
	[tilespmem:$0xF800] =	vst v63  }
0x18: {  	_ =	swait.ge [sflag:s15], $0x2800  }
0x19: {  	[sflag:s15] =	ssyncset.done $0x0  }
0x1a: {  	[sflag:s15] =	ssyncadd.s32 $0xFFFFD800  }
0x1b: {  	_ =	swait.ge [sflag:s15], $0x2800  }
0x1c: {  	[sflag:s15] =	ssyncset.done $0x0  }
0x1d: {  	s19 =	simm.s32 $0x0;
	[sflag:s15] =	ssyncadd.s32 $0xFFFFD800  }
0x1e: {  	v0 =	vld [tilespmem:s19+$0x8000]  }
0x1f: {  	s20 =	simm.s32 $0x200;
	v1 =	vld [tilespmem:s19+$0xA800]  }
.LBB2_3:
0x20: {  	_ = 	snop  }
0x21: {  	p0 =	sne.s32 s20, $0x9E00  }
.Ltmp0:
0x22: {  	_ = 	snop;
	(pc) =	sbr.rel @p0 .LBB2_3-.Ltmp0, $4  }
0x23: {  	_ = 	snop  }
0x24: {  	s21 =	sshra.s32 s20, $0x2;
	v2 =	vadd.f32 v1, v0  }
0x25: {  	v0 =	vld [tilespmem:s21+$0x8000]  }
0x26: {  	s20 =	sadd.s32 $0x200, s20;
	v1 =	vld [tilespmem:s21+$0xA800];
	[tilespmem:s19+$0xD000] =	vst v2;
	s19 =	smov.u32 s21  }
0x27: {  	_ =	sdelay $0x1  }
0x28: {  	s20 =	smul.u32 $0x2800, s18;
	_ =	sdelay $0x1  }
0x29: {  	s18 =	sadd.s32 $0x1, s18;
	s20 =	sadd.s32 s8, s20;
	v0 =	vadd.f32 v1, v0  }
0x2a: {  	p0 =	sne.s32 s18, $0x7D;
	s20 =	sshrl.u32 s20, $0x3  }
.Ltmp1:
0x2b: {  	s31 =	sadd.s32 s5, s20;
	[tilespmem:s19+$0xD000] =	vst v0;
	(pc) =	sbr.rel @p0 .LBB2_2-.Ltmp1, $4  }
0x2c: {  	[hbm4b:s31+s2] =	stream.linear.scatter [tilespmem:s16], [sflag:$0x2], $0x2800, $0x38;
	[tilespmem:$0xF800] =	vst v63  }
0x2d: {  	_ =	swait.ge [sflag:s10], $0x2800  }
0x2e: {  	[sflag:s10] =	ssyncset.done $0x0  }
0x2f: {  	[sflag:s10] =	ssyncadd.s32 $0xFFFFD800  }
0x30: {  	s17 =	sadd.s32 $0x1, s17  }
0x31: {  	p0 =	sne.s32 s17, s9  }
.Ltmp2:
0x32: {  	_ = 	snop;
	(pc) =	sbr.rel @p0 .LBB2_1-.Ltmp2, $1  }
0x33: {  	_ =	sdelay $0x3  }
0x34: {  	_ =	sfence.sel $0x180000  }
0x35: {  	[bflag:$0x0] =	sbarrier.arrive $0xFFFF  }
0x36: {  	p0 =	sne.s32 s1, $0x0;
	_ =	strace $0x90000047  }
0x37: {  	s0 =	sadd.s32 @!p0 $0x100000, s0;
	[bflag:$0x2] =	sbarrier.arrive $0xFFFF  }
0x38: {  	[sflag:s0] =	ssyncadd.tile.s32 @!p0 $0x1;
	_ =	shalt  }
.Lfunc_end2:
_tile_overlayer_lowered:
.L_overlay_start_2:
0x39: {  	(tag) =	ssettag $0x2  }
0x3a: {  	s0 =	rddreg [dreg:$0x0];
	s2 =	stileid.u32  }
0x3b: {  	s1 =	rddreg [dreg:$0x1];
	p0 =	sne.s32 s2, $0x0  }
0x3c: {  	s3 =	rddreg [dreg:$0x2];
	[bflag:$0x3] =	sbarrier.arrive $0xFFFF;
	s2 =	simm.s32 @!p0 $0x1C02  }
0x3d: {  	[timem:s3], [sflag:s2] =	dma.local @!p0 [hbm:s0], s1  }
0x3e: {  	s0 =	simm.s32 @!p0 $0x2  }
0x3f: {  	_ =	swait.ge @!p0 [sflag:s0], s1  }
0x40: {  	s1 =	ssub.s32 @!p0 $0x0, s1;
	[sflag:s0] =	ssyncset.done @!p0 $0x0  }
0x41: {  	[sflag:s0] =	ssyncadd.s32 @!p0 s1  }
0x42: {  	[bflag:$0x3] =	sbarrier.arrive $0xFFFF  }
0x43: {  	_ =	shalt  }

// kernel: kernel.22.cloned.1.call-start
scs
__scs_entry_jumppad:
0x0: {  	(pc) =	sbr.rel $0x88, $3  }
0x1: {  	(tag) =	ssettag $0x0;
	lr =	simm.s32 $0x1  }
0x2: {  	[smem:$0x3F8D] =	sst lr;
	_ =	strace $0xD0000000  }
0x3: {  	_ = 	snop  }
0x4: {  	_ = 	snop  }
0x5: {  	_ = 	snop  }
0x6: {  	_ = 	snop  }
0x7: {  	_ = 	snop  }
__scs_overlays_trampoline_lowered:
0x8: {  	[smem:$0x3F9C] =	sst s0  }
0x9: {  	[smem:$0x3F9D] =	sst s1  }
0xa: {  	[smem:$0x3F9E] =	sst s2  }
0xb: {  	[smem:$0x3F9F] =	sst s3  }
0xc: {  	[smem:$0x3FA0] =	sst s4  }
0xd: {  	[smem:$0x3FA1] =	sst s5  }
0xe: {  	[smem:$0x3FA2] =	sst s6  }
0xf: {  	[smem:$0x3FA3] =	sst s7  }
0x10: {  	[smem:$0x3FA4] =	sst s8  }
0x11: {  	[smem:$0x3FA5] =	sst s9;
	s0 =	simm.s32 @!p0 $0x0  }
0x12: {  	s1 =	sld [smem:$0x3F8B];
	s0 =	simm.s32 @p0 $0x1  }
0x13: {  	[smem:$0x3FA6] =	sst s0;
	s0 =	simm.s32 @!p1 $0x0  }
0x14: {  	s2 =	sld [smem:$0x3F8A];
	s0 =	simm.s32 @p1 $0x1  }
0x15: {  	[smem:$0x3FA7] =	sst s0;
	s0 =	simm.s32 @!p2 $0x0  }
0x16: {  	s3 =	sld [smem:$0x3FDB];
	s0 =	simm.s32 @p2 $0x1  }
0x17: {  	s4 =	simm.s32 $0x1BF5;
	[smem:$0x3FA9] =	sst s0  }
0x18: {  	s0 =	sld [smem:$0x3F8C];
	_ =	swait.ge [sflag:s4], $0x0  }
0x19: {  	s7 =	sld [smem:$0x3F8D]  }
0x1a: {  	s8 =	sadd.s32 $0xFFFFE003, lr  }
0x1b: {  	s9 =	sadd.s32 $0xFFFFFEF7, lr;
	s5 =	simm.s32 $0xFFFFFFFF;
	p2 =	slt.u32 s8, $0xFFFFF086  }
0x1c: {  	p1 =	slt.u32 s9, $0xF7A;
	s5 =	simm.s32 @!p2 $0x0  }
0x1d: {  	s5 =	simm.s32 @p1 $0x1;
	p0 =	seq.s32 s7, s2  }
0x1e: {  	s7 =	smul.u32 @!p0 $0xF7A, s2;
	p2 =	seq.s32 @!p0 s5, $0x0  }
0x1f: {  	s9 =	smul.u32 $0xF7A, s1;
	s8 =	simm.s32 @!p0 $0x1BF5;
	p2 =	por !p2, p0  }
0x20: {  	[sflag:s8] =	ssyncset.s32 @!p0 $0xFFFFF086;
	s6 =	sadd.s32 @!p0 s3, s7;
	s7 =	simm.s32 @!p0 $0x108  }
0x21: {  	s3 =	sadd.s32 s3, s9;
	s6 =	sadd.s32 @!p0 $0x88, s6;
	s7 =	simm.s32 @p2 $0x1082  }
0x22: {  	[simem:s7], [sflag:s8] =	dma.local @!p0 [hbm:s6], $0xF7A  }
0x23: {  	s9 =	sor.u32 $0xD0000000, s2;
	s6 =	simm.s32 $0x108;
	_ =	swait.ge @!p0 [sflag:s8], $0x0  }
0x24: {  	s3 =	sadd.s32 $0x88, s3;
	s6 =	simm.s32 @!p1 $0x1082;
	[sflag:s4] =	ssyncset.s32 $0xFFFFF086  }
0x25: {  	[simem:s6], [sflag:s4] =	dma.local [hbm:s3], $0xF7A  }
0x26: {  	[smem:$0x3F8D] =	sst s1;
	(tag) =	ssettag s2;
	_ =	strace s9  }
0x27: {  	s1 =	sld [smem:$0x3F9D]  }
0x28: {  	s2 =	sld [smem:$0x3F9E]  }
0x29: {  	s4 =	sld [smem:$0x3FA0]  }
0x2a: {  	p0 =	seq.s32 s5, $0x0;
	s5 =	sld [smem:$0x3FA1]  }
0x2b: {  	s6 =	sld [smem:$0x3FA2]  }
0x2c: {  	s7 =	sld [smem:$0x3FA3]  }
0x2d: {  	s3 =	simm.s32 $0x108;
	s8 =	sld [smem:$0x3FA4]  }
0x2e: {  	s3 =	simm.s32 @!p0 $0x1082;
	s9 =	sld [smem:$0x3FA5]  }
0x2f: {  	lr =	sadd.s32 s0, s3;
	s0 =	sld [smem:$0x3F9C]  }
0x30: {  	s3 =	sld [smem:$0x3F9F]  }
0x31: {  	[smem:$0x3FA8] =	sst s10  }
0x32: {  	s10 =	sld [smem:$0x3FA6];
	_ =	sdelay $0x3  }
0x33: {  	p0 =	seq.s32 s10, $0x1;
	s10 =	sld [smem:$0x3FA8];
	_ =	sdelay $0x3  }
0x34: {  	[smem:$0x3FA8] =	sst s10  }
0x35: {  	s10 =	sld [smem:$0x3FA7];
	_ =	sdelay $0x3  }
0x36: {  	p1 =	seq.s32 s10, $0x1;
	s10 =	sld [smem:$0x3FA8];
	_ =	sdelay $0x3  }
0x37: {  	[smem:$0x3FA8] =	sst s10  }
0x38: {  	s10 =	sld [smem:$0x3FA9]  }
0x39: {  	_ = 	snop;
	(pc) =	sbr.ind lr, $3  }
0x3a: {  	_ = 	snop  }
0x3b: {  	_ = 	snop  }
0x3c: {  	p2 =	seq.s32 s10, $0x1;
	s10 =	sld [smem:$0x3FA8]  }
0x3d: {  	_ =	shalt  }
0x3e: {  	_ =	shalt  }
0x3f: {  	_ =	shalt  }
0x40: {  	_ =	shalt  }
0x41: {  	_ =	shalt  }
0x42: {  	_ =	shalt  }
0x43: {  	_ =	shalt  }
0x44: {  	_ =	shalt  }
0x45: {  	_ =	shalt  }
0x46: {  	_ =	shalt  }
0x47: {  	_ =	shalt  }
0x48: {  	_ =	shalt  }
0x49: {  	_ =	shalt  }
0x4a: {  	_ =	shalt  }
0x4b: {  	_ =	shalt  }
0x4c: {  	_ =	shalt  }
0x4d: {  	_ =	shalt  }
0x4e: {  	_ =	shalt  }
0x4f: {  	_ =	shalt  }
0x50: {  	_ =	shalt  }
0x51: {  	_ =	shalt  }
0x52: {  	_ =	shalt  }
0x53: {  	_ =	shalt  }
0x54: {  	_ =	shalt  }
0x55: {  	_ =	shalt  }
0x56: {  	_ =	shalt  }
0x57: {  	_ =	shalt  }
0x58: {  	_ =	shalt  }
0x59: {  	_ =	shalt  }
0x5a: {  	_ =	shalt  }
0x5b: {  	_ =	shalt  }
0x5c: {  	_ =	shalt  }
0x5d: {  	_ =	shalt  }
0x5e: {  	_ =	shalt  }
0x5f: {  	_ =	shalt  }
0x60: {  	_ =	shalt  }
0x61: {  	_ =	shalt  }
0x62: {  	_ =	shalt  }
0x63: {  	_ =	shalt  }
0x64: {  	_ =	shalt  }
0x65: {  	_ =	shalt  }
0x66: {  	_ =	shalt  }
0x67: {  	_ =	shalt  }
0x68: {  	_ =	shalt  }
0x69: {  	_ =	shalt  }
0x6a: {  	_ =	shalt  }
0x6b: {  	_ =	shalt  }
0x6c: {  	_ =	shalt  }
0x6d: {  	_ =	shalt  }
0x6e: {  	_ =	shalt  }
0x6f: {  	_ =	shalt  }
0x70: {  	_ =	shalt  }
0x71: {  	_ =	shalt  }
0x72: {  	_ =	shalt  }
0x73: {  	_ =	shalt  }
0x74: {  	_ =	shalt  }
0x75: {  	_ =	shalt  }
0x76: {  	_ =	shalt  }
0x77: {  	_ =	shalt  }
0x78: {  	_ =	shalt  }
0x79: {  	_ =	shalt  }
0x7a: {  	_ =	shalt  }
0x7b: {  	_ =	shalt  }
0x7c: {  	_ =	shalt  }
0x7d: {  	_ =	shalt  }
0x7e: {  	_ =	shalt  }
0x7f: {  	_ =	shalt  }
0x80: {  	_ =	shalt  }
0x81: {  	_ =	shalt  }
0x82: {  	_ =	shalt  }
0x83: {  	_ =	shalt  }
0x84: {  	_ =	shalt  }
0x85: {  	_ =	shalt  }
0x86: {  	_ =	shalt  }
0x87: {  	_ =	shalt  }
.Lfunc_end0:
.L_simem_size_0:
called_computation.2_lowered:
.L_overlay_start_0:
0x88: {  	s2 =	sld [smem:$0x3FD9]  }
0x89: {  	s3 =	sld [smem:$0x3FFE];
	_ =	sdelay $0x1  }
0x8a: {  	s1 =	srdreg.scid  }
0x8b: {  	s0 =	sand.u32 $0x1, s1  }
0x8c: {  	s16 =	sshll.u32 s0, $0xA;
	s2 =	sadd.s32 s3, s2  }
0x8d: {  	s2 =	sadd.s32 s2, s16  }
0x8e: {  	[smem:$0x3FB4] =	sst s2  }
0x8f: {  	_ = 	snop  }
0x90: {  	(tm) =	ssettm $0x1  }
0x91: {  	s17 =	sld [smem:$0x3FFB];
	_ =	sdelay $0x3  }
0x92: {  	_ =	strace s17  }
0x93: {  	s2 =	sld [smem:$0x3FFC];
	_ =	sdelay $0x3  }
0x94: {  	_ =	strace s2  }
0x95: {  	s2 =	sld [smem:$0x3FFD];
	_ =	sdelay $0x3  }
0x96: {  	_ =	strace s2  }
0x97: {  	_ =	strace $0x8FFFFFFF  }
0x98: {  	s18 =	sld [smem:$0x3FDB];
	_ =	sdelay $0x1  }
0x99: {  	s19 =	simm.s32 $_scs_section_size  }
0x9a: {  	s4 =	simm.s32 $_size__tile_overlayer_lowered;
	s5 =	simm.s32 $_tile_overlayer_lowered  }
0x9b: {  	s22 =	simm.s32 $0x1BFF;
	s21 =	sshll.u32 s5, $0x1;
	s2 =	sadd.s32 s19, s18  }
0x9c: {  	s6 =	simm.s32 $0x0;
	s20 =	sshll.u32 s4, $0x1;
	s4 =	sadd.s32 s21, s2  }
0x9d: {  	[timem:s6], [sflag:s22] =	dma.local [hbm:s4], s20  }
0x9e: {  	_ =	swait.ge [sflag:s22], s20  }
0x9f: {  	s3 =	ssub.s32 $0x0, s20;
	[sflag:s22] =	ssyncset.done $0x0  }
0xa0: {  	[sflag:s22] =	ssyncadd.s32 s3;
	_ =	sdelay $0x1  }
0xa1: {  	s23 =	simm.s32 $0x1B8B  }
0xa2: {  	_ =	swait.ge [sflag:s23], $0x1  }
0xa3: {  	[sflag:s23] =	ssyncset.done $0x0  }
0xa4: {  	s25 =	simm.s32 $0x1B8E;
	s24 =	sld [smem:$0x3FFE];
	[sflag:s23] =	ssyncadd.s32 $0xFFFFFFFF  }
0xa5: {  	s26 =	simm.s32 $execute0_lowered;
	[smem:$0x3FD2] =	sst s25  }
0xa6: {  	s4 =	sshll.u32 s26, $0x1;
	_ =	strace $0x8000004C;
	[dreg:$0x1] =	wrdreg $0xFFFFFFFF  }
0xa7: {  	s28 =	simm.s32 $_size_execute0_lowered;
	s2 =	sadd.s32 s2, s4;
	[dreg:$0x0] =	wrdreg $0x0  }
0xa8: {  	s4 =	sshll.u32 s28, $0x1;
	[dreg:$0x2] =	wrdreg s2  }
0xa9: {  	[dreg:$0x3] =	wrdreg s4  }
0xaa: {  	[dreg:$0x4] =	wrdreg $0xC0  }
0xab: {  	_ =	task [dreg:s6], $0x5FFFF  }
0xac: {  	[dreg:$0x1] =	wrdreg $0xFFFFFFFF  }
0xad: {  	[dreg:$0x0] =	wrdreg $0x60  }
0xae: {  	[dreg:$0x2] =	wrdreg s24  }
0xaf: {  	[dreg:$0x3] =	wrdreg $0x90000  }
0xb0: {  	[dreg:$0x4] =	wrdreg $0x9  }
0xb1: {  	_ =	task.clear_ibuf [dreg:s6], $0x5FFFF;
	_ =	strace $0x9000004C  }
0xb2: {  	s29 =	simm.s32 $0x9;
	_ =	strace $0x8000004E  }
0xb3: {  	_ =	swait.ge [sflag:s29], $0x1  }
0xb4: {  	[sflag:s29] =	ssyncadd.s32 $0xFFFFFFFF  }
0xb5: {  	_ =	strace $0x9000004E  }
0xb6: {  	_ =	sfence  }
0xb7: {  	s30 =	sld [smem:$0x0];
	_ =	sdelay $0x2  }
0xb8: {  	s31 =	sshll.u32 s1, $0xD;
	s1 =	sshrl.u32 s1, $0x2  }
0xb9: {  	s3 =	sand.u32 $0x4000, s31;
	s1 =	sadd.s32 s1, s30  }
0xba: {  	s0 =	sor.u32 s3, s0;
	s1 =	sshll.u32 s1, $0x11  }
0xbb: {  	s0 =	sor.u32 s1, s0  }
0xbc: {  	s0 =	sadd.s32 $0x8F2B, s0  }
0xbd: {  	[sflag:s0] =	ssyncadd.remote.s32 $0x1  }
0xbe: {  	_ =	sfence.sel $0xFFFF  }
0xbf: {  	[dreg:$0x0] =	wrdreg $0xFFFFFFFF;
	(pc) =	sbr.abs _section_cstart, $3  }
0xc0: {  	[dreg:$0x1] =	wrdreg $0xFFFFFFFF  }
0xc1: {  	_ =	task.clear_ibuf [dreg:s6], $0x2FFFF;
	_ =	strace $0x9FFFFFFF  }
0xc2: {  	(tm) =	ssettm $0x7FFFFFFF  }
0xc3: {  	_ =	shalt  }
tec
execute0_lowered:
.L_overlay_start_1:
0x0: {  	(tag) =	ssettag $0x1  }
0x1: {  	s1 =	srdreg.scid  }
0x2: {  	s0 =	stileid.u32;
	s4 =	rddreg [dreg:$0x0]  }
0x3: {  	s2 =	rddreg [dreg:$0x1];
	s3 =	simm.s32 $0x0;
	s16 =	simm.s32 $0x6800  }
0x4: {  	s17 =	simm.s32 $0x1;
	s18 =	simm.s32 $0x4000;
	s6 =	smul.u32 $0x271000, s0  }
0x5: {  	s19 =	simm.s32 $0x50;
	s22 =	simm.s32 $0x0;
	s8 =	smul.u32 $0x14000, s0  }
0x6: {  	s5 =	sand.u32 $0x1, s1;
	s1 =	rddreg [dreg:$0x2];
	s29 =	smul.u32 $0x50000, s0  }
0x7: {  	[smem:$0x7FF] =	sst s3;
	s28 =	sshll.u32 s0, $0xC;
	s7 =	smul.u32 $0x138800, s5  }
0x8: {  	s20 =	sshll.u32 s0, $0x6;
	s26 =	smul.u32 $0x140000, s5;
	_ =	strace $0x8000004D  }
0x9: {  	s9 =	sshll.u32 s5, $0xB;
	s5 =	ssub.s32 $0x2, s5;
	s20 =	sor.u32 $0x1C01, s20  }
0xa: {  	s30 =	sshrl.u32 s5, $0x1;
	s6 =	sadd.s32 s7, s6;
	s7 =	sadd.s32 s8, s26  }
0xb: {  	s8 =	sshrl.u32 s29, $0x2;
	s31 =	ssub.s32 s5, s30;
	s6 =	sshrl.u32 s6, $0x3  }
0xc: {  	s7 =	sshrl.u32 s7, $0x3;
	s5 =	sadd.s32 s8, s2;
	s15 =	sadd.s32 s6, s4  }
0xd: {  	s6 =	sor.u32 s9, s28;
	s7 =	sadd.s32 s7, s4;
	s8 =	sadd.s32 $0x2800, s5  }
0xe: {  	s9 =	sadd.s32 $0x5000, s5;
	s10 =	sadd.s32 $0x7800, s5;
	s11 =	sadd.s32 $0xA000, s5  }
0xf: {  	s12 =	sadd.s32 $0xC800, s5;
	s13 =	sadd.s32 $0xF000, s5;
	s14 =	sadd.s32 $0x11800, s5  }
0x10: {  	s21 =	sshrl.u32 s5, $0x3;
	s6 =	sadd.s32 s6, s4;
	s15 =	sadd.s32 $0x57800, s15  }
0x11: {  	v0 =	vimm.f32 $0.0e+00;
	s4 =	sadd.s32 $0x10600, s6;
	s6 =	sadd.s32 $0x539800, s7;
	s7 =	smax.u32 s31, $0x1  }
.LBB2_1:
0x12: {  	s23 =	simm.s32 $0x0;
	s24 =	simm.s32 $0x200  }
.LBB2_2:
0x13: {  	p0 =	sne.s32 s24, $0x9E00;
	[tilespmem:s23+$0x6870] =	vst v0  }
0x14: {  	[tilespmem:s23+$0x6800] =	vst v0  }
0x15: {  	[tilespmem:s23+$0x6810] =	vst v0  }
.Ltmp0:
0x16: {  	[tilespmem:s23+$0x6820] =	vst v0;
	(pc) =	sbr.rel @p0 .LBB2_2-.Ltmp0, $4  }
0x17: {  	[tilespmem:s23+$0x6830] =	vst v0  }
0x18: {  	[tilespmem:s23+$0x6840] =	vst v0  }
0x19: {  	[tilespmem:s23+$0x6850] =	vst v0  }
0x1a: {  	[tilespmem:s23+$0x6860] =	vst v0;
	s23 =	sshra.s32 s24, $0x2;
	s24 =	sadd.s32 $0x200, s24  }
0x1b: {  	[tilespmem:s23+$0x6870] =	vst v0  }
0x1c: {  	[tilespmem:s23+$0x6800] =	vst v0  }
0x1d: {  	[tilespmem:s23+$0x6810] =	vst v0  }
0x1e: {  	[tilespmem:s23+$0x6820] =	vst v0  }
0x1f: {  	[tilespmem:s23+$0x6830] =	vst v0  }
0x20: {  	[tilespmem:s23+$0x6840] =	vst v0  }
0x21: {  	[tilespmem:s23+$0x6850] =	vst v0  }
0x22: {  	[tilespmem:s23+$0x6860] =	vst v0  }
0x23: {  	[spmem:s5] =	stream.linear.scatter [tilespmem:s16], [sflag:$0x1], $0x2800, $0x38;
	[tilespmem:$0x1D000] =	vst v63  }
0x24: {  	_ =	swait.ge [sflag:s17], $0x2800  }
0x25: {  	[sflag:s17] =	ssyncset.done $0x0  }
0x26: {  	[sflag:s17] =	ssyncadd.s32 $0xFFFFD800  }
0x27: {  	[spmem:s8] =	stream.linear.scatter [tilespmem:s16], [sflag:$0x1], $0x2800, $0x38;
	[tilespmem:$0x1D000] =	vst v63  }
0x28: {  	_ =	swait.ge [sflag:s17], $0x2800  }
0x29: {  	[sflag:s17] =	ssyncset.done $0x0  }
0x2a: {  	[sflag:s17] =	ssyncadd.s32 $0xFFFFD800  }
0x2b: {  	[spmem:s9] =	stream.linear.scatter [tilespmem:s16], [sflag:$0x1], $0x2800, $0x38;
	[tilespmem:$0x1D000] =	vst v63  }
0x2c: {  	_ =	swait.ge [sflag:s17], $0x2800  }
0x2d: {  	[sflag:s17] =	ssyncset.done $0x0  }
0x2e: {  	[sflag:s17] =	ssyncadd.s32 $0xFFFFD800  }
0x2f: {  	[spmem:s10] =	stream.linear.scatter [tilespmem:s16], [sflag:$0x1], $0x2800, $0x38;
	[tilespmem:$0x1D000] =	vst v63  }
0x30: {  	_ =	swait.ge [sflag:s17], $0x2800  }
0x31: {  	[sflag:s17] =	ssyncset.done $0x0  }
0x32: {  	[sflag:s17] =	ssyncadd.s32 $0xFFFFD800  }
0x33: {  	[spmem:s11] =	stream.linear.scatter [tilespmem:s16], [sflag:$0x1], $0x2800, $0x38;
	[tilespmem:$0x1D000] =	vst v63  }
0x34: {  	_ =	swait.ge [sflag:s17], $0x2800  }
0x35: {  	[sflag:s17] =	ssyncset.done $0x0  }
0x36: {  	[sflag:s17] =	ssyncadd.s32 $0xFFFFD800  }
0x37: {  	[spmem:s12] =	stream.linear.scatter [tilespmem:s16], [sflag:$0x1], $0x2800, $0x38;
	[tilespmem:$0x1D000] =	vst v63  }
0x38: {  	_ =	swait.ge [sflag:s17], $0x2800  }
0x39: {  	[sflag:s17] =	ssyncset.done $0x0  }
0x3a: {  	[sflag:s17] =	ssyncadd.s32 $0xFFFFD800  }
0x3b: {  	[spmem:s13] =	stream.linear.scatter [tilespmem:s16], [sflag:$0x1], $0x2800, $0x38;
	[tilespmem:$0x1D000] =	vst v63  }
0x3c: {  	_ =	swait.ge [sflag:s17], $0x2800  }
0x3d: {  	[sflag:s17] =	ssyncset.done $0x0  }
0x3e: {  	[sflag:s17] =	ssyncadd.s32 $0xFFFFD800  }
0x3f: {  	[spmem:s14] =	stream.linear.scatter [tilespmem:s16], [sflag:$0x1], $0x2800, $0x38;
	[tilespmem:$0x1D000] =	vst v63  }
0x40: {  	_ =	swait.ge [sflag:s17], $0x2800  }
0x41: {  	[sflag:s17] =	ssyncset.done $0x0  }
0x42: {  	[sflag:s17] =	ssyncadd.s32 $0xFFFFD800  }
0x43: {  	s30 =	simm.s32 $0x0;
	[bflag:$0x0] =	sbarrier.arrive $0xFFFF  }
0x44: {  	[tilespmem:s30], [sflag:$0x1] =	stream.linear.gather [hbm4b:s4+s30], $0x3E80, $0x38;
	[tilespmem:$0x1D000] =	vst v63  }
0x45: {  	_ =	swait.ge [sflag:s17], $0x3E80  }
0x46: {  	[sflag:s17] =	ssyncset.done $0x0  }
0x47: {  	[sflag:s17] =	ssyncadd.s32 $0xFFFFC180  }
0x48: {  	[tilespmem:s18], [sflag:$0x1] =	stream.linear.gather [hbm4b:s15+s3], $0x2800, $0x38;
	[tilespmem:$0x1D000] =	vst v63  }
0x49: {  	_ =	swait.ge [sflag:s17], $0x2800  }
0x4a: {  	[sflag:s17] =	ssyncset.done $0x0  }
0x4b: {  	s31 =	simm.s32 $0x0;
	[sflag:s17] =	ssyncadd.s32 $0xFFFFD800  }
0x4c: {  	[spmem:s2] =	stream.indirect.scatter.add.f32 [tilespmem:s18], [sflag:$0x1], $0x80, s31, s19, $0xb8;
	[tilespmem:$0x1D000] =	vst v63  }
0x4d: {  	_ =	swait.ge [sflag:s17], $0x2800  }
0x4e: {  	s23 =	simm.s32 $0x200;
	s24 =	smov.u32 s15;
	[sflag:s17] =	ssyncset.done $0x0  }
.LBB2_4:
0x4f: {  	p0 =	sne.s32 s23, $0xF800;
	[sflag:s17] =	ssyncadd.s32 $0xFFFFD800;
	s24 =	sadd.s32 $0x500, s24  }
0x50: {  	[tilespmem:s18], [sflag:$0x1] =	stream.linear.gather [hbm4b:s24+s3], $0x2800, $0x38;
	[tilespmem:$0x1D000] =	vst v63  }
0x51: {  	s25 =	smov.u32 s23;
	s23 =	sadd.s32 $0x200, s23;
	_ =	swait.ge [sflag:s17], $0x2800  }
.Ltmp1:
0x52: {  	[sflag:s17] =	ssyncset.done $0x0;
	(pc) =	sbr.rel @p0 .LBB2_4-.Ltmp1, $4  }
0x53: {  	s25 =	sshra.s32 s25, $0x2;
	[sflag:s17] =	ssyncadd.s32 $0xFFFFD800  }
0x54: {  	[spmem:s2] =	stream.indirect.scatter.add.f32 [tilespmem:s18], [sflag:$0x1], $0x80, s25, s19, $0xb8;
	[tilespmem:$0x1D000] =	vst v63  }
0x55: {  	_ =	swait.ge [sflag:s17], $0x2800  }
0x56: {  	[sflag:s17] =	ssyncset.done $0x0  }
0x57: {  	s22 =	sadd.s32 $0x1, s22  }
0x58: {  	[sflag:s17] =	ssyncadd.s32 $0xFFFFD800;
	p0 =	sne.s32 s22, s7  }
.Ltmp2:
0x59: {  	[bflag:$0x0] =	sbarrier.arrive $0xFFFF;
	(pc) =	sbr.rel @p0 .LBB2_1-.Ltmp2, $4  }
0x5a: {  	[hbm:s6], [sflag:s20] =	dma.local [spmem:s21], $0x2800  }
0x5b: {  	_ =	swait.ge [sflag:s17], $0x2800  }
0x5c: {  	[sflag:s17] =	ssyncset.done $0x0  }
0x5d: {  	[sflag:s17] =	ssyncadd.s32 $0xFFFFD800  }
0x5e: {  	_ =	sfence.sel $0x180000  }
0x5f: {  	[bflag:$0x0] =	sbarrier.arrive $0xFFFF  }
0x60: {  	p0 =	sne.s32 s0, $0x0;
	_ =	strace $0x9000004D  }
0x61: {  	s0 =	sadd.s32 @!p0 $0x100000, s1;
	[bflag:$0x2] =	sbarrier.arrive $0xFFFF  }
0x62: {  	[sflag:s0] =	ssyncadd.tile.s32 @!p0 $0x1;
	_ =	shalt  }
.Lfunc_end2:
_tile_overlayer_lowered:
.L_overlay_start_2:
0x63: {  	(tag) =	ssettag $0x2  }
0x64: {  	s0 =	rddreg [dreg:$0x0];
	s2 =	stileid.u32  }
0x65: {  	s1 =	rddreg [dreg:$0x1];
	p0 =	sne.s32 s2, $0x0  }
0x66: {  	s3 =	rddreg [dreg:$0x2];
	[bflag:$0x3] =	sbarrier.arrive $0xFFFF;
	s2 =	simm.s32 @!p0 $0x1C01  }
0x67: {  	[timem:s3], [sflag:s2] =	dma.local @!p0 [hbm:s0], s1  }
0x68: {  	s0 =	simm.s32 @!p0 $0x1  }
0x69: {  	_ =	swait.ge @!p0 [sflag:s0], s1  }
0x6a: {  	s1 =	ssub.s32 @!p0 $0x0, s1;
	[sflag:s0] =	ssyncset.done @!p0 $0x0  }
0x6b: {  	[sflag:s0] =	ssyncadd.s32 @!p0 s1  }
0x6c: {  	[bflag:$0x3] =	sbarrier.arrive $0xFFFF  }
0x6d: {  	_ =	shalt  }

// kernel: kernel.25.cloned.1.call-start
scs
__scs_entry_jumppad:
0x0: {  	(pc) =	sbr.rel $0x88, $3  }
0x1: {  	(tag) =	ssettag $0x0;
	lr =	simm.s32 $0x1  }
0x2: {  	[smem:$0x3F8D] =	sst lr;
	_ =	strace $0xD0000000  }
0x3: {  	_ = 	snop  }
0x4: {  	_ = 	snop  }
0x5: {  	_ = 	snop  }
0x6: {  	_ = 	snop  }
0x7: {  	_ = 	snop  }
__scs_overlays_trampoline_lowered:
0x8: {  	[smem:$0x3F9C] =	sst s0  }
0x9: {  	[smem:$0x3F9D] =	sst s1  }
0xa: {  	[smem:$0x3F9E] =	sst s2  }
0xb: {  	[smem:$0x3F9F] =	sst s3  }
0xc: {  	[smem:$0x3FA0] =	sst s4  }
0xd: {  	[smem:$0x3FA1] =	sst s5  }
0xe: {  	[smem:$0x3FA2] =	sst s6  }
0xf: {  	[smem:$0x3FA3] =	sst s7  }
0x10: {  	[smem:$0x3FA4] =	sst s8  }
0x11: {  	[smem:$0x3FA5] =	sst s9;
	s0 =	simm.s32 @!p0 $0x0  }
0x12: {  	s1 =	sld [smem:$0x3F8B];
	s0 =	simm.s32 @p0 $0x1  }
0x13: {  	[smem:$0x3FA6] =	sst s0;
	s0 =	simm.s32 @!p1 $0x0  }
0x14: {  	s2 =	sld [smem:$0x3F8A];
	s0 =	simm.s32 @p1 $0x1  }
0x15: {  	[smem:$0x3FA7] =	sst s0;
	s0 =	simm.s32 @!p2 $0x0  }
0x16: {  	s3 =	sld [smem:$0x3FDB];
	s0 =	simm.s32 @p2 $0x1  }
0x17: {  	s4 =	simm.s32 $0x1BF5;
	[smem:$0x3FA9] =	sst s0  }
0x18: {  	s0 =	sld [smem:$0x3F8C];
	_ =	swait.ge [sflag:s4], $0x0  }
0x19: {  	s7 =	sld [smem:$0x3F8D]  }
0x1a: {  	s8 =	sadd.s32 $0xFFFFE003, lr  }
0x1b: {  	s9 =	sadd.s32 $0xFFFFFEF7, lr;
	s5 =	simm.s32 $0xFFFFFFFF;
	p2 =	slt.u32 s8, $0xFFFFF086  }
0x1c: {  	p1 =	slt.u32 s9, $0xF7A;
	s5 =	simm.s32 @!p2 $0x0  }
0x1d: {  	s5 =	simm.s32 @p1 $0x1;
	p0 =	seq.s32 s7, s2  }
0x1e: {  	s7 =	smul.u32 @!p0 $0xF7A, s2;
	p2 =	seq.s32 @!p0 s5, $0x0  }
0x1f: {  	s9 =	smul.u32 $0xF7A, s1;
	s8 =	simm.s32 @!p0 $0x1BF5;
	p2 =	por !p2, p0  }
0x20: {  	[sflag:s8] =	ssyncset.s32 @!p0 $0xFFFFF086;
	s6 =	sadd.s32 @!p0 s3, s7;
	s7 =	simm.s32 @!p0 $0x108  }
0x21: {  	s3 =	sadd.s32 s3, s9;
	s6 =	sadd.s32 @!p0 $0x88, s6;
	s7 =	simm.s32 @p2 $0x1082  }
0x22: {  	[simem:s7], [sflag:s8] =	dma.local @!p0 [hbm:s6], $0xF7A  }
0x23: {  	s9 =	sor.u32 $0xD0000000, s2;
	s6 =	simm.s32 $0x108;
	_ =	swait.ge @!p0 [sflag:s8], $0x0  }
0x24: {  	s3 =	sadd.s32 $0x88, s3;
	s6 =	simm.s32 @!p1 $0x1082;
	[sflag:s4] =	ssyncset.s32 $0xFFFFF086  }
0x25: {  	[simem:s6], [sflag:s4] =	dma.local [hbm:s3], $0xF7A  }
0x26: {  	[smem:$0x3F8D] =	sst s1;
	(tag) =	ssettag s2;
	_ =	strace s9  }
0x27: {  	s1 =	sld [smem:$0x3F9D]  }
0x28: {  	s2 =	sld [smem:$0x3F9E]  }
0x29: {  	s4 =	sld [smem:$0x3FA0]  }
0x2a: {  	p0 =	seq.s32 s5, $0x0;
	s5 =	sld [smem:$0x3FA1]  }
0x2b: {  	s6 =	sld [smem:$0x3FA2]  }
0x2c: {  	s7 =	sld [smem:$0x3FA3]  }
0x2d: {  	s3 =	simm.s32 $0x108;
	s8 =	sld [smem:$0x3FA4]  }
0x2e: {  	s3 =	simm.s32 @!p0 $0x1082;
	s9 =	sld [smem:$0x3FA5]  }
0x2f: {  	lr =	sadd.s32 s0, s3;
	s0 =	sld [smem:$0x3F9C]  }
0x30: {  	s3 =	sld [smem:$0x3F9F]  }
0x31: {  	[smem:$0x3FA8] =	sst s10  }
0x32: {  	s10 =	sld [smem:$0x3FA6];
	_ =	sdelay $0x3  }
0x33: {  	p0 =	seq.s32 s10, $0x1;
	s10 =	sld [smem:$0x3FA8];
	_ =	sdelay $0x3  }
0x34: {  	[smem:$0x3FA8] =	sst s10  }
0x35: {  	s10 =	sld [smem:$0x3FA7];
	_ =	sdelay $0x3  }
0x36: {  	p1 =	seq.s32 s10, $0x1;
	s10 =	sld [smem:$0x3FA8];
	_ =	sdelay $0x3  }
0x37: {  	[smem:$0x3FA8] =	sst s10  }
0x38: {  	s10 =	sld [smem:$0x3FA9]  }
0x39: {  	_ = 	snop;
	(pc) =	sbr.ind lr, $3  }
0x3a: {  	_ = 	snop  }
0x3b: {  	_ = 	snop  }
0x3c: {  	p2 =	seq.s32 s10, $0x1;
	s10 =	sld [smem:$0x3FA8]  }
0x3d: {  	_ =	shalt  }
0x3e: {  	_ =	shalt  }
0x3f: {  	_ =	shalt  }
0x40: {  	_ =	shalt  }
0x41: {  	_ =	shalt  }
0x42: {  	_ =	shalt  }
0x43: {  	_ =	shalt  }
0x44: {  	_ =	shalt  }
0x45: {  	_ =	shalt  }
0x46: {  	_ =	shalt  }
0x47: {  	_ =	shalt  }
0x48: {  	_ =	shalt  }
0x49: {  	_ =	shalt  }
0x4a: {  	_ =	shalt  }
0x4b: {  	_ =	shalt  }
0x4c: {  	_ =	shalt  }
0x4d: {  	_ =	shalt  }
0x4e: {  	_ =	shalt  }
0x4f: {  	_ =	shalt  }
0x50: {  	_ =	shalt  }
0x51: {  	_ =	shalt  }
0x52: {  	_ =	shalt  }
0x53: {  	_ =	shalt  }
0x54: {  	_ =	shalt  }
0x55: {  	_ =	shalt  }
0x56: {  	_ =	shalt  }
0x57: {  	_ =	shalt  }
0x58: {  	_ =	shalt  }
0x59: {  	_ =	shalt  }
0x5a: {  	_ =	shalt  }
0x5b: {  	_ =	shalt  }
0x5c: {  	_ =	shalt  }
0x5d: {  	_ =	shalt  }
0x5e: {  	_ =	shalt  }
0x5f: {  	_ =	shalt  }
0x60: {  	_ =	shalt  }
0x61: {  	_ =	shalt  }
0x62: {  	_ =	shalt  }
0x63: {  	_ =	shalt  }
0x64: {  	_ =	shalt  }
0x65: {  	_ =	shalt  }
0x66: {  	_ =	shalt  }
0x67: {  	_ =	shalt  }
0x68: {  	_ =	shalt  }
0x69: {  	_ =	shalt  }
0x6a: {  	_ =	shalt  }
0x6b: {  	_ =	shalt  }
0x6c: {  	_ =	shalt  }
0x6d: {  	_ =	shalt  }
0x6e: {  	_ =	shalt  }
0x6f: {  	_ =	shalt  }
0x70: {  	_ =	shalt  }
0x71: {  	_ =	shalt  }
0x72: {  	_ =	shalt  }
0x73: {  	_ =	shalt  }
0x74: {  	_ =	shalt  }
0x75: {  	_ =	shalt  }
0x76: {  	_ =	shalt  }
0x77: {  	_ =	shalt  }
0x78: {  	_ =	shalt  }
0x79: {  	_ =	shalt  }
0x7a: {  	_ =	shalt  }
0x7b: {  	_ =	shalt  }
0x7c: {  	_ =	shalt  }
0x7d: {  	_ =	shalt  }
0x7e: {  	_ =	shalt  }
0x7f: {  	_ =	shalt  }
0x80: {  	_ =	shalt  }
0x81: {  	_ =	shalt  }
0x82: {  	_ =	shalt  }
0x83: {  	_ =	shalt  }
0x84: {  	_ =	shalt  }
0x85: {  	_ =	shalt  }
0x86: {  	_ =	shalt  }
0x87: {  	_ =	shalt  }
.Lfunc_end0:
.L_simem_size_0:
called_computation.3_lowered:
.L_overlay_start_0:
0x88: {  	s2 =	sld [smem:$0x3FD9]  }
0x89: {  	s3 =	sld [smem:$0x3FFE];
	_ =	sdelay $0x1  }
0x8a: {  	s1 =	srdreg.scid  }
0x8b: {  	s0 =	sand.u32 $0x1, s1  }
0x8c: {  	s16 =	sshll.u32 s0, $0xA;
	s2 =	sadd.s32 s3, s2  }
0x8d: {  	s2 =	sadd.s32 s2, s16  }
0x8e: {  	[smem:$0x3FB4] =	sst s2  }
0x8f: {  	_ = 	snop  }
0x90: {  	(tm) =	ssettm $0x1  }
0x91: {  	s17 =	sld [smem:$0x3FFB];
	_ =	sdelay $0x3  }
0x92: {  	_ =	strace s17  }
0x93: {  	s2 =	sld [smem:$0x3FFC];
	_ =	sdelay $0x3  }
0x94: {  	_ =	strace s2  }
0x95: {  	s2 =	sld [smem:$0x3FFD];
	_ =	sdelay $0x3  }
0x96: {  	_ =	strace s2  }
0x97: {  	_ =	strace $0x8FFFFFFF  }
0x98: {  	s18 =	sld [smem:$0x3FDB];
	_ =	sdelay $0x1  }
0x99: {  	s19 =	simm.s32 $_scs_section_size  }
0x9a: {  	s4 =	simm.s32 $_size__tile_overlayer_lowered;
	s5 =	simm.s32 $_tile_overlayer_lowered  }
0x9b: {  	s22 =	simm.s32 $0x1BFF;
	s21 =	sshll.u32 s5, $0x1;
	s2 =	sadd.s32 s19, s18  }
0x9c: {  	s6 =	simm.s32 $0x0;
	s20 =	sshll.u32 s4, $0x1;
	s4 =	sadd.s32 s21, s2  }
0x9d: {  	[timem:s6], [sflag:s22] =	dma.local [hbm:s4], s20  }
0x9e: {  	_ =	swait.ge [sflag:s22], s20  }
0x9f: {  	s3 =	ssub.s32 $0x0, s20;
	[sflag:s22] =	ssyncset.done $0x0  }
0xa0: {  	[sflag:s22] =	ssyncadd.s32 s3;
	_ =	sdelay $0x1  }
0xa1: {  	s23 =	simm.s32 $0x1B8B  }
0xa2: {  	_ =	swait.ge [sflag:s23], $0x1  }
0xa3: {  	[sflag:s23] =	ssyncset.done $0x0  }
0xa4: {  	s25 =	simm.s32 $0x1B8E;
	s24 =	sld [smem:$0x3FFE];
	[sflag:s23] =	ssyncadd.s32 $0xFFFFFFFF  }
0xa5: {  	s26 =	simm.s32 $execute0_lowered;
	[smem:$0x3FD2] =	sst s25  }
0xa6: {  	s4 =	sshll.u32 s26, $0x1;
	_ =	strace $0x8000004F;
	[dreg:$0x1] =	wrdreg $0xFFFFFFFF  }
0xa7: {  	s28 =	simm.s32 $_size_execute0_lowered;
	s2 =	sadd.s32 s2, s4;
	[dreg:$0x0] =	wrdreg $0x0  }
0xa8: {  	s4 =	sshll.u32 s28, $0x1;
	[dreg:$0x2] =	wrdreg s2  }
0xa9: {  	[dreg:$0x3] =	wrdreg s4  }
0xaa: {  	[dreg:$0x4] =	wrdreg $0xC0  }
0xab: {  	_ =	task [dreg:s6], $0x5FFFF  }
0xac: {  	[dreg:$0x1] =	wrdreg $0xFFFFFFFF  }
0xad: {  	[dreg:$0x0] =	wrdreg $0x60  }
0xae: {  	[dreg:$0x2] =	wrdreg s24  }
0xaf: {  	[dreg:$0x3] =	wrdreg $0x9  }
0xb0: {  	_ =	task.clear_ibuf [dreg:s6], $0x4FFFF;
	_ =	strace $0x9000004F  }
0xb1: {  	s29 =	simm.s32 $0x9;
	_ =	strace $0x80000051  }
0xb2: {  	_ =	swait.ge [sflag:s29], $0x1  }
0xb3: {  	[sflag:s29] =	ssyncadd.s32 $0xFFFFFFFF  }
0xb4: {  	_ =	strace $0x90000051  }
0xb5: {  	_ =	sfence  }
0xb6: {  	s30 =	sld [smem:$0x0];
	_ =	sdelay $0x2  }
0xb7: {  	s31 =	sshll.u32 s1, $0xD;
	s1 =	sshrl.u32 s1, $0x2  }
0xb8: {  	s3 =	sand.u32 $0x4000, s31;
	s1 =	sadd.s32 s1, s30  }
0xb9: {  	s0 =	sor.u32 s3, s0;
	s1 =	sshll.u32 s1, $0x11  }
0xba: {  	s0 =	sor.u32 s1, s0  }
0xbb: {  	s0 =	sadd.s32 $0x8F2B, s0  }
0xbc: {  	[sflag:s0] =	ssyncadd.remote.s32 $0x1  }
0xbd: {  	_ =	sfence.sel $0xFFFF  }
0xbe: {  	[dreg:$0x0] =	wrdreg $0xFFFFFFFF;
	(pc) =	sbr.abs _section_cstart, $3  }
0xbf: {  	[dreg:$0x1] =	wrdreg $0xFFFFFFFF  }
0xc0: {  	_ =	task.clear_ibuf [dreg:s6], $0x2FFFF;
	_ =	strace $0x9FFFFFFF  }
0xc1: {  	(tm) =	ssettm $0x7FFFFFFF  }
tec
execute0_lowered:
.L_overlay_start_1:
0x0: {  	(tag) =	ssettag $0x1  }
0x1: {  	s5 =	rddreg [dreg:$0x0]  }
0x2: {  	s0 =	rddreg [dreg:$0x1]  }
0x3: {  	s2 =	simm.s32 $0x0;
	s3 =	srdreg.scid;
	s1 =	stileid.u32  }
0x4: {  	s10 =	simm.s32 $0x2;
	s11 =	simm.s32 $0x4000;
	s12 =	simm.s32 $0x50  }
0x5: {  	s13 =	simm.s32 $0x8000;
	s14 =	simm.s32 $0xA800;
	s15 =	simm.s32 $0x1  }
0x6: {  	s16 =	simm.s32 $0x0;
	[smem:$0x7FF] =	sst s2;
	s6 =	sand.u32 $0x1, s3  }
0x7: {  	s4 =	sshll.u32 s1, $0x1;
	s3 =	sadd.s32 $0x590200, s5;
	_ =	strace $0x80000050  }
0x8: {  	s8 =	sor.u32 s6, s4;
	s4 =	sadd.s32 $0x5B7400, s5;
	s6 =	ssub.s32 $0x2, s6  }
0x9: {  	s7 =	sshll.u32 s8, $0xB;
	s9 =	sshrl.u32 s6, $0x1;
	s8 =	smul.u32 $0x138800, s8  }
0xa: {  	s7 =	sadd.s32 s7, s5;
	s5 =	sadd.s32 $0x57800, s5;
	s9 =	ssub.s32 s6, s9  }
0xb: {  	s6 =	sadd.s32 $0x10600, s7;
	s7 =	sadd.s32 $0x20600, s7;
	s9 =	smax.u32 s9, $0x1  }
.LBB2_1:
0xc: {  	[tilespmem:s2], [sflag:$0x2] =	stream.linear.gather [hbm4b:s6+s2], $0x3E80, $0x38;
	[tilespmem:$0xD000] =	vst v63  }
0xd: {  	_ =	swait.ge [sflag:s10], $0x3E80  }
0xe: {  	[sflag:s10] =	ssyncset.done $0x0  }
0xf: {  	[sflag:s10] =	ssyncadd.s32 $0xFFFFC180  }
0x10: {  	[tilespmem:s11], [sflag:$0x2] =	stream.linear.gather [hbm4b:s7+s2], $0x3E80, $0x38;
	[tilespmem:$0xD000] =	vst v63  }
0x11: {  	_ =	swait.ge [sflag:s10], $0x3E80  }
0x12: {  	[sflag:s10] =	ssyncset.done $0x0  }
0x13: {  	s17 =	simm.s32 $0x0;
	[sflag:s10] =	ssyncadd.s32 $0xFFFFC180  }
.LBB2_2:
0x14: {  	s18 =	sshll.u32 s17, $0x7  }
0x15: {  	[tilespmem:s13], [sflag:$0x1] =	stream.indirect.gather [hbm4b:s3+s12], $0x80, s18, s12, $0xb8;
	[tilespmem:$0xD000] =	vst v63  }
0x16: {  	s18 =	sadd.s32 $0x4000, s18  }
0x17: {  	[tilespmem:s14], [sflag:$0x1] =	stream.indirect.gather [hbm4b:s4+s12], $0x80, s18, s12, $0xb8;
	[tilespmem:$0xD000] =	vst v63  }
0x18: {  	_ =	swait.ge [sflag:s15], $0x2800  }
0x19: {  	[sflag:s15] =	ssyncset.done $0x0  }
0x1a: {  	[sflag:s15] =	ssyncadd.s32 $0xFFFFD800  }
0x1b: {  	_ =	swait.ge [sflag:s15], $0x2800  }
0x1c: {  	[sflag:s15] =	ssyncset.done $0x0  }
0x1d: {  	s18 =	simm.s32 $0x0;
	[sflag:s15] =	ssyncadd.s32 $0xFFFFD800  }
0x1e: {  	v6 =	vld [tilespmem:s18+$0xA800]  }
0x1f: {  	v11 =	vld [tilespmem:s18+$0xA810]  }
0x20: {  	v5 =	vld [tilespmem:s18+$0xA820]  }
0x21: {  	v4 =	vld [tilespmem:s18+$0xA830]  }
0x22: {  	v3 =	vld [tilespmem:s18+$0xA840]  }
0x23: {  	v2 =	vld [tilespmem:s18+$0xA850]  }
0x24: {  	v1 =	vld [tilespmem:s18+$0xA860]  }
0x25: {  	v0 =	vld [tilespmem:s18+$0xA870]  }
0x26: {  	v12 =	vld [tilespmem:s18+$0x8000]  }
0x27: {  	v13 =	vld [tilespmem:s18+$0x8010]  }
0x28: {  	v10 =	vld [tilespmem:s18+$0x8020]  }
0x29: {  	v9 =	vld [tilespmem:s18+$0x8030]  }
0x2a: {  	v8 =	vld [tilespmem:s18+$0x8040]  }
0x2b: {  	v7 =	vld [tilespmem:s18+$0x8050];
	v12 =	vadd.f32 v6, v12  }
0x2c: {  	s19 =	simm.s32 $0x200;
	v11 =	vadd.f32 v11, v13;
	v6 =	vld [tilespmem:s18+$0x8060]  }
.LBB2_3:
0x2d: {  	s20 =	sshra.s32 s19, $0x2;
	p0 =	sne.s32 s19, $0x9E00;
	[tilespmem:s18+$0x8000] =	vst v12;
	v5 =	vadd.f32 v5, v10;
	v10 =	vld [tilespmem:s18+$0x8070]  }
0x2e: {  	v12 =	vld [tilespmem:s20+$0xA800];
	[tilespmem:s18+$0x8010] =	vst v11;
	v4 =	vadd.f32 v4, v9  }
0x2f: {  	v11 =	vld [tilespmem:s20+$0xA810];
	[tilespmem:s18+$0x8020] =	vst v5;
	v3 =	vadd.f32 v3, v8  }
0x30: {  	v5 =	vld [tilespmem:s20+$0xA820];
	[tilespmem:s18+$0x8030] =	vst v4;
	v2 =	vadd.f32 v2, v7  }
0x31: {  	v4 =	vld [tilespmem:s20+$0xA830];
	[tilespmem:s18+$0x8040] =	vst v3;
	v1 =	vadd.f32 v1, v6  }
0x32: {  	v3 =	vld [tilespmem:s20+$0xA840];
	[tilespmem:s18+$0x8050] =	vst v2;
	v0 =	vadd.f32 v0, v10  }
0x33: {  	v2 =	vld [tilespmem:s20+$0xA850];
	[tilespmem:s18+$0x8060] =	vst v1  }
0x34: {  	v1 =	vld [tilespmem:s20+$0xA860];
	[tilespmem:s18+$0x8070] =	vst v0;
	s18 =	smov.u32 s20  }
0x35: {  	v0 =	vld [tilespmem:s18+$0xA870]  }
0x36: {  	v6 =	vld [tilespmem:s18+$0x8000]  }
0x37: {  	v13 =	vld [tilespmem:s18+$0x8010]  }
.Ltmp0:
0x38: {  	v10 =	vld [tilespmem:s18+$0x8020];
	(pc) =	sbr.rel @p0 .LBB2_3-.Ltmp0, $4  }
0x39: {  	v9 =	vld [tilespmem:s18+$0x8030]  }
0x3a: {  	v8 =	vld [tilespmem:s18+$0x8040]  }
0x3b: {  	v12 =	vadd.f32 v12, v6;
	v7 =	vld [tilespmem:s18+$0x8050]  }
0x3c: {  	s19 =	sadd.s32 $0x200, s19;
	v11 =	vadd.f32 v11, v13;
	v6 =	vld [tilespmem:s18+$0x8060]  }
0x3d: {  	[tilespmem:s18+$0x8000] =	vst v12;
	v5 =	vadd.f32 v5, v10;
	v63 =	vld [tilespmem:s18+$0x8070]  }
0x3e: {  	[tilespmem:s18+$0x8010] =	vst v11;
	v4 =	vadd.f32 v4, v9  }
0x3f: {  	[tilespmem:s18+$0x8020] =	vst v5;
	v3 =	vadd.f32 v3, v8  }
0x40: {  	s19 =	smul.u32 $0x2800, s17;
	[tilespmem:s18+$0x8030] =	vst v4;
	v2 =	vadd.f32 v2, v7  }
0x41: {  	[tilespmem:s18+$0x8040] =	vst v3;
	v1 =	vadd.f32 v1, v6  }
0x42: {  	s17 =	sadd.s32 $0x1, s17;
	s19 =	sadd.s32 s8, s19;
	[tilespmem:s18+$0x8050] =	vst v2;
	v0 =	vadd.f32 v0, v63  }
0x43: {  	p0 =	sne.s32 s17, $0x7D;
	s19 =	sshrl.u32 s19, $0x3;
	[tilespmem:s18+$0x8060] =	vst v1  }
.Ltmp1:
0x44: {  	s31 =	sadd.s32 s5, s19;
	[tilespmem:s18+$0x8070] =	vst v0;
	(pc) =	sbr.rel @p0 .LBB2_2-.Ltmp1, $4  }
0x45: {  	[hbm4b:s31+s2] =	stream.linear.scatter [tilespmem:s13], [sflag:$0x2], $0x2800, $0x38;
	[tilespmem:$0xD000] =	vst v63  }
0x46: {  	_ =	swait.ge [sflag:s10], $0x2800  }
0x47: {  	[sflag:s10] =	ssyncset.done $0x0  }
0x48: {  	[sflag:s10] =	ssyncadd.s32 $0xFFFFD800  }
0x49: {  	s16 =	sadd.s32 $0x1, s16  }
0x4a: {  	p0 =	sne.s32 s16, s9  }
.Ltmp2:
0x4b: {  	_ = 	snop;
	(pc) =	sbr.rel @p0 .LBB2_1-.Ltmp2, $1  }
0x4c: {  	_ =	sdelay $0x3  }
0x4d: {  	_ =	sfence.sel $0x180000  }
0x4e: {  	[bflag:$0x0] =	sbarrier.arrive $0xFFFF  }
0x4f: {  	p0 =	sne.s32 s1, $0x0;
	_ =	strace $0x90000050  }
0x50: {  	s0 =	sadd.s32 @!p0 $0x100000, s0;
	[bflag:$0x2] =	sbarrier.arrive $0xFFFF  }
0x51: {  	[sflag:s0] =	ssyncadd.tile.s32 @!p0 $0x1;
	_ =	shalt  }
.Lfunc_end2:
_tile_overlayer_lowered:
.L_overlay_start_2:
0x52: {  	(tag) =	ssettag $0x2  }
0x53: {  	s0 =	rddreg [dreg:$0x0];
	s2 =	stileid.u32  }
0x54: {  	s1 =	rddreg [dreg:$0x1];
	p0 =	sne.s32 s2, $0x0  }
0x55: {  	s3 =	rddreg [dreg:$0x2];
	[bflag:$0x3] =	sbarrier.arrive $0xFFFF;
	s2 =	simm.s32 @!p0 $0x1C02  }
0x56: {  	[timem:s3], [sflag:s2] =	dma.local @!p0 [hbm:s0], s1  }
0x57: {  	s0 =	simm.s32 @!p0 $0x2  }
0x58: {  	_ =	swait.ge @!p0 [sflag:s0], s1  }
0x59: {  	s1 =	ssub.s32 @!p0 $0x0, s1;
	[sflag:s0] =	ssyncset.done @!p0 $0x0  }
0x5a: {  	[sflag:s0] =	ssyncadd.s32 @!p0 s1  }
0x5b: {  	[bflag:$0x3] =	sbarrier.arrive $0xFFFF  }
0x5c: {  	_ =	shalt  }

// kernel: kernel.28.cloned.1.call-start
scs
__scs_entry_jumppad:
0x0: {  	(pc) =	sbr.rel $0x88, $3  }
0x1: {  	(tag) =	ssettag $0x0;
	lr =	simm.s32 $0x1  }
0x2: {  	[smem:$0x3F8D] =	sst lr;
	_ =	strace $0xD0000000  }
0x3: {  	_ = 	snop  }
0x4: {  	_ = 	snop  }
0x5: {  	_ = 	snop  }
0x6: {  	_ = 	snop  }
0x7: {  	_ = 	snop  }
__scs_overlays_trampoline_lowered:
0x8: {  	[smem:$0x3F9C] =	sst s0  }
0x9: {  	[smem:$0x3F9D] =	sst s1  }
0xa: {  	[smem:$0x3F9E] =	sst s2  }
0xb: {  	[smem:$0x3F9F] =	sst s3  }
0xc: {  	[smem:$0x3FA0] =	sst s4  }
0xd: {  	[smem:$0x3FA1] =	sst s5  }
0xe: {  	[smem:$0x3FA2] =	sst s6  }
0xf: {  	[smem:$0x3FA3] =	sst s7  }
0x10: {  	[smem:$0x3FA4] =	sst s8  }
0x11: {  	[smem:$0x3FA5] =	sst s9;
	s0 =	simm.s32 @!p0 $0x0  }
0x12: {  	s1 =	sld [smem:$0x3F8B];
	s0 =	simm.s32 @p0 $0x1  }
0x13: {  	[smem:$0x3FA6] =	sst s0;
	s0 =	simm.s32 @!p1 $0x0  }
0x14: {  	s2 =	sld [smem:$0x3F8A];
	s0 =	simm.s32 @p1 $0x1  }
0x15: {  	[smem:$0x3FA7] =	sst s0;
	s0 =	simm.s32 @!p2 $0x0  }
0x16: {  	s3 =	sld [smem:$0x3FDB];
	s0 =	simm.s32 @p2 $0x1  }
0x17: {  	s4 =	simm.s32 $0x1BF5;
	[smem:$0x3FA9] =	sst s0  }
0x18: {  	s0 =	sld [smem:$0x3F8C];
	_ =	swait.ge [sflag:s4], $0x0  }
0x19: {  	s7 =	sld [smem:$0x3F8D]  }
0x1a: {  	s8 =	sadd.s32 $0xFFFFE003, lr  }
0x1b: {  	s9 =	sadd.s32 $0xFFFFFEF7, lr;
	s5 =	simm.s32 $0xFFFFFFFF;
	p2 =	slt.u32 s8, $0xFFFFF086  }
0x1c: {  	p1 =	slt.u32 s9, $0xF7A;
	s5 =	simm.s32 @!p2 $0x0  }
0x1d: {  	s5 =	simm.s32 @p1 $0x1;
	p0 =	seq.s32 s7, s2  }
0x1e: {  	s7 =	smul.u32 @!p0 $0xF7A, s2;
	p2 =	seq.s32 @!p0 s5, $0x0  }
0x1f: {  	s9 =	smul.u32 $0xF7A, s1;
	s8 =	simm.s32 @!p0 $0x1BF5;
	p2 =	por !p2, p0  }
0x20: {  	[sflag:s8] =	ssyncset.s32 @!p0 $0xFFFFF086;
	s6 =	sadd.s32 @!p0 s3, s7;
	s7 =	simm.s32 @!p0 $0x108  }
0x21: {  	s3 =	sadd.s32 s3, s9;
	s6 =	sadd.s32 @!p0 $0x88, s6;
	s7 =	simm.s32 @p2 $0x1082  }
0x22: {  	[simem:s7], [sflag:s8] =	dma.local @!p0 [hbm:s6], $0xF7A  }
0x23: {  	s9 =	sor.u32 $0xD0000000, s2;
	s6 =	simm.s32 $0x108;
	_ =	swait.ge @!p0 [sflag:s8], $0x0  }
0x24: {  	s3 =	sadd.s32 $0x88, s3;
	s6 =	simm.s32 @!p1 $0x1082;
	[sflag:s4] =	ssyncset.s32 $0xFFFFF086  }
0x25: {  	[simem:s6], [sflag:s4] =	dma.local [hbm:s3], $0xF7A  }
0x26: {  	[smem:$0x3F8D] =	sst s1;
	(tag) =	ssettag s2;
	_ =	strace s9  }
0x27: {  	s1 =	sld [smem:$0x3F9D]  }
0x28: {  	s2 =	sld [smem:$0x3F9E]  }
0x29: {  	s4 =	sld [smem:$0x3FA0]  }
0x2a: {  	p0 =	seq.s32 s5, $0x0;
	s5 =	sld [smem:$0x3FA1]  }
0x2b: {  	s6 =	sld [smem:$0x3FA2]  }
0x2c: {  	s7 =	sld [smem:$0x3FA3]  }
0x2d: {  	s3 =	simm.s32 $0x108;
	s8 =	sld [smem:$0x3FA4]  }
0x2e: {  	s3 =	simm.s32 @!p0 $0x1082;
	s9 =	sld [smem:$0x3FA5]  }
0x2f: {  	lr =	sadd.s32 s0, s3;
	s0 =	sld [smem:$0x3F9C]  }
0x30: {  	s3 =	sld [smem:$0x3F9F]  }
0x31: {  	[smem:$0x3FA8] =	sst s10  }
0x32: {  	s10 =	sld [smem:$0x3FA6];
	_ =	sdelay $0x3  }
0x33: {  	p0 =	seq.s32 s10, $0x1;
	s10 =	sld [smem:$0x3FA8];
	_ =	sdelay $0x3  }
0x34: {  	[smem:$0x3FA8] =	sst s10  }
0x35: {  	s10 =	sld [smem:$0x3FA7];
	_ =	sdelay $0x3  }
0x36: {  	p1 =	seq.s32 s10, $0x1;
	s10 =	sld [smem:$0x3FA8];
	_ =	sdelay $0x3  }
0x37: {  	[smem:$0x3FA8] =	sst s10  }
0x38: {  	s10 =	sld [smem:$0x3FA9]  }
0x39: {  	_ = 	snop;
	(pc) =	sbr.ind lr, $3  }
0x3a: {  	_ = 	snop  }
0x3b: {  	_ = 	snop  }
0x3c: {  	p2 =	seq.s32 s10, $0x1;
	s10 =	sld [smem:$0x3FA8]  }
0x3d: {  	_ =	shalt  }
0x3e: {  	_ =	shalt  }
0x3f: {  	_ =	shalt  }
0x40: {  	_ =	shalt  }
0x41: {  	_ =	shalt  }
0x42: {  	_ =	shalt  }
0x43: {  	_ =	shalt  }
0x44: {  	_ =	shalt  }
0x45: {  	_ =	shalt  }
0x46: {  	_ =	shalt  }
0x47: {  	_ =	shalt  }
0x48: {  	_ =	shalt  }
0x49: {  	_ =	shalt  }
0x4a: {  	_ =	shalt  }
0x4b: {  	_ =	shalt  }
0x4c: {  	_ =	shalt  }
0x4d: {  	_ =	shalt  }
0x4e: {  	_ =	shalt  }
0x4f: {  	_ =	shalt  }
0x50: {  	_ =	shalt  }
0x51: {  	_ =	shalt  }
0x52: {  	_ =	shalt  }
0x53: {  	_ =	shalt  }
0x54: {  	_ =	shalt  }
0x55: {  	_ =	shalt  }
0x56: {  	_ =	shalt  }
0x57: {  	_ =	shalt  }
0x58: {  	_ =	shalt  }
0x59: {  	_ =	shalt  }
0x5a: {  	_ =	shalt  }
0x5b: {  	_ =	shalt  }
0x5c: {  	_ =	shalt  }
0x5d: {  	_ =	shalt  }
0x5e: {  	_ =	shalt  }
0x5f: {  	_ =	shalt  }
0x60: {  	_ =	shalt  }
0x61: {  	_ =	shalt  }
0x62: {  	_ =	shalt  }
0x63: {  	_ =	shalt  }
0x64: {  	_ =	shalt  }
0x65: {  	_ =	shalt  }
0x66: {  	_ =	shalt  }
0x67: {  	_ =	shalt  }
0x68: {  	_ =	shalt  }
0x69: {  	_ =	shalt  }
0x6a: {  	_ =	shalt  }
0x6b: {  	_ =	shalt  }
0x6c: {  	_ =	shalt  }
0x6d: {  	_ =	shalt  }
0x6e: {  	_ =	shalt  }
0x6f: {  	_ =	shalt  }
0x70: {  	_ =	shalt  }
0x71: {  	_ =	shalt  }
0x72: {  	_ =	shalt  }
0x73: {  	_ =	shalt  }
0x74: {  	_ =	shalt  }
0x75: {  	_ =	shalt  }
0x76: {  	_ =	shalt  }
0x77: {  	_ =	shalt  }
0x78: {  	_ =	shalt  }
0x79: {  	_ =	shalt  }
0x7a: {  	_ =	shalt  }
0x7b: {  	_ =	shalt  }
0x7c: {  	_ =	shalt  }
0x7d: {  	_ =	shalt  }
0x7e: {  	_ =	shalt  }
0x7f: {  	_ =	shalt  }
0x80: {  	_ =	shalt  }
0x81: {  	_ =	shalt  }
0x82: {  	_ =	shalt  }
0x83: {  	_ =	shalt  }
0x84: {  	_ =	shalt  }
0x85: {  	_ =	shalt  }
0x86: {  	_ =	shalt  }
0x87: {  	_ =	shalt  }
.Lfunc_end0:
.L_simem_size_0:
called_computation.4_lowered:
.L_overlay_start_0:
0x88: {  	s2 =	sld [smem:$0x3FD9]  }
0x89: {  	s3 =	sld [smem:$0x3FFE];
	_ =	sdelay $0x1  }
0x8a: {  	s1 =	srdreg.scid  }
0x8b: {  	s0 =	sand.u32 $0x1, s1  }
0x8c: {  	s16 =	sshll.u32 s0, $0xA;
	s2 =	sadd.s32 s3, s2  }
0x8d: {  	s2 =	sadd.s32 s2, s16  }
0x8e: {  	[smem:$0x3FB4] =	sst s2  }
0x8f: {  	_ = 	snop  }
0x90: {  	(tm) =	ssettm $0x1  }
0x91: {  	s17 =	sld [smem:$0x3FFB];
	_ =	sdelay $0x3  }
0x92: {  	_ =	strace s17  }
0x93: {  	s2 =	sld [smem:$0x3FFC];
	_ =	sdelay $0x3  }
0x94: {  	_ =	strace s2  }
0x95: {  	s2 =	sld [smem:$0x3FFD];
	_ =	sdelay $0x3  }
0x96: {  	_ =	strace s2  }
0x97: {  	_ =	strace $0x8FFFFFFF  }
0x98: {  	s18 =	sld [smem:$0x3FDB];
	_ =	sdelay $0x1  }
0x99: {  	s19 =	simm.s32 $_scs_section_size  }
0x9a: {  	s4 =	simm.s32 $_size__tile_overlayer_lowered;
	s5 =	simm.s32 $_tile_overlayer_lowered  }
0x9b: {  	s22 =	simm.s32 $0x1BFF;
	s21 =	sshll.u32 s5, $0x1;
	s2 =	sadd.s32 s19, s18  }
0x9c: {  	s6 =	simm.s32 $0x0;
	s20 =	sshll.u32 s4, $0x1;
	s4 =	sadd.s32 s21, s2  }
0x9d: {  	[timem:s6], [sflag:s22] =	dma.local [hbm:s4], s20  }
0x9e: {  	_ =	swait.ge [sflag:s22], s20  }
0x9f: {  	s3 =	ssub.s32 $0x0, s20;
	[sflag:s22] =	ssyncset.done $0x0  }
0xa0: {  	[sflag:s22] =	ssyncadd.s32 s3;
	_ =	sdelay $0x1  }
0xa1: {  	s23 =	simm.s32 $0x1B8B  }
0xa2: {  	_ =	swait.ge [sflag:s23], $0x1  }
0xa3: {  	[sflag:s23] =	ssyncset.done $0x0  }
0xa4: {  	s25 =	simm.s32 $0x1B8E;
	s24 =	sld [smem:$0x3FFE];
	[sflag:s23] =	ssyncadd.s32 $0xFFFFFFFF  }
0xa5: {  	s26 =	simm.s32 $execute0_lowered;
	[smem:$0x3FD2] =	sst s25  }
0xa6: {  	s4 =	sshll.u32 s26, $0x1;
	_ =	strace $0x80000052;
	[dreg:$0x1] =	wrdreg $0xFFFFFFFF  }
0xa7: {  	s28 =	simm.s32 $_size_execute0_lowered;
	s2 =	sadd.s32 s2, s4;
	[dreg:$0x0] =	wrdreg $0x0  }
0xa8: {  	s4 =	sshll.u32 s28, $0x1;
	[dreg:$0x2] =	wrdreg s2  }
0xa9: {  	[dreg:$0x3] =	wrdreg s4  }
0xaa: {  	[dreg:$0x4] =	wrdreg $0xC0  }
0xab: {  	_ =	task [dreg:s6], $0x5FFFF  }
0xac: {  	[dreg:$0x1] =	wrdreg $0xFFFFFFFF  }
0xad: {  	[dreg:$0x0] =	wrdreg $0x60  }
0xae: {  	[dreg:$0x2] =	wrdreg s24  }
0xaf: {  	[dreg:$0x3] =	wrdreg $0x90000  }
0xb0: {  	[dreg:$0x4] =	wrdreg $0x9  }
0xb1: {  	_ =	task.clear_ibuf [dreg:s6], $0x5FFFF;
	_ =	strace $0x90000052  }
0xb2: {  	s29 =	simm.s32 $0x9;
	_ =	strace $0x80000054  }
0xb3: {  	_ =	swait.ge [sflag:s29], $0x1  }
0xb4: {  	[sflag:s29] =	ssyncadd.s32 $0xFFFFFFFF  }
0xb5: {  	_ =	strace $0x90000054  }
0xb6: {  	_ =	sfence  }
0xb7: {  	s30 =	sld [smem:$0x0];
	_ =	sdelay $0x2  }
0xb8: {  	s31 =	sshll.u32 s1, $0xD;
	s1 =	sshrl.u32 s1, $0x2  }
0xb9: {  	s3 =	sand.u32 $0x4000, s31;
	s1 =	sadd.s32 s1, s30  }
0xba: {  	s0 =	sor.u32 s3, s0;
	s1 =	sshll.u32 s1, $0x11  }
0xbb: {  	s0 =	sor.u32 s1, s0  }
0xbc: {  	s0 =	sadd.s32 $0x8F2B, s0  }
0xbd: {  	[sflag:s0] =	ssyncadd.remote.s32 $0x1  }
0xbe: {  	_ =	sfence.sel $0xFFFF  }
0xbf: {  	[dreg:$0x0] =	wrdreg $0xFFFFFFFF;
	(pc) =	sbr.abs _section_cstart, $3  }
0xc0: {  	[dreg:$0x1] =	wrdreg $0xFFFFFFFF  }
0xc1: {  	_ =	task.clear_ibuf [dreg:s6], $0x2FFFF;
	_ =	strace $0x9FFFFFFF  }
0xc2: {  	(tm) =	ssettm $0x7FFFFFFF  }
0xc3: {  	_ =	shalt  }
tec
execute0_lowered:
.L_overlay_start_1:
0x0: {  	(tag) =	ssettag $0x1  }
0x1: {  	s1 =	srdreg.scid  }
0x2: {  	s0 =	stileid.u32;
	s4 =	rddreg [dreg:$0x0]  }
0x3: {  	s2 =	rddreg [dreg:$0x1];
	s3 =	simm.s32 $0x0;
	s16 =	simm.s32 $0x6800  }
0x4: {  	s17 =	simm.s32 $0x1;
	s18 =	simm.s32 $0x4000;
	s6 =	smul.u32 $0x271000, s0  }
0x5: {  	s19 =	simm.s32 $0x50;
	s22 =	simm.s32 $0x0;
	s8 =	smul.u32 $0x14000, s0  }
0x6: {  	s5 =	sand.u32 $0x1, s1;
	s1 =	rddreg [dreg:$0x2];
	s29 =	smul.u32 $0x50000, s0  }
0x7: {  	[smem:$0x7FF] =	sst s3;
	s28 =	sshll.u32 s0, $0xC;
	s7 =	smul.u32 $0x138800, s5  }
0x8: {  	s20 =	sshll.u32 s0, $0x6;
	s26 =	smul.u32 $0x140000, s5;
	_ =	strace $0x80000053  }
0x9: {  	s9 =	sshll.u32 s5, $0xB;
	s5 =	ssub.s32 $0x2, s5;
	s20 =	sor.u32 $0x1C01, s20  }
0xa: {  	s30 =	sshrl.u32 s5, $0x1;
	s6 =	sadd.s32 s7, s6;
	s7 =	sadd.s32 s8, s26  }
0xb: {  	s8 =	sshrl.u32 s29, $0x2;
	s31 =	ssub.s32 s5, s30;
	s6 =	sshrl.u32 s6, $0x3  }
0xc: {  	s7 =	sshrl.u32 s7, $0x3;
	s5 =	sadd.s32 s8, s2;
	s15 =	sadd.s32 s6, s4  }
0xd: {  	s6 =	sor.u32 s9, s28;
	s7 =	sadd.s32 s7, s4;
	s8 =	sadd.s32 $0x2800, s5  }
0xe: {  	s9 =	sadd.s32 $0x5000, s5;
	s10 =	sadd.s32 $0x7800, s5;
	s11 =	sadd.s32 $0xA000, s5  }
0xf: {  	s12 =	sadd.s32 $0xC800, s5;
	s13 =	sadd.s32 $0xF000, s5;
	s14 =	sadd.s32 $0x11800, s5  }
0x10: {  	s21 =	sshrl.u32 s5, $0x3;
	s6 =	sadd.s32 s6, s4;
	s15 =	sadd.s32 $0x590200, s15  }
0x11: {  	v0 =	vimm.f32 $0.0e+00;
	s4 =	sadd.s32 $0x10600, s6;
	s6 =	sadd.s32 $0x57800, s7;
	s7 =	smax.u32 s31, $0x1  }
.LBB2_1:
0x12: {  	s23 =	simm.s32 $0x0;
	s24 =	simm.s32 $0x200  }
.LBB2_2:
0x13: {  	p0 =	sne.s32 s24, $0x9E00;
	[tilespmem:s23+$0x6870] =	vst v0  }
0x14: {  	[tilespmem:s23+$0x6800] =	vst v0  }
0x15: {  	[tilespmem:s23+$0x6810] =	vst v0  }
.Ltmp0:
0x16: {  	[tilespmem:s23+$0x6820] =	vst v0;
	(pc) =	sbr.rel @p0 .LBB2_2-.Ltmp0, $4  }
0x17: {  	[tilespmem:s23+$0x6830] =	vst v0  }
0x18: {  	[tilespmem:s23+$0x6840] =	vst v0  }
0x19: {  	[tilespmem:s23+$0x6850] =	vst v0  }
0x1a: {  	[tilespmem:s23+$0x6860] =	vst v0;
	s23 =	sshra.s32 s24, $0x2;
	s24 =	sadd.s32 $0x200, s24  }
0x1b: {  	[tilespmem:s23+$0x6870] =	vst v0  }
0x1c: {  	[tilespmem:s23+$0x6800] =	vst v0  }
0x1d: {  	[tilespmem:s23+$0x6810] =	vst v0  }
0x1e: {  	[tilespmem:s23+$0x6820] =	vst v0  }
0x1f: {  	[tilespmem:s23+$0x6830] =	vst v0  }
0x20: {  	[tilespmem:s23+$0x6840] =	vst v0  }
0x21: {  	[tilespmem:s23+$0x6850] =	vst v0  }
0x22: {  	[tilespmem:s23+$0x6860] =	vst v0  }
0x23: {  	[spmem:s5] =	stream.linear.scatter [tilespmem:s16], [sflag:$0x1], $0x2800, $0x38;
	[tilespmem:$0x1D000] =	vst v63  }
0x24: {  	_ =	swait.ge [sflag:s17], $0x2800  }
0x25: {  	[sflag:s17] =	ssyncset.done $0x0  }
0x26: {  	[sflag:s17] =	ssyncadd.s32 $0xFFFFD800  }
0x27: {  	[spmem:s8] =	stream.linear.scatter [tilespmem:s16], [sflag:$0x1], $0x2800, $0x38;
	[tilespmem:$0x1D000] =	vst v63  }
0x28: {  	_ =	swait.ge [sflag:s17], $0x2800  }
0x29: {  	[sflag:s17] =	ssyncset.done $0x0  }
0x2a: {  	[sflag:s17] =	ssyncadd.s32 $0xFFFFD800  }
0x2b: {  	[spmem:s9] =	stream.linear.scatter [tilespmem:s16], [sflag:$0x1], $0x2800, $0x38;
	[tilespmem:$0x1D000] =	vst v63  }
0x2c: {  	_ =	swait.ge [sflag:s17], $0x2800  }
0x2d: {  	[sflag:s17] =	ssyncset.done $0x0  }
0x2e: {  	[sflag:s17] =	ssyncadd.s32 $0xFFFFD800  }
0x2f: {  	[spmem:s10] =	stream.linear.scatter [tilespmem:s16], [sflag:$0x1], $0x2800, $0x38;
	[tilespmem:$0x1D000] =	vst v63  }
0x30: {  	_ =	swait.ge [sflag:s17], $0x2800  }
0x31: {  	[sflag:s17] =	ssyncset.done $0x0  }
0x32: {  	[sflag:s17] =	ssyncadd.s32 $0xFFFFD800  }
0x33: {  	[spmem:s11] =	stream.linear.scatter [tilespmem:s16], [sflag:$0x1], $0x2800, $0x38;
	[tilespmem:$0x1D000] =	vst v63  }
0x34: {  	_ =	swait.ge [sflag:s17], $0x2800  }
0x35: {  	[sflag:s17] =	ssyncset.done $0x0  }
0x36: {  	[sflag:s17] =	ssyncadd.s32 $0xFFFFD800  }
0x37: {  	[spmem:s12] =	stream.linear.scatter [tilespmem:s16], [sflag:$0x1], $0x2800, $0x38;
	[tilespmem:$0x1D000] =	vst v63  }
0x38: {  	_ =	swait.ge [sflag:s17], $0x2800  }
0x39: {  	[sflag:s17] =	ssyncset.done $0x0  }
0x3a: {  	[sflag:s17] =	ssyncadd.s32 $0xFFFFD800  }
0x3b: {  	[spmem:s13] =	stream.linear.scatter [tilespmem:s16], [sflag:$0x1], $0x2800, $0x38;
	[tilespmem:$0x1D000] =	vst v63  }
0x3c: {  	_ =	swait.ge [sflag:s17], $0x2800  }
0x3d: {  	[sflag:s17] =	ssyncset.done $0x0  }
0x3e: {  	[sflag:s17] =	ssyncadd.s32 $0xFFFFD800  }
0x3f: {  	[spmem:s14] =	stream.linear.scatter [tilespmem:s16], [sflag:$0x1], $0x2800, $0x38;
	[tilespmem:$0x1D000] =	vst v63  }
0x40: {  	_ =	swait.ge [sflag:s17], $0x2800  }
0x41: {  	[sflag:s17] =	ssyncset.done $0x0  }
0x42: {  	[sflag:s17] =	ssyncadd.s32 $0xFFFFD800  }
0x43: {  	s30 =	simm.s32 $0x0;
	[bflag:$0x0] =	sbarrier.arrive $0xFFFF  }
0x44: {  	[tilespmem:s30], [sflag:$0x1] =	stream.linear.gather [hbm4b:s4+s30], $0x3E80, $0x38;
	[tilespmem:$0x1D000] =	vst v63  }
0x45: {  	_ =	swait.ge [sflag:s17], $0x3E80  }
0x46: {  	[sflag:s17] =	ssyncset.done $0x0  }
0x47: {  	[sflag:s17] =	ssyncadd.s32 $0xFFFFC180  }
0x48: {  	[tilespmem:s18], [sflag:$0x1] =	stream.linear.gather [hbm4b:s15+s3], $0x2800, $0x38;
	[tilespmem:$0x1D000] =	vst v63  }
0x49: {  	_ =	swait.ge [sflag:s17], $0x2800  }
0x4a: {  	[sflag:s17] =	ssyncset.done $0x0  }
0x4b: {  	s31 =	simm.s32 $0x0;
	[sflag:s17] =	ssyncadd.s32 $0xFFFFD800  }
0x4c: {  	[spmem:s2] =	stream.indirect.scatter.add.f32 [tilespmem:s18], [sflag:$0x1], $0x80, s31, s19, $0xb8;
	[tilespmem:$0x1D000] =	vst v63  }
0x4d: {  	_ =	swait.ge [sflag:s17], $0x2800  }
0x4e: {  	s23 =	simm.s32 $0x200;
	s24 =	smov.u32 s15;
	[sflag:s17] =	ssyncset.done $0x0  }
.LBB2_4:
0x4f: {  	p0 =	sne.s32 s23, $0xF800;
	[sflag:s17] =	ssyncadd.s32 $0xFFFFD800;
	s24 =	sadd.s32 $0x500, s24  }
0x50: {  	[tilespmem:s18], [sflag:$0x1] =	stream.linear.gather [hbm4b:s24+s3], $0x2800, $0x38;
	[tilespmem:$0x1D000] =	vst v63  }
0x51: {  	s25 =	smov.u32 s23;
	s23 =	sadd.s32 $0x200, s23;
	_ =	swait.ge [sflag:s17], $0x2800  }
.Ltmp1:
0x52: {  	[sflag:s17] =	ssyncset.done $0x0;
	(pc) =	sbr.rel @p0 .LBB2_4-.Ltmp1, $4  }
0x53: {  	s25 =	sshra.s32 s25, $0x2;
	[sflag:s17] =	ssyncadd.s32 $0xFFFFD800  }
0x54: {  	[spmem:s2] =	stream.indirect.scatter.add.f32 [tilespmem:s18], [sflag:$0x1], $0x80, s25, s19, $0xb8;
	[tilespmem:$0x1D000] =	vst v63  }
0x55: {  	_ =	swait.ge [sflag:s17], $0x2800  }
0x56: {  	[sflag:s17] =	ssyncset.done $0x0  }
0x57: {  	s22 =	sadd.s32 $0x1, s22  }
0x58: {  	[sflag:s17] =	ssyncadd.s32 $0xFFFFD800;
	p0 =	sne.s32 s22, s7  }
.Ltmp2:
0x59: {  	[bflag:$0x0] =	sbarrier.arrive $0xFFFF;
	(pc) =	sbr.rel @p0 .LBB2_1-.Ltmp2, $4  }
0x5a: {  	[hbm:s6], [sflag:s20] =	dma.local [spmem:s21], $0x2800  }
0x5b: {  	_ =	swait.ge [sflag:s17], $0x2800  }
0x5c: {  	[sflag:s17] =	ssyncset.done $0x0  }
0x5d: {  	[sflag:s17] =	ssyncadd.s32 $0xFFFFD800  }
0x5e: {  	_ =	sfence.sel $0x180000  }
0x5f: {  	[bflag:$0x0] =	sbarrier.arrive $0xFFFF  }
0x60: {  	p0 =	sne.s32 s0, $0x0;
	_ =	strace $0x90000053  }
0x61: {  	s0 =	sadd.s32 @!p0 $0x100000, s1;
	[bflag:$0x2] =	sbarrier.arrive $0xFFFF  }
0x62: {  	[sflag:s0] =	ssyncadd.tile.s32 @!p0 $0x1;
	_ =	shalt  }
.Lfunc_end2:
_tile_overlayer_lowered:
.L_overlay_start_2:
0x63: {  	(tag) =	ssettag $0x2  }
0x64: {  	s0 =	rddreg [dreg:$0x0];
	s2 =	stileid.u32  }
0x65: {  	s1 =	rddreg [dreg:$0x1];
	p0 =	sne.s32 s2, $0x0  }
0x66: {  	s3 =	rddreg [dreg:$0x2];
	[bflag:$0x3] =	sbarrier.arrive $0xFFFF;
	s2 =	simm.s32 @!p0 $0x1C01  }
0x67: {  	[timem:s3], [sflag:s2] =	dma.local @!p0 [hbm:s0], s1  }
0x68: {  	s0 =	simm.s32 @!p0 $0x1  }
0x69: {  	_ =	swait.ge @!p0 [sflag:s0], s1  }
0x6a: {  	s1 =	ssub.s32 @!p0 $0x0, s1;
	[sflag:s0] =	ssyncset.done @!p0 $0x0  }
0x6b: {  	[sflag:s0] =	ssyncadd.s32 @!p0 s1  }
0x6c: {  	[bflag:$0x3] =	sbarrier.arrive $0xFFFF  }
0x6d: {  	_ =	shalt  }

// kernel: kernel.31.cloned.1.call-start
scs
__scs_entry_jumppad:
0x0: {  	(pc) =	sbr.rel $0x88, $3  }
0x1: {  	(tag) =	ssettag $0x0;
	lr =	simm.s32 $0x1  }
0x2: {  	[smem:$0x3F8D] =	sst lr;
	_ =	strace $0xD0000000  }
0x3: {  	_ = 	snop  }
0x4: {  	_ = 	snop  }
0x5: {  	_ = 	snop  }
0x6: {  	_ = 	snop  }
0x7: {  	_ = 	snop  }
__scs_overlays_trampoline_lowered:
0x8: {  	[smem:$0x3F9C] =	sst s0  }
0x9: {  	[smem:$0x3F9D] =	sst s1  }
0xa: {  	[smem:$0x3F9E] =	sst s2  }
0xb: {  	[smem:$0x3F9F] =	sst s3  }
0xc: {  	[smem:$0x3FA0] =	sst s4  }
0xd: {  	[smem:$0x3FA1] =	sst s5  }
0xe: {  	[smem:$0x3FA2] =	sst s6  }
0xf: {  	[smem:$0x3FA3] =	sst s7  }
0x10: {  	[smem:$0x3FA4] =	sst s8  }
0x11: {  	[smem:$0x3FA5] =	sst s9;
	s0 =	simm.s32 @!p0 $0x0  }
0x12: {  	s1 =	sld [smem:$0x3F8B];
	s0 =	simm.s32 @p0 $0x1  }
0x13: {  	[smem:$0x3FA6] =	sst s0;
	s0 =	simm.s32 @!p1 $0x0  }
0x14: {  	s2 =	sld [smem:$0x3F8A];
	s0 =	simm.s32 @p1 $0x1  }
0x15: {  	[smem:$0x3FA7] =	sst s0;
	s0 =	simm.s32 @!p2 $0x0  }
0x16: {  	s3 =	sld [smem:$0x3FDB];
	s0 =	simm.s32 @p2 $0x1  }
0x17: {  	s4 =	simm.s32 $0x1BF5;
	[smem:$0x3FA9] =	sst s0  }
0x18: {  	s0 =	sld [smem:$0x3F8C];
	_ =	swait.ge [sflag:s4], $0x0  }
0x19: {  	s7 =	sld [smem:$0x3F8D]  }
0x1a: {  	s8 =	sadd.s32 $0xFFFFE003, lr  }
0x1b: {  	s9 =	sadd.s32 $0xFFFFFEF7, lr;
	s5 =	simm.s32 $0xFFFFFFFF;
	p2 =	slt.u32 s8, $0xFFFFF086  }
0x1c: {  	p1 =	slt.u32 s9, $0xF7A;
	s5 =	simm.s32 @!p2 $0x0  }
0x1d: {  	s5 =	simm.s32 @p1 $0x1;
	p0 =	seq.s32 s7, s2  }
0x1e: {  	s7 =	smul.u32 @!p0 $0xF7A, s2;
	p2 =	seq.s32 @!p0 s5, $0x0  }
0x1f: {  	s9 =	smul.u32 $0xF7A, s1;
	s8 =	simm.s32 @!p0 $0x1BF5;
	p2 =	por !p2, p0  }
0x20: {  	[sflag:s8] =	ssyncset.s32 @!p0 $0xFFFFF086;
	s6 =	sadd.s32 @!p0 s3, s7;
	s7 =	simm.s32 @!p0 $0x108  }
0x21: {  	s3 =	sadd.s32 s3, s9;
	s6 =	sadd.s32 @!p0 $0x88, s6;
	s7 =	simm.s32 @p2 $0x1082  }
0x22: {  	[simem:s7], [sflag:s8] =	dma.local @!p0 [hbm:s6], $0xF7A  }
0x23: {  	s9 =	sor.u32 $0xD0000000, s2;
	s6 =	simm.s32 $0x108;
	_ =	swait.ge @!p0 [sflag:s8], $0x0  }
0x24: {  	s3 =	sadd.s32 $0x88, s3;
	s6 =	simm.s32 @!p1 $0x1082;
	[sflag:s4] =	ssyncset.s32 $0xFFFFF086  }
0x25: {  	[simem:s6], [sflag:s4] =	dma.local [hbm:s3], $0xF7A  }
0x26: {  	[smem:$0x3F8D] =	sst s1;
	(tag) =	ssettag s2;
	_ =	strace s9  }
0x27: {  	s1 =	sld [smem:$0x3F9D]  }
0x28: {  	s2 =	sld [smem:$0x3F9E]  }
0x29: {  	s4 =	sld [smem:$0x3FA0]  }
0x2a: {  	p0 =	seq.s32 s5, $0x0;
	s5 =	sld [smem:$0x3FA1]  }
0x2b: {  	s6 =	sld [smem:$0x3FA2]  }
0x2c: {  	s7 =	sld [smem:$0x3FA3]  }
0x2d: {  	s3 =	simm.s32 $0x108;
	s8 =	sld [smem:$0x3FA4]  }
0x2e: {  	s3 =	simm.s32 @!p0 $0x1082;
	s9 =	sld [smem:$0x3FA5]  }
0x2f: {  	lr =	sadd.s32 s0, s3;
	s0 =	sld [smem:$0x3F9C]  }
0x30: {  	s3 =	sld [smem:$0x3F9F]  }
0x31: {  	[smem:$0x3FA8] =	sst s10  }
0x32: {  	s10 =	sld [smem:$0x3FA6];
	_ =	sdelay $0x3  }
0x33: {  	p0 =	seq.s32 s10, $0x1;
	s10 =	sld [smem:$0x3FA8];
	_ =	sdelay $0x3  }
0x34: {  	[smem:$0x3FA8] =	sst s10  }
0x35: {  	s10 =	sld [smem:$0x3FA7];
	_ =	sdelay $0x3  }
0x36: {  	p1 =	seq.s32 s10, $0x1;
	s10 =	sld [smem:$0x3FA8];
	_ =	sdelay $0x3  }
0x37: {  	[smem:$0x3FA8] =	sst s10  }
0x38: {  	s10 =	sld [smem:$0x3FA9]  }
0x39: {  	_ = 	snop;
	(pc) =	sbr.ind lr, $3  }
0x3a: {  	_ = 	snop  }
0x3b: {  	_ = 	snop  }
0x3c: {  	p2 =	seq.s32 s10, $0x1;
	s10 =	sld [smem:$0x3FA8]  }
0x3d: {  	_ =	shalt  }
0x3e: {  	_ =	shalt  }
0x3f: {  	_ =	shalt  }
0x40: {  	_ =	shalt  }
0x41: {  	_ =	shalt  }
0x42: {  	_ =	shalt  }
0x43: {  	_ =	shalt  }
0x44: {  	_ =	shalt  }
0x45: {  	_ =	shalt  }
0x46: {  	_ =	shalt  }
0x47: {  	_ =	shalt  }
0x48: {  	_ =	shalt  }
0x49: {  	_ =	shalt  }
0x4a: {  	_ =	shalt  }
0x4b: {  	_ =	shalt  }
0x4c: {  	_ =	shalt  }
0x4d: {  	_ =	shalt  }
0x4e: {  	_ =	shalt  }
0x4f: {  	_ =	shalt  }
0x50: {  	_ =	shalt  }
0x51: {  	_ =	shalt  }
0x52: {  	_ =	shalt  }
0x53: {  	_ =	shalt  }
0x54: {  	_ =	shalt  }
0x55: {  	_ =	shalt  }
0x56: {  	_ =	shalt  }
0x57: {  	_ =	shalt  }
0x58: {  	_ =	shalt  }
0x59: {  	_ =	shalt  }
0x5a: {  	_ =	shalt  }
0x5b: {  	_ =	shalt  }
0x5c: {  	_ =	shalt  }
0x5d: {  	_ =	shalt  }
0x5e: {  	_ =	shalt  }
0x5f: {  	_ =	shalt  }
0x60: {  	_ =	shalt  }
0x61: {  	_ =	shalt  }
0x62: {  	_ =	shalt  }
0x63: {  	_ =	shalt  }
0x64: {  	_ =	shalt  }
0x65: {  	_ =	shalt  }
0x66: {  	_ =	shalt  }
0x67: {  	_ =	shalt  }
0x68: {  	_ =	shalt  }
0x69: {  	_ =	shalt  }
0x6a: {  	_ =	shalt  }
0x6b: {  	_ =	shalt  }
0x6c: {  	_ =	shalt  }
0x6d: {  	_ =	shalt  }
0x6e: {  	_ =	shalt  }
0x6f: {  	_ =	shalt  }
0x70: {  	_ =	shalt  }
0x71: {  	_ =	shalt  }
0x72: {  	_ =	shalt  }
0x73: {  	_ =	shalt  }
0x74: {  	_ =	shalt  }
0x75: {  	_ =	shalt  }
0x76: {  	_ =	shalt  }
0x77: {  	_ =	shalt  }
0x78: {  	_ =	shalt  }
0x79: {  	_ =	shalt  }
0x7a: {  	_ =	shalt  }
0x7b: {  	_ =	shalt  }
0x7c: {  	_ =	shalt  }
0x7d: {  	_ =	shalt  }
0x7e: {  	_ =	shalt  }
0x7f: {  	_ =	shalt  }
0x80: {  	_ =	shalt  }
0x81: {  	_ =	shalt  }
0x82: {  	_ =	shalt  }
0x83: {  	_ =	shalt  }
0x84: {  	_ =	shalt  }
0x85: {  	_ =	shalt  }
0x86: {  	_ =	shalt  }
0x87: {  	_ =	shalt  }
.Lfunc_end0:
.L_simem_size_0:
called_computation.5_lowered:
.L_overlay_start_0:
0x88: {  	s2 =	sld [smem:$0x3FD9]  }
0x89: {  	s3 =	sld [smem:$0x3FFE];
	_ =	sdelay $0x1  }
0x8a: {  	s1 =	srdreg.scid  }
0x8b: {  	s0 =	sand.u32 $0x1, s1  }
0x8c: {  	s16 =	sshll.u32 s0, $0xA;
	s2 =	sadd.s32 s3, s2  }
0x8d: {  	s2 =	sadd.s32 s2, s16  }
0x8e: {  	[smem:$0x3FB4] =	sst s2  }
0x8f: {  	_ = 	snop  }
0x90: {  	(tm) =	ssettm $0x1  }
0x91: {  	s17 =	sld [smem:$0x3FFB];
	_ =	sdelay $0x3  }
0x92: {  	_ =	strace s17  }
0x93: {  	s2 =	sld [smem:$0x3FFC];
	_ =	sdelay $0x3  }
0x94: {  	_ =	strace s2  }
0x95: {  	s2 =	sld [smem:$0x3FFD];
	_ =	sdelay $0x3  }
0x96: {  	_ =	strace s2  }
0x97: {  	_ =	strace $0x8FFFFFFF  }
0x98: {  	s18 =	sld [smem:$0x3FDB];
	_ =	sdelay $0x1  }
0x99: {  	s19 =	simm.s32 $_scs_section_size  }
0x9a: {  	s4 =	simm.s32 $_size__tile_overlayer_lowered;
	s5 =	simm.s32 $_tile_overlayer_lowered  }
0x9b: {  	s22 =	simm.s32 $0x1BFF;
	s21 =	sshll.u32 s5, $0x1;
	s2 =	sadd.s32 s19, s18  }
0x9c: {  	s6 =	simm.s32 $0x0;
	s20 =	sshll.u32 s4, $0x1;
	s4 =	sadd.s32 s21, s2  }
0x9d: {  	[timem:s6], [sflag:s22] =	dma.local [hbm:s4], s20  }
0x9e: {  	_ =	swait.ge [sflag:s22], s20  }
0x9f: {  	s3 =	ssub.s32 $0x0, s20;
	[sflag:s22] =	ssyncset.done $0x0  }
0xa0: {  	[sflag:s22] =	ssyncadd.s32 s3;
	_ =	sdelay $0x1  }
0xa1: {  	s23 =	simm.s32 $0x1B8B  }
0xa2: {  	_ =	swait.ge [sflag:s23], $0x1  }
0xa3: {  	[sflag:s23] =	ssyncset.done $0x0  }
0xa4: {  	s25 =	simm.s32 $0x1B8E;
	s24 =	sld [smem:$0x3FFE];
	[sflag:s23] =	ssyncadd.s32 $0xFFFFFFFF  }
0xa5: {  	s26 =	simm.s32 $execute0_lowered;
	[smem:$0x3FD2] =	sst s25  }
0xa6: {  	s4 =	sshll.u32 s26, $0x1;
	_ =	strace $0x80000055;
	[dreg:$0x1] =	wrdreg $0xFFFFFFFF  }
0xa7: {  	s28 =	simm.s32 $_size_execute0_lowered;
	s2 =	sadd.s32 s2, s4;
	[dreg:$0x0] =	wrdreg $0x0  }
0xa8: {  	s4 =	sshll.u32 s28, $0x1;
	[dreg:$0x2] =	wrdreg s2  }
0xa9: {  	[dreg:$0x3] =	wrdreg s4  }
0xaa: {  	[dreg:$0x4] =	wrdreg $0xC0  }
0xab: {  	_ =	task [dreg:s6], $0x5FFFF  }
0xac: {  	[dreg:$0x1] =	wrdreg $0xFFFFFFFF  }
0xad: {  	[dreg:$0x0] =	wrdreg $0x60  }
0xae: {  	[dreg:$0x2] =	wrdreg s24  }
0xaf: {  	[dreg:$0x3] =	wrdreg $0x9  }
0xb0: {  	_ =	task.clear_ibuf [dreg:s6], $0x4FFFF;
	_ =	strace $0x90000055  }
0xb1: {  	s29 =	simm.s32 $0x9;
	_ =	strace $0x80000057  }
0xb2: {  	_ =	swait.ge [sflag:s29], $0x1  }
0xb3: {  	[sflag:s29] =	ssyncadd.s32 $0xFFFFFFFF  }
0xb4: {  	_ =	strace $0x90000057  }
0xb5: {  	_ =	sfence  }
0xb6: {  	s30 =	sld [smem:$0x0];
	_ =	sdelay $0x2  }
0xb7: {  	s31 =	sshll.u32 s1, $0xD;
	s1 =	sshrl.u32 s1, $0x2  }
0xb8: {  	s3 =	sand.u32 $0x4000, s31;
	s1 =	sadd.s32 s1, s30  }
0xb9: {  	s0 =	sor.u32 s3, s0;
	s1 =	sshll.u32 s1, $0x11  }
0xba: {  	s0 =	sor.u32 s1, s0  }
0xbb: {  	s0 =	sadd.s32 $0x8F2B, s0  }
0xbc: {  	[sflag:s0] =	ssyncadd.remote.s32 $0x1  }
0xbd: {  	_ =	sfence.sel $0xFFFF  }
0xbe: {  	[dreg:$0x0] =	wrdreg $0xFFFFFFFF;
	(pc) =	sbr.abs _section_cstart, $3  }
0xbf: {  	[dreg:$0x1] =	wrdreg $0xFFFFFFFF  }
0xc0: {  	_ =	task.clear_ibuf [dreg:s6], $0x2FFFF;
	_ =	strace $0x9FFFFFFF  }
0xc1: {  	(tm) =	ssettm $0x7FFFFFFF  }
tec
execute0_lowered:
.L_overlay_start_1:
0x0: {  	(tag) =	ssettag $0x1  }
0x1: {  	s5 =	rddreg [dreg:$0x0]  }
0x2: {  	s0 =	rddreg [dreg:$0x1]  }
0x3: {  	s2 =	simm.s32 $0x0;
	s3 =	srdreg.scid;
	s1 =	stileid.u32  }
0x4: {  	s10 =	simm.s32 $0x2;
	s11 =	simm.s32 $0x4000;
	s12 =	simm.s32 $0x50  }
0x5: {  	s13 =	simm.s32 $0x8000;
	s14 =	simm.s32 $0xA800;
	s15 =	simm.s32 $0x1  }
0x6: {  	s16 =	simm.s32 $0x0;
	[smem:$0x7FF] =	sst s2;
	s6 =	sand.u32 $0x1, s3  }
0x7: {  	s4 =	sshll.u32 s1, $0x1;
	s3 =	sadd.s32 $0x57800, s5;
	_ =	strace $0x80000056  }
0x8: {  	s8 =	sor.u32 s6, s4;
	s4 =	sadd.s32 $0x7EA00, s5;
	s6 =	ssub.s32 $0x2, s6  }
0x9: {  	s7 =	sshll.u32 s8, $0xB;
	s9 =	sshrl.u32 s6, $0x1;
	s8 =	smul.u32 $0x138800, s8  }
0xa: {  	s7 =	sadd.s32 s7, s5;
	s5 =	sadd.s32 $0xA5C00, s5;
	s9 =	ssub.s32 s6, s9  }
0xb: {  	s6 =	sadd.s32 $0x10600, s7;
	s7 =	sadd.s32 $0x20600, s7;
	s9 =	smax.u32 s9, $0x1  }
.LBB2_1:
0xc: {  	[tilespmem:s2], [sflag:$0x2] =	stream.linear.gather [hbm4b:s6+s2], $0x3E80, $0x38;
	[tilespmem:$0xD000] =	vst v63  }
0xd: {  	_ =	swait.ge [sflag:s10], $0x3E80  }
0xe: {  	[sflag:s10] =	ssyncset.done $0x0  }
0xf: {  	[sflag:s10] =	ssyncadd.s32 $0xFFFFC180  }
0x10: {  	[tilespmem:s11], [sflag:$0x2] =	stream.linear.gather [hbm4b:s7+s2], $0x3E80, $0x38;
	[tilespmem:$0xD000] =	vst v63  }
0x11: {  	_ =	swait.ge [sflag:s10], $0x3E80  }
0x12: {  	[sflag:s10] =	ssyncset.done $0x0  }
0x13: {  	s17 =	simm.s32 $0x0;
	[sflag:s10] =	ssyncadd.s32 $0xFFFFC180  }
.LBB2_2:
0x14: {  	s18 =	sshll.u32 s17, $0x7  }
0x15: {  	[tilespmem:s13], [sflag:$0x1] =	stream.indirect.gather [hbm4b:s3+s12], $0x80, s18, s12, $0xb8;
	[tilespmem:$0xD000] =	vst v63  }
0x16: {  	s18 =	sadd.s32 $0x4000, s18  }
0x17: {  	[tilespmem:s14], [sflag:$0x1] =	stream.indirect.gather [hbm4b:s4+s12], $0x80, s18, s12, $0xb8;
	[tilespmem:$0xD000] =	vst v63  }
0x18: {  	_ =	swait.ge [sflag:s15], $0x2800  }
0x19: {  	[sflag:s15] =	ssyncset.done $0x0  }
0x1a: {  	[sflag:s15] =	ssyncadd.s32 $0xFFFFD800  }
0x1b: {  	_ =	swait.ge [sflag:s15], $0x2800  }
0x1c: {  	[sflag:s15] =	ssyncset.done $0x0  }
0x1d: {  	s18 =	simm.s32 $0x0;
	[sflag:s15] =	ssyncadd.s32 $0xFFFFD800  }
0x1e: {  	v6 =	vld [tilespmem:s18+$0xA800]  }
0x1f: {  	v11 =	vld [tilespmem:s18+$0xA810]  }
0x20: {  	v5 =	vld [tilespmem:s18+$0xA820]  }
0x21: {  	v4 =	vld [tilespmem:s18+$0xA830]  }
0x22: {  	v3 =	vld [tilespmem:s18+$0xA840]  }
0x23: {  	v2 =	vld [tilespmem:s18+$0xA850]  }
0x24: {  	v1 =	vld [tilespmem:s18+$0xA860]  }
0x25: {  	v0 =	vld [tilespmem:s18+$0xA870]  }
0x26: {  	v12 =	vld [tilespmem:s18+$0x8000]  }
0x27: {  	v13 =	vld [tilespmem:s18+$0x8010]  }
0x28: {  	v10 =	vld [tilespmem:s18+$0x8020]  }
0x29: {  	v9 =	vld [tilespmem:s18+$0x8030]  }
0x2a: {  	v8 =	vld [tilespmem:s18+$0x8040]  }
0x2b: {  	v7 =	vld [tilespmem:s18+$0x8050];
	v12 =	vadd.f32 v6, v12  }
0x2c: {  	s19 =	simm.s32 $0x200;
	v11 =	vadd.f32 v11, v13;
	v6 =	vld [tilespmem:s18+$0x8060]  }
.LBB2_3:
0x2d: {  	s20 =	sshra.s32 s19, $0x2;
	p0 =	sne.s32 s19, $0x9E00;
	[tilespmem:s18+$0x8000] =	vst v12;
	v5 =	vadd.f32 v5, v10;
	v10 =	vld [tilespmem:s18+$0x8070]  }
0x2e: {  	v12 =	vld [tilespmem:s20+$0xA800];
	[tilespmem:s18+$0x8010] =	vst v11;
	v4 =	vadd.f32 v4, v9  }
0x2f: {  	v11 =	vld [tilespmem:s20+$0xA810];
	[tilespmem:s18+$0x8020] =	vst v5;
	v3 =	vadd.f32 v3, v8  }
0x30: {  	v5 =	vld [tilespmem:s20+$0xA820];
	[tilespmem:s18+$0x8030] =	vst v4;
	v2 =	vadd.f32 v2, v7  }
0x31: {  	v4 =	vld [tilespmem:s20+$0xA830];
	[tilespmem:s18+$0x8040] =	vst v3;
	v1 =	vadd.f32 v1, v6  }
0x32: {  	v3 =	vld [tilespmem:s20+$0xA840];
	[tilespmem:s18+$0x8050] =	vst v2;
	v0 =	vadd.f32 v0, v10  }
0x33: {  	v2 =	vld [tilespmem:s20+$0xA850];
	[tilespmem:s18+$0x8060] =	vst v1  }
0x34: {  	v1 =	vld [tilespmem:s20+$0xA860];
	[tilespmem:s18+$0x8070] =	vst v0;
	s18 =	smov.u32 s20  }
0x35: {  	v0 =	vld [tilespmem:s18+$0xA870]  }
0x36: {  	v6 =	vld [tilespmem:s18+$0x8000]  }
0x37: {  	v13 =	vld [tilespmem:s18+$0x8010]  }
.Ltmp0:
0x38: {  	v10 =	vld [tilespmem:s18+$0x8020];
	(pc) =	sbr.rel @p0 .LBB2_3-.Ltmp0, $4  }
0x39: {  	v9 =	vld [tilespmem:s18+$0x8030]  }
0x3a: {  	v8 =	vld [tilespmem:s18+$0x8040]  }
0x3b: {  	v12 =	vadd.f32 v12, v6;
	v7 =	vld [tilespmem:s18+$0x8050]  }
0x3c: {  	s19 =	sadd.s32 $0x200, s19;
	v11 =	vadd.f32 v11, v13;
	v6 =	vld [tilespmem:s18+$0x8060]  }
0x3d: {  	[tilespmem:s18+$0x8000] =	vst v12;
	v5 =	vadd.f32 v5, v10;
	v63 =	vld [tilespmem:s18+$0x8070]  }
0x3e: {  	[tilespmem:s18+$0x8010] =	vst v11;
	v4 =	vadd.f32 v4, v9  }
0x3f: {  	[tilespmem:s18+$0x8020] =	vst v5;
	v3 =	vadd.f32 v3, v8  }
0x40: {  	s19 =	smul.u32 $0x2800, s17;
	[tilespmem:s18+$0x8030] =	vst v4;
	v2 =	vadd.f32 v2, v7  }
0x41: {  	[tilespmem:s18+$0x8040] =	vst v3;
	v1 =	vadd.f32 v1, v6  }
0x42: {  	s17 =	sadd.s32 $0x1, s17;
	s19 =	sadd.s32 s8, s19;
	[tilespmem:s18+$0x8050] =	vst v2;
	v0 =	vadd.f32 v0, v63  }
0x43: {  	p0 =	sne.s32 s17, $0x7D;
	s19 =	sshrl.u32 s19, $0x3;
	[tilespmem:s18+$0x8060] =	vst v1  }
.Ltmp1:
0x44: {  	s31 =	sadd.s32 s5, s19;
	[tilespmem:s18+$0x8070] =	vst v0;
	(pc) =	sbr.rel @p0 .LBB2_2-.Ltmp1, $4  }
0x45: {  	[hbm4b:s31+s2] =	stream.linear.scatter [tilespmem:s13], [sflag:$0x2], $0x2800, $0x38;
	[tilespmem:$0xD000] =	vst v63  }
0x46: {  	_ =	swait.ge [sflag:s10], $0x2800  }
0x47: {  	[sflag:s10] =	ssyncset.done $0x0  }
0x48: {  	[sflag:s10] =	ssyncadd.s32 $0xFFFFD800  }
0x49: {  	s16 =	sadd.s32 $0x1, s16  }
0x4a: {  	p0 =	sne.s32 s16, s9  }
.Ltmp2:
0x4b: {  	_ = 	snop;
	(pc) =	sbr.rel @p0 .LBB2_1-.Ltmp2, $1  }
0x4c: {  	_ =	sdelay $0x3  }
0x4d: {  	_ =	sfence.sel $0x180000  }
0x4e: {  	[bflag:$0x0] =	sbarrier.arrive $0xFFFF  }
0x4f: {  	p0 =	sne.s32 s1, $0x0;
	_ =	strace $0x90000056  }
0x50: {  	s0 =	sadd.s32 @!p0 $0x100000, s0;
	[bflag:$0x2] =	sbarrier.arrive $0xFFFF  }
0x51: {  	[sflag:s0] =	ssyncadd.tile.s32 @!p0 $0x1;
	_ =	shalt  }
.Lfunc_end2:
_tile_overlayer_lowered:
.L_overlay_start_2:
0x52: {  	(tag) =	ssettag $0x2  }
0x53: {  	s0 =	rddreg [dreg:$0x0];
	s2 =	stileid.u32  }
0x54: {  	s1 =	rddreg [dreg:$0x1];
	p0 =	sne.s32 s2, $0x0  }
0x55: {  	s3 =	rddreg [dreg:$0x2];
	[bflag:$0x3] =	sbarrier.arrive $0xFFFF;
	s2 =	simm.s32 @!p0 $0x1C02  }
0x56: {  	[timem:s3], [sflag:s2] =	dma.local @!p0 [hbm:s0], s1  }
0x57: {  	s0 =	simm.s32 @!p0 $0x2  }
0x58: {  	_ =	swait.ge @!p0 [sflag:s0], s1  }
0x59: {  	s1 =	ssub.s32 @!p0 $0x0, s1;
	[sflag:s0] =	ssyncset.done @!p0 $0x0  }
0x5a: {  	[sflag:s0] =	ssyncadd.s32 @!p0 s1  }
0x5b: {  	[bflag:$0x3] =	sbarrier.arrive $0xFFFF  }
0x5c: {  	_ =	shalt  }

// kernel: kernel.34.cloned.1.call-start
scs
__scs_entry_jumppad:
0x0: {  	(pc) =	sbr.rel $0x88, $3  }
0x1: {  	(tag) =	ssettag $0x0;
	lr =	simm.s32 $0x1  }
0x2: {  	[smem:$0x3F8D] =	sst lr;
	_ =	strace $0xD0000000  }
0x3: {  	_ = 	snop  }
0x4: {  	_ = 	snop  }
0x5: {  	_ = 	snop  }
0x6: {  	_ = 	snop  }
0x7: {  	_ = 	snop  }
__scs_overlays_trampoline_lowered:
0x8: {  	[smem:$0x3F9C] =	sst s0  }
0x9: {  	[smem:$0x3F9D] =	sst s1  }
0xa: {  	[smem:$0x3F9E] =	sst s2  }
0xb: {  	[smem:$0x3F9F] =	sst s3  }
0xc: {  	[smem:$0x3FA0] =	sst s4  }
0xd: {  	[smem:$0x3FA1] =	sst s5  }
0xe: {  	[smem:$0x3FA2] =	sst s6  }
0xf: {  	[smem:$0x3FA3] =	sst s7  }
0x10: {  	[smem:$0x3FA4] =	sst s8  }
0x11: {  	[smem:$0x3FA5] =	sst s9;
	s0 =	simm.s32 @!p0 $0x0  }
0x12: {  	s1 =	sld [smem:$0x3F8B];
	s0 =	simm.s32 @p0 $0x1  }
0x13: {  	[smem:$0x3FA6] =	sst s0;
	s0 =	simm.s32 @!p1 $0x0  }
0x14: {  	s2 =	sld [smem:$0x3F8A];
	s0 =	simm.s32 @p1 $0x1  }
0x15: {  	[smem:$0x3FA7] =	sst s0;
	s0 =	simm.s32 @!p2 $0x0  }
0x16: {  	s3 =	sld [smem:$0x3FDB];
	s0 =	simm.s32 @p2 $0x1  }
0x17: {  	s4 =	simm.s32 $0x1BF5;
	[smem:$0x3FA9] =	sst s0  }
0x18: {  	s0 =	sld [smem:$0x3F8C];
	_ =	swait.ge [sflag:s4], $0x0  }
0x19: {  	s7 =	sld [smem:$0x3F8D]  }
0x1a: {  	s8 =	sadd.s32 $0xFFFFE003, lr  }
0x1b: {  	s9 =	sadd.s32 $0xFFFFFEF7, lr;
	s5 =	simm.s32 $0xFFFFFFFF;
	p2 =	slt.u32 s8, $0xFFFFF086  }
0x1c: {  	p1 =	slt.u32 s9, $0xF7A;
	s5 =	simm.s32 @!p2 $0x0  }
0x1d: {  	s5 =	simm.s32 @p1 $0x1;
	p0 =	seq.s32 s7, s2  }
0x1e: {  	s7 =	smul.u32 @!p0 $0xF7A, s2;
	p2 =	seq.s32 @!p0 s5, $0x0  }
0x1f: {  	s9 =	smul.u32 $0xF7A, s1;
	s8 =	simm.s32 @!p0 $0x1BF5;
	p2 =	por !p2, p0  }
0x20: {  	[sflag:s8] =	ssyncset.s32 @!p0 $0xFFFFF086;
	s6 =	sadd.s32 @!p0 s3, s7;
	s7 =	simm.s32 @!p0 $0x108  }
0x21: {  	s3 =	sadd.s32 s3, s9;
	s6 =	sadd.s32 @!p0 $0x88, s6;
	s7 =	simm.s32 @p2 $0x1082  }
0x22: {  	[simem:s7], [sflag:s8] =	dma.local @!p0 [hbm:s6], $0xF7A  }
0x23: {  	s9 =	sor.u32 $0xD0000000, s2;
	s6 =	simm.s32 $0x108;
	_ =	swait.ge @!p0 [sflag:s8], $0x0  }
0x24: {  	s3 =	sadd.s32 $0x88, s3;
	s6 =	simm.s32 @!p1 $0x1082;
	[sflag:s4] =	ssyncset.s32 $0xFFFFF086  }
0x25: {  	[simem:s6], [sflag:s4] =	dma.local [hbm:s3], $0xF7A  }
0x26: {  	[smem:$0x3F8D] =	sst s1;
	(tag) =	ssettag s2;
	_ =	strace s9  }
0x27: {  	s1 =	sld [smem:$0x3F9D]  }
0x28: {  	s2 =	sld [smem:$0x3F9E]  }
0x29: {  	s4 =	sld [smem:$0x3FA0]  }
0x2a: {  	p0 =	seq.s32 s5, $0x0;
	s5 =	sld [smem:$0x3FA1]  }
0x2b: {  	s6 =	sld [smem:$0x3FA2]  }
0x2c: {  	s7 =	sld [smem:$0x3FA3]  }
0x2d: {  	s3 =	simm.s32 $0x108;
	s8 =	sld [smem:$0x3FA4]  }
0x2e: {  	s3 =	simm.s32 @!p0 $0x1082;
	s9 =	sld [smem:$0x3FA5]  }
0x2f: {  	lr =	sadd.s32 s0, s3;
	s0 =	sld [smem:$0x3F9C]  }
0x30: {  	s3 =	sld [smem:$0x3F9F]  }
0x31: {  	[smem:$0x3FA8] =	sst s10  }
0x32: {  	s10 =	sld [smem:$0x3FA6];
	_ =	sdelay $0x3  }
0x33: {  	p0 =	seq.s32 s10, $0x1;
	s10 =	sld [smem:$0x3FA8];
	_ =	sdelay $0x3  }
0x34: {  	[smem:$0x3FA8] =	sst s10  }
0x35: {  	s10 =	sld [smem:$0x3FA7];
	_ =	sdelay $0x3  }
0x36: {  	p1 =	seq.s32 s10, $0x1;
	s10 =	sld [smem:$0x3FA8];
	_ =	sdelay $0x3  }
0x37: {  	[smem:$0x3FA8] =	sst s10  }
0x38: {  	s10 =	sld [smem:$0x3FA9]  }
0x39: {  	_ = 	snop;
	(pc) =	sbr.ind lr, $3  }
0x3a: {  	_ = 	snop  }
0x3b: {  	_ = 	snop  }
0x3c: {  	p2 =	seq.s32 s10, $0x1;
	s10 =	sld [smem:$0x3FA8]  }
0x3d: {  	_ =	shalt  }
0x3e: {  	_ =	shalt  }
0x3f: {  	_ =	shalt  }
0x40: {  	_ =	shalt  }
0x41: {  	_ =	shalt  }
0x42: {  	_ =	shalt  }
0x43: {  	_ =	shalt  }
0x44: {  	_ =	shalt  }
0x45: {  	_ =	shalt  }
0x46: {  	_ =	shalt  }
0x47: {  	_ =	shalt  }
0x48: {  	_ =	shalt  }
0x49: {  	_ =	shalt  }
0x4a: {  	_ =	shalt  }
0x4b: {  	_ =	shalt  }
0x4c: {  	_ =	shalt  }
0x4d: {  	_ =	shalt  }
0x4e: {  	_ =	shalt  }
0x4f: {  	_ =	shalt  }
0x50: {  	_ =	shalt  }
0x51: {  	_ =	shalt  }
0x52: {  	_ =	shalt  }
0x53: {  	_ =	shalt  }
0x54: {  	_ =	shalt  }
0x55: {  	_ =	shalt  }
0x56: {  	_ =	shalt  }
0x57: {  	_ =	shalt  }
0x58: {  	_ =	shalt  }
0x59: {  	_ =	shalt  }
0x5a: {  	_ =	shalt  }
0x5b: {  	_ =	shalt  }
0x5c: {  	_ =	shalt  }
0x5d: {  	_ =	shalt  }
0x5e: {  	_ =	shalt  }
0x5f: {  	_ =	shalt  }
0x60: {  	_ =	shalt  }
0x61: {  	_ =	shalt  }
0x62: {  	_ =	shalt  }
0x63: {  	_ =	shalt  }
0x64: {  	_ =	shalt  }
0x65: {  	_ =	shalt  }
0x66: {  	_ =	shalt  }
0x67: {  	_ =	shalt  }
0x68: {  	_ =	shalt  }
0x69: {  	_ =	shalt  }
0x6a: {  	_ =	shalt  }
0x6b: {  	_ =	shalt  }
0x6c: {  	_ =	shalt  }
0x6d: {  	_ =	shalt  }
0x6e: {  	_ =	shalt  }
0x6f: {  	_ =	shalt  }
0x70: {  	_ =	shalt  }
0x71: {  	_ =	shalt  }
0x72: {  	_ =	shalt  }
0x73: {  	_ =	shalt  }
0x74: {  	_ =	shalt  }
0x75: {  	_ =	shalt  }
0x76: {  	_ =	shalt  }
0x77: {  	_ =	shalt  }
0x78: {  	_ =	shalt  }
0x79: {  	_ =	shalt  }
0x7a: {  	_ =	shalt  }
0x7b: {  	_ =	shalt  }
0x7c: {  	_ =	shalt  }
0x7d: {  	_ =	shalt  }
0x7e: {  	_ =	shalt  }
0x7f: {  	_ =	shalt  }
0x80: {  	_ =	shalt  }
0x81: {  	_ =	shalt  }
0x82: {  	_ =	shalt  }
0x83: {  	_ =	shalt  }
0x84: {  	_ =	shalt  }
0x85: {  	_ =	shalt  }
0x86: {  	_ =	shalt  }
0x87: {  	_ =	shalt  }
.Lfunc_end0:
.L_simem_size_0:
called_computation.6_lowered:
.L_overlay_start_0:
0x88: {  	s2 =	sld [smem:$0x3FD9]  }
0x89: {  	s3 =	sld [smem:$0x3FFE];
	_ =	sdelay $0x1  }
0x8a: {  	s1 =	srdreg.scid  }
0x8b: {  	s0 =	sand.u32 $0x1, s1  }
0x8c: {  	s16 =	sshll.u32 s0, $0xA;
	s2 =	sadd.s32 s3, s2  }
0x8d: {  	s2 =	sadd.s32 s2, s16  }
0x8e: {  	[smem:$0x3FB4] =	sst s2  }
0x8f: {  	_ = 	snop  }
0x90: {  	(tm) =	ssettm $0x1  }
0x91: {  	s17 =	sld [smem:$0x3FFB];
	_ =	sdelay $0x3  }
0x92: {  	_ =	strace s17  }
0x93: {  	s2 =	sld [smem:$0x3FFC];
	_ =	sdelay $0x3  }
0x94: {  	_ =	strace s2  }
0x95: {  	s2 =	sld [smem:$0x3FFD];
	_ =	sdelay $0x3  }
0x96: {  	_ =	strace s2  }
0x97: {  	_ =	strace $0x8FFFFFFF  }
0x98: {  	s18 =	sld [smem:$0x3FDB];
	_ =	sdelay $0x1  }
0x99: {  	s19 =	simm.s32 $_scs_section_size  }
0x9a: {  	s4 =	simm.s32 $_size__tile_overlayer_lowered;
	s5 =	simm.s32 $_tile_overlayer_lowered  }
0x9b: {  	s22 =	simm.s32 $0x1BFF;
	s21 =	sshll.u32 s5, $0x1;
	s2 =	sadd.s32 s19, s18  }
0x9c: {  	s6 =	simm.s32 $0x0;
	s20 =	sshll.u32 s4, $0x1;
	s4 =	sadd.s32 s21, s2  }
0x9d: {  	[timem:s6], [sflag:s22] =	dma.local [hbm:s4], s20  }
0x9e: {  	_ =	swait.ge [sflag:s22], s20  }
0x9f: {  	s3 =	ssub.s32 $0x0, s20;
	[sflag:s22] =	ssyncset.done $0x0  }
0xa0: {  	[sflag:s22] =	ssyncadd.s32 s3;
	_ =	sdelay $0x1  }
0xa1: {  	s23 =	simm.s32 $0x1B8B  }
0xa2: {  	_ =	swait.ge [sflag:s23], $0x1  }
0xa3: {  	[sflag:s23] =	ssyncset.done $0x0  }
0xa4: {  	s25 =	simm.s32 $0x1B8E;
	s24 =	sld [smem:$0x3FFE];
	[sflag:s23] =	ssyncadd.s32 $0xFFFFFFFF  }
0xa5: {  	s26 =	simm.s32 $execute0_lowered;
	[smem:$0x3FD2] =	sst s25  }
0xa6: {  	s4 =	sshll.u32 s26, $0x1;
	_ =	strace $0x80000058;
	[dreg:$0x1] =	wrdreg $0xFFFFFFFF  }
0xa7: {  	s28 =	simm.s32 $_size_execute0_lowered;
	s2 =	sadd.s32 s2, s4;
	[dreg:$0x0] =	wrdreg $0x0  }
0xa8: {  	s4 =	sshll.u32 s28, $0x1;
	[dreg:$0x2] =	wrdreg s2  }
0xa9: {  	[dreg:$0x3] =	wrdreg s4  }
0xaa: {  	[dreg:$0x4] =	wrdreg $0xC0  }
0xab: {  	_ =	task [dreg:s6], $0x5FFFF  }
0xac: {  	[dreg:$0x1] =	wrdreg $0xFFFFFFFF  }
0xad: {  	[dreg:$0x0] =	wrdreg $0x60  }
0xae: {  	[dreg:$0x2] =	wrdreg s24  }
0xaf: {  	[dreg:$0x3] =	wrdreg $0x90000  }
0xb0: {  	[dreg:$0x4] =	wrdreg $0x9  }
0xb1: {  	_ =	task.clear_ibuf [dreg:s6], $0x5FFFF;
	_ =	strace $0x90000058  }
0xb2: {  	s29 =	simm.s32 $0x9;
	_ =	strace $0x8000005A  }
0xb3: {  	_ =	swait.ge [sflag:s29], $0x1  }
0xb4: {  	[sflag:s29] =	ssyncadd.s32 $0xFFFFFFFF  }
0xb5: {  	_ =	strace $0x9000005A  }
0xb6: {  	_ =	sfence  }
0xb7: {  	s30 =	sld [smem:$0x0];
	_ =	sdelay $0x2  }
0xb8: {  	s31 =	sshll.u32 s1, $0xD;
	s1 =	sshrl.u32 s1, $0x2  }
0xb9: {  	s3 =	sand.u32 $0x4000, s31;
	s1 =	sadd.s32 s1, s30  }
0xba: {  	s0 =	sor.u32 s3, s0;
	s1 =	sshll.u32 s1, $0x11  }
0xbb: {  	s0 =	sor.u32 s1, s0  }
0xbc: {  	s0 =	sadd.s32 $0x8F2B, s0  }
0xbd: {  	[sflag:s0] =	ssyncadd.remote.s32 $0x1  }
0xbe: {  	_ =	sfence.sel $0xFFFF  }
0xbf: {  	[dreg:$0x0] =	wrdreg $0xFFFFFFFF;
	(pc) =	sbr.abs _section_cstart, $3  }
0xc0: {  	[dreg:$0x1] =	wrdreg $0xFFFFFFFF  }
0xc1: {  	_ =	task.clear_ibuf [dreg:s6], $0x2FFFF;
	_ =	strace $0x9FFFFFFF  }
0xc2: {  	(tm) =	ssettm $0x7FFFFFFF  }
0xc3: {  	_ =	shalt  }
tec
execute0_lowered:
.L_overlay_start_1:
0x0: {  	(tag) =	ssettag $0x1  }
0x1: {  	s1 =	srdreg.scid  }
0x2: {  	s0 =	stileid.u32;
	s4 =	rddreg [dreg:$0x0]  }
0x3: {  	s2 =	rddreg [dreg:$0x1];
	s3 =	simm.s32 $0x0;
	s16 =	simm.s32 $0x6800  }
0x4: {  	s17 =	simm.s32 $0x1;
	s18 =	simm.s32 $0x4000;
	s6 =	smul.u32 $0x271000, s0  }
0x5: {  	s19 =	simm.s32 $0x50;
	s22 =	simm.s32 $0x0;
	s8 =	smul.u32 $0x14000, s0  }
0x6: {  	s5 =	sand.u32 $0x1, s1;
	s1 =	rddreg [dreg:$0x2];
	s29 =	smul.u32 $0x50000, s0  }
0x7: {  	[smem:$0x7FF] =	sst s3;
	s28 =	sshll.u32 s0, $0xC;
	s7 =	smul.u32 $0x138800, s5  }
0x8: {  	s20 =	sshll.u32 s0, $0x6;
	s26 =	smul.u32 $0x140000, s5;
	_ =	strace $0x80000059  }
0x9: {  	s9 =	sshll.u32 s5, $0xB;
	s5 =	ssub.s32 $0x2, s5;
	s20 =	sor.u32 $0x1C01, s20  }
0xa: {  	s30 =	sshrl.u32 s5, $0x1;
	s6 =	sadd.s32 s7, s6;
	s7 =	sadd.s32 s8, s26  }
0xb: {  	s8 =	sshrl.u32 s29, $0x2;
	s31 =	ssub.s32 s5, s30;
	s6 =	sshrl.u32 s6, $0x3  }
0xc: {  	s7 =	sshrl.u32 s7, $0x3;
	s5 =	sadd.s32 s8, s2;
	s15 =	sadd.s32 s6, s4  }
0xd: {  	s6 =	sor.u32 s9, s28;
	s7 =	sadd.s32 s7, s4;
	s8 =	sadd.s32 $0x2800, s5  }
0xe: {  	s9 =	sadd.s32 $0x5000, s5;
	s10 =	sadd.s32 $0x7800, s5;
	s11 =	sadd.s32 $0xA000, s5  }
0xf: {  	s12 =	sadd.s32 $0xC800, s5;
	s13 =	sadd.s32 $0xF000, s5;
	s14 =	sadd.s32 $0x11800, s5  }
0x10: {  	s21 =	sshrl.u32 s5, $0x3;
	s6 =	sadd.s32 s6, s4;
	s15 =	sadd.s32 $0x587C00, s15  }
0x11: {  	v0 =	vimm.f32 $0.0e+00;
	s4 =	sadd.s32 $0x10600, s6;
	s6 =	sadd.s32 $0x57800, s7;
	s7 =	smax.u32 s31, $0x1  }
.LBB2_1:
0x12: {  	s23 =	simm.s32 $0x0;
	s24 =	simm.s32 $0x200  }
.LBB2_2:
0x13: {  	p0 =	sne.s32 s24, $0x9E00;
	[tilespmem:s23+$0x6870] =	vst v0  }
0x14: {  	[tilespmem:s23+$0x6800] =	vst v0  }
0x15: {  	[tilespmem:s23+$0x6810] =	vst v0  }
.Ltmp0:
0x16: {  	[tilespmem:s23+$0x6820] =	vst v0;
	(pc) =	sbr.rel @p0 .LBB2_2-.Ltmp0, $4  }
0x17: {  	[tilespmem:s23+$0x6830] =	vst v0  }
0x18: {  	[tilespmem:s23+$0x6840] =	vst v0  }
0x19: {  	[tilespmem:s23+$0x6850] =	vst v0  }
0x1a: {  	[tilespmem:s23+$0x6860] =	vst v0;
	s23 =	sshra.s32 s24, $0x2;
	s24 =	sadd.s32 $0x200, s24  }
0x1b: {  	[tilespmem:s23+$0x6870] =	vst v0  }
0x1c: {  	[tilespmem:s23+$0x6800] =	vst v0  }
0x1d: {  	[tilespmem:s23+$0x6810] =	vst v0  }
0x1e: {  	[tilespmem:s23+$0x6820] =	vst v0  }
0x1f: {  	[tilespmem:s23+$0x6830] =	vst v0  }
0x20: {  	[tilespmem:s23+$0x6840] =	vst v0  }
0x21: {  	[tilespmem:s23+$0x6850] =	vst v0  }
0x22: {  	[tilespmem:s23+$0x6860] =	vst v0  }
0x23: {  	[spmem:s5] =	stream.linear.scatter [tilespmem:s16], [sflag:$0x1], $0x2800, $0x38;
	[tilespmem:$0x1D000] =	vst v63  }
0x24: {  	_ =	swait.ge [sflag:s17], $0x2800  }
0x25: {  	[sflag:s17] =	ssyncset.done $0x0  }
0x26: {  	[sflag:s17] =	ssyncadd.s32 $0xFFFFD800  }
0x27: {  	[spmem:s8] =	stream.linear.scatter [tilespmem:s16], [sflag:$0x1], $0x2800, $0x38;
	[tilespmem:$0x1D000] =	vst v63  }
0x28: {  	_ =	swait.ge [sflag:s17], $0x2800  }
0x29: {  	[sflag:s17] =	ssyncset.done $0x0  }
0x2a: {  	[sflag:s17] =	ssyncadd.s32 $0xFFFFD800  }
0x2b: {  	[spmem:s9] =	stream.linear.scatter [tilespmem:s16], [sflag:$0x1], $0x2800, $0x38;
	[tilespmem:$0x1D000] =	vst v63  }
0x2c: {  	_ =	swait.ge [sflag:s17], $0x2800  }
0x2d: {  	[sflag:s17] =	ssyncset.done $0x0  }
0x2e: {  	[sflag:s17] =	ssyncadd.s32 $0xFFFFD800  }
0x2f: {  	[spmem:s10] =	stream.linear.scatter [tilespmem:s16], [sflag:$0x1], $0x2800, $0x38;
	[tilespmem:$0x1D000] =	vst v63  }
0x30: {  	_ =	swait.ge [sflag:s17], $0x2800  }
0x31: {  	[sflag:s17] =	ssyncset.done $0x0  }
0x32: {  	[sflag:s17] =	ssyncadd.s32 $0xFFFFD800  }
0x33: {  	[spmem:s11] =	stream.linear.scatter [tilespmem:s16], [sflag:$0x1], $0x2800, $0x38;
	[tilespmem:$0x1D000] =	vst v63  }
0x34: {  	_ =	swait.ge [sflag:s17], $0x2800  }
0x35: {  	[sflag:s17] =	ssyncset.done $0x0  }
0x36: {  	[sflag:s17] =	ssyncadd.s32 $0xFFFFD800  }
0x37: {  	[spmem:s12] =	stream.linear.scatter [tilespmem:s16], [sflag:$0x1], $0x2800, $0x38;
	[tilespmem:$0x1D000] =	vst v63  }
0x38: {  	_ =	swait.ge [sflag:s17], $0x2800  }
0x39: {  	[sflag:s17] =	ssyncset.done $0x0  }
0x3a: {  	[sflag:s17] =	ssyncadd.s32 $0xFFFFD800  }
0x3b: {  	[spmem:s13] =	stream.linear.scatter [tilespmem:s16], [sflag:$0x1], $0x2800, $0x38;
	[tilespmem:$0x1D000] =	vst v63  }
0x3c: {  	_ =	swait.ge [sflag:s17], $0x2800  }
0x3d: {  	[sflag:s17] =	ssyncset.done $0x0  }
0x3e: {  	[sflag:s17] =	ssyncadd.s32 $0xFFFFD800  }
0x3f: {  	[spmem:s14] =	stream.linear.scatter [tilespmem:s16], [sflag:$0x1], $0x2800, $0x38;
	[tilespmem:$0x1D000] =	vst v63  }
0x40: {  	_ =	swait.ge [sflag:s17], $0x2800  }
0x41: {  	[sflag:s17] =	ssyncset.done $0x0  }
0x42: {  	[sflag:s17] =	ssyncadd.s32 $0xFFFFD800  }
0x43: {  	s30 =	simm.s32 $0x0;
	[bflag:$0x0] =	sbarrier.arrive $0xFFFF  }
0x44: {  	[tilespmem:s30], [sflag:$0x1] =	stream.linear.gather [hbm4b:s4+s30], $0x3E80, $0x38;
	[tilespmem:$0x1D000] =	vst v63  }
0x45: {  	_ =	swait.ge [sflag:s17], $0x3E80  }
0x46: {  	[sflag:s17] =	ssyncset.done $0x0  }
0x47: {  	[sflag:s17] =	ssyncadd.s32 $0xFFFFC180  }
0x48: {  	[tilespmem:s18], [sflag:$0x1] =	stream.linear.gather [hbm4b:s15+s3], $0x2800, $0x38;
	[tilespmem:$0x1D000] =	vst v63  }
0x49: {  	_ =	swait.ge [sflag:s17], $0x2800  }
0x4a: {  	[sflag:s17] =	ssyncset.done $0x0  }
0x4b: {  	s31 =	simm.s32 $0x0;
	[sflag:s17] =	ssyncadd.s32 $0xFFFFD800  }
0x4c: {  	[spmem:s2] =	stream.indirect.scatter.add.f32 [tilespmem:s18], [sflag:$0x1], $0x80, s31, s19, $0xb8;
	[tilespmem:$0x1D000] =	vst v63  }
0x4d: {  	_ =	swait.ge [sflag:s17], $0x2800  }
0x4e: {  	s23 =	simm.s32 $0x200;
	s24 =	smov.u32 s15;
	[sflag:s17] =	ssyncset.done $0x0  }
.LBB2_4:
0x4f: {  	p0 =	sne.s32 s23, $0xF800;
	[sflag:s17] =	ssyncadd.s32 $0xFFFFD800;
	s24 =	sadd.s32 $0x500, s24  }
0x50: {  	[tilespmem:s18], [sflag:$0x1] =	stream.linear.gather [hbm4b:s24+s3], $0x2800, $0x38;
	[tilespmem:$0x1D000] =	vst v63  }
0x51: {  	s25 =	smov.u32 s23;
	s23 =	sadd.s32 $0x200, s23;
	_ =	swait.ge [sflag:s17], $0x2800  }
.Ltmp1:
0x52: {  	[sflag:s17] =	ssyncset.done $0x0;
	(pc) =	sbr.rel @p0 .LBB2_4-.Ltmp1, $4  }
0x53: {  	s25 =	sshra.s32 s25, $0x2;
	[sflag:s17] =	ssyncadd.s32 $0xFFFFD800  }
0x54: {  	[spmem:s2] =	stream.indirect.scatter.add.f32 [tilespmem:s18], [sflag:$0x1], $0x80, s25, s19, $0xb8;
	[tilespmem:$0x1D000] =	vst v63  }
0x55: {  	_ =	swait.ge [sflag:s17], $0x2800  }
0x56: {  	[sflag:s17] =	ssyncset.done $0x0  }
0x57: {  	s22 =	sadd.s32 $0x1, s22  }
0x58: {  	[sflag:s17] =	ssyncadd.s32 $0xFFFFD800;
	p0 =	sne.s32 s22, s7  }
.Ltmp2:
0x59: {  	[bflag:$0x0] =	sbarrier.arrive $0xFFFF;
	(pc) =	sbr.rel @p0 .LBB2_1-.Ltmp2, $4  }
0x5a: {  	[hbm:s6], [sflag:s20] =	dma.local [spmem:s21], $0x2800  }
0x5b: {  	_ =	swait.ge [sflag:s17], $0x2800  }
0x5c: {  	[sflag:s17] =	ssyncset.done $0x0  }
0x5d: {  	[sflag:s17] =	ssyncadd.s32 $0xFFFFD800  }
0x5e: {  	_ =	sfence.sel $0x180000  }
0x5f: {  	[bflag:$0x0] =	sbarrier.arrive $0xFFFF  }
0x60: {  	p0 =	sne.s32 s0, $0x0;
	_ =	strace $0x90000059  }
0x61: {  	s0 =	sadd.s32 @!p0 $0x100000, s1;
	[bflag:$0x2] =	sbarrier.arrive $0xFFFF  }
0x62: {  	[sflag:s0] =	ssyncadd.tile.s32 @!p0 $0x1;
	_ =	shalt  }
.Lfunc_end2:
_tile_overlayer_lowered:
.L_overlay_start_2:
0x63: {  	(tag) =	ssettag $0x2  }
0x64: {  	s0 =	rddreg [dreg:$0x0];
	s2 =	stileid.u32  }
0x65: {  	s1 =	rddreg [dreg:$0x1];
	p0 =	sne.s32 s2, $0x0  }
0x66: {  	s3 =	rddreg [dreg:$0x2];
	[bflag:$0x3] =	sbarrier.arrive $0xFFFF;
	s2 =	simm.s32 @!p0 $0x1C01  }
0x67: {  	[timem:s3], [sflag:s2] =	dma.local @!p0 [hbm:s0], s1  }
0x68: {  	s0 =	simm.s32 @!p0 $0x1  }
0x69: {  	_ =	swait.ge @!p0 [sflag:s0], s1  }
0x6a: {  	s1 =	ssub.s32 @!p0 $0x0, s1;
	[sflag:s0] =	ssyncset.done @!p0 $0x0  }
0x6b: {  	[sflag:s0] =	ssyncadd.s32 @!p0 s1  }
0x6c: {  	[bflag:$0x3] =	sbarrier.arrive $0xFFFF  }
0x6d: {  	_ =	shalt  }

</sc_bundles>
